<compile_context>
chip_gen: v7x
topology: tpu7x:2x2x1
jax: 0.10.2.dev20260603
libtpu: 0.0.44.dev20260713+nightly
codegen_flags: <defaults>
</compile_context>

<pallas_src>
import math

import jax
import jax.numpy as jnp
from jax import lax
from jax.experimental import pallas as pl
from jax.experimental.pallas import tpu as pltpu
from jax.experimental.pallas import tpu_sc as plsc

N = 10000
E = 320000
K = 10
ALPHA = 0.1
S = 4.0
M = 0.5

NTILES = 16
EW = E // NTILES
ROWS = 16
RL = 1024
NPAD = ROWS * RL
GROUPS = EW // 16


def _rsqrt16(x):
    i = plsc.bitcast(x, jnp.int32)
    i = jnp.int32(0x5F3759DF) - (i >> 1)
    y = plsc.bitcast(i, jnp.float32)
    half = x * 0.5
    for _ in range(3):
        y = y * (1.5 - half * y * y)
    return y


def _sc_weights_body(ei_hbm, rows10_hbm, out_hbm, src_v, dst_v, u2d,
                     acc2d, norm2d, wacc_v, nsave_v, idx10_v, sem_a, sem_b,
                     shared):
    wid = lax.axis_index("s")
    ones16 = jnp.full((16,), 1.0, jnp.float32)
    zeros16 = jnp.zeros((16,), jnp.float32)

    cp_a = pltpu.make_async_copy(ei_hbm.at[0, pl.ds(wid * EW, EW)], src_v,
                                 sem_a)
    cp_a.start()
    cp_b = pltpu.make_async_copy(ei_hbm.at[1, pl.ds(wid * EW, EW)], dst_v,
                                 sem_b)
    cp_b.start()
    pltpu.sync_copy(rows10_hbm, idx10_v)
    cp_b.wait()

    NR = (N + RL - 1) // RL

    def _clear_acc():
        @plsc.parallel_loop(0, NR * (RL // 16), unroll=8)
        def _z(g):
            acc2d[g >> 6, pl.ds((g & 63) * 16, 16)] = zeros16

    def _reduce_to_u(post=None):
        @pl.when(wid == 0)
        def _():
            pltpu.sync_copy(acc2d.at[pl.ds(0, NR)], shared.at[pl.ds(0, NR)])
        plsc.subcore_barrier()

        @pl.when(wid != 0)
        def _():
            pltpu.sync_copy(acc2d.at[pl.ds(0, NR)], shared.at[idx10_v],
                            add=True)
        _clear_acc()
        plsc.subcore_barrier()
        pltpu.sync_copy(shared.at[pl.ds(0, NR)], u2d.at[pl.ds(0, NR)])
        if post is not None:
            post()
        plsc.subcore_barrier()

    if True:
        _clear_acc()

        @plsc.parallel_loop(0, GROUPS, unroll=8)
        def _deg(i):
            d = dst_v[pl.ds(i * 16, 16)]
            plsc.addupdate_scatter(acc2d, [d >> 10, d & 1023], ones16)

        def _post_deg():
            @plsc.parallel_loop(0, NR * (RL // 16), unroll=4)
            def _norm(g):
                r = g >> 6
                sl = pl.ds((g & 63) * 16, 16)
                x = jnp.maximum(u2d[r, sl], 1.0)
                y = _rsqrt16(x)
                u2d[r, sl] = y
                norm2d[r, sl] = y * y

            c0 = ALPHA / N
            @plsc.parallel_loop(0, RL // 16, unroll=4)
            def _nsave(c):
                sl = pl.ds(c * 16, 16)
                nv = u2d[wid, sl]
                nsave_v[sl] = nv
                wacc_v[sl] = c0 * nv

            cp_a.wait()

            @plsc.parallel_loop(0, GROUPS, unroll=8)
            def _pack(i):
                sl = pl.ds(i * 16, 16)
                dst_v[sl] = (src_v[sl] << 14) | dst_v[sl]

        _reduce_to_u(_post_deg)

        for j in range(1, K + 1):
            @plsc.parallel_loop(0, GROUPS, unroll=32)
            def _prop(i):
                sl = pl.ds(i * 16, 16)
                p = dst_v[sl]
                vals = plsc.load_gather(u2d, [(p >> 10) & 15, p & 1023])
                plsc.addupdate_scatter(acc2d, [p >> 24, (p >> 14) & 1023],
                                       vals)

            coef = (1.0 - ALPHA) ** j * (ALPHA if j < K else 1.0) / N
            if j < K:
                def _post_round(coef=coef):
                    @plsc.parallel_loop(0, NR * (RL // 16), unroll=4)
                    def _scale(g):
                        r = g >> 6
                        sl = pl.ds((g & 63) * 16, 16)
                        u2d[r, sl] = u2d[r, sl] * norm2d[r, sl]

                    @plsc.parallel_loop(0, RL // 16, unroll=4)
                    def _wadd(c):
                        sl = pl.ds(c * 16, 16)
                        wacc_v[sl] = wacc_v[sl] + coef * u2d[wid, sl]
            else:
                def _post_round(coef=coef):
                    @plsc.parallel_loop(0, RL // 16, unroll=4)
                    def _wlast(c):
                        sl = pl.ds(c * 16, 16)
                        wacc_v[sl] = wacc_v[sl] + coef * (
                            u2d[wid, sl] * norm2d[wid, sl])
            _reduce_to_u(_post_round)

        @plsc.parallel_loop(0, RL // 16, unroll=4)
        def _wfin(c):
            sl = pl.ds(c * 16, 16)
            wacc_v[sl] = wacc_v[sl] / nsave_v[sl]

        pltpu.sync_copy(wacc_v, out_hbm.at[pl.ds(wid * RL, RL)])


@jax.jit
def _sc_weights(edge_index):
    mesh = plsc.VectorSubcoreMesh(core_axis_name="c", subcore_axis_name="s",
                                  num_cores=1, num_subcores=NTILES)
    rows10 = jnp.arange(10, dtype=jnp.int32)
    return pl.kernel(
        _sc_weights_body,
        out_type=jax.ShapeDtypeStruct((NPAD,), jnp.float32),
        mesh=mesh,
        compiler_params=pltpu.CompilerParams(use_tc_tiling_on_sc=False,
                                             needs_layout_passes=False),
        scratch_types=[
            pltpu.VMEM((EW,), jnp.int32),
            pltpu.VMEM((EW,), jnp.int32),
            pltpu.VMEM((ROWS, RL), jnp.float32),
            pltpu.VMEM((ROWS, RL), jnp.float32),
            pltpu.VMEM((ROWS, RL), jnp.float32),
            pltpu.VMEM((RL,), jnp.float32),
            pltpu.VMEM((RL,), jnp.float32),
            pltpu.VMEM((10,), jnp.int32),
            pltpu.SemaphoreType.DMA,
            pltpu.SemaphoreType.DMA,
            pltpu.VMEM_SHARED((ROWS, RL), jnp.float32),
        ],
    )(edge_index, rows10)


def _tc_body(x_ref, w1_ref, b1_ref, w_ref, w2_ref, b2_ref, aw_ref, lab_ref,
             o_ref):
    z = jnp.maximum(
        jnp.dot(x_ref[...], w1_ref[...], preferred_element_type=jnp.float32)
        + b1_ref[...], 0.0)
    wrow = w_ref[...]
    u = jnp.dot(wrow, z, preferred_element_type=jnp.float32)
    sw = jnp.sum(wrow)
    emb = jnp.dot(u, w2_ref[...], preferred_element_type=jnp.float32) \
        + sw * b2_ref[...]
    en = emb * lax.rsqrt(jnp.sum(emb * emb))
    aw = aw_ref[...]
    wn = aw * lax.rsqrt(jnp.sum(aw * aw, axis=1, keepdims=True))
    cos1 = jnp.sum(wn * en, axis=1, keepdims=True)
    cos1 = jnp.clip(cos1, -1.0 + 1e-7, 1.0 - 1e-7)
    rows = lax.broadcasted_iota(jnp.int32, (512, 1), 0)
    hit = rows == lab_ref[0]
    marg = cos1 * math.cos(M) - jnp.sqrt(1.0 - cos1 * cos1) * math.sin(M)
    o_ref[...] = jnp.where(hit, marg, cos1) * S


@jax.jit
def _tc_all(features, W1, b1, w_row, W2, b2, arc_w, labels):
    return pl.pallas_call(
        _tc_body,
        out_shape=jax.ShapeDtypeStruct((512, 1), jnp.float32),
        in_specs=[
            pl.BlockSpec(memory_space=pltpu.VMEM),
            pl.BlockSpec(memory_space=pltpu.VMEM),
            pl.BlockSpec(memory_space=pltpu.VMEM),
            pl.BlockSpec(memory_space=pltpu.VMEM),
            pl.BlockSpec(memory_space=pltpu.VMEM),
            pl.BlockSpec(memory_space=pltpu.VMEM),
            pl.BlockSpec(memory_space=pltpu.VMEM),
            pl.BlockSpec(memory_space=pltpu.SMEM),
        ],
    )(features, W1, b1.reshape(1, 128), w_row, W2, b2.reshape(1, 128),
      arc_w, labels)


def kernel(features, edge_index, labels, W1, b1, W2, b2, arc_w):
    w_pad = _sc_weights(edge_index)
    w_row = w_pad[:N].reshape(1, N)
    out = _tc_all(features, W1, b1, w_row, W2, b2, arc_w, labels)
    return out.reshape(1, 512)

# --- scband reference (transcript-rebuilt; emitter-appended) ---
"""Pipeline reference for scband-gnnmodel-dgl-85177791414880 (READ-ONLY COPY).

The authoritative reference and input builder live on the scoring server;
editing this copy changes nothing except your own understanding.
"""

import jax, jax.numpy as jnp
import numpy as np

N = 10000
E = 320000
IN_DIM = 128
HID = 128
OUT = 128
N_CLASSES = 512
K = 10
ALPHA = 0.1
S = 4.0
M = 0.5


def setup_inputs(seed: int = 0) -> dict:
    key = jax.random.key(seed)
    ks = jax.random.split(key, 8)
    features = jax.random.normal(ks[0], (N, IN_DIM), dtype=jnp.float32)
    edge_index = jax.random.randint(ks[1], (2, E), 0, N)
    labels = jax.random.randint(ks[2], (1,), 0, N_CLASSES)
    W1 = jax.random.normal(ks[3], (IN_DIM, HID), dtype=jnp.float32) * (1.0 / np.sqrt(IN_DIM))
    b1 = jnp.zeros((HID,), dtype=jnp.float32)
    W2 = jax.random.normal(ks[4], (HID, OUT), dtype=jnp.float32) * (1.0 / np.sqrt(HID))
    b2 = jnp.zeros((OUT,), dtype=jnp.float32)
    arc_w = jax.random.normal(ks[5], (N_CLASSES, HID), dtype=jnp.float32) * (1.0 / np.sqrt(HID))
    return {"features": features, "edge_index": edge_index, "labels": labels,
            "W1": W1, "b1": b1, "W2": W2, "b2": b2, "arc_w": arc_w}


def reference(features, edge_index, labels, W1, b1, W2, b2, arc_w):
    src = edge_index[0]
    dst = edge_index[1]
    # lin1: Dropout(p=0) -> Linear -> ReLU -> Dropout(p=0) -> Linear
    h = jnp.maximum(features @ W1 + b1, 0.0) @ W2 + b2
    # APPNPConv(k=10, alpha=0.1) with symmetric degree normalization (DGL)
    deg = jax.ops.segment_sum(jnp.ones((E,), dtype=jnp.float32), dst, num_segments=N)
    norm = jnp.clip(deg, 1.0, None) ** (-0.5)
    h0 = h
    for _ in range(K):
        x = h * norm[:, None]
        msg = x[src]                                   # gather over edges
        agg = jax.ops.segment_sum(msg, dst, num_segments=N)  # scatter-add
        h = (1.0 - ALPHA) * (agg * norm[:, None]) + ALPHA * h0
    logits = h
    # dgl.mean_nodes over a single graph
    emb = jnp.mean(logits, axis=0, keepdims=True)      # [1, OUT]
    # ArcFace head
    en = emb / jnp.linalg.norm(emb, axis=1, keepdims=True)
    wn = arc_w / jnp.linalg.norm(arc_w, axis=1, keepdims=True)
    cos1 = en @ wn.T                                   # [1, N_CLASSES]
    cos1 = jnp.clip(cos1, -1.0 + 1e-7, 1.0 - 1e-7)
    m_hot = jnp.zeros_like(cos1).at[jnp.arange(cos1.shape[0]), labels].set(M)
    ac = jnp.arccos(cos1) + m_hot
    cosine = jnp.cos(ac) * S
    return cosine

if __name__ == "__main__":
    import jax
    _d = setup_inputs()
    print(jax.jit(kernel)(*tuple(_d.values())))

</pallas_src>

<mosaic_0001>
#map = affine_map<(d0, d1) -> (0, 0)>
#map1 = affine_map<(d0, d1) -> (0)>
module attributes {stable_mosaic.version = 14 : i64} {
  func.func @_sc_weights_body(%arg0: i32, %arg1: i32, %arg2: memref<2x320000xi32, #tpu.memory_space<hbm>>, %arg3: memref<10xi32, #tpu.memory_space<hbm>>, %arg4: memref<16384xf32, #tpu.memory_space<hbm>>, %arg5: memref<20000xi32, #tpu.memory_space<vmem>>, %arg6: memref<20000xi32, #tpu.memory_space<vmem>>, %arg7: memref<16x1024xf32, #tpu.memory_space<vmem>>, %arg8: memref<16x1024xf32, #tpu.memory_space<vmem>>, %arg9: memref<16x1024xf32, #tpu.memory_space<vmem>>, %arg10: memref<1024xf32, #tpu.memory_space<vmem>>, %arg11: memref<1024xf32, #tpu.memory_space<vmem>>, %arg12: memref<10xi32, #tpu.memory_space<vmem>>, %arg13: memref<!tpu.dma_semaphore, #tpu.memory_space<semaphore_mem>>, %arg14: memref<!tpu.dma_semaphore, #tpu.memory_space<semaphore_mem>>, %arg15: memref<16x1024xf32, #tpu.memory_space<vmem_shared>>) attributes {dimension_semantics = [#tpu.dimension_semantics<core_parallel>, #tpu.dimension_semantics<subcore_parallel>], iteration_bounds = array<i64: 1, 16>, scalar_prefetch = 0 : i64, scratch_operands = 11 : i64, tpu.core_type = #tpu.core_type<sc_vector_subcore>, window_params = [{transform_indices = #map}, {transform_indices = #map1}, {transform_indices = #map1}]} {
    %broadcast_in_dim3A = arith.constant 1.000000e+00 : f32
    %broadcast_in_dim3A_0 = vector.broadcast %broadcast_in_dim3A : f32 to vector<16xf32>
    %broadcast_in_dim3A_1 = arith.constant 0.000000e+00 : f32
    %broadcast_in_dim3A_2 = vector.broadcast %broadcast_in_dim3A_1 : f32 to vector<16xf32>
    %mul3A = arith.constant 20000 : i32
    %mul3A_3 = arith.muli %arg1, %mul3A : i32
    %dma_start3A = arith.constant 0 : i32
    %dma_start3A_4 = tpu.memref_slice %arg2[%dma_start3A, %mul3A_3] : memref<2x320000xi32, #tpu.memory_space<hbm>> -> memref<1x20000xi32, #tpu.memory_space<hbm>>
    %dma_start3A_5 = tpu.memref_squeeze %dma_start3A_4 : memref<1x20000xi32, #tpu.memory_space<hbm>> -> memref<20000xi32, #tpu.memory_space<hbm>>
    %dma_start3A_6 = tpu.memref_slice %arg2[%dma_start3A, %mul3A_3] : memref<2x320000xi32, #tpu.memory_space<hbm>> -> memref<1x20000xi32, #tpu.memory_space<hbm>>
    %dma_start3A_7 = tpu.memref_squeeze %dma_start3A_6 : memref<1x20000xi32, #tpu.memory_space<hbm>> -> memref<20000xi32, #tpu.memory_space<hbm>>
    tpu.enqueue_dma source(%dma_start3A_7 : memref<20000xi32, #tpu.memory_space<hbm>>) target(%arg5 : memref<20000xi32, #tpu.memory_space<vmem>>) target_semaphore(%arg13 : memref<!tpu.dma_semaphore, #tpu.memory_space<semaphore_mem>>)
    %mul3A_8 = arith.constant 20000 : i32
    %mul3A_9 = arith.muli %arg1, %mul3A_8 : i32
    %dma_start3A_10 = arith.constant 1 : i32
    %dma_start3A_11 = tpu.memref_slice %arg2[%dma_start3A_10, %mul3A_9] : memref<2x320000xi32, #tpu.memory_space<hbm>> -> memref<1x20000xi32, #tpu.memory_space<hbm>>
    %dma_start3A_12 = tpu.memref_squeeze %dma_start3A_11 : memref<1x20000xi32, #tpu.memory_space<hbm>> -> memref<20000xi32, #tpu.memory_space<hbm>>
    %dma_start3A_13 = tpu.memref_slice %arg2[%dma_start3A_10, %mul3A_9] : memref<2x320000xi32, #tpu.memory_space<hbm>> -> memref<1x20000xi32, #tpu.memory_space<hbm>>
    %dma_start3A_14 = tpu.memref_squeeze %dma_start3A_13 : memref<1x20000xi32, #tpu.memory_space<hbm>> -> memref<20000xi32, #tpu.memory_space<hbm>>
    tpu.enqueue_dma source(%dma_start3A_14 : memref<20000xi32, #tpu.memory_space<hbm>>) target(%arg6 : memref<20000xi32, #tpu.memory_space<vmem>>) target_semaphore(%arg14 : memref<!tpu.dma_semaphore, #tpu.memory_space<semaphore_mem>>)
    "tpu.region"() ({
      %run_scoped3A = tpu.sem_alloc : memref<!tpu.dma_semaphore, #tpu.memory_space<semaphore_mem>>
      tpu.enqueue_dma source(%arg3 : memref<10xi32, #tpu.memory_space<hbm>>) target(%arg12 : memref<10xi32, #tpu.memory_space<vmem>>) target_semaphore(%run_scoped3A : memref<!tpu.dma_semaphore, #tpu.memory_space<semaphore_mem>>)
      tpu.wait_dma2 semaphore(%run_scoped3A : memref<!tpu.dma_semaphore, #tpu.memory_space<semaphore_mem>>) src(%arg3 : memref<10xi32, #tpu.memory_space<hbm>>) dst(%arg12 : memref<10xi32, #tpu.memory_space<vmem>>)
      tpu.yield
    }) : () -> ()
    %dma_wait3A = arith.constant 1 : i32
    %dma_wait3A_15 = tpu.memref_slice %arg2[%dma_wait3A, %mul3A_9] : memref<2x320000xi32, #tpu.memory_space<hbm>> -> memref<1x20000xi32, #tpu.memory_space<hbm>>
    %dma_wait3A_16 = tpu.memref_squeeze %dma_wait3A_15 : memref<1x20000xi32, #tpu.memory_space<hbm>> -> memref<20000xi32, #tpu.memory_space<hbm>>
    %dma_wait3A_17 = tpu.memref_slice %arg2[%dma_wait3A, %mul3A_9] : memref<2x320000xi32, #tpu.memory_space<hbm>> -> memref<1x20000xi32, #tpu.memory_space<hbm>>
    %dma_wait3A_18 = tpu.memref_squeeze %dma_wait3A_17 : memref<1x20000xi32, #tpu.memory_space<hbm>> -> memref<20000xi32, #tpu.memory_space<hbm>>
    tpu.wait_dma2 semaphore(%arg14 : memref<!tpu.dma_semaphore, #tpu.memory_space<semaphore_mem>>) src(%dma_wait3A_18 : memref<20000xi32, #tpu.memory_space<hbm>>) dst(%arg6 : memref<20000xi32, #tpu.memory_space<vmem>>)
    %parallel_loop3A = arith.constant 0 : i32
    %parallel_loop3A_19 = arith.constant 640 : i32
    %parallel_loop3A_20 = arith.constant 1 : i32
    scf.for %parallel_loop3A_301 = %parallel_loop3A to %parallel_loop3A_19 step %parallel_loop3A_20  : i32 {
      %parallel_loop3A_302 = arith.constant 6 : i32
      %parallel_loop3A_303 = arith.shrsi %parallel_loop3A_301, %parallel_loop3A_302 : i32
      %parallel_loop3A_304 = arith.constant 63 : i32
      %parallel_loop3A_305 = arith.andi %parallel_loop3A_301, %parallel_loop3A_304 : i32
      %parallel_loop3A_306 = arith.constant 16 : i32
      %parallel_loop3A_307 = arith.muli %parallel_loop3A_305, %parallel_loop3A_306 : i32
      %parallel_loop3A_308 = arith.index_cast %parallel_loop3A_303 : i32 to index
      %parallel_loop3A_309 = arith.index_cast %parallel_loop3A_307 : i32 to index
      %parallel_loop3A_310 = tpu.vector_load %arg8[%parallel_loop3A_308, %parallel_loop3A_309] {strides = array<i32>} : memref<16x1024xf32, #tpu.memory_space<vmem>>, vector<16xf32>,
      tpu.vector_store %arg8[%parallel_loop3A_308, %parallel_loop3A_309], %broadcast_in_dim3A_2 {strides = array<i32>} : memref<16x1024xf32, #tpu.memory_space<vmem>>, vector<16xf32>,
    } {sc.loop_unroll_factor = 8 : i64, sc.parallel_access}
    %parallel_loop3A_21 = arith.constant 0 : i32
    %parallel_loop3A_22 = arith.constant 1250 : i32
    %parallel_loop3A_23 = arith.constant 1 : i32
    scf.for %parallel_loop3A_301 = %parallel_loop3A_21 to %parallel_loop3A_22 step %parallel_loop3A_23  : i32 {
      %parallel_loop3A_302 = arith.constant 16 : i32
      %parallel_loop3A_303 = arith.muli %parallel_loop3A_301, %parallel_loop3A_302 : i32
      %parallel_loop3A_304 = arith.index_cast %parallel_loop3A_303 : i32 to index
      %parallel_loop3A_305 = tpu.vector_load %arg6[%parallel_loop3A_304] {strides = array<i32>} : memref<20000xi32, #tpu.memory_space<vmem>>, vector<16xi32>,
      %parallel_loop3A_306 = arith.constant 10 : i32
      %parallel_loop3A_307 = vector.broadcast %parallel_loop3A_306 : i32 to vector<16xi32>
      %parallel_loop3A_308 = arith.shrsi %parallel_loop3A_305, %parallel_loop3A_307 : vector<16xi32>
      %parallel_loop3A_309 = arith.constant 1023 : i32
      %parallel_loop3A_310 = vector.broadcast %parallel_loop3A_309 : i32 to vector<16xi32>
      %parallel_loop3A_311 = arith.andi %parallel_loop3A_305, %parallel_loop3A_310 : vector<16xi32>
      tpu.vector_store_idx %arg8[%parallel_loop3A_308, %parallel_loop3A_311], %broadcast_in_dim3A_0 {add = true} : memref<16x1024xf32, #tpu.memory_space<vmem>>[vector<16xi32>, vector<16xi32>], vector<16xf32>,
    } {sc.loop_unroll_factor = 8 : i64, sc.parallel_access}
    %eq3A = arith.constant 0 : i32
    %eq3A_24 = arith.cmpi eq, %arg1, %eq3A : i32
    %convert_element_type3A = arith.extui %eq3A_24 : i1 to i32
    %cond3A = arith.constant 0 : i32
    %cond3A_25 = arith.cmpi ne, %convert_element_type3A, %cond3A : i32
    scf.if %cond3A_25 {
      "tpu.region"() ({
        %run_scoped3A = tpu.sem_alloc : memref<!tpu.dma_semaphore, #tpu.memory_space<semaphore_mem>>
        %dma_start3A_301 = arith.constant 0 : i32
        %dma_start3A_302 = arith.constant 0 : i32
        %dma_start3A_303 = tpu.memref_slice %arg8[%dma_start3A_301, %dma_start3A_302] : memref<16x1024xf32, #tpu.memory_space<vmem>> -> memref<10x1024xf32, #tpu.memory_space<vmem>>
        %dma_start3A_304 = arith.constant 0 : i32
        %dma_start3A_305 = arith.constant 0 : i32
        %dma_start3A_306 = tpu.memref_slice %arg15[%dma_start3A_304, %dma_start3A_305] : memref<16x1024xf32, #tpu.memory_space<vmem_shared>> -> memref<10x1024xf32, #tpu.memory_space<vmem_shared>>
        %dma_start3A_307 = arith.constant 0 : i32
        %dma_start3A_308 = arith.constant 0 : i32
        %dma_start3A_309 = tpu.memref_slice %arg15[%dma_start3A_307, %dma_start3A_308] : memref<16x1024xf32, #tpu.memory_space<vmem_shared>> -> memref<10x1024xf32, #tpu.memory_space<vmem_shared>>
        %dma_start3A_310 = arith.constant 0 : i32
        %dma_start3A_311 = arith.constant 0 : i32
        %dma_start3A_312 = tpu.memref_slice %arg8[%dma_start3A_310, %dma_start3A_311] : memref<16x1024xf32, #tpu.memory_space<vmem>> -> memref<10x1024xf32, #tpu.memory_space<vmem>>
        tpu.enqueue_dma source(%dma_start3A_312 : memref<10x1024xf32, #tpu.memory_space<vmem>>) target(%dma_start3A_309 : memref<10x1024xf32, #tpu.memory_space<vmem_shared>>) target_semaphore(%run_scoped3A : memref<!tpu.dma_semaphore, #tpu.memory_space<semaphore_mem>>)
        %dma_wait3A_313 = arith.constant 0 : i32
        %dma_wait3A_314 = arith.constant 0 : i32
        %dma_wait3A_315 = tpu.memref_slice %arg8[%dma_wait3A_313, %dma_wait3A_314] : memref<16x1024xf32, #tpu.memory_space<vmem>> -> memref<10x1024xf32, #tpu.memory_space<vmem>>
        %dma_wait3A_316 = arith.constant 0 : i32
        %dma_wait3A_317 = arith.constant 0 : i32
        %dma_wait3A_318 = tpu.memref_slice %arg15[%dma_wait3A_316, %dma_wait3A_317] : memref<16x1024xf32, #tpu.memory_space<vmem_shared>> -> memref<10x1024xf32, #tpu.memory_space<vmem_shared>>
        %dma_wait3A_319 = arith.constant 0 : i32
        %dma_wait3A_320 = arith.constant 0 : i32
        %dma_wait3A_321 = tpu.memref_slice %arg15[%dma_wait3A_319, %dma_wait3A_320] : memref<16x1024xf32, #tpu.memory_space<vmem_shared>> -> memref<10x1024xf32, #tpu.memory_space<vmem_shared>>
        %dma_wait3A_322 = arith.constant 0 : i32
        %dma_wait3A_323 = arith.constant 0 : i32
        %dma_wait3A_324 = tpu.memref_slice %arg8[%dma_wait3A_322, %dma_wait3A_323] : memref<16x1024xf32, #tpu.memory_space<vmem>> -> memref<10x1024xf32, #tpu.memory_space<vmem>>
        tpu.wait_dma2 semaphore(%run_scoped3A : memref<!tpu.dma_semaphore, #tpu.memory_space<semaphore_mem>>) src(%dma_wait3A_324 : memref<10x1024xf32, #tpu.memory_space<vmem>>) dst(%dma_wait3A_321 : memref<10x1024xf32, #tpu.memory_space<vmem_shared>>)
        tpu.yield
      }) : () -> ()
    } else {
    }
    %barrier3A = arith.constant 0 : index
    tpu.barrier barrier_id(%barrier3A)
    %ne3A = arith.constant 0 : i32
    %ne3A_26 = arith.cmpi ne, %arg1, %ne3A : i32
    %convert_element_type3A_27 = arith.extui %ne3A_26 : i1 to i32
    %cond3A_28 = arith.constant 0 : i32
    %cond3A_29 = arith.cmpi ne, %convert_element_type3A_27, %cond3A_28 : i32
    scf.if %cond3A_29 {
      "tpu.region"() ({
        %run_scoped3A = tpu.sem_alloc : memref<!tpu.dma_semaphore, #tpu.memory_space<semaphore_mem>>
        %dma_start3A_301 = arith.constant 0 : i32
        %dma_start3A_302 = arith.constant 0 : i32
        %dma_start3A_303 = tpu.memref_slice %arg8[%dma_start3A_301, %dma_start3A_302] : memref<16x1024xf32, #tpu.memory_space<vmem>> -> memref<10x1024xf32, #tpu.memory_space<vmem>>
        %dma_start3A_304 = arith.constant 0 : i32
        %dma_start3A_305 = arith.constant 0 : i32
        %dma_start3A_306 = tpu.memref_slice %arg15[%dma_start3A_304, %dma_start3A_305] : memref<16x1024xf32, #tpu.memory_space<vmem_shared>> -> memref<16x1024xf32, #tpu.memory_space<vmem_shared>>
        tpu.enqueue_indirect_dma source(%dma_start3A_303 : memref<10x1024xf32, #tpu.memory_space<vmem>>) target(%dma_start3A_306 : memref<16x1024xf32, #tpu.memory_space<vmem_shared>>) offsets(%arg12 : memref<10xi32, #tpu.memory_space<vmem>>) semaphore(%run_scoped3A : memref<!tpu.dma_semaphore, #tpu.memory_space<semaphore_mem>>) {add = true}
        %dma_wait3A_307 = arith.constant 0 : i32
        %dma_wait3A_308 = arith.constant 0 : i32
        %dma_wait3A_309 = tpu.memref_slice %arg8[%dma_wait3A_307, %dma_wait3A_308] : memref<16x1024xf32, #tpu.memory_space<vmem>> -> memref<10x1024xf32, #tpu.memory_space<vmem>>
        %dma_wait3A_310 = arith.constant 0 : i32
        %dma_wait3A_311 = arith.constant 0 : i32
        %dma_wait3A_312 = tpu.memref_slice %arg15[%dma_wait3A_310, %dma_wait3A_311] : memref<16x1024xf32, #tpu.memory_space<vmem_shared>> -> memref<16x1024xf32, #tpu.memory_space<vmem_shared>>
        tpu.wait_indirect_dma semaphore(%run_scoped3A : memref<!tpu.dma_semaphore, #tpu.memory_space<semaphore_mem>>) src(%dma_wait3A_309 : memref<10x1024xf32, #tpu.memory_space<vmem>>) dst(%dma_wait3A_312 : memref<16x1024xf32, #tpu.memory_space<vmem_shared>>)
        tpu.yield
      }) : () -> ()
    } else {
    }
    %parallel_loop3A_30 = arith.constant 0 : i32
    %parallel_loop3A_31 = arith.constant 640 : i32
    %parallel_loop3A_32 = arith.constant 1 : i32
    scf.for %parallel_loop3A_301 = %parallel_loop3A_30 to %parallel_loop3A_31 step %parallel_loop3A_32  : i32 {
      %parallel_loop3A_302 = arith.constant 6 : i32
      %parallel_loop3A_303 = arith.shrsi %parallel_loop3A_301, %parallel_loop3A_302 : i32
      %parallel_loop3A_304 = arith.constant 63 : i32
      %parallel_loop3A_305 = arith.andi %parallel_loop3A_301, %parallel_loop3A_304 : i32
      %parallel_loop3A_306 = arith.constant 16 : i32
      %parallel_loop3A_307 = arith.muli %parallel_loop3A_305, %parallel_loop3A_306 : i32
      %parallel_loop3A_308 = arith.index_cast %parallel_loop3A_303 : i32 to index
      %parallel_loop3A_309 = arith.index_cast %parallel_loop3A_307 : i32 to index
      %parallel_loop3A_310 = tpu.vector_load %arg8[%parallel_loop3A_308, %parallel_loop3A_309] {strides = array<i32>} : memref<16x1024xf32, #tpu.memory_space<vmem>>, vector<16xf32>,
      tpu.vector_store %arg8[%parallel_loop3A_308, %parallel_loop3A_309], %broadcast_in_dim3A_2 {strides = array<i32>} : memref<16x1024xf32, #tpu.memory_space<vmem>>, vector<16xf32>,
    } {sc.loop_unroll_factor = 8 : i64, sc.parallel_access}
    %barrier3A_33 = arith.constant 0 : index
    tpu.barrier barrier_id(%barrier3A_33)
    "tpu.region"() ({
      %run_scoped3A = tpu.sem_alloc : memref<!tpu.dma_semaphore, #tpu.memory_space<semaphore_mem>>
      %dma_start3A_301 = arith.constant 0 : i32
      %dma_start3A_302 = arith.constant 0 : i32
      %dma_start3A_303 = tpu.memref_slice %arg7[%dma_start3A_301, %dma_start3A_302] : memref<16x1024xf32, #tpu.memory_space<vmem>> -> memref<10x1024xf32, #tpu.memory_space<vmem>>
      %dma_start3A_304 = arith.constant 0 : i32
      %dma_start3A_305 = arith.constant 0 : i32
      %dma_start3A_306 = tpu.memref_slice %arg15[%dma_start3A_304, %dma_start3A_305] : memref<16x1024xf32, #tpu.memory_space<vmem_shared>> -> memref<10x1024xf32, #tpu.memory_space<vmem_shared>>
      %dma_start3A_307 = arith.constant 0 : i32
      %dma_start3A_308 = arith.constant 0 : i32
      %dma_start3A_309 = tpu.memref_slice %arg7[%dma_start3A_307, %dma_start3A_308] : memref<16x1024xf32, #tpu.memory_space<vmem>> -> memref<10x1024xf32, #tpu.memory_space<vmem>>
      %dma_start3A_310 = arith.constant 0 : i32
      %dma_start3A_311 = arith.constant 0 : i32
      %dma_start3A_312 = tpu.memref_slice %arg15[%dma_start3A_310, %dma_start3A_311] : memref<16x1024xf32, #tpu.memory_space<vmem_shared>> -> memref<10x1024xf32, #tpu.memory_space<vmem_shared>>
      tpu.enqueue_dma source(%dma_start3A_312 : memref<10x1024xf32, #tpu.memory_space<vmem_shared>>) target(%dma_start3A_309 : memref<10x1024xf32, #tpu.memory_space<vmem>>) target_semaphore(%run_scoped3A : memref<!tpu.dma_semaphore, #tpu.memory_space<semaphore_mem>>)
      %dma_wait3A_313 = arith.constant 0 : i32
      %dma_wait3A_314 = arith.constant 0 : i32
      %dma_wait3A_315 = tpu.memref_slice %arg7[%dma_wait3A_313, %dma_wait3A_314] : memref<16x1024xf32, #tpu.memory_space<vmem>> -> memref<10x1024xf32, #tpu.memory_space<vmem>>
      %dma_wait3A_316 = arith.constant 0 : i32
      %dma_wait3A_317 = arith.constant 0 : i32
      %dma_wait3A_318 = tpu.memref_slice %arg15[%dma_wait3A_316, %dma_wait3A_317] : memref<16x1024xf32, #tpu.memory_space<vmem_shared>> -> memref<10x1024xf32, #tpu.memory_space<vmem_shared>>
      %dma_wait3A_319 = arith.constant 0 : i32
      %dma_wait3A_320 = arith.constant 0 : i32
      %dma_wait3A_321 = tpu.memref_slice %arg7[%dma_wait3A_319, %dma_wait3A_320] : memref<16x1024xf32, #tpu.memory_space<vmem>> -> memref<10x1024xf32, #tpu.memory_space<vmem>>
      %dma_wait3A_322 = arith.constant 0 : i32
      %dma_wait3A_323 = arith.constant 0 : i32
      %dma_wait3A_324 = tpu.memref_slice %arg15[%dma_wait3A_322, %dma_wait3A_323] : memref<16x1024xf32, #tpu.memory_space<vmem_shared>> -> memref<10x1024xf32, #tpu.memory_space<vmem_shared>>
      tpu.wait_dma2 semaphore(%run_scoped3A : memref<!tpu.dma_semaphore, #tpu.memory_space<semaphore_mem>>) src(%dma_wait3A_324 : memref<10x1024xf32, #tpu.memory_space<vmem_shared>>) dst(%dma_wait3A_321 : memref<10x1024xf32, #tpu.memory_space<vmem>>)
      tpu.yield
    }) : () -> ()
    %parallel_loop3A_34 = arith.constant 0 : i32
    %parallel_loop3A_35 = arith.constant 640 : i32
    %parallel_loop3A_36 = arith.constant 1 : i32
    scf.for %parallel_loop3A_301 = %parallel_loop3A_34 to %parallel_loop3A_35 step %parallel_loop3A_36  : i32 {
      %parallel_loop3A_302 = arith.constant 6 : i32
      %parallel_loop3A_303 = arith.shrsi %parallel_loop3A_301, %parallel_loop3A_302 : i32
      %parallel_loop3A_304 = arith.constant 63 : i32
      %parallel_loop3A_305 = arith.andi %parallel_loop3A_301, %parallel_loop3A_304 : i32
      %parallel_loop3A_306 = arith.constant 16 : i32
      %parallel_loop3A_307 = arith.muli %parallel_loop3A_305, %parallel_loop3A_306 : i32
      %parallel_loop3A_308 = arith.index_cast %parallel_loop3A_303 : i32 to index
      %parallel_loop3A_309 = arith.index_cast %parallel_loop3A_307 : i32 to index
      %parallel_loop3A_310 = tpu.vector_load %arg7[%parallel_loop3A_308, %parallel_loop3A_309] {strides = array<i32>} : memref<16x1024xf32, #tpu.memory_space<vmem>>, vector<16xf32>,
      %parallel_loop3A_311 = arith.constant 1.000000e+00 : f32
      %parallel_loop3A_312 = vector.broadcast %parallel_loop3A_311 : f32 to vector<16xf32>
      %parallel_loop3A_313 = arith.maximumf %parallel_loop3A_310, %parallel_loop3A_312 : vector<16xf32>
      %parallel_loop3A_314 = vector.bitcast %parallel_loop3A_313 : vector<16xf32> to vector<16xi32>
      %parallel_loop3A_315 = arith.constant 1 : i32
      %parallel_loop3A_316 = vector.broadcast %parallel_loop3A_315 : i32 to vector<16xi32>
      %parallel_loop3A_317 = arith.shrsi %parallel_loop3A_314, %parallel_loop3A_316 : vector<16xi32>
      %parallel_loop3A_318 = arith.constant 1597463007 : i32
      %parallel_loop3A_319 = vector.broadcast %parallel_loop3A_318 : i32 to vector<16xi32>
      %parallel_loop3A_320 = arith.subi %parallel_loop3A_319, %parallel_loop3A_317 : vector<16xi32>
      %parallel_loop3A_321 = vector.bitcast %parallel_loop3A_320 : vector<16xi32> to vector<16xf32>
      %parallel_loop3A_322 = arith.constant 5.000000e-01 : f32
      %parallel_loop3A_323 = vector.broadcast %parallel_loop3A_322 : f32 to vector<16xf32>
      %parallel_loop3A_324 = arith.mulf %parallel_loop3A_313, %parallel_loop3A_323 : vector<16xf32>
      %parallel_loop3A_325 = arith.mulf %parallel_loop3A_324, %parallel_loop3A_321 : vector<16xf32>
      %parallel_loop3A_326 = arith.mulf %parallel_loop3A_325, %parallel_loop3A_321 : vector<16xf32>
      %parallel_loop3A_327 = arith.constant 1.500000e+00 : f32
      %parallel_loop3A_328 = vector.broadcast %parallel_loop3A_327 : f32 to vector<16xf32>
      %parallel_loop3A_329 = arith.subf %parallel_loop3A_328, %parallel_loop3A_326 : vector<16xf32>
      %parallel_loop3A_330 = arith.mulf %parallel_loop3A_321, %parallel_loop3A_329 : vector<16xf32>
      %parallel_loop3A_331 = arith.mulf %parallel_loop3A_324, %parallel_loop3A_330 : vector<16xf32>
      %parallel_loop3A_332 = arith.mulf %parallel_loop3A_331, %parallel_loop3A_330 : vector<16xf32>
      %parallel_loop3A_333 = arith.constant 1.500000e+00 : f32
      %parallel_loop3A_334 = vector.broadcast %parallel_loop3A_333 : f32 to vector<16xf32>
      %parallel_loop3A_335 = arith.subf %parallel_loop3A_334, %parallel_loop3A_332 : vector<16xf32>
      %parallel_loop3A_336 = arith.mulf %parallel_loop3A_330, %parallel_loop3A_335 : vector<16xf32>
      %parallel_loop3A_337 = arith.mulf %parallel_loop3A_324, %parallel_loop3A_336 : vector<16xf32>
      %parallel_loop3A_338 = arith.mulf %parallel_loop3A_337, %parallel_loop3A_336 : vector<16xf32>
      %parallel_loop3A_339 = arith.constant 1.500000e+00 : f32
      %parallel_loop3A_340 = vector.broadcast %parallel_loop3A_339 : f32 to vector<16xf32>
      %parallel_loop3A_341 = arith.subf %parallel_loop3A_340, %parallel_loop3A_338 : vector<16xf32>
      %parallel_loop3A_342 = arith.mulf %parallel_loop3A_336, %parallel_loop3A_341 : vector<16xf32>
      %parallel_loop3A_343 = arith.index_cast %parallel_loop3A_303 : i32 to index
      %parallel_loop3A_344 = arith.index_cast %parallel_loop3A_307 : i32 to index
      %parallel_loop3A_345 = tpu.vector_load %arg7[%parallel_loop3A_343, %parallel_loop3A_344] {strides = array<i32>} : memref<16x1024xf32, #tpu.memory_space<vmem>>, vector<16xf32>,
      tpu.vector_store %arg7[%parallel_loop3A_343, %parallel_loop3A_344], %parallel_loop3A_342 {strides = array<i32>} : memref<16x1024xf32, #tpu.memory_space<vmem>>, vector<16xf32>,
      %parallel_loop3A_346 = arith.mulf %parallel_loop3A_342, %parallel_loop3A_342 : vector<16xf32>
      %parallel_loop3A_347 = arith.index_cast %parallel_loop3A_303 : i32 to index
      %parallel_loop3A_348 = arith.index_cast %parallel_loop3A_307 : i32 to index
      %parallel_loop3A_349 = tpu.vector_load %arg9[%parallel_loop3A_347, %parallel_loop3A_348] {strides = array<i32>} : memref<16x1024xf32, #tpu.memory_space<vmem>>, vector<16xf32>,
      tpu.vector_store %arg9[%parallel_loop3A_347, %parallel_loop3A_348], %parallel_loop3A_346 {strides = array<i32>} : memref<16x1024xf32, #tpu.memory_space<vmem>>, vector<16xf32>,
    } {sc.loop_unroll_factor = 4 : i64, sc.parallel_access}
    %parallel_loop3A_37 = arith.constant 0 : i32
    %parallel_loop3A_38 = arith.constant 64 : i32
    %parallel_loop3A_39 = arith.constant 1 : i32
    scf.for %parallel_loop3A_301 = %parallel_loop3A_37 to %parallel_loop3A_38 step %parallel_loop3A_39  : i32 {
      %parallel_loop3A_302 = arith.constant 16 : i32
      %parallel_loop3A_303 = arith.muli %parallel_loop3A_301, %parallel_loop3A_302 : i32
      %parallel_loop3A_304 = arith.index_cast %arg1 : i32 to index
      %parallel_loop3A_305 = arith.index_cast %parallel_loop3A_303 : i32 to index
      %parallel_loop3A_306 = tpu.vector_load %arg7[%parallel_loop3A_304, %parallel_loop3A_305] {strides = array<i32>} : memref<16x1024xf32, #tpu.memory_space<vmem>>, vector<16xf32>,
      %parallel_loop3A_307 = arith.index_cast %parallel_loop3A_303 : i32 to index
      %parallel_loop3A_308 = tpu.vector_load %arg11[%parallel_loop3A_307] {strides = array<i32>} : memref<1024xf32, #tpu.memory_space<vmem>>, vector<16xf32>,
      tpu.vector_store %arg11[%parallel_loop3A_307], %parallel_loop3A_306 {strides = array<i32>} : memref<1024xf32, #tpu.memory_space<vmem>>, vector<16xf32>,
      %parallel_loop3A_309 = arith.constant 9.99999974E-6 : f32
      %parallel_loop3A_310 = vector.broadcast %parallel_loop3A_309 : f32 to vector<16xf32>
      %parallel_loop3A_311 = arith.mulf %parallel_loop3A_310, %parallel_loop3A_306 : vector<16xf32>
      %parallel_loop3A_312 = arith.index_cast %parallel_loop3A_303 : i32 to index
      %parallel_loop3A_313 = tpu.vector_load %arg10[%parallel_loop3A_312] {strides = array<i32>} : memref<1024xf32, #tpu.memory_space<vmem>>, vector<16xf32>,
      tpu.vector_store %arg10[%parallel_loop3A_312], %parallel_loop3A_311 {strides = array<i32>} : memref<1024xf32, #tpu.memory_space<vmem>>, vector<16xf32>,
    } {sc.loop_unroll_factor = 4 : i64, sc.parallel_access}
    %dma_wait3A_40 = arith.constant 0 : i32
    %dma_wait3A_41 = tpu.memref_slice %arg2[%dma_wait3A_40, %mul3A_3] : memref<2x320000xi32, #tpu.memory_space<hbm>> -> memref<1x20000xi32, #tpu.memory_space<hbm>>
    %dma_wait3A_42 = tpu.memref_squeeze %dma_wait3A_41 : memref<1x20000xi32, #tpu.memory_space<hbm>> -> memref<20000xi32, #tpu.memory_space<hbm>>
    %dma_wait3A_43 = tpu.memref_slice %arg2[%dma_wait3A_40, %mul3A_3] : memref<2x320000xi32, #tpu.memory_space<hbm>> -> memref<1x20000xi32, #tpu.memory_space<hbm>>
    %dma_wait3A_44 = tpu.memref_squeeze %dma_wait3A_43 : memref<1x20000xi32, #tpu.memory_space<hbm>> -> memref<20000xi32, #tpu.memory_space<hbm>>
    tpu.wait_dma2 semaphore(%arg13 : memref<!tpu.dma_semaphore, #tpu.memory_space<semaphore_mem>>) src(%dma_wait3A_44 : memref<20000xi32, #tpu.memory_space<hbm>>) dst(%arg5 : memref<20000xi32, #tpu.memory_space<vmem>>)
    %parallel_loop3A_45 = arith.constant 0 : i32
    %parallel_loop3A_46 = arith.constant 1250 : i32
    %parallel_loop3A_47 = arith.constant 1 : i32
    scf.for %parallel_loop3A_301 = %parallel_loop3A_45 to %parallel_loop3A_46 step %parallel_loop3A_47  : i32 {
      %parallel_loop3A_302 = arith.constant 16 : i32
      %parallel_loop3A_303 = arith.muli %parallel_loop3A_301, %parallel_loop3A_302 : i32
      %parallel_loop3A_304 = arith.index_cast %parallel_loop3A_303 : i32 to index
      %parallel_loop3A_305 = tpu.vector_load %arg5[%parallel_loop3A_304] {strides = array<i32>} : memref<20000xi32, #tpu.memory_space<vmem>>, vector<16xi32>,
      %parallel_loop3A_306 = arith.constant 14 : i32
      %parallel_loop3A_307 = vector.broadcast %parallel_loop3A_306 : i32 to vector<16xi32>
      %parallel_loop3A_308 = arith.shli %parallel_loop3A_305, %parallel_loop3A_307 : vector<16xi32>
      %parallel_loop3A_309 = arith.index_cast %parallel_loop3A_303 : i32 to index
      %parallel_loop3A_310 = tpu.vector_load %arg6[%parallel_loop3A_309] {strides = array<i32>} : memref<20000xi32, #tpu.memory_space<vmem>>, vector<16xi32>,
      %parallel_loop3A_311 = arith.ori %parallel_loop3A_308, %parallel_loop3A_310 : vector<16xi32>
      %parallel_loop3A_312 = arith.index_cast %parallel_loop3A_303 : i32 to index
      %parallel_loop3A_313 = tpu.vector_load %arg6[%parallel_loop3A_312] {strides = array<i32>} : memref<20000xi32, #tpu.memory_space<vmem>>, vector<16xi32>,
      tpu.vector_store %arg6[%parallel_loop3A_312], %parallel_loop3A_311 {strides = array<i32>} : memref<20000xi32, #tpu.memory_space<vmem>>, vector<16xi32>,
    } {sc.loop_unroll_factor = 8 : i64, sc.parallel_access}
    %barrier3A_48 = arith.constant 0 : index
    tpu.barrier barrier_id(%barrier3A_48)
    %parallel_loop3A_49 = arith.constant 0 : i32
    %parallel_loop3A_50 = arith.constant 1250 : i32
    %parallel_loop3A_51 = arith.constant 1 : i32
    scf.for %parallel_loop3A_301 = %parallel_loop3A_49 to %parallel_loop3A_50 step %parallel_loop3A_51  : i32 {
      %parallel_loop3A_302 = arith.constant 16 : i32
      %parallel_loop3A_303 = arith.muli %parallel_loop3A_301, %parallel_loop3A_302 : i32
      %parallel_loop3A_304 = arith.index_cast %parallel_loop3A_303 : i32 to index
      %parallel_loop3A_305 = tpu.vector_load %arg6[%parallel_loop3A_304] {strides = array<i32>} : memref<20000xi32, #tpu.memory_space<vmem>>, vector<16xi32>,
      %parallel_loop3A_306 = arith.constant 10 : i32
      %parallel_loop3A_307 = vector.broadcast %parallel_loop3A_306 : i32 to vector<16xi32>
      %parallel_loop3A_308 = arith.shrsi %parallel_loop3A_305, %parallel_loop3A_307 : vector<16xi32>
      %parallel_loop3A_309 = arith.constant 15 : i32
      %parallel_loop3A_310 = vector.broadcast %parallel_loop3A_309 : i32 to vector<16xi32>
      %parallel_loop3A_311 = arith.andi %parallel_loop3A_308, %parallel_loop3A_310 : vector<16xi32>
      %parallel_loop3A_312 = arith.constant 1023 : i32
      %parallel_loop3A_313 = vector.broadcast %parallel_loop3A_312 : i32 to vector<16xi32>
      %parallel_loop3A_314 = arith.andi %parallel_loop3A_305, %parallel_loop3A_313 : vector<16xi32>
      %parallel_loop3A_315 = tpu.vector_load_idx %arg7[%parallel_loop3A_311, %parallel_loop3A_314] : memref<16x1024xf32, #tpu.memory_space<vmem>>[vector<16xi32>, vector<16xi32>], vector<16xf32>,
      %parallel_loop3A_316 = arith.constant 24 : i32
      %parallel_loop3A_317 = vector.broadcast %parallel_loop3A_316 : i32 to vector<16xi32>
      %parallel_loop3A_318 = arith.shrsi %parallel_loop3A_305, %parallel_loop3A_317 : vector<16xi32>
      %parallel_loop3A_319 = arith.constant 14 : i32
      %parallel_loop3A_320 = vector.broadcast %parallel_loop3A_319 : i32 to vector<16xi32>
      %parallel_loop3A_321 = arith.shrsi %parallel_loop3A_305, %parallel_loop3A_320 : vector<16xi32>
      %parallel_loop3A_322 = arith.constant 1023 : i32
      %parallel_loop3A_323 = vector.broadcast %parallel_loop3A_322 : i32 to vector<16xi32>
      %parallel_loop3A_324 = arith.andi %parallel_loop3A_321, %parallel_loop3A_323 : vector<16xi32>
      tpu.vector_store_idx %arg8[%parallel_loop3A_318, %parallel_loop3A_324], %parallel_loop3A_315 {add = true} : memref<16x1024xf32, #tpu.memory_space<vmem>>[vector<16xi32>, vector<16xi32>], vector<16xf32>,
    } {sc.loop_unroll_factor = 32 : i64, sc.parallel_access}
    %eq3A_52 = arith.constant 0 : i32
    %eq3A_53 = arith.cmpi eq, %arg1, %eq3A_52 : i32
    %convert_element_type3A_54 = arith.extui %eq3A_53 : i1 to i32
    %cond3A_55 = arith.constant 0 : i32
    %cond3A_56 = arith.cmpi ne, %convert_element_type3A_54, %cond3A_55 : i32
    scf.if %cond3A_56 {
      "tpu.region"() ({
        %run_scoped3A = tpu.sem_alloc : memref<!tpu.dma_semaphore, #tpu.memory_space<semaphore_mem>>
        %dma_start3A_301 = arith.constant 0 : i32
        %dma_start3A_302 = arith.constant 0 : i32
        %dma_start3A_303 = tpu.memref_slice %arg8[%dma_start3A_301, %dma_start3A_302] : memref<16x1024xf32, #tpu.memory_space<vmem>> -> memref<10x1024xf32, #tpu.memory_space<vmem>>
        %dma_start3A_304 = arith.constant 0 : i32
        %dma_start3A_305 = arith.constant 0 : i32
        %dma_start3A_306 = tpu.memref_slice %arg15[%dma_start3A_304, %dma_start3A_305] : memref<16x1024xf32, #tpu.memory_space<vmem_shared>> -> memref<10x1024xf32, #tpu.memory_space<vmem_shared>>
        %dma_start3A_307 = arith.constant 0 : i32
        %dma_start3A_308 = arith.constant 0 : i32
        %dma_start3A_309 = tpu.memref_slice %arg15[%dma_start3A_307, %dma_start3A_308] : memref<16x1024xf32, #tpu.memory_space<vmem_shared>> -> memref<10x1024xf32, #tpu.memory_space<vmem_shared>>
        %dma_start3A_310 = arith.constant 0 : i32
        %dma_start3A_311 = arith.constant 0 : i32
        %dma_start3A_312 = tpu.memref_slice %arg8[%dma_start3A_310, %dma_start3A_311] : memref<16x1024xf32, #tpu.memory_space<vmem>> -> memref<10x1024xf32, #tpu.memory_space<vmem>>
        tpu.enqueue_dma source(%dma_start3A_312 : memref<10x1024xf32, #tpu.memory_space<vmem>>) target(%dma_start3A_309 : memref<10x1024xf32, #tpu.memory_space<vmem_shared>>) target_semaphore(%run_scoped3A : memref<!tpu.dma_semaphore, #tpu.memory_space<semaphore_mem>>)
        %dma_wait3A_313 = arith.constant 0 : i32
        %dma_wait3A_314 = arith.constant 0 : i32
        %dma_wait3A_315 = tpu.memref_slice %arg8[%dma_wait3A_313, %dma_wait3A_314] : memref<16x1024xf32, #tpu.memory_space<vmem>> -> memref<10x1024xf32, #tpu.memory_space<vmem>>
        %dma_wait3A_316 = arith.constant 0 : i32
        %dma_wait3A_317 = arith.constant 0 : i32
        %dma_wait3A_318 = tpu.memref_slice %arg15[%dma_wait3A_316, %dma_wait3A_317] : memref<16x1024xf32, #tpu.memory_space<vmem_shared>> -> memref<10x1024xf32, #tpu.memory_space<vmem_shared>>
        %dma_wait3A_319 = arith.constant 0 : i32
        %dma_wait3A_320 = arith.constant 0 : i32
        %dma_wait3A_321 = tpu.memref_slice %arg15[%dma_wait3A_319, %dma_wait3A_320] : memref<16x1024xf32, #tpu.memory_space<vmem_shared>> -> memref<10x1024xf32, #tpu.memory_space<vmem_shared>>
        %dma_wait3A_322 = arith.constant 0 : i32
        %dma_wait3A_323 = arith.constant 0 : i32
        %dma_wait3A_324 = tpu.memref_slice %arg8[%dma_wait3A_322, %dma_wait3A_323] : memref<16x1024xf32, #tpu.memory_space<vmem>> -> memref<10x1024xf32, #tpu.memory_space<vmem>>
        tpu.wait_dma2 semaphore(%run_scoped3A : memref<!tpu.dma_semaphore, #tpu.memory_space<semaphore_mem>>) src(%dma_wait3A_324 : memref<10x1024xf32, #tpu.memory_space<vmem>>) dst(%dma_wait3A_321 : memref<10x1024xf32, #tpu.memory_space<vmem_shared>>)
        tpu.yield
      }) : () -> ()
    } else {
    }
    %barrier3A_57 = arith.constant 0 : index
    tpu.barrier barrier_id(%barrier3A_57)
    %ne3A_58 = arith.constant 0 : i32
    %ne3A_59 = arith.cmpi ne, %arg1, %ne3A_58 : i32
    %convert_element_type3A_60 = arith.extui %ne3A_59 : i1 to i32
    %cond3A_61 = arith.constant 0 : i32
    %cond3A_62 = arith.cmpi ne, %convert_element_type3A_60, %cond3A_61 : i32
    scf.if %cond3A_62 {
      "tpu.region"() ({
        %run_scoped3A = tpu.sem_alloc : memref<!tpu.dma_semaphore, #tpu.memory_space<semaphore_mem>>
        %dma_start3A_301 = arith.constant 0 : i32
        %dma_start3A_302 = arith.constant 0 : i32
        %dma_start3A_303 = tpu.memref_slice %arg8[%dma_start3A_301, %dma_start3A_302] : memref<16x1024xf32, #tpu.memory_space<vmem>> -> memref<10x1024xf32, #tpu.memory_space<vmem>>
        %dma_start3A_304 = arith.constant 0 : i32
        %dma_start3A_305 = arith.constant 0 : i32
        %dma_start3A_306 = tpu.memref_slice %arg15[%dma_start3A_304, %dma_start3A_305] : memref<16x1024xf32, #tpu.memory_space<vmem_shared>> -> memref<16x1024xf32, #tpu.memory_space<vmem_shared>>
        tpu.enqueue_indirect_dma source(%dma_start3A_303 : memref<10x1024xf32, #tpu.memory_space<vmem>>) target(%dma_start3A_306 : memref<16x1024xf32, #tpu.memory_space<vmem_shared>>) offsets(%arg12 : memref<10xi32, #tpu.memory_space<vmem>>) semaphore(%run_scoped3A : memref<!tpu.dma_semaphore, #tpu.memory_space<semaphore_mem>>) {add = true}
        %dma_wait3A_307 = arith.constant 0 : i32
        %dma_wait3A_308 = arith.constant 0 : i32
        %dma_wait3A_309 = tpu.memref_slice %arg8[%dma_wait3A_307, %dma_wait3A_308] : memref<16x1024xf32, #tpu.memory_space<vmem>> -> memref<10x1024xf32, #tpu.memory_space<vmem>>
        %dma_wait3A_310 = arith.constant 0 : i32
        %dma_wait3A_311 = arith.constant 0 : i32
        %dma_wait3A_312 = tpu.memref_slice %arg15[%dma_wait3A_310, %dma_wait3A_311] : memref<16x1024xf32, #tpu.memory_space<vmem_shared>> -> memref<16x1024xf32, #tpu.memory_space<vmem_shared>>
        tpu.wait_indirect_dma semaphore(%run_scoped3A : memref<!tpu.dma_semaphore, #tpu.memory_space<semaphore_mem>>) src(%dma_wait3A_309 : memref<10x1024xf32, #tpu.memory_space<vmem>>) dst(%dma_wait3A_312 : memref<16x1024xf32, #tpu.memory_space<vmem_shared>>)
        tpu.yield
      }) : () -> ()
    } else {
    }
    %parallel_loop3A_63 = arith.constant 0 : i32
    %parallel_loop3A_64 = arith.constant 640 : i32
    %parallel_loop3A_65 = arith.constant 1 : i32
    scf.for %parallel_loop3A_301 = %parallel_loop3A_63 to %parallel_loop3A_64 step %parallel_loop3A_65  : i32 {
      %parallel_loop3A_302 = arith.constant 6 : i32
      %parallel_loop3A_303 = arith.shrsi %parallel_loop3A_301, %parallel_loop3A_302 : i32
      %parallel_loop3A_304 = arith.constant 63 : i32
      %parallel_loop3A_305 = arith.andi %parallel_loop3A_301, %parallel_loop3A_304 : i32
      %parallel_loop3A_306 = arith.constant 16 : i32
      %parallel_loop3A_307 = arith.muli %parallel_loop3A_305, %parallel_loop3A_306 : i32
      %parallel_loop3A_308 = arith.index_cast %parallel_loop3A_303 : i32 to index
      %parallel_loop3A_309 = arith.index_cast %parallel_loop3A_307 : i32 to index
      %parallel_loop3A_310 = tpu.vector_load %arg8[%parallel_loop3A_308, %parallel_loop3A_309] {strides = array<i32>} : memref<16x1024xf32, #tpu.memory_space<vmem>>, vector<16xf32>,
      tpu.vector_store %arg8[%parallel_loop3A_308, %parallel_loop3A_309], %broadcast_in_dim3A_2 {strides = array<i32>} : memref<16x1024xf32, #tpu.memory_space<vmem>>, vector<16xf32>,
    } {sc.loop_unroll_factor = 8 : i64, sc.parallel_access}
    %barrier3A_66 = arith.constant 0 : index
    tpu.barrier barrier_id(%barrier3A_66)
    "tpu.region"() ({
      %run_scoped3A = tpu.sem_alloc : memref<!tpu.dma_semaphore, #tpu.memory_space<semaphore_mem>>
      %dma_start3A_301 = arith.constant 0 : i32
      %dma_start3A_302 = arith.constant 0 : i32
      %dma_start3A_303 = tpu.memref_slice %arg7[%dma_start3A_301, %dma_start3A_302] : memref<16x1024xf32, #tpu.memory_space<vmem>> -> memref<10x1024xf32, #tpu.memory_space<vmem>>
      %dma_start3A_304 = arith.constant 0 : i32
      %dma_start3A_305 = arith.constant 0 : i32
      %dma_start3A_306 = tpu.memref_slice %arg15[%dma_start3A_304, %dma_start3A_305] : memref<16x1024xf32, #tpu.memory_space<vmem_shared>> -> memref<10x1024xf32, #tpu.memory_space<vmem_shared>>
      %dma_start3A_307 = arith.constant 0 : i32
      %dma_start3A_308 = arith.constant 0 : i32
      %dma_start3A_309 = tpu.memref_slice %arg7[%dma_start3A_307, %dma_start3A_308] : memref<16x1024xf32, #tpu.memory_space<vmem>> -> memref<10x1024xf32, #tpu.memory_space<vmem>>
      %dma_start3A_310 = arith.constant 0 : i32
      %dma_start3A_311 = arith.constant 0 : i32
      %dma_start3A_312 = tpu.memref_slice %arg15[%dma_start3A_310, %dma_start3A_311] : memref<16x1024xf32, #tpu.memory_space<vmem_shared>> -> memref<10x1024xf32, #tpu.memory_space<vmem_shared>>
      tpu.enqueue_dma source(%dma_start3A_312 : memref<10x1024xf32, #tpu.memory_space<vmem_shared>>) target(%dma_start3A_309 : memref<10x1024xf32, #tpu.memory_space<vmem>>) target_semaphore(%run_scoped3A : memref<!tpu.dma_semaphore, #tpu.memory_space<semaphore_mem>>)
      %dma_wait3A_313 = arith.constant 0 : i32
      %dma_wait3A_314 = arith.constant 0 : i32
      %dma_wait3A_315 = tpu.memref_slice %arg7[%dma_wait3A_313, %dma_wait3A_314] : memref<16x1024xf32, #tpu.memory_space<vmem>> -> memref<10x1024xf32, #tpu.memory_space<vmem>>
      %dma_wait3A_316 = arith.constant 0 : i32
      %dma_wait3A_317 = arith.constant 0 : i32
      %dma_wait3A_318 = tpu.memref_slice %arg15[%dma_wait3A_316, %dma_wait3A_317] : memref<16x1024xf32, #tpu.memory_space<vmem_shared>> -> memref<10x1024xf32, #tpu.memory_space<vmem_shared>>
      %dma_wait3A_319 = arith.constant 0 : i32
      %dma_wait3A_320 = arith.constant 0 : i32
      %dma_wait3A_321 = tpu.memref_slice %arg7[%dma_wait3A_319, %dma_wait3A_320] : memref<16x1024xf32, #tpu.memory_space<vmem>> -> memref<10x1024xf32, #tpu.memory_space<vmem>>
      %dma_wait3A_322 = arith.constant 0 : i32
      %dma_wait3A_323 = arith.constant 0 : i32
      %dma_wait3A_324 = tpu.memref_slice %arg15[%dma_wait3A_322, %dma_wait3A_323] : memref<16x1024xf32, #tpu.memory_space<vmem_shared>> -> memref<10x1024xf32, #tpu.memory_space<vmem_shared>>
      tpu.wait_dma2 semaphore(%run_scoped3A : memref<!tpu.dma_semaphore, #tpu.memory_space<semaphore_mem>>) src(%dma_wait3A_324 : memref<10x1024xf32, #tpu.memory_space<vmem_shared>>) dst(%dma_wait3A_321 : memref<10x1024xf32, #tpu.memory_space<vmem>>)
      tpu.yield
    }) : () -> ()
    %parallel_loop3A_67 = arith.constant 0 : i32
    %parallel_loop3A_68 = arith.constant 640 : i32
    %parallel_loop3A_69 = arith.constant 1 : i32
    scf.for %parallel_loop3A_301 = %parallel_loop3A_67 to %parallel_loop3A_68 step %parallel_loop3A_69  : i32 {
      %parallel_loop3A_302 = arith.constant 6 : i32
      %parallel_loop3A_303 = arith.shrsi %parallel_loop3A_301, %parallel_loop3A_302 : i32
      %parallel_loop3A_304 = arith.constant 63 : i32
      %parallel_loop3A_305 = arith.andi %parallel_loop3A_301, %parallel_loop3A_304 : i32
      %parallel_loop3A_306 = arith.constant 16 : i32
      %parallel_loop3A_307 = arith.muli %parallel_loop3A_305, %parallel_loop3A_306 : i32
      %parallel_loop3A_308 = arith.index_cast %parallel_loop3A_303 : i32 to index
      %parallel_loop3A_309 = arith.index_cast %parallel_loop3A_307 : i32 to index
      %parallel_loop3A_310 = tpu.vector_load %arg7[%parallel_loop3A_308, %parallel_loop3A_309] {strides = array<i32>} : memref<16x1024xf32, #tpu.memory_space<vmem>>, vector<16xf32>,
      %parallel_loop3A_311 = arith.index_cast %parallel_loop3A_303 : i32 to index
      %parallel_loop3A_312 = arith.index_cast %parallel_loop3A_307 : i32 to index
      %parallel_loop3A_313 = tpu.vector_load %arg9[%parallel_loop3A_311, %parallel_loop3A_312] {strides = array<i32>} : memref<16x1024xf32, #tpu.memory_space<vmem>>, vector<16xf32>,
      %parallel_loop3A_314 = arith.mulf %parallel_loop3A_310, %parallel_loop3A_313 : vector<16xf32>
      %parallel_loop3A_315 = arith.index_cast %parallel_loop3A_303 : i32 to index
      %parallel_loop3A_316 = arith.index_cast %parallel_loop3A_307 : i32 to index
      %parallel_loop3A_317 = tpu.vector_load %arg7[%parallel_loop3A_315, %parallel_loop3A_316] {strides = array<i32>} : memref<16x1024xf32, #tpu.memory_space<vmem>>, vector<16xf32>,
      tpu.vector_store %arg7[%parallel_loop3A_315, %parallel_loop3A_316], %parallel_loop3A_314 {strides = array<i32>} : memref<16x1024xf32, #tpu.memory_space<vmem>>, vector<16xf32>,
    } {sc.loop_unroll_factor = 4 : i64, sc.parallel_access}
    %parallel_loop3A_70 = arith.constant 0 : i32
    %parallel_loop3A_71 = arith.constant 64 : i32
    %parallel_loop3A_72 = arith.constant 1 : i32
    scf.for %parallel_loop3A_301 = %parallel_loop3A_70 to %parallel_loop3A_71 step %parallel_loop3A_72  : i32 {
      %parallel_loop3A_302 = arith.constant 16 : i32
      %parallel_loop3A_303 = arith.muli %parallel_loop3A_301, %parallel_loop3A_302 : i32
      %parallel_loop3A_304 = arith.index_cast %parallel_loop3A_303 : i32 to index
      %parallel_loop3A_305 = tpu.vector_load %arg10[%parallel_loop3A_304] {strides = array<i32>} : memref<1024xf32, #tpu.memory_space<vmem>>, vector<16xf32>,
      %parallel_loop3A_306 = arith.index_cast %arg1 : i32 to index
      %parallel_loop3A_307 = arith.index_cast %parallel_loop3A_303 : i32 to index
      %parallel_loop3A_308 = tpu.vector_load %arg7[%parallel_loop3A_306, %parallel_loop3A_307] {strides = array<i32>} : memref<16x1024xf32, #tpu.memory_space<vmem>>, vector<16xf32>,
      %parallel_loop3A_309 = arith.constant 9.000000e-06 : f32
      %parallel_loop3A_310 = vector.broadcast %parallel_loop3A_309 : f32 to vector<16xf32>
      %parallel_loop3A_311 = arith.mulf %parallel_loop3A_310, %parallel_loop3A_308 : vector<16xf32>
      %parallel_loop3A_312 = arith.addf %parallel_loop3A_305, %parallel_loop3A_311 : vector<16xf32>
      %parallel_loop3A_313 = arith.index_cast %parallel_loop3A_303 : i32 to index
      %parallel_loop3A_314 = tpu.vector_load %arg10[%parallel_loop3A_313] {strides = array<i32>} : memref<1024xf32, #tpu.memory_space<vmem>>, vector<16xf32>,
      tpu.vector_store %arg10[%parallel_loop3A_313], %parallel_loop3A_312 {strides = array<i32>} : memref<1024xf32, #tpu.memory_space<vmem>>, vector<16xf32>,
    } {sc.loop_unroll_factor = 4 : i64, sc.parallel_access}
    %barrier3A_73 = arith.constant 0 : index
    tpu.barrier barrier_id(%barrier3A_73)
    %parallel_loop3A_74 = arith.constant 0 : i32
    %parallel_loop3A_75 = arith.constant 1250 : i32
    %parallel_loop3A_76 = arith.constant 1 : i32
    scf.for %parallel_loop3A_301 = %parallel_loop3A_74 to %parallel_loop3A_75 step %parallel_loop3A_76  : i32 {
      %parallel_loop3A_302 = arith.constant 16 : i32
      %parallel_loop3A_303 = arith.muli %parallel_loop3A_301, %parallel_loop3A_302 : i32
      %parallel_loop3A_304 = arith.index_cast %parallel_loop3A_303 : i32 to index
      %parallel_loop3A_305 = tpu.vector_load %arg6[%parallel_loop3A_304] {strides = array<i32>} : memref<20000xi32, #tpu.memory_space<vmem>>, vector<16xi32>,
      %parallel_loop3A_306 = arith.constant 10 : i32
      %parallel_loop3A_307 = vector.broadcast %parallel_loop3A_306 : i32 to vector<16xi32>
      %parallel_loop3A_308 = arith.shrsi %parallel_loop3A_305, %parallel_loop3A_307 : vector<16xi32>
      %parallel_loop3A_309 = arith.constant 15 : i32
      %parallel_loop3A_310 = vector.broadcast %parallel_loop3A_309 : i32 to vector<16xi32>
      %parallel_loop3A_311 = arith.andi %parallel_loop3A_308, %parallel_loop3A_310 : vector<16xi32>
      %parallel_loop3A_312 = arith.constant 1023 : i32
      %parallel_loop3A_313 = vector.broadcast %parallel_loop3A_312 : i32 to vector<16xi32>
      %parallel_loop3A_314 = arith.andi %parallel_loop3A_305, %parallel_loop3A_313 : vector<16xi32>
      %parallel_loop3A_315 = tpu.vector_load_idx %arg7[%parallel_loop3A_311, %parallel_loop3A_314] : memref<16x1024xf32, #tpu.memory_space<vmem>>[vector<16xi32>, vector<16xi32>], vector<16xf32>,
      %parallel_loop3A_316 = arith.constant 24 : i32
      %parallel_loop3A_317 = vector.broadcast %parallel_loop3A_316 : i32 to vector<16xi32>
      %parallel_loop3A_318 = arith.shrsi %parallel_loop3A_305, %parallel_loop3A_317 : vector<16xi32>
      %parallel_loop3A_319 = arith.constant 14 : i32
      %parallel_loop3A_320 = vector.broadcast %parallel_loop3A_319 : i32 to vector<16xi32>
      %parallel_loop3A_321 = arith.shrsi %parallel_loop3A_305, %parallel_loop3A_320 : vector<16xi32>
      %parallel_loop3A_322 = arith.constant 1023 : i32
      %parallel_loop3A_323 = vector.broadcast %parallel_loop3A_322 : i32 to vector<16xi32>
      %parallel_loop3A_324 = arith.andi %parallel_loop3A_321, %parallel_loop3A_323 : vector<16xi32>
      tpu.vector_store_idx %arg8[%parallel_loop3A_318, %parallel_loop3A_324], %parallel_loop3A_315 {add = true} : memref<16x1024xf32, #tpu.memory_space<vmem>>[vector<16xi32>, vector<16xi32>], vector<16xf32>,
    } {sc.loop_unroll_factor = 32 : i64, sc.parallel_access}
    %eq3A_77 = arith.constant 0 : i32
    %eq3A_78 = arith.cmpi eq, %arg1, %eq3A_77 : i32
    %convert_element_type3A_79 = arith.extui %eq3A_78 : i1 to i32
    %cond3A_80 = arith.constant 0 : i32
    %cond3A_81 = arith.cmpi ne, %convert_element_type3A_79, %cond3A_80 : i32
    scf.if %cond3A_81 {
      "tpu.region"() ({
        %run_scoped3A = tpu.sem_alloc : memref<!tpu.dma_semaphore, #tpu.memory_space<semaphore_mem>>
        %dma_start3A_301 = arith.constant 0 : i32
        %dma_start3A_302 = arith.constant 0 : i32
        %dma_start3A_303 = tpu.memref_slice %arg8[%dma_start3A_301, %dma_start3A_302] : memref<16x1024xf32, #tpu.memory_space<vmem>> -> memref<10x1024xf32, #tpu.memory_space<vmem>>
        %dma_start3A_304 = arith.constant 0 : i32
        %dma_start3A_305 = arith.constant 0 : i32
        %dma_start3A_306 = tpu.memref_slice %arg15[%dma_start3A_304, %dma_start3A_305] : memref<16x1024xf32, #tpu.memory_space<vmem_shared>> -> memref<10x1024xf32, #tpu.memory_space<vmem_shared>>
        %dma_start3A_307 = arith.constant 0 : i32
        %dma_start3A_308 = arith.constant 0 : i32
        %dma_start3A_309 = tpu.memref_slice %arg15[%dma_start3A_307, %dma_start3A_308] : memref<16x1024xf32, #tpu.memory_space<vmem_shared>> -> memref<10x1024xf32, #tpu.memory_space<vmem_shared>>
        %dma_start3A_310 = arith.constant 0 : i32
        %dma_start3A_311 = arith.constant 0 : i32
        %dma_start3A_312 = tpu.memref_slice %arg8[%dma_start3A_310, %dma_start3A_311] : memref<16x1024xf32, #tpu.memory_space<vmem>> -> memref<10x1024xf32, #tpu.memory_space<vmem>>
        tpu.enqueue_dma source(%dma_start3A_312 : memref<10x1024xf32, #tpu.memory_space<vmem>>) target(%dma_start3A_309 : memref<10x1024xf32, #tpu.memory_space<vmem_shared>>) target_semaphore(%run_scoped3A : memref<!tpu.dma_semaphore, #tpu.memory_space<semaphore_mem>>)
        %dma_wait3A_313 = arith.constant 0 : i32
        %dma_wait3A_314 = arith.constant 0 : i32
        %dma_wait3A_315 = tpu.memref_slice %arg8[%dma_wait3A_313, %dma_wait3A_314] : memref<16x1024xf32, #tpu.memory_space<vmem>> -> memref<10x1024xf32, #tpu.memory_space<vmem>>
        %dma_wait3A_316 = arith.constant 0 : i32
        %dma_wait3A_317 = arith.constant 0 : i32
        %dma_wait3A_318 = tpu.memref_slice %arg15[%dma_wait3A_316, %dma_wait3A_317] : memref<16x1024xf32, #tpu.memory_space<vmem_shared>> -> memref<10x1024xf32, #tpu.memory_space<vmem_shared>>
        %dma_wait3A_319 = arith.constant 0 : i32
        %dma_wait3A_320 = arith.constant 0 : i32
        %dma_wait3A_321 = tpu.memref_slice %arg15[%dma_wait3A_319, %dma_wait3A_320] : memref<16x1024xf32, #tpu.memory_space<vmem_shared>> -> memref<10x1024xf32, #tpu.memory_space<vmem_shared>>
        %dma_wait3A_322 = arith.constant 0 : i32
        %dma_wait3A_323 = arith.constant 0 : i32
        %dma_wait3A_324 = tpu.memref_slice %arg8[%dma_wait3A_322, %dma_wait3A_323] : memref<16x1024xf32, #tpu.memory_space<vmem>> -> memref<10x1024xf32, #tpu.memory_space<vmem>>
        tpu.wait_dma2 semaphore(%run_scoped3A : memref<!tpu.dma_semaphore, #tpu.memory_space<semaphore_mem>>) src(%dma_wait3A_324 : memref<10x1024xf32, #tpu.memory_space<vmem>>) dst(%dma_wait3A_321 : memref<10x1024xf32, #tpu.memory_space<vmem_shared>>)
        tpu.yield
      }) : () -> ()
    } else {
    }
    %barrier3A_82 = arith.constant 0 : index
    tpu.barrier barrier_id(%barrier3A_82)
    %ne3A_83 = arith.constant 0 : i32
    %ne3A_84 = arith.cmpi ne, %arg1, %ne3A_83 : i32
    %convert_element_type3A_85 = arith.extui %ne3A_84 : i1 to i32
    %cond3A_86 = arith.constant 0 : i32
    %cond3A_87 = arith.cmpi ne, %convert_element_type3A_85, %cond3A_86 : i32
    scf.if %cond3A_87 {
      "tpu.region"() ({
        %run_scoped3A = tpu.sem_alloc : memref<!tpu.dma_semaphore, #tpu.memory_space<semaphore_mem>>
        %dma_start3A_301 = arith.constant 0 : i32
        %dma_start3A_302 = arith.constant 0 : i32
        %dma_start3A_303 = tpu.memref_slice %arg8[%dma_start3A_301, %dma_start3A_302] : memref<16x1024xf32, #tpu.memory_space<vmem>> -> memref<10x1024xf32, #tpu.memory_space<vmem>>
        %dma_start3A_304 = arith.constant 0 : i32
        %dma_start3A_305 = arith.constant 0 : i32
        %dma_start3A_306 = tpu.memref_slice %arg15[%dma_start3A_304, %dma_start3A_305] : memref<16x1024xf32, #tpu.memory_space<vmem_shared>> -> memref<16x1024xf32, #tpu.memory_space<vmem_shared>>
        tpu.enqueue_indirect_dma source(%dma_start3A_303 : memref<10x1024xf32, #tpu.memory_space<vmem>>) target(%dma_start3A_306 : memref<16x1024xf32, #tpu.memory_space<vmem_shared>>) offsets(%arg12 : memref<10xi32, #tpu.memory_space<vmem>>) semaphore(%run_scoped3A : memref<!tpu.dma_semaphore, #tpu.memory_space<semaphore_mem>>) {add = true}
        %dma_wait3A_307 = arith.constant 0 : i32
        %dma_wait3A_308 = arith.constant 0 : i32
        %dma_wait3A_309 = tpu.memref_slice %arg8[%dma_wait3A_307, %dma_wait3A_308] : memref<16x1024xf32, #tpu.memory_space<vmem>> -> memref<10x1024xf32, #tpu.memory_space<vmem>>
        %dma_wait3A_310 = arith.constant 0 : i32
        %dma_wait3A_311 = arith.constant 0 : i32
        %dma_wait3A_312 = tpu.memref_slice %arg15[%dma_wait3A_310, %dma_wait3A_311] : memref<16x1024xf32, #tpu.memory_space<vmem_shared>> -> memref<16x1024xf32, #tpu.memory_space<vmem_shared>>
        tpu.wait_indirect_dma semaphore(%run_scoped3A : memref<!tpu.dma_semaphore, #tpu.memory_space<semaphore_mem>>) src(%dma_wait3A_309 : memref<10x1024xf32, #tpu.memory_space<vmem>>) dst(%dma_wait3A_312 : memref<16x1024xf32, #tpu.memory_space<vmem_shared>>)
        tpu.yield
      }) : () -> ()
    } else {
    }
    %parallel_loop3A_88 = arith.constant 0 : i32
    %parallel_loop3A_89 = arith.constant 640 : i32
    %parallel_loop3A_90 = arith.constant 1 : i32
    scf.for %parallel_loop3A_301 = %parallel_loop3A_88 to %parallel_loop3A_89 step %parallel_loop3A_90  : i32 {
      %parallel_loop3A_302 = arith.constant 6 : i32
      %parallel_loop3A_303 = arith.shrsi %parallel_loop3A_301, %parallel_loop3A_302 : i32
      %parallel_loop3A_304 = arith.constant 63 : i32
      %parallel_loop3A_305 = arith.andi %parallel_loop3A_301, %parallel_loop3A_304 : i32
      %parallel_loop3A_306 = arith.constant 16 : i32
      %parallel_loop3A_307 = arith.muli %parallel_loop3A_305, %parallel_loop3A_306 : i32
      %parallel_loop3A_308 = arith.index_cast %parallel_loop3A_303 : i32 to index
      %parallel_loop3A_309 = arith.index_cast %parallel_loop3A_307 : i32 to index
      %parallel_loop3A_310 = tpu.vector_load %arg8[%parallel_loop3A_308, %parallel_loop3A_309] {strides = array<i32>} : memref<16x1024xf32, #tpu.memory_space<vmem>>, vector<16xf32>,
      tpu.vector_store %arg8[%parallel_loop3A_308, %parallel_loop3A_309], %broadcast_in_dim3A_2 {strides = array<i32>} : memref<16x1024xf32, #tpu.memory_space<vmem>>, vector<16xf32>,
    } {sc.loop_unroll_factor = 8 : i64, sc.parallel_access}
    %barrier3A_91 = arith.constant 0 : index
    tpu.barrier barrier_id(%barrier3A_91)
    "tpu.region"() ({
      %run_scoped3A = tpu.sem_alloc : memref<!tpu.dma_semaphore, #tpu.memory_space<semaphore_mem>>
      %dma_start3A_301 = arith.constant 0 : i32
      %dma_start3A_302 = arith.constant 0 : i32
      %dma_start3A_303 = tpu.memref_slice %arg7[%dma_start3A_301, %dma_start3A_302] : memref<16x1024xf32, #tpu.memory_space<vmem>> -> memref<10x1024xf32, #tpu.memory_space<vmem>>
      %dma_start3A_304 = arith.constant 0 : i32
      %dma_start3A_305 = arith.constant 0 : i32
      %dma_start3A_306 = tpu.memref_slice %arg15[%dma_start3A_304, %dma_start3A_305] : memref<16x1024xf32, #tpu.memory_space<vmem_shared>> -> memref<10x1024xf32, #tpu.memory_space<vmem_shared>>
      %dma_start3A_307 = arith.constant 0 : i32
      %dma_start3A_308 = arith.constant 0 : i32
      %dma_start3A_309 = tpu.memref_slice %arg7[%dma_start3A_307, %dma_start3A_308] : memref<16x1024xf32, #tpu.memory_space<vmem>> -> memref<10x1024xf32, #tpu.memory_space<vmem>>
      %dma_start3A_310 = arith.constant 0 : i32
      %dma_start3A_311 = arith.constant 0 : i32
      %dma_start3A_312 = tpu.memref_slice %arg15[%dma_start3A_310, %dma_start3A_311] : memref<16x1024xf32, #tpu.memory_space<vmem_shared>> -> memref<10x1024xf32, #tpu.memory_space<vmem_shared>>
      tpu.enqueue_dma source(%dma_start3A_312 : memref<10x1024xf32, #tpu.memory_space<vmem_shared>>) target(%dma_start3A_309 : memref<10x1024xf32, #tpu.memory_space<vmem>>) target_semaphore(%run_scoped3A : memref<!tpu.dma_semaphore, #tpu.memory_space<semaphore_mem>>)
      %dma_wait3A_313 = arith.constant 0 : i32
      %dma_wait3A_314 = arith.constant 0 : i32
      %dma_wait3A_315 = tpu.memref_slice %arg7[%dma_wait3A_313, %dma_wait3A_314] : memref<16x1024xf32, #tpu.memory_space<vmem>> -> memref<10x1024xf32, #tpu.memory_space<vmem>>
      %dma_wait3A_316 = arith.constant 0 : i32
      %dma_wait3A_317 = arith.constant 0 : i32
      %dma_wait3A_318 = tpu.memref_slice %arg15[%dma_wait3A_316, %dma_wait3A_317] : memref<16x1024xf32, #tpu.memory_space<vmem_shared>> -> memref<10x1024xf32, #tpu.memory_space<vmem_shared>>
      %dma_wait3A_319 = arith.constant 0 : i32
      %dma_wait3A_320 = arith.constant 0 : i32
      %dma_wait3A_321 = tpu.memref_slice %arg7[%dma_wait3A_319, %dma_wait3A_320] : memref<16x1024xf32, #tpu.memory_space<vmem>> -> memref<10x1024xf32, #tpu.memory_space<vmem>>
      %dma_wait3A_322 = arith.constant 0 : i32
      %dma_wait3A_323 = arith.constant 0 : i32
      %dma_wait3A_324 = tpu.memref_slice %arg15[%dma_wait3A_322, %dma_wait3A_323] : memref<16x1024xf32, #tpu.memory_space<vmem_shared>> -> memref<10x1024xf32, #tpu.memory_space<vmem_shared>>
      tpu.wait_dma2 semaphore(%run_scoped3A : memref<!tpu.dma_semaphore, #tpu.memory_space<semaphore_mem>>) src(%dma_wait3A_324 : memref<10x1024xf32, #tpu.memory_space<vmem_shared>>) dst(%dma_wait3A_321 : memref<10x1024xf32, #tpu.memory_space<vmem>>)
      tpu.yield
    }) : () -> ()
    %parallel_loop3A_92 = arith.constant 0 : i32
    %parallel_loop3A_93 = arith.constant 640 : i32
    %parallel_loop3A_94 = arith.constant 1 : i32
    scf.for %parallel_loop3A_301 = %parallel_loop3A_92 to %parallel_loop3A_93 step %parallel_loop3A_94  : i32 {
      %parallel_loop3A_302 = arith.constant 6 : i32
      %parallel_loop3A_303 = arith.shrsi %parallel_loop3A_301, %parallel_loop3A_302 : i32
      %parallel_loop3A_304 = arith.constant 63 : i32
      %parallel_loop3A_305 = arith.andi %parallel_loop3A_301, %parallel_loop3A_304 : i32
      %parallel_loop3A_306 = arith.constant 16 : i32
      %parallel_loop3A_307 = arith.muli %parallel_loop3A_305, %parallel_loop3A_306 : i32
      %parallel_loop3A_308 = arith.index_cast %parallel_loop3A_303 : i32 to index
      %parallel_loop3A_309 = arith.index_cast %parallel_loop3A_307 : i32 to index
      %parallel_loop3A_310 = tpu.vector_load %arg7[%parallel_loop3A_308, %parallel_loop3A_309] {strides = array<i32>} : memref<16x1024xf32, #tpu.memory_space<vmem>>, vector<16xf32>,
      %parallel_loop3A_311 = arith.index_cast %parallel_loop3A_303 : i32 to index
      %parallel_loop3A_312 = arith.index_cast %parallel_loop3A_307 : i32 to index
      %parallel_loop3A_313 = tpu.vector_load %arg9[%parallel_loop3A_311, %parallel_loop3A_312] {strides = array<i32>} : memref<16x1024xf32, #tpu.memory_space<vmem>>, vector<16xf32>,
      %parallel_loop3A_314 = arith.mulf %parallel_loop3A_310, %parallel_loop3A_313 : vector<16xf32>
      %parallel_loop3A_315 = arith.index_cast %parallel_loop3A_303 : i32 to index
      %parallel_loop3A_316 = arith.index_cast %parallel_loop3A_307 : i32 to index
      %parallel_loop3A_317 = tpu.vector_load %arg7[%parallel_loop3A_315, %parallel_loop3A_316] {strides = array<i32>} : memref<16x1024xf32, #tpu.memory_space<vmem>>, vector<16xf32>,
      tpu.vector_store %arg7[%parallel_loop3A_315, %parallel_loop3A_316], %parallel_loop3A_314 {strides = array<i32>} : memref<16x1024xf32, #tpu.memory_space<vmem>>, vector<16xf32>,
    } {sc.loop_unroll_factor = 4 : i64, sc.parallel_access}
    %parallel_loop3A_95 = arith.constant 0 : i32
    %parallel_loop3A_96 = arith.constant 64 : i32
    %parallel_loop3A_97 = arith.constant 1 : i32
    scf.for %parallel_loop3A_301 = %parallel_loop3A_95 to %parallel_loop3A_96 step %parallel_loop3A_97  : i32 {
      %parallel_loop3A_302 = arith.constant 16 : i32
      %parallel_loop3A_303 = arith.muli %parallel_loop3A_301, %parallel_loop3A_302 : i32
      %parallel_loop3A_304 = arith.index_cast %parallel_loop3A_303 : i32 to index
      %parallel_loop3A_305 = tpu.vector_load %arg10[%parallel_loop3A_304] {strides = array<i32>} : memref<1024xf32, #tpu.memory_space<vmem>>, vector<16xf32>,
      %parallel_loop3A_306 = arith.index_cast %arg1 : i32 to index
      %parallel_loop3A_307 = arith.index_cast %parallel_loop3A_303 : i32 to index
      %parallel_loop3A_308 = tpu.vector_load %arg7[%parallel_loop3A_306, %parallel_loop3A_307] {strides = array<i32>} : memref<16x1024xf32, #tpu.memory_space<vmem>>, vector<16xf32>,
      %parallel_loop3A_309 = arith.constant 8.09999983E-6 : f32
      %parallel_loop3A_310 = vector.broadcast %parallel_loop3A_309 : f32 to vector<16xf32>
      %parallel_loop3A_311 = arith.mulf %parallel_loop3A_310, %parallel_loop3A_308 : vector<16xf32>
      %parallel_loop3A_312 = arith.addf %parallel_loop3A_305, %parallel_loop3A_311 : vector<16xf32>
      %parallel_loop3A_313 = arith.index_cast %parallel_loop3A_303 : i32 to index
      %parallel_loop3A_314 = tpu.vector_load %arg10[%parallel_loop3A_313] {strides = array<i32>} : memref<1024xf32, #tpu.memory_space<vmem>>, vector<16xf32>,
      tpu.vector_store %arg10[%parallel_loop3A_313], %parallel_loop3A_312 {strides = array<i32>} : memref<1024xf32, #tpu.memory_space<vmem>>, vector<16xf32>,
    } {sc.loop_unroll_factor = 4 : i64, sc.parallel_access}
    %barrier3A_98 = arith.constant 0 : index
    tpu.barrier barrier_id(%barrier3A_98)
    %parallel_loop3A_99 = arith.constant 0 : i32
    %parallel_loop3A_100 = arith.constant 1250 : i32
    %parallel_loop3A_101 = arith.constant 1 : i32
    scf.for %parallel_loop3A_301 = %parallel_loop3A_99 to %parallel_loop3A_100 step %parallel_loop3A_101  : i32 {
      %parallel_loop3A_302 = arith.constant 16 : i32
      %parallel_loop3A_303 = arith.muli %parallel_loop3A_301, %parallel_loop3A_302 : i32
      %parallel_loop3A_304 = arith.index_cast %parallel_loop3A_303 : i32 to index
      %parallel_loop3A_305 = tpu.vector_load %arg6[%parallel_loop3A_304] {strides = array<i32>} : memref<20000xi32, #tpu.memory_space<vmem>>, vector<16xi32>,
      %parallel_loop3A_306 = arith.constant 10 : i32
      %parallel_loop3A_307 = vector.broadcast %parallel_loop3A_306 : i32 to vector<16xi32>
      %parallel_loop3A_308 = arith.shrsi %parallel_loop3A_305, %parallel_loop3A_307 : vector<16xi32>
      %parallel_loop3A_309 = arith.constant 15 : i32
      %parallel_loop3A_310 = vector.broadcast %parallel_loop3A_309 : i32 to vector<16xi32>
      %parallel_loop3A_311 = arith.andi %parallel_loop3A_308, %parallel_loop3A_310 : vector<16xi32>
      %parallel_loop3A_312 = arith.constant 1023 : i32
      %parallel_loop3A_313 = vector.broadcast %parallel_loop3A_312 : i32 to vector<16xi32>
      %parallel_loop3A_314 = arith.andi %parallel_loop3A_305, %parallel_loop3A_313 : vector<16xi32>
      %parallel_loop3A_315 = tpu.vector_load_idx %arg7[%parallel_loop3A_311, %parallel_loop3A_314] : memref<16x1024xf32, #tpu.memory_space<vmem>>[vector<16xi32>, vector<16xi32>], vector<16xf32>,
      %parallel_loop3A_316 = arith.constant 24 : i32
      %parallel_loop3A_317 = vector.broadcast %parallel_loop3A_316 : i32 to vector<16xi32>
      %parallel_loop3A_318 = arith.shrsi %parallel_loop3A_305, %parallel_loop3A_317 : vector<16xi32>
      %parallel_loop3A_319 = arith.constant 14 : i32
      %parallel_loop3A_320 = vector.broadcast %parallel_loop3A_319 : i32 to vector<16xi32>
      %parallel_loop3A_321 = arith.shrsi %parallel_loop3A_305, %parallel_loop3A_320 : vector<16xi32>
      %parallel_loop3A_322 = arith.constant 1023 : i32
      %parallel_loop3A_323 = vector.broadcast %parallel_loop3A_322 : i32 to vector<16xi32>
      %parallel_loop3A_324 = arith.andi %parallel_loop3A_321, %parallel_loop3A_323 : vector<16xi32>
      tpu.vector_store_idx %arg8[%parallel_loop3A_318, %parallel_loop3A_324], %parallel_loop3A_315 {add = true} : memref<16x1024xf32, #tpu.memory_space<vmem>>[vector<16xi32>, vector<16xi32>], vector<16xf32>,
    } {sc.loop_unroll_factor = 32 : i64, sc.parallel_access}
    %eq3A_102 = arith.constant 0 : i32
    %eq3A_103 = arith.cmpi eq, %arg1, %eq3A_102 : i32
    %convert_element_type3A_104 = arith.extui %eq3A_103 : i1 to i32
    %cond3A_105 = arith.constant 0 : i32
    %cond3A_106 = arith.cmpi ne, %convert_element_type3A_104, %cond3A_105 : i32
    scf.if %cond3A_106 {
      "tpu.region"() ({
        %run_scoped3A = tpu.sem_alloc : memref<!tpu.dma_semaphore, #tpu.memory_space<semaphore_mem>>
        %dma_start3A_301 = arith.constant 0 : i32
        %dma_start3A_302 = arith.constant 0 : i32
        %dma_start3A_303 = tpu.memref_slice %arg8[%dma_start3A_301, %dma_start3A_302] : memref<16x1024xf32, #tpu.memory_space<vmem>> -> memref<10x1024xf32, #tpu.memory_space<vmem>>
        %dma_start3A_304 = arith.constant 0 : i32
        %dma_start3A_305 = arith.constant 0 : i32
        %dma_start3A_306 = tpu.memref_slice %arg15[%dma_start3A_304, %dma_start3A_305] : memref<16x1024xf32, #tpu.memory_space<vmem_shared>> -> memref<10x1024xf32, #tpu.memory_space<vmem_shared>>
        %dma_start3A_307 = arith.constant 0 : i32
        %dma_start3A_308 = arith.constant 0 : i32
        %dma_start3A_309 = tpu.memref_slice %arg15[%dma_start3A_307, %dma_start3A_308] : memref<16x1024xf32, #tpu.memory_space<vmem_shared>> -> memref<10x1024xf32, #tpu.memory_space<vmem_shared>>
        %dma_start3A_310 = arith.constant 0 : i32
        %dma_start3A_311 = arith.constant 0 : i32
        %dma_start3A_312 = tpu.memref_slice %arg8[%dma_start3A_310, %dma_start3A_311] : memref<16x1024xf32, #tpu.memory_space<vmem>> -> memref<10x1024xf32, #tpu.memory_space<vmem>>
        tpu.enqueue_dma source(%dma_start3A_312 : memref<10x1024xf32, #tpu.memory_space<vmem>>) target(%dma_start3A_309 : memref<10x1024xf32, #tpu.memory_space<vmem_shared>>) target_semaphore(%run_scoped3A : memref<!tpu.dma_semaphore, #tpu.memory_space<semaphore_mem>>)
        %dma_wait3A_313 = arith.constant 0 : i32
        %dma_wait3A_314 = arith.constant 0 : i32
        %dma_wait3A_315 = tpu.memref_slice %arg8[%dma_wait3A_313, %dma_wait3A_314] : memref<16x1024xf32, #tpu.memory_space<vmem>> -> memref<10x1024xf32, #tpu.memory_space<vmem>>
        %dma_wait3A_316 = arith.constant 0 : i32
        %dma_wait3A_317 = arith.constant 0 : i32
        %dma_wait3A_318 = tpu.memref_slice %arg15[%dma_wait3A_316, %dma_wait3A_317] : memref<16x1024xf32, #tpu.memory_space<vmem_shared>> -> memref<10x1024xf32, #tpu.memory_space<vmem_shared>>
        %dma_wait3A_319 = arith.constant 0 : i32
        %dma_wait3A_320 = arith.constant 0 : i32
        %dma_wait3A_321 = tpu.memref_slice %arg15[%dma_wait3A_319, %dma_wait3A_320] : memref<16x1024xf32, #tpu.memory_space<vmem_shared>> -> memref<10x1024xf32, #tpu.memory_space<vmem_shared>>
        %dma_wait3A_322 = arith.constant 0 : i32
        %dma_wait3A_323 = arith.constant 0 : i32
        %dma_wait3A_324 = tpu.memref_slice %arg8[%dma_wait3A_322, %dma_wait3A_323] : memref<16x1024xf32, #tpu.memory_space<vmem>> -> memref<10x1024xf32, #tpu.memory_space<vmem>>
        tpu.wait_dma2 semaphore(%run_scoped3A : memref<!tpu.dma_semaphore, #tpu.memory_space<semaphore_mem>>) src(%dma_wait3A_324 : memref<10x1024xf32, #tpu.memory_space<vmem>>) dst(%dma_wait3A_321 : memref<10x1024xf32, #tpu.memory_space<vmem_shared>>)
        tpu.yield
      }) : () -> ()
    } else {
    }
    %barrier3A_107 = arith.constant 0 : index
    tpu.barrier barrier_id(%barrier3A_107)
    %ne3A_108 = arith.constant 0 : i32
    %ne3A_109 = arith.cmpi ne, %arg1, %ne3A_108 : i32
    %convert_element_type3A_110 = arith.extui %ne3A_109 : i1 to i32
    %cond3A_111 = arith.constant 0 : i32
    %cond3A_112 = arith.cmpi ne, %convert_element_type3A_110, %cond3A_111 : i32
    scf.if %cond3A_112 {
      "tpu.region"() ({
        %run_scoped3A = tpu.sem_alloc : memref<!tpu.dma_semaphore, #tpu.memory_space<semaphore_mem>>
        %dma_start3A_301 = arith.constant 0 : i32
        %dma_start3A_302 = arith.constant 0 : i32
        %dma_start3A_303 = tpu.memref_slice %arg8[%dma_start3A_301, %dma_start3A_302] : memref<16x1024xf32, #tpu.memory_space<vmem>> -> memref<10x1024xf32, #tpu.memory_space<vmem>>
        %dma_start3A_304 = arith.constant 0 : i32
        %dma_start3A_305 = arith.constant 0 : i32
        %dma_start3A_306 = tpu.memref_slice %arg15[%dma_start3A_304, %dma_start3A_305] : memref<16x1024xf32, #tpu.memory_space<vmem_shared>> -> memref<16x1024xf32, #tpu.memory_space<vmem_shared>>
        tpu.enqueue_indirect_dma source(%dma_start3A_303 : memref<10x1024xf32, #tpu.memory_space<vmem>>) target(%dma_start3A_306 : memref<16x1024xf32, #tpu.memory_space<vmem_shared>>) offsets(%arg12 : memref<10xi32, #tpu.memory_space<vmem>>) semaphore(%run_scoped3A : memref<!tpu.dma_semaphore, #tpu.memory_space<semaphore_mem>>) {add = true}
        %dma_wait3A_307 = arith.constant 0 : i32
        %dma_wait3A_308 = arith.constant 0 : i32
        %dma_wait3A_309 = tpu.memref_slice %arg8[%dma_wait3A_307, %dma_wait3A_308] : memref<16x1024xf32, #tpu.memory_space<vmem>> -> memref<10x1024xf32, #tpu.memory_space<vmem>>
        %dma_wait3A_310 = arith.constant 0 : i32
        %dma_wait3A_311 = arith.constant 0 : i32
        %dma_wait3A_312 = tpu.memref_slice %arg15[%dma_wait3A_310, %dma_wait3A_311] : memref<16x1024xf32, #tpu.memory_space<vmem_shared>> -> memref<16x1024xf32, #tpu.memory_space<vmem_shared>>
        tpu.wait_indirect_dma semaphore(%run_scoped3A : memref<!tpu.dma_semaphore, #tpu.memory_space<semaphore_mem>>) src(%dma_wait3A_309 : memref<10x1024xf32, #tpu.memory_space<vmem>>) dst(%dma_wait3A_312 : memref<16x1024xf32, #tpu.memory_space<vmem_shared>>)
        tpu.yield
      }) : () -> ()
    } else {
    }
    %parallel_loop3A_113 = arith.constant 0 : i32
    %parallel_loop3A_114 = arith.constant 640 : i32
    %parallel_loop3A_115 = arith.constant 1 : i32
    scf.for %parallel_loop3A_301 = %parallel_loop3A_113 to %parallel_loop3A_114 step %parallel_loop3A_115  : i32 {
      %parallel_loop3A_302 = arith.constant 6 : i32
      %parallel_loop3A_303 = arith.shrsi %parallel_loop3A_301, %parallel_loop3A_302 : i32
      %parallel_loop3A_304 = arith.constant 63 : i32
      %parallel_loop3A_305 = arith.andi %parallel_loop3A_301, %parallel_loop3A_304 : i32
      %parallel_loop3A_306 = arith.constant 16 : i32
      %parallel_loop3A_307 = arith.muli %parallel_loop3A_305, %parallel_loop3A_306 : i32
      %parallel_loop3A_308 = arith.index_cast %parallel_loop3A_303 : i32 to index
      %parallel_loop3A_309 = arith.index_cast %parallel_loop3A_307 : i32 to index
      %parallel_loop3A_310 = tpu.vector_load %arg8[%parallel_loop3A_308, %parallel_loop3A_309] {strides = array<i32>} : memref<16x1024xf32, #tpu.memory_space<vmem>>, vector<16xf32>,
      tpu.vector_store %arg8[%parallel_loop3A_308, %parallel_loop3A_309], %broadcast_in_dim3A_2 {strides = array<i32>} : memref<16x1024xf32, #tpu.memory_space<vmem>>, vector<16xf32>,
    } {sc.loop_unroll_factor = 8 : i64, sc.parallel_access}
    %barrier3A_116 = arith.constant 0 : index
    tpu.barrier barrier_id(%barrier3A_116)
    "tpu.region"() ({
      %run_scoped3A = tpu.sem_alloc : memref<!tpu.dma_semaphore, #tpu.memory_space<semaphore_mem>>
      %dma_start3A_301 = arith.constant 0 : i32
      %dma_start3A_302 = arith.constant 0 : i32
      %dma_start3A_303 = tpu.memref_slice %arg7[%dma_start3A_301, %dma_start3A_302] : memref<16x1024xf32, #tpu.memory_space<vmem>> -> memref<10x1024xf32, #tpu.memory_space<vmem>>
      %dma_start3A_304 = arith.constant 0 : i32
      %dma_start3A_305 = arith.constant 0 : i32
      %dma_start3A_306 = tpu.memref_slice %arg15[%dma_start3A_304, %dma_start3A_305] : memref<16x1024xf32, #tpu.memory_space<vmem_shared>> -> memref<10x1024xf32, #tpu.memory_space<vmem_shared>>
      %dma_start3A_307 = arith.constant 0 : i32
      %dma_start3A_308 = arith.constant 0 : i32
      %dma_start3A_309 = tpu.memref_slice %arg7[%dma_start3A_307, %dma_start3A_308] : memref<16x1024xf32, #tpu.memory_space<vmem>> -> memref<10x1024xf32, #tpu.memory_space<vmem>>
      %dma_start3A_310 = arith.constant 0 : i32
      %dma_start3A_311 = arith.constant 0 : i32
      %dma_start3A_312 = tpu.memref_slice %arg15[%dma_start3A_310, %dma_start3A_311] : memref<16x1024xf32, #tpu.memory_space<vmem_shared>> -> memref<10x1024xf32, #tpu.memory_space<vmem_shared>>
      tpu.enqueue_dma source(%dma_start3A_312 : memref<10x1024xf32, #tpu.memory_space<vmem_shared>>) target(%dma_start3A_309 : memref<10x1024xf32, #tpu.memory_space<vmem>>) target_semaphore(%run_scoped3A : memref<!tpu.dma_semaphore, #tpu.memory_space<semaphore_mem>>)
      %dma_wait3A_313 = arith.constant 0 : i32
      %dma_wait3A_314 = arith.constant 0 : i32
      %dma_wait3A_315 = tpu.memref_slice %arg7[%dma_wait3A_313, %dma_wait3A_314] : memref<16x1024xf32, #tpu.memory_space<vmem>> -> memref<10x1024xf32, #tpu.memory_space<vmem>>
      %dma_wait3A_316 = arith.constant 0 : i32
      %dma_wait3A_317 = arith.constant 0 : i32
      %dma_wait3A_318 = tpu.memref_slice %arg15[%dma_wait3A_316, %dma_wait3A_317] : memref<16x1024xf32, #tpu.memory_space<vmem_shared>> -> memref<10x1024xf32, #tpu.memory_space<vmem_shared>>
      %dma_wait3A_319 = arith.constant 0 : i32
      %dma_wait3A_320 = arith.constant 0 : i32
      %dma_wait3A_321 = tpu.memref_slice %arg7[%dma_wait3A_319, %dma_wait3A_320] : memref<16x1024xf32, #tpu.memory_space<vmem>> -> memref<10x1024xf32, #tpu.memory_space<vmem>>
      %dma_wait3A_322 = arith.constant 0 : i32
      %dma_wait3A_323 = arith.constant 0 : i32
      %dma_wait3A_324 = tpu.memref_slice %arg15[%dma_wait3A_322, %dma_wait3A_323] : memref<16x1024xf32, #tpu.memory_space<vmem_shared>> -> memref<10x1024xf32, #tpu.memory_space<vmem_shared>>
      tpu.wait_dma2 semaphore(%run_scoped3A : memref<!tpu.dma_semaphore, #tpu.memory_space<semaphore_mem>>) src(%dma_wait3A_324 : memref<10x1024xf32, #tpu.memory_space<vmem_shared>>) dst(%dma_wait3A_321 : memref<10x1024xf32, #tpu.memory_space<vmem>>)
      tpu.yield
    }) : () -> ()
    %parallel_loop3A_117 = arith.constant 0 : i32
    %parallel_loop3A_118 = arith.constant 640 : i32
    %parallel_loop3A_119 = arith.constant 1 : i32
    scf.for %parallel_loop3A_301 = %parallel_loop3A_117 to %parallel_loop3A_118 step %parallel_loop3A_119  : i32 {
      %parallel_loop3A_302 = arith.constant 6 : i32
      %parallel_loop3A_303 = arith.shrsi %parallel_loop3A_301, %parallel_loop3A_302 : i32
      %parallel_loop3A_304 = arith.constant 63 : i32
      %parallel_loop3A_305 = arith.andi %parallel_loop3A_301, %parallel_loop3A_304 : i32
      %parallel_loop3A_306 = arith.constant 16 : i32
      %parallel_loop3A_307 = arith.muli %parallel_loop3A_305, %parallel_loop3A_306 : i32
      %parallel_loop3A_308 = arith.index_cast %parallel_loop3A_303 : i32 to index
      %parallel_loop3A_309 = arith.index_cast %parallel_loop3A_307 : i32 to index
      %parallel_loop3A_310 = tpu.vector_load %arg7[%parallel_loop3A_308, %parallel_loop3A_309] {strides = array<i32>} : memref<16x1024xf32, #tpu.memory_space<vmem>>, vector<16xf32>,
      %parallel_loop3A_311 = arith.index_cast %parallel_loop3A_303 : i32 to index
      %parallel_loop3A_312 = arith.index_cast %parallel_loop3A_307 : i32 to index
      %parallel_loop3A_313 = tpu.vector_load %arg9[%parallel_loop3A_311, %parallel_loop3A_312] {strides = array<i32>} : memref<16x1024xf32, #tpu.memory_space<vmem>>, vector<16xf32>,
      %parallel_loop3A_314 = arith.mulf %parallel_loop3A_310, %parallel_loop3A_313 : vector<16xf32>
      %parallel_loop3A_315 = arith.index_cast %parallel_loop3A_303 : i32 to index
      %parallel_loop3A_316 = arith.index_cast %parallel_loop3A_307 : i32 to index
      %parallel_loop3A_317 = tpu.vector_load %arg7[%parallel_loop3A_315, %parallel_loop3A_316] {strides = array<i32>} : memref<16x1024xf32, #tpu.memory_space<vmem>>, vector<16xf32>,
      tpu.vector_store %arg7[%parallel_loop3A_315, %parallel_loop3A_316], %parallel_loop3A_314 {strides = array<i32>} : memref<16x1024xf32, #tpu.memory_space<vmem>>, vector<16xf32>,
    } {sc.loop_unroll_factor = 4 : i64, sc.parallel_access}
    %parallel_loop3A_120 = arith.constant 0 : i32
    %parallel_loop3A_121 = arith.constant 64 : i32
    %parallel_loop3A_122 = arith.constant 1 : i32
    scf.for %parallel_loop3A_301 = %parallel_loop3A_120 to %parallel_loop3A_121 step %parallel_loop3A_122  : i32 {
      %parallel_loop3A_302 = arith.constant 16 : i32
      %parallel_loop3A_303 = arith.muli %parallel_loop3A_301, %parallel_loop3A_302 : i32
      %parallel_loop3A_304 = arith.index_cast %parallel_loop3A_303 : i32 to index
      %parallel_loop3A_305 = tpu.vector_load %arg10[%parallel_loop3A_304] {strides = array<i32>} : memref<1024xf32, #tpu.memory_space<vmem>>, vector<16xf32>,
      %parallel_loop3A_306 = arith.index_cast %arg1 : i32 to index
      %parallel_loop3A_307 = arith.index_cast %parallel_loop3A_303 : i32 to index
      %parallel_loop3A_308 = tpu.vector_load %arg7[%parallel_loop3A_306, %parallel_loop3A_307] {strides = array<i32>} : memref<16x1024xf32, #tpu.memory_space<vmem>>, vector<16xf32>,
      %parallel_loop3A_309 = arith.constant 7.290000e-06 : f32
      %parallel_loop3A_310 = vector.broadcast %parallel_loop3A_309 : f32 to vector<16xf32>
      %parallel_loop3A_311 = arith.mulf %parallel_loop3A_310, %parallel_loop3A_308 : vector<16xf32>
      %parallel_loop3A_312 = arith.addf %parallel_loop3A_305, %parallel_loop3A_311 : vector<16xf32>
      %parallel_loop3A_313 = arith.index_cast %parallel_loop3A_303 : i32 to index
      %parallel_loop3A_314 = tpu.vector_load %arg10[%parallel_loop3A_313] {strides = array<i32>} : memref<1024xf32, #tpu.memory_space<vmem>>, vector<16xf32>,
      tpu.vector_store %arg10[%parallel_loop3A_313], %parallel_loop3A_312 {strides = array<i32>} : memref<1024xf32, #tpu.memory_space<vmem>>, vector<16xf32>,
    } {sc.loop_unroll_factor = 4 : i64, sc.parallel_access}
    %barrier3A_123 = arith.constant 0 : index
    tpu.barrier barrier_id(%barrier3A_123)
    %parallel_loop3A_124 = arith.constant 0 : i32
    %parallel_loop3A_125 = arith.constant 1250 : i32
    %parallel_loop3A_126 = arith.constant 1 : i32
    scf.for %parallel_loop3A_301 = %parallel_loop3A_124 to %parallel_loop3A_125 step %parallel_loop3A_126  : i32 {
      %parallel_loop3A_302 = arith.constant 16 : i32
      %parallel_loop3A_303 = arith.muli %parallel_loop3A_301, %parallel_loop3A_302 : i32
      %parallel_loop3A_304 = arith.index_cast %parallel_loop3A_303 : i32 to index
      %parallel_loop3A_305 = tpu.vector_load %arg6[%parallel_loop3A_304] {strides = array<i32>} : memref<20000xi32, #tpu.memory_space<vmem>>, vector<16xi32>,
      %parallel_loop3A_306 = arith.constant 10 : i32
      %parallel_loop3A_307 = vector.broadcast %parallel_loop3A_306 : i32 to vector<16xi32>
      %parallel_loop3A_308 = arith.shrsi %parallel_loop3A_305, %parallel_loop3A_307 : vector<16xi32>
      %parallel_loop3A_309 = arith.constant 15 : i32
      %parallel_loop3A_310 = vector.broadcast %parallel_loop3A_309 : i32 to vector<16xi32>
      %parallel_loop3A_311 = arith.andi %parallel_loop3A_308, %parallel_loop3A_310 : vector<16xi32>
      %parallel_loop3A_312 = arith.constant 1023 : i32
      %parallel_loop3A_313 = vector.broadcast %parallel_loop3A_312 : i32 to vector<16xi32>
      %parallel_loop3A_314 = arith.andi %parallel_loop3A_305, %parallel_loop3A_313 : vector<16xi32>
      %parallel_loop3A_315 = tpu.vector_load_idx %arg7[%parallel_loop3A_311, %parallel_loop3A_314] : memref<16x1024xf32, #tpu.memory_space<vmem>>[vector<16xi32>, vector<16xi32>], vector<16xf32>,
      %parallel_loop3A_316 = arith.constant 24 : i32
      %parallel_loop3A_317 = vector.broadcast %parallel_loop3A_316 : i32 to vector<16xi32>
      %parallel_loop3A_318 = arith.shrsi %parallel_loop3A_305, %parallel_loop3A_317 : vector<16xi32>
      %parallel_loop3A_319 = arith.constant 14 : i32
      %parallel_loop3A_320 = vector.broadcast %parallel_loop3A_319 : i32 to vector<16xi32>
      %parallel_loop3A_321 = arith.shrsi %parallel_loop3A_305, %parallel_loop3A_320 : vector<16xi32>
      %parallel_loop3A_322 = arith.constant 1023 : i32
      %parallel_loop3A_323 = vector.broadcast %parallel_loop3A_322 : i32 to vector<16xi32>
      %parallel_loop3A_324 = arith.andi %parallel_loop3A_321, %parallel_loop3A_323 : vector<16xi32>
      tpu.vector_store_idx %arg8[%parallel_loop3A_318, %parallel_loop3A_324], %parallel_loop3A_315 {add = true} : memref<16x1024xf32, #tpu.memory_space<vmem>>[vector<16xi32>, vector<16xi32>], vector<16xf32>,
    } {sc.loop_unroll_factor = 32 : i64, sc.parallel_access}
    %eq3A_127 = arith.constant 0 : i32
    %eq3A_128 = arith.cmpi eq, %arg1, %eq3A_127 : i32
    %convert_element_type3A_129 = arith.extui %eq3A_128 : i1 to i32
    %cond3A_130 = arith.constant 0 : i32
    %cond3A_131 = arith.cmpi ne, %convert_element_type3A_129, %cond3A_130 : i32
    scf.if %cond3A_131 {
      "tpu.region"() ({
        %run_scoped3A = tpu.sem_alloc : memref<!tpu.dma_semaphore, #tpu.memory_space<semaphore_mem>>
        %dma_start3A_301 = arith.constant 0 : i32
        %dma_start3A_302 = arith.constant 0 : i32
        %dma_start3A_303 = tpu.memref_slice %arg8[%dma_start3A_301, %dma_start3A_302] : memref<16x1024xf32, #tpu.memory_space<vmem>> -> memref<10x1024xf32, #tpu.memory_space<vmem>>
        %dma_start3A_304 = arith.constant 0 : i32
        %dma_start3A_305 = arith.constant 0 : i32
        %dma_start3A_306 = tpu.memref_slice %arg15[%dma_start3A_304, %dma_start3A_305] : memref<16x1024xf32, #tpu.memory_space<vmem_shared>> -> memref<10x1024xf32, #tpu.memory_space<vmem_shared>>
        %dma_start3A_307 = arith.constant 0 : i32
        %dma_start3A_308 = arith.constant 0 : i32
        %dma_start3A_309 = tpu.memref_slice %arg15[%dma_start3A_307, %dma_start3A_308] : memref<16x1024xf32, #tpu.memory_space<vmem_shared>> -> memref<10x1024xf32, #tpu.memory_space<vmem_shared>>
        %dma_start3A_310 = arith.constant 0 : i32
        %dma_start3A_311 = arith.constant 0 : i32
        %dma_start3A_312 = tpu.memref_slice %arg8[%dma_start3A_310, %dma_start3A_311] : memref<16x1024xf32, #tpu.memory_space<vmem>> -> memref<10x1024xf32, #tpu.memory_space<vmem>>
        tpu.enqueue_dma source(%dma_start3A_312 : memref<10x1024xf32, #tpu.memory_space<vmem>>) target(%dma_start3A_309 : memref<10x1024xf32, #tpu.memory_space<vmem_shared>>) target_semaphore(%run_scoped3A : memref<!tpu.dma_semaphore, #tpu.memory_space<semaphore_mem>>)
        %dma_wait3A_313 = arith.constant 0 : i32
        %dma_wait3A_314 = arith.constant 0 : i32
        %dma_wait3A_315 = tpu.memref_slice %arg8[%dma_wait3A_313, %dma_wait3A_314] : memref<16x1024xf32, #tpu.memory_space<vmem>> -> memref<10x1024xf32, #tpu.memory_space<vmem>>
        %dma_wait3A_316 = arith.constant 0 : i32
        %dma_wait3A_317 = arith.constant 0 : i32
        %dma_wait3A_318 = tpu.memref_slice %arg15[%dma_wait3A_316, %dma_wait3A_317] : memref<16x1024xf32, #tpu.memory_space<vmem_shared>> -> memref<10x1024xf32, #tpu.memory_space<vmem_shared>>
        %dma_wait3A_319 = arith.constant 0 : i32
        %dma_wait3A_320 = arith.constant 0 : i32
        %dma_wait3A_321 = tpu.memref_slice %arg15[%dma_wait3A_319, %dma_wait3A_320] : memref<16x1024xf32, #tpu.memory_space<vmem_shared>> -> memref<10x1024xf32, #tpu.memory_space<vmem_shared>>
        %dma_wait3A_322 = arith.constant 0 : i32
        %dma_wait3A_323 = arith.constant 0 : i32
        %dma_wait3A_324 = tpu.memref_slice %arg8[%dma_wait3A_322, %dma_wait3A_323] : memref<16x1024xf32, #tpu.memory_space<vmem>> -> memref<10x1024xf32, #tpu.memory_space<vmem>>
        tpu.wait_dma2 semaphore(%run_scoped3A : memref<!tpu.dma_semaphore, #tpu.memory_space<semaphore_mem>>) src(%dma_wait3A_324 : memref<10x1024xf32, #tpu.memory_space<vmem>>) dst(%dma_wait3A_321 : memref<10x1024xf32, #tpu.memory_space<vmem_shared>>)
        tpu.yield
      }) : () -> ()
    } else {
    }
    %barrier3A_132 = arith.constant 0 : index
    tpu.barrier barrier_id(%barrier3A_132)
    %ne3A_133 = arith.constant 0 : i32
    %ne3A_134 = arith.cmpi ne, %arg1, %ne3A_133 : i32
    %convert_element_type3A_135 = arith.extui %ne3A_134 : i1 to i32
    %cond3A_136 = arith.constant 0 : i32
    %cond3A_137 = arith.cmpi ne, %convert_element_type3A_135, %cond3A_136 : i32
    scf.if %cond3A_137 {
      "tpu.region"() ({
        %run_scoped3A = tpu.sem_alloc : memref<!tpu.dma_semaphore, #tpu.memory_space<semaphore_mem>>
        %dma_start3A_301 = arith.constant 0 : i32
        %dma_start3A_302 = arith.constant 0 : i32
        %dma_start3A_303 = tpu.memref_slice %arg8[%dma_start3A_301, %dma_start3A_302] : memref<16x1024xf32, #tpu.memory_space<vmem>> -> memref<10x1024xf32, #tpu.memory_space<vmem>>
        %dma_start3A_304 = arith.constant 0 : i32
        %dma_start3A_305 = arith.constant 0 : i32
        %dma_start3A_306 = tpu.memref_slice %arg15[%dma_start3A_304, %dma_start3A_305] : memref<16x1024xf32, #tpu.memory_space<vmem_shared>> -> memref<16x1024xf32, #tpu.memory_space<vmem_shared>>
        tpu.enqueue_indirect_dma source(%dma_start3A_303 : memref<10x1024xf32, #tpu.memory_space<vmem>>) target(%dma_start3A_306 : memref<16x1024xf32, #tpu.memory_space<vmem_shared>>) offsets(%arg12 : memref<10xi32, #tpu.memory_space<vmem>>) semaphore(%run_scoped3A : memref<!tpu.dma_semaphore, #tpu.memory_space<semaphore_mem>>) {add = true}
        %dma_wait3A_307 = arith.constant 0 : i32
        %dma_wait3A_308 = arith.constant 0 : i32
        %dma_wait3A_309 = tpu.memref_slice %arg8[%dma_wait3A_307, %dma_wait3A_308] : memref<16x1024xf32, #tpu.memory_space<vmem>> -> memref<10x1024xf32, #tpu.memory_space<vmem>>
        %dma_wait3A_310 = arith.constant 0 : i32
        %dma_wait3A_311 = arith.constant 0 : i32
        %dma_wait3A_312 = tpu.memref_slice %arg15[%dma_wait3A_310, %dma_wait3A_311] : memref<16x1024xf32, #tpu.memory_space<vmem_shared>> -> memref<16x1024xf32, #tpu.memory_space<vmem_shared>>
        tpu.wait_indirect_dma semaphore(%run_scoped3A : memref<!tpu.dma_semaphore, #tpu.memory_space<semaphore_mem>>) src(%dma_wait3A_309 : memref<10x1024xf32, #tpu.memory_space<vmem>>) dst(%dma_wait3A_312 : memref<16x1024xf32, #tpu.memory_space<vmem_shared>>)
        tpu.yield
      }) : () -> ()
    } else {
    }
    %parallel_loop3A_138 = arith.constant 0 : i32
    %parallel_loop3A_139 = arith.constant 640 : i32
    %parallel_loop3A_140 = arith.constant 1 : i32
    scf.for %parallel_loop3A_301 = %parallel_loop3A_138 to %parallel_loop3A_139 step %parallel_loop3A_140  : i32 {
      %parallel_loop3A_302 = arith.constant 6 : i32
      %parallel_loop3A_303 = arith.shrsi %parallel_loop3A_301, %parallel_loop3A_302 : i32
      %parallel_loop3A_304 = arith.constant 63 : i32
      %parallel_loop3A_305 = arith.andi %parallel_loop3A_301, %parallel_loop3A_304 : i32
      %parallel_loop3A_306 = arith.constant 16 : i32
      %parallel_loop3A_307 = arith.muli %parallel_loop3A_305, %parallel_loop3A_306 : i32
      %parallel_loop3A_308 = arith.index_cast %parallel_loop3A_303 : i32 to index
      %parallel_loop3A_309 = arith.index_cast %parallel_loop3A_307 : i32 to index
      %parallel_loop3A_310 = tpu.vector_load %arg8[%parallel_loop3A_308, %parallel_loop3A_309] {strides = array<i32>} : memref<16x1024xf32, #tpu.memory_space<vmem>>, vector<16xf32>,
      tpu.vector_store %arg8[%parallel_loop3A_308, %parallel_loop3A_309], %broadcast_in_dim3A_2 {strides = array<i32>} : memref<16x1024xf32, #tpu.memory_space<vmem>>, vector<16xf32>,
    } {sc.loop_unroll_factor = 8 : i64, sc.parallel_access}
    %barrier3A_141 = arith.constant 0 : index
    tpu.barrier barrier_id(%barrier3A_141)
    "tpu.region"() ({
      %run_scoped3A = tpu.sem_alloc : memref<!tpu.dma_semaphore, #tpu.memory_space<semaphore_mem>>
      %dma_start3A_301 = arith.constant 0 : i32
      %dma_start3A_302 = arith.constant 0 : i32
      %dma_start3A_303 = tpu.memref_slice %arg7[%dma_start3A_301, %dma_start3A_302] : memref<16x1024xf32, #tpu.memory_space<vmem>> -> memref<10x1024xf32, #tpu.memory_space<vmem>>
      %dma_start3A_304 = arith.constant 0 : i32
      %dma_start3A_305 = arith.constant 0 : i32
      %dma_start3A_306 = tpu.memref_slice %arg15[%dma_start3A_304, %dma_start3A_305] : memref<16x1024xf32, #tpu.memory_space<vmem_shared>> -> memref<10x1024xf32, #tpu.memory_space<vmem_shared>>
      %dma_start3A_307 = arith.constant 0 : i32
      %dma_start3A_308 = arith.constant 0 : i32
      %dma_start3A_309 = tpu.memref_slice %arg7[%dma_start3A_307, %dma_start3A_308] : memref<16x1024xf32, #tpu.memory_space<vmem>> -> memref<10x1024xf32, #tpu.memory_space<vmem>>
      %dma_start3A_310 = arith.constant 0 : i32
      %dma_start3A_311 = arith.constant 0 : i32
      %dma_start3A_312 = tpu.memref_slice %arg15[%dma_start3A_310, %dma_start3A_311] : memref<16x1024xf32, #tpu.memory_space<vmem_shared>> -> memref<10x1024xf32, #tpu.memory_space<vmem_shared>>
      tpu.enqueue_dma source(%dma_start3A_312 : memref<10x1024xf32, #tpu.memory_space<vmem_shared>>) target(%dma_start3A_309 : memref<10x1024xf32, #tpu.memory_space<vmem>>) target_semaphore(%run_scoped3A : memref<!tpu.dma_semaphore, #tpu.memory_space<semaphore_mem>>)
      %dma_wait3A_313 = arith.constant 0 : i32
      %dma_wait3A_314 = arith.constant 0 : i32
      %dma_wait3A_315 = tpu.memref_slice %arg7[%dma_wait3A_313, %dma_wait3A_314] : memref<16x1024xf32, #tpu.memory_space<vmem>> -> memref<10x1024xf32, #tpu.memory_space<vmem>>
      %dma_wait3A_316 = arith.constant 0 : i32
      %dma_wait3A_317 = arith.constant 0 : i32
      %dma_wait3A_318 = tpu.memref_slice %arg15[%dma_wait3A_316, %dma_wait3A_317] : memref<16x1024xf32, #tpu.memory_space<vmem_shared>> -> memref<10x1024xf32, #tpu.memory_space<vmem_shared>>
      %dma_wait3A_319 = arith.constant 0 : i32
      %dma_wait3A_320 = arith.constant 0 : i32
      %dma_wait3A_321 = tpu.memref_slice %arg7[%dma_wait3A_319, %dma_wait3A_320] : memref<16x1024xf32, #tpu.memory_space<vmem>> -> memref<10x1024xf32, #tpu.memory_space<vmem>>
      %dma_wait3A_322 = arith.constant 0 : i32
      %dma_wait3A_323 = arith.constant 0 : i32
      %dma_wait3A_324 = tpu.memref_slice %arg15[%dma_wait3A_322, %dma_wait3A_323] : memref<16x1024xf32, #tpu.memory_space<vmem_shared>> -> memref<10x1024xf32, #tpu.memory_space<vmem_shared>>
      tpu.wait_dma2 semaphore(%run_scoped3A : memref<!tpu.dma_semaphore, #tpu.memory_space<semaphore_mem>>) src(%dma_wait3A_324 : memref<10x1024xf32, #tpu.memory_space<vmem_shared>>) dst(%dma_wait3A_321 : memref<10x1024xf32, #tpu.memory_space<vmem>>)
      tpu.yield
    }) : () -> ()
    %parallel_loop3A_142 = arith.constant 0 : i32
    %parallel_loop3A_143 = arith.constant 640 : i32
    %parallel_loop3A_144 = arith.constant 1 : i32
    scf.for %parallel_loop3A_301 = %parallel_loop3A_142 to %parallel_loop3A_143 step %parallel_loop3A_144  : i32 {
      %parallel_loop3A_302 = arith.constant 6 : i32
      %parallel_loop3A_303 = arith.shrsi %parallel_loop3A_301, %parallel_loop3A_302 : i32
      %parallel_loop3A_304 = arith.constant 63 : i32
      %parallel_loop3A_305 = arith.andi %parallel_loop3A_301, %parallel_loop3A_304 : i32
      %parallel_loop3A_306 = arith.constant 16 : i32
      %parallel_loop3A_307 = arith.muli %parallel_loop3A_305, %parallel_loop3A_306 : i32
      %parallel_loop3A_308 = arith.index_cast %parallel_loop3A_303 : i32 to index
      %parallel_loop3A_309 = arith.index_cast %parallel_loop3A_307 : i32 to index
      %parallel_loop3A_310 = tpu.vector_load %arg7[%parallel_loop3A_308, %parallel_loop3A_309] {strides = array<i32>} : memref<16x1024xf32, #tpu.memory_space<vmem>>, vector<16xf32>,
      %parallel_loop3A_311 = arith.index_cast %parallel_loop3A_303 : i32 to index
      %parallel_loop3A_312 = arith.index_cast %parallel_loop3A_307 : i32 to index
      %parallel_loop3A_313 = tpu.vector_load %arg9[%parallel_loop3A_311, %parallel_loop3A_312] {strides = array<i32>} : memref<16x1024xf32, #tpu.memory_space<vmem>>, vector<16xf32>,
      %parallel_loop3A_314 = arith.mulf %parallel_loop3A_310, %parallel_loop3A_313 : vector<16xf32>
      %parallel_loop3A_315 = arith.index_cast %parallel_loop3A_303 : i32 to index
      %parallel_loop3A_316 = arith.index_cast %parallel_loop3A_307 : i32 to index
      %parallel_loop3A_317 = tpu.vector_load %arg7[%parallel_loop3A_315, %parallel_loop3A_316] {strides = array<i32>} : memref<16x1024xf32, #tpu.memory_space<vmem>>, vector<16xf32>,
      tpu.vector_store %arg7[%parallel_loop3A_315, %parallel_loop3A_316], %parallel_loop3A_314 {strides = array<i32>} : memref<16x1024xf32, #tpu.memory_space<vmem>>, vector<16xf32>,
    } {sc.loop_unroll_factor = 4 : i64, sc.parallel_access}
    %parallel_loop3A_145 = arith.constant 0 : i32
    %parallel_loop3A_146 = arith.constant 64 : i32
    %parallel_loop3A_147 = arith.constant 1 : i32
    scf.for %parallel_loop3A_301 = %parallel_loop3A_145 to %parallel_loop3A_146 step %parallel_loop3A_147  : i32 {
      %parallel_loop3A_302 = arith.constant 16 : i32
      %parallel_loop3A_303 = arith.muli %parallel_loop3A_301, %parallel_loop3A_302 : i32
      %parallel_loop3A_304 = arith.index_cast %parallel_loop3A_303 : i32 to index
      %parallel_loop3A_305 = tpu.vector_load %arg10[%parallel_loop3A_304] {strides = array<i32>} : memref<1024xf32, #tpu.memory_space<vmem>>, vector<16xf32>,
      %parallel_loop3A_306 = arith.index_cast %arg1 : i32 to index
      %parallel_loop3A_307 = arith.index_cast %parallel_loop3A_303 : i32 to index
      %parallel_loop3A_308 = tpu.vector_load %arg7[%parallel_loop3A_306, %parallel_loop3A_307] {strides = array<i32>} : memref<16x1024xf32, #tpu.memory_space<vmem>>, vector<16xf32>,
      %parallel_loop3A_309 = arith.constant 6.561000e-06 : f32
      %parallel_loop3A_310 = vector.broadcast %parallel_loop3A_309 : f32 to vector<16xf32>
      %parallel_loop3A_311 = arith.mulf %parallel_loop3A_310, %parallel_loop3A_308 : vector<16xf32>
      %parallel_loop3A_312 = arith.addf %parallel_loop3A_305, %parallel_loop3A_311 : vector<16xf32>
      %parallel_loop3A_313 = arith.index_cast %parallel_loop3A_303 : i32 to index
      %parallel_loop3A_314 = tpu.vector_load %arg10[%parallel_loop3A_313] {strides = array<i32>} : memref<1024xf32, #tpu.memory_space<vmem>>, vector<16xf32>,
      tpu.vector_store %arg10[%parallel_loop3A_313], %parallel_loop3A_312 {strides = array<i32>} : memref<1024xf32, #tpu.memory_space<vmem>>, vector<16xf32>,
    } {sc.loop_unroll_factor = 4 : i64, sc.parallel_access}
    %barrier3A_148 = arith.constant 0 : index
    tpu.barrier barrier_id(%barrier3A_148)
    %parallel_loop3A_149 = arith.constant 0 : i32
    %parallel_loop3A_150 = arith.constant 1250 : i32
    %parallel_loop3A_151 = arith.constant 1 : i32
    scf.for %parallel_loop3A_301 = %parallel_loop3A_149 to %parallel_loop3A_150 step %parallel_loop3A_151  : i32 {
      %parallel_loop3A_302 = arith.constant 16 : i32
      %parallel_loop3A_303 = arith.muli %parallel_loop3A_301, %parallel_loop3A_302 : i32
      %parallel_loop3A_304 = arith.index_cast %parallel_loop3A_303 : i32 to index
      %parallel_loop3A_305 = tpu.vector_load %arg6[%parallel_loop3A_304] {strides = array<i32>} : memref<20000xi32, #tpu.memory_space<vmem>>, vector<16xi32>,
      %parallel_loop3A_306 = arith.constant 10 : i32
      %parallel_loop3A_307 = vector.broadcast %parallel_loop3A_306 : i32 to vector<16xi32>
      %parallel_loop3A_308 = arith.shrsi %parallel_loop3A_305, %parallel_loop3A_307 : vector<16xi32>
      %parallel_loop3A_309 = arith.constant 15 : i32
      %parallel_loop3A_310 = vector.broadcast %parallel_loop3A_309 : i32 to vector<16xi32>
      %parallel_loop3A_311 = arith.andi %parallel_loop3A_308, %parallel_loop3A_310 : vector<16xi32>
      %parallel_loop3A_312 = arith.constant 1023 : i32
      %parallel_loop3A_313 = vector.broadcast %parallel_loop3A_312 : i32 to vector<16xi32>
      %parallel_loop3A_314 = arith.andi %parallel_loop3A_305, %parallel_loop3A_313 : vector<16xi32>
      %parallel_loop3A_315 = tpu.vector_load_idx %arg7[%parallel_loop3A_311, %parallel_loop3A_314] : memref<16x1024xf32, #tpu.memory_space<vmem>>[vector<16xi32>, vector<16xi32>], vector<16xf32>,
      %parallel_loop3A_316 = arith.constant 24 : i32
      %parallel_loop3A_317 = vector.broadcast %parallel_loop3A_316 : i32 to vector<16xi32>
      %parallel_loop3A_318 = arith.shrsi %parallel_loop3A_305, %parallel_loop3A_317 : vector<16xi32>
      %parallel_loop3A_319 = arith.constant 14 : i32
      %parallel_loop3A_320 = vector.broadcast %parallel_loop3A_319 : i32 to vector<16xi32>
      %parallel_loop3A_321 = arith.shrsi %parallel_loop3A_305, %parallel_loop3A_320 : vector<16xi32>
      %parallel_loop3A_322 = arith.constant 1023 : i32
      %parallel_loop3A_323 = vector.broadcast %parallel_loop3A_322 : i32 to vector<16xi32>
      %parallel_loop3A_324 = arith.andi %parallel_loop3A_321, %parallel_loop3A_323 : vector<16xi32>
      tpu.vector_store_idx %arg8[%parallel_loop3A_318, %parallel_loop3A_324], %parallel_loop3A_315 {add = true} : memref<16x1024xf32, #tpu.memory_space<vmem>>[vector<16xi32>, vector<16xi32>], vector<16xf32>,
    } {sc.loop_unroll_factor = 32 : i64, sc.parallel_access}
    %eq3A_152 = arith.constant 0 : i32
    %eq3A_153 = arith.cmpi eq, %arg1, %eq3A_152 : i32
    %convert_element_type3A_154 = arith.extui %eq3A_153 : i1 to i32
    %cond3A_155 = arith.constant 0 : i32
    %cond3A_156 = arith.cmpi ne, %convert_element_type3A_154, %cond3A_155 : i32
    scf.if %cond3A_156 {
      "tpu.region"() ({
        %run_scoped3A = tpu.sem_alloc : memref<!tpu.dma_semaphore, #tpu.memory_space<semaphore_mem>>
        %dma_start3A_301 = arith.constant 0 : i32
        %dma_start3A_302 = arith.constant 0 : i32
        %dma_start3A_303 = tpu.memref_slice %arg8[%dma_start3A_301, %dma_start3A_302] : memref<16x1024xf32, #tpu.memory_space<vmem>> -> memref<10x1024xf32, #tpu.memory_space<vmem>>
        %dma_start3A_304 = arith.constant 0 : i32
        %dma_start3A_305 = arith.constant 0 : i32
        %dma_start3A_306 = tpu.memref_slice %arg15[%dma_start3A_304, %dma_start3A_305] : memref<16x1024xf32, #tpu.memory_space<vmem_shared>> -> memref<10x1024xf32, #tpu.memory_space<vmem_shared>>
        %dma_start3A_307 = arith.constant 0 : i32
        %dma_start3A_308 = arith.constant 0 : i32
        %dma_start3A_309 = tpu.memref_slice %arg15[%dma_start3A_307, %dma_start3A_308] : memref<16x1024xf32, #tpu.memory_space<vmem_shared>> -> memref<10x1024xf32, #tpu.memory_space<vmem_shared>>
        %dma_start3A_310 = arith.constant 0 : i32
        %dma_start3A_311 = arith.constant 0 : i32
        %dma_start3A_312 = tpu.memref_slice %arg8[%dma_start3A_310, %dma_start3A_311] : memref<16x1024xf32, #tpu.memory_space<vmem>> -> memref<10x1024xf32, #tpu.memory_space<vmem>>
        tpu.enqueue_dma source(%dma_start3A_312 : memref<10x1024xf32, #tpu.memory_space<vmem>>) target(%dma_start3A_309 : memref<10x1024xf32, #tpu.memory_space<vmem_shared>>) target_semaphore(%run_scoped3A : memref<!tpu.dma_semaphore, #tpu.memory_space<semaphore_mem>>)
        %dma_wait3A_313 = arith.constant 0 : i32
        %dma_wait3A_314 = arith.constant 0 : i32
        %dma_wait3A_315 = tpu.memref_slice %arg8[%dma_wait3A_313, %dma_wait3A_314] : memref<16x1024xf32, #tpu.memory_space<vmem>> -> memref<10x1024xf32, #tpu.memory_space<vmem>>
        %dma_wait3A_316 = arith.constant 0 : i32
        %dma_wait3A_317 = arith.constant 0 : i32
        %dma_wait3A_318 = tpu.memref_slice %arg15[%dma_wait3A_316, %dma_wait3A_317] : memref<16x1024xf32, #tpu.memory_space<vmem_shared>> -> memref<10x1024xf32, #tpu.memory_space<vmem_shared>>
        %dma_wait3A_319 = arith.constant 0 : i32
        %dma_wait3A_320 = arith.constant 0 : i32
        %dma_wait3A_321 = tpu.memref_slice %arg15[%dma_wait3A_319, %dma_wait3A_320] : memref<16x1024xf32, #tpu.memory_space<vmem_shared>> -> memref<10x1024xf32, #tpu.memory_space<vmem_shared>>
        %dma_wait3A_322 = arith.constant 0 : i32
        %dma_wait3A_323 = arith.constant 0 : i32
        %dma_wait3A_324 = tpu.memref_slice %arg8[%dma_wait3A_322, %dma_wait3A_323] : memref<16x1024xf32, #tpu.memory_space<vmem>> -> memref<10x1024xf32, #tpu.memory_space<vmem>>
        tpu.wait_dma2 semaphore(%run_scoped3A : memref<!tpu.dma_semaphore, #tpu.memory_space<semaphore_mem>>) src(%dma_wait3A_324 : memref<10x1024xf32, #tpu.memory_space<vmem>>) dst(%dma_wait3A_321 : memref<10x1024xf32, #tpu.memory_space<vmem_shared>>)
        tpu.yield
      }) : () -> ()
    } else {
    }
    %barrier3A_157 = arith.constant 0 : index
    tpu.barrier barrier_id(%barrier3A_157)
    %ne3A_158 = arith.constant 0 : i32
    %ne3A_159 = arith.cmpi ne, %arg1, %ne3A_158 : i32
    %convert_element_type3A_160 = arith.extui %ne3A_159 : i1 to i32
    %cond3A_161 = arith.constant 0 : i32
    %cond3A_162 = arith.cmpi ne, %convert_element_type3A_160, %cond3A_161 : i32
    scf.if %cond3A_162 {
      "tpu.region"() ({
        %run_scoped3A = tpu.sem_alloc : memref<!tpu.dma_semaphore, #tpu.memory_space<semaphore_mem>>
        %dma_start3A_301 = arith.constant 0 : i32
        %dma_start3A_302 = arith.constant 0 : i32
        %dma_start3A_303 = tpu.memref_slice %arg8[%dma_start3A_301, %dma_start3A_302] : memref<16x1024xf32, #tpu.memory_space<vmem>> -> memref<10x1024xf32, #tpu.memory_space<vmem>>
        %dma_start3A_304 = arith.constant 0 : i32
        %dma_start3A_305 = arith.constant 0 : i32
        %dma_start3A_306 = tpu.memref_slice %arg15[%dma_start3A_304, %dma_start3A_305] : memref<16x1024xf32, #tpu.memory_space<vmem_shared>> -> memref<16x1024xf32, #tpu.memory_space<vmem_shared>>
        tpu.enqueue_indirect_dma source(%dma_start3A_303 : memref<10x1024xf32, #tpu.memory_space<vmem>>) target(%dma_start3A_306 : memref<16x1024xf32, #tpu.memory_space<vmem_shared>>) offsets(%arg12 : memref<10xi32, #tpu.memory_space<vmem>>) semaphore(%run_scoped3A : memref<!tpu.dma_semaphore, #tpu.memory_space<semaphore_mem>>) {add = true}
        %dma_wait3A_307 = arith.constant 0 : i32
        %dma_wait3A_308 = arith.constant 0 : i32
        %dma_wait3A_309 = tpu.memref_slice %arg8[%dma_wait3A_307, %dma_wait3A_308] : memref<16x1024xf32, #tpu.memory_space<vmem>> -> memref<10x1024xf32, #tpu.memory_space<vmem>>
        %dma_wait3A_310 = arith.constant 0 : i32
        %dma_wait3A_311 = arith.constant 0 : i32
        %dma_wait3A_312 = tpu.memref_slice %arg15[%dma_wait3A_310, %dma_wait3A_311] : memref<16x1024xf32, #tpu.memory_space<vmem_shared>> -> memref<16x1024xf32, #tpu.memory_space<vmem_shared>>
        tpu.wait_indirect_dma semaphore(%run_scoped3A : memref<!tpu.dma_semaphore, #tpu.memory_space<semaphore_mem>>) src(%dma_wait3A_309 : memref<10x1024xf32, #tpu.memory_space<vmem>>) dst(%dma_wait3A_312 : memref<16x1024xf32, #tpu.memory_space<vmem_shared>>)
        tpu.yield
      }) : () -> ()
    } else {
    }
    %parallel_loop3A_163 = arith.constant 0 : i32
    %parallel_loop3A_164 = arith.constant 640 : i32
    %parallel_loop3A_165 = arith.constant 1 : i32
    scf.for %parallel_loop3A_301 = %parallel_loop3A_163 to %parallel_loop3A_164 step %parallel_loop3A_165  : i32 {
      %parallel_loop3A_302 = arith.constant 6 : i32
      %parallel_loop3A_303 = arith.shrsi %parallel_loop3A_301, %parallel_loop3A_302 : i32
      %parallel_loop3A_304 = arith.constant 63 : i32
      %parallel_loop3A_305 = arith.andi %parallel_loop3A_301, %parallel_loop3A_304 : i32
      %parallel_loop3A_306 = arith.constant 16 : i32
      %parallel_loop3A_307 = arith.muli %parallel_loop3A_305, %parallel_loop3A_306 : i32
      %parallel_loop3A_308 = arith.index_cast %parallel_loop3A_303 : i32 to index
      %parallel_loop3A_309 = arith.index_cast %parallel_loop3A_307 : i32 to index
      %parallel_loop3A_310 = tpu.vector_load %arg8[%parallel_loop3A_308, %parallel_loop3A_309] {strides = array<i32>} : memref<16x1024xf32, #tpu.memory_space<vmem>>, vector<16xf32>,
      tpu.vector_store %arg8[%parallel_loop3A_308, %parallel_loop3A_309], %broadcast_in_dim3A_2 {strides = array<i32>} : memref<16x1024xf32, #tpu.memory_space<vmem>>, vector<16xf32>,
    } {sc.loop_unroll_factor = 8 : i64, sc.parallel_access}
    %barrier3A_166 = arith.constant 0 : index
    tpu.barrier barrier_id(%barrier3A_166)
    "tpu.region"() ({
      %run_scoped3A = tpu.sem_alloc : memref<!tpu.dma_semaphore, #tpu.memory_space<semaphore_mem>>
      %dma_start3A_301 = arith.constant 0 : i32
      %dma_start3A_302 = arith.constant 0 : i32
      %dma_start3A_303 = tpu.memref_slice %arg7[%dma_start3A_301, %dma_start3A_302] : memref<16x1024xf32, #tpu.memory_space<vmem>> -> memref<10x1024xf32, #tpu.memory_space<vmem>>
      %dma_start3A_304 = arith.constant 0 : i32
      %dma_start3A_305 = arith.constant 0 : i32
      %dma_start3A_306 = tpu.memref_slice %arg15[%dma_start3A_304, %dma_start3A_305] : memref<16x1024xf32, #tpu.memory_space<vmem_shared>> -> memref<10x1024xf32, #tpu.memory_space<vmem_shared>>
      %dma_start3A_307 = arith.constant 0 : i32
      %dma_start3A_308 = arith.constant 0 : i32
      %dma_start3A_309 = tpu.memref_slice %arg7[%dma_start3A_307, %dma_start3A_308] : memref<16x1024xf32, #tpu.memory_space<vmem>> -> memref<10x1024xf32, #tpu.memory_space<vmem>>
      %dma_start3A_310 = arith.constant 0 : i32
      %dma_start3A_311 = arith.constant 0 : i32
      %dma_start3A_312 = tpu.memref_slice %arg15[%dma_start3A_310, %dma_start3A_311] : memref<16x1024xf32, #tpu.memory_space<vmem_shared>> -> memref<10x1024xf32, #tpu.memory_space<vmem_shared>>
      tpu.enqueue_dma source(%dma_start3A_312 : memref<10x1024xf32, #tpu.memory_space<vmem_shared>>) target(%dma_start3A_309 : memref<10x1024xf32, #tpu.memory_space<vmem>>) target_semaphore(%run_scoped3A : memref<!tpu.dma_semaphore, #tpu.memory_space<semaphore_mem>>)
      %dma_wait3A_313 = arith.constant 0 : i32
      %dma_wait3A_314 = arith.constant 0 : i32
      %dma_wait3A_315 = tpu.memref_slice %arg7[%dma_wait3A_313, %dma_wait3A_314] : memref<16x1024xf32, #tpu.memory_space<vmem>> -> memref<10x1024xf32, #tpu.memory_space<vmem>>
      %dma_wait3A_316 = arith.constant 0 : i32
      %dma_wait3A_317 = arith.constant 0 : i32
      %dma_wait3A_318 = tpu.memref_slice %arg15[%dma_wait3A_316, %dma_wait3A_317] : memref<16x1024xf32, #tpu.memory_space<vmem_shared>> -> memref<10x1024xf32, #tpu.memory_space<vmem_shared>>
      %dma_wait3A_319 = arith.constant 0 : i32
      %dma_wait3A_320 = arith.constant 0 : i32
      %dma_wait3A_321 = tpu.memref_slice %arg7[%dma_wait3A_319, %dma_wait3A_320] : memref<16x1024xf32, #tpu.memory_space<vmem>> -> memref<10x1024xf32, #tpu.memory_space<vmem>>
      %dma_wait3A_322 = arith.constant 0 : i32
      %dma_wait3A_323 = arith.constant 0 : i32
      %dma_wait3A_324 = tpu.memref_slice %arg15[%dma_wait3A_322, %dma_wait3A_323] : memref<16x1024xf32, #tpu.memory_space<vmem_shared>> -> memref<10x1024xf32, #tpu.memory_space<vmem_shared>>
      tpu.wait_dma2 semaphore(%run_scoped3A : memref<!tpu.dma_semaphore, #tpu.memory_space<semaphore_mem>>) src(%dma_wait3A_324 : memref<10x1024xf32, #tpu.memory_space<vmem_shared>>) dst(%dma_wait3A_321 : memref<10x1024xf32, #tpu.memory_space<vmem>>)
      tpu.yield
    }) : () -> ()
    %parallel_loop3A_167 = arith.constant 0 : i32
    %parallel_loop3A_168 = arith.constant 640 : i32
    %parallel_loop3A_169 = arith.constant 1 : i32
    scf.for %parallel_loop3A_301 = %parallel_loop3A_167 to %parallel_loop3A_168 step %parallel_loop3A_169  : i32 {
      %parallel_loop3A_302 = arith.constant 6 : i32
      %parallel_loop3A_303 = arith.shrsi %parallel_loop3A_301, %parallel_loop3A_302 : i32
      %parallel_loop3A_304 = arith.constant 63 : i32
      %parallel_loop3A_305 = arith.andi %parallel_loop3A_301, %parallel_loop3A_304 : i32
      %parallel_loop3A_306 = arith.constant 16 : i32
      %parallel_loop3A_307 = arith.muli %parallel_loop3A_305, %parallel_loop3A_306 : i32
      %parallel_loop3A_308 = arith.index_cast %parallel_loop3A_303 : i32 to index
      %parallel_loop3A_309 = arith.index_cast %parallel_loop3A_307 : i32 to index
      %parallel_loop3A_310 = tpu.vector_load %arg7[%parallel_loop3A_308, %parallel_loop3A_309] {strides = array<i32>} : memref<16x1024xf32, #tpu.memory_space<vmem>>, vector<16xf32>,
      %parallel_loop3A_311 = arith.index_cast %parallel_loop3A_303 : i32 to index
      %parallel_loop3A_312 = arith.index_cast %parallel_loop3A_307 : i32 to index
      %parallel_loop3A_313 = tpu.vector_load %arg9[%parallel_loop3A_311, %parallel_loop3A_312] {strides = array<i32>} : memref<16x1024xf32, #tpu.memory_space<vmem>>, vector<16xf32>,
      %parallel_loop3A_314 = arith.mulf %parallel_loop3A_310, %parallel_loop3A_313 : vector<16xf32>
      %parallel_loop3A_315 = arith.index_cast %parallel_loop3A_303 : i32 to index
      %parallel_loop3A_316 = arith.index_cast %parallel_loop3A_307 : i32 to index
      %parallel_loop3A_317 = tpu.vector_load %arg7[%parallel_loop3A_315, %parallel_loop3A_316] {strides = array<i32>} : memref<16x1024xf32, #tpu.memory_space<vmem>>, vector<16xf32>,
      tpu.vector_store %arg7[%parallel_loop3A_315, %parallel_loop3A_316], %parallel_loop3A_314 {strides = array<i32>} : memref<16x1024xf32, #tpu.memory_space<vmem>>, vector<16xf32>,
    } {sc.loop_unroll_factor = 4 : i64, sc.parallel_access}
    %parallel_loop3A_170 = arith.constant 0 : i32
    %parallel_loop3A_171 = arith.constant 64 : i32
    %parallel_loop3A_172 = arith.constant 1 : i32
    scf.for %parallel_loop3A_301 = %parallel_loop3A_170 to %parallel_loop3A_171 step %parallel_loop3A_172  : i32 {
      %parallel_loop3A_302 = arith.constant 16 : i32
      %parallel_loop3A_303 = arith.muli %parallel_loop3A_301, %parallel_loop3A_302 : i32
      %parallel_loop3A_304 = arith.index_cast %parallel_loop3A_303 : i32 to index
      %parallel_loop3A_305 = tpu.vector_load %arg10[%parallel_loop3A_304] {strides = array<i32>} : memref<1024xf32, #tpu.memory_space<vmem>>, vector<16xf32>,
      %parallel_loop3A_306 = arith.index_cast %arg1 : i32 to index
      %parallel_loop3A_307 = arith.index_cast %parallel_loop3A_303 : i32 to index
      %parallel_loop3A_308 = tpu.vector_load %arg7[%parallel_loop3A_306, %parallel_loop3A_307] {strides = array<i32>} : memref<16x1024xf32, #tpu.memory_space<vmem>>, vector<16xf32>,
      %parallel_loop3A_309 = arith.constant 5.904900e-06 : f32
      %parallel_loop3A_310 = vector.broadcast %parallel_loop3A_309 : f32 to vector<16xf32>
      %parallel_loop3A_311 = arith.mulf %parallel_loop3A_310, %parallel_loop3A_308 : vector<16xf32>
      %parallel_loop3A_312 = arith.addf %parallel_loop3A_305, %parallel_loop3A_311 : vector<16xf32>
      %parallel_loop3A_313 = arith.index_cast %parallel_loop3A_303 : i32 to index
      %parallel_loop3A_314 = tpu.vector_load %arg10[%parallel_loop3A_313] {strides = array<i32>} : memref<1024xf32, #tpu.memory_space<vmem>>, vector<16xf32>,
      tpu.vector_store %arg10[%parallel_loop3A_313], %parallel_loop3A_312 {strides = array<i32>} : memref<1024xf32, #tpu.memory_space<vmem>>, vector<16xf32>,
    } {sc.loop_unroll_factor = 4 : i64, sc.parallel_access}
    %barrier3A_173 = arith.constant 0 : index
    tpu.barrier barrier_id(%barrier3A_173)
    %parallel_loop3A_174 = arith.constant 0 : i32
    %parallel_loop3A_175 = arith.constant 1250 : i32
    %parallel_loop3A_176 = arith.constant 1 : i32
    scf.for %parallel_loop3A_301 = %parallel_loop3A_174 to %parallel_loop3A_175 step %parallel_loop3A_176  : i32 {
      %parallel_loop3A_302 = arith.constant 16 : i32
      %parallel_loop3A_303 = arith.muli %parallel_loop3A_301, %parallel_loop3A_302 : i32
      %parallel_loop3A_304 = arith.index_cast %parallel_loop3A_303 : i32 to index
      %parallel_loop3A_305 = tpu.vector_load %arg6[%parallel_loop3A_304] {strides = array<i32>} : memref<20000xi32, #tpu.memory_space<vmem>>, vector<16xi32>,
      %parallel_loop3A_306 = arith.constant 10 : i32
      %parallel_loop3A_307 = vector.broadcast %parallel_loop3A_306 : i32 to vector<16xi32>
      %parallel_loop3A_308 = arith.shrsi %parallel_loop3A_305, %parallel_loop3A_307 : vector<16xi32>
      %parallel_loop3A_309 = arith.constant 15 : i32
      %parallel_loop3A_310 = vector.broadcast %parallel_loop3A_309 : i32 to vector<16xi32>
      %parallel_loop3A_311 = arith.andi %parallel_loop3A_308, %parallel_loop3A_310 : vector<16xi32>
      %parallel_loop3A_312 = arith.constant 1023 : i32
      %parallel_loop3A_313 = vector.broadcast %parallel_loop3A_312 : i32 to vector<16xi32>
      %parallel_loop3A_314 = arith.andi %parallel_loop3A_305, %parallel_loop3A_313 : vector<16xi32>
      %parallel_loop3A_315 = tpu.vector_load_idx %arg7[%parallel_loop3A_311, %parallel_loop3A_314] : memref<16x1024xf32, #tpu.memory_space<vmem>>[vector<16xi32>, vector<16xi32>], vector<16xf32>,
      %parallel_loop3A_316 = arith.constant 24 : i32
      %parallel_loop3A_317 = vector.broadcast %parallel_loop3A_316 : i32 to vector<16xi32>
      %parallel_loop3A_318 = arith.shrsi %parallel_loop3A_305, %parallel_loop3A_317 : vector<16xi32>
      %parallel_loop3A_319 = arith.constant 14 : i32
      %parallel_loop3A_320 = vector.broadcast %parallel_loop3A_319 : i32 to vector<16xi32>
      %parallel_loop3A_321 = arith.shrsi %parallel_loop3A_305, %parallel_loop3A_320 : vector<16xi32>
      %parallel_loop3A_322 = arith.constant 1023 : i32
      %parallel_loop3A_323 = vector.broadcast %parallel_loop3A_322 : i32 to vector<16xi32>
      %parallel_loop3A_324 = arith.andi %parallel_loop3A_321, %parallel_loop3A_323 : vector<16xi32>
      tpu.vector_store_idx %arg8[%parallel_loop3A_318, %parallel_loop3A_324], %parallel_loop3A_315 {add = true} : memref<16x1024xf32, #tpu.memory_space<vmem>>[vector<16xi32>, vector<16xi32>], vector<16xf32>,
    } {sc.loop_unroll_factor = 32 : i64, sc.parallel_access}
    %eq3A_177 = arith.constant 0 : i32
    %eq3A_178 = arith.cmpi eq, %arg1, %eq3A_177 : i32
    %convert_element_type3A_179 = arith.extui %eq3A_178 : i1 to i32
    %cond3A_180 = arith.constant 0 : i32
    %cond3A_181 = arith.cmpi ne, %convert_element_type3A_179, %cond3A_180 : i32
    scf.if %cond3A_181 {
      "tpu.region"() ({
        %run_scoped3A = tpu.sem_alloc : memref<!tpu.dma_semaphore, #tpu.memory_space<semaphore_mem>>
        %dma_start3A_301 = arith.constant 0 : i32
        %dma_start3A_302 = arith.constant 0 : i32
        %dma_start3A_303 = tpu.memref_slice %arg8[%dma_start3A_301, %dma_start3A_302] : memref<16x1024xf32, #tpu.memory_space<vmem>> -> memref<10x1024xf32, #tpu.memory_space<vmem>>
        %dma_start3A_304 = arith.constant 0 : i32
        %dma_start3A_305 = arith.constant 0 : i32
        %dma_start3A_306 = tpu.memref_slice %arg15[%dma_start3A_304, %dma_start3A_305] : memref<16x1024xf32, #tpu.memory_space<vmem_shared>> -> memref<10x1024xf32, #tpu.memory_space<vmem_shared>>
        %dma_start3A_307 = arith.constant 0 : i32
        %dma_start3A_308 = arith.constant 0 : i32
        %dma_start3A_309 = tpu.memref_slice %arg15[%dma_start3A_307, %dma_start3A_308] : memref<16x1024xf32, #tpu.memory_space<vmem_shared>> -> memref<10x1024xf32, #tpu.memory_space<vmem_shared>>
        %dma_start3A_310 = arith.constant 0 : i32
        %dma_start3A_311 = arith.constant 0 : i32
        %dma_start3A_312 = tpu.memref_slice %arg8[%dma_start3A_310, %dma_start3A_311] : memref<16x1024xf32, #tpu.memory_space<vmem>> -> memref<10x1024xf32, #tpu.memory_space<vmem>>
        tpu.enqueue_dma source(%dma_start3A_312 : memref<10x1024xf32, #tpu.memory_space<vmem>>) target(%dma_start3A_309 : memref<10x1024xf32, #tpu.memory_space<vmem_shared>>) target_semaphore(%run_scoped3A : memref<!tpu.dma_semaphore, #tpu.memory_space<semaphore_mem>>)
        %dma_wait3A_313 = arith.constant 0 : i32
        %dma_wait3A_314 = arith.constant 0 : i32
        %dma_wait3A_315 = tpu.memref_slice %arg8[%dma_wait3A_313, %dma_wait3A_314] : memref<16x1024xf32, #tpu.memory_space<vmem>> -> memref<10x1024xf32, #tpu.memory_space<vmem>>
        %dma_wait3A_316 = arith.constant 0 : i32
        %dma_wait3A_317 = arith.constant 0 : i32
        %dma_wait3A_318 = tpu.memref_slice %arg15[%dma_wait3A_316, %dma_wait3A_317] : memref<16x1024xf32, #tpu.memory_space<vmem_shared>> -> memref<10x1024xf32, #tpu.memory_space<vmem_shared>>
        %dma_wait3A_319 = arith.constant 0 : i32
        %dma_wait3A_320 = arith.constant 0 : i32
        %dma_wait3A_321 = tpu.memref_slice %arg15[%dma_wait3A_319, %dma_wait3A_320] : memref<16x1024xf32, #tpu.memory_space<vmem_shared>> -> memref<10x1024xf32, #tpu.memory_space<vmem_shared>>
        %dma_wait3A_322 = arith.constant 0 : i32
        %dma_wait3A_323 = arith.constant 0 : i32
        %dma_wait3A_324 = tpu.memref_slice %arg8[%dma_wait3A_322, %dma_wait3A_323] : memref<16x1024xf32, #tpu.memory_space<vmem>> -> memref<10x1024xf32, #tpu.memory_space<vmem>>
        tpu.wait_dma2 semaphore(%run_scoped3A : memref<!tpu.dma_semaphore, #tpu.memory_space<semaphore_mem>>) src(%dma_wait3A_324 : memref<10x1024xf32, #tpu.memory_space<vmem>>) dst(%dma_wait3A_321 : memref<10x1024xf32, #tpu.memory_space<vmem_shared>>)
        tpu.yield
      }) : () -> ()
    } else {
    }
    %barrier3A_182 = arith.constant 0 : index
    tpu.barrier barrier_id(%barrier3A_182)
    %ne3A_183 = arith.constant 0 : i32
    %ne3A_184 = arith.cmpi ne, %arg1, %ne3A_183 : i32
    %convert_element_type3A_185 = arith.extui %ne3A_184 : i1 to i32
    %cond3A_186 = arith.constant 0 : i32
    %cond3A_187 = arith.cmpi ne, %convert_element_type3A_185, %cond3A_186 : i32
    scf.if %cond3A_187 {
      "tpu.region"() ({
        %run_scoped3A = tpu.sem_alloc : memref<!tpu.dma_semaphore, #tpu.memory_space<semaphore_mem>>
        %dma_start3A_301 = arith.constant 0 : i32
        %dma_start3A_302 = arith.constant 0 : i32
        %dma_start3A_303 = tpu.memref_slice %arg8[%dma_start3A_301, %dma_start3A_302] : memref<16x1024xf32, #tpu.memory_space<vmem>> -> memref<10x1024xf32, #tpu.memory_space<vmem>>
        %dma_start3A_304 = arith.constant 0 : i32
        %dma_start3A_305 = arith.constant 0 : i32
        %dma_start3A_306 = tpu.memref_slice %arg15[%dma_start3A_304, %dma_start3A_305] : memref<16x1024xf32, #tpu.memory_space<vmem_shared>> -> memref<16x1024xf32, #tpu.memory_space<vmem_shared>>
        tpu.enqueue_indirect_dma source(%dma_start3A_303 : memref<10x1024xf32, #tpu.memory_space<vmem>>) target(%dma_start3A_306 : memref<16x1024xf32, #tpu.memory_space<vmem_shared>>) offsets(%arg12 : memref<10xi32, #tpu.memory_space<vmem>>) semaphore(%run_scoped3A : memref<!tpu.dma_semaphore, #tpu.memory_space<semaphore_mem>>) {add = true}
        %dma_wait3A_307 = arith.constant 0 : i32
        %dma_wait3A_308 = arith.constant 0 : i32
        %dma_wait3A_309 = tpu.memref_slice %arg8[%dma_wait3A_307, %dma_wait3A_308] : memref<16x1024xf32, #tpu.memory_space<vmem>> -> memref<10x1024xf32, #tpu.memory_space<vmem>>
        %dma_wait3A_310 = arith.constant 0 : i32
        %dma_wait3A_311 = arith.constant 0 : i32
        %dma_wait3A_312 = tpu.memref_slice %arg15[%dma_wait3A_310, %dma_wait3A_311] : memref<16x1024xf32, #tpu.memory_space<vmem_shared>> -> memref<16x1024xf32, #tpu.memory_space<vmem_shared>>
        tpu.wait_indirect_dma semaphore(%run_scoped3A : memref<!tpu.dma_semaphore, #tpu.memory_space<semaphore_mem>>) src(%dma_wait3A_309 : memref<10x1024xf32, #tpu.memory_space<vmem>>) dst(%dma_wait3A_312 : memref<16x1024xf32, #tpu.memory_space<vmem_shared>>)
        tpu.yield
      }) : () -> ()
    } else {
    }
    %parallel_loop3A_188 = arith.constant 0 : i32
    %parallel_loop3A_189 = arith.constant 640 : i32
    %parallel_loop3A_190 = arith.constant 1 : i32
    scf.for %parallel_loop3A_301 = %parallel_loop3A_188 to %parallel_loop3A_189 step %parallel_loop3A_190  : i32 {
      %parallel_loop3A_302 = arith.constant 6 : i32
      %parallel_loop3A_303 = arith.shrsi %parallel_loop3A_301, %parallel_loop3A_302 : i32
      %parallel_loop3A_304 = arith.constant 63 : i32
      %parallel_loop3A_305 = arith.andi %parallel_loop3A_301, %parallel_loop3A_304 : i32
      %parallel_loop3A_306 = arith.constant 16 : i32
      %parallel_loop3A_307 = arith.muli %parallel_loop3A_305, %parallel_loop3A_306 : i32
      %parallel_loop3A_308 = arith.index_cast %parallel_loop3A_303 : i32 to index
      %parallel_loop3A_309 = arith.index_cast %parallel_loop3A_307 : i32 to index
      %parallel_loop3A_310 = tpu.vector_load %arg8[%parallel_loop3A_308, %parallel_loop3A_309] {strides = array<i32>} : memref<16x1024xf32, #tpu.memory_space<vmem>>, vector<16xf32>,
      tpu.vector_store %arg8[%parallel_loop3A_308, %parallel_loop3A_309], %broadcast_in_dim3A_2 {strides = array<i32>} : memref<16x1024xf32, #tpu.memory_space<vmem>>, vector<16xf32>,
    } {sc.loop_unroll_factor = 8 : i64, sc.parallel_access}
    %barrier3A_191 = arith.constant 0 : index
    tpu.barrier barrier_id(%barrier3A_191)
    "tpu.region"() ({
      %run_scoped3A = tpu.sem_alloc : memref<!tpu.dma_semaphore, #tpu.memory_space<semaphore_mem>>
      %dma_start3A_301 = arith.constant 0 : i32
      %dma_start3A_302 = arith.constant 0 : i32
      %dma_start3A_303 = tpu.memref_slice %arg7[%dma_start3A_301, %dma_start3A_302] : memref<16x1024xf32, #tpu.memory_space<vmem>> -> memref<10x1024xf32, #tpu.memory_space<vmem>>
      %dma_start3A_304 = arith.constant 0 : i32
      %dma_start3A_305 = arith.constant 0 : i32
      %dma_start3A_306 = tpu.memref_slice %arg15[%dma_start3A_304, %dma_start3A_305] : memref<16x1024xf32, #tpu.memory_space<vmem_shared>> -> memref<10x1024xf32, #tpu.memory_space<vmem_shared>>
      %dma_start3A_307 = arith.constant 0 : i32
      %dma_start3A_308 = arith.constant 0 : i32
      %dma_start3A_309 = tpu.memref_slice %arg7[%dma_start3A_307, %dma_start3A_308] : memref<16x1024xf32, #tpu.memory_space<vmem>> -> memref<10x1024xf32, #tpu.memory_space<vmem>>
      %dma_start3A_310 = arith.constant 0 : i32
      %dma_start3A_311 = arith.constant 0 : i32
      %dma_start3A_312 = tpu.memref_slice %arg15[%dma_start3A_310, %dma_start3A_311] : memref<16x1024xf32, #tpu.memory_space<vmem_shared>> -> memref<10x1024xf32, #tpu.memory_space<vmem_shared>>
      tpu.enqueue_dma source(%dma_start3A_312 : memref<10x1024xf32, #tpu.memory_space<vmem_shared>>) target(%dma_start3A_309 : memref<10x1024xf32, #tpu.memory_space<vmem>>) target_semaphore(%run_scoped3A : memref<!tpu.dma_semaphore, #tpu.memory_space<semaphore_mem>>)
      %dma_wait3A_313 = arith.constant 0 : i32
      %dma_wait3A_314 = arith.constant 0 : i32
      %dma_wait3A_315 = tpu.memref_slice %arg7[%dma_wait3A_313, %dma_wait3A_314] : memref<16x1024xf32, #tpu.memory_space<vmem>> -> memref<10x1024xf32, #tpu.memory_space<vmem>>
      %dma_wait3A_316 = arith.constant 0 : i32
      %dma_wait3A_317 = arith.constant 0 : i32
      %dma_wait3A_318 = tpu.memref_slice %arg15[%dma_wait3A_316, %dma_wait3A_317] : memref<16x1024xf32, #tpu.memory_space<vmem_shared>> -> memref<10x1024xf32, #tpu.memory_space<vmem_shared>>
      %dma_wait3A_319 = arith.constant 0 : i32
      %dma_wait3A_320 = arith.constant 0 : i32
      %dma_wait3A_321 = tpu.memref_slice %arg7[%dma_wait3A_319, %dma_wait3A_320] : memref<16x1024xf32, #tpu.memory_space<vmem>> -> memref<10x1024xf32, #tpu.memory_space<vmem>>
      %dma_wait3A_322 = arith.constant 0 : i32
      %dma_wait3A_323 = arith.constant 0 : i32
      %dma_wait3A_324 = tpu.memref_slice %arg15[%dma_wait3A_322, %dma_wait3A_323] : memref<16x1024xf32, #tpu.memory_space<vmem_shared>> -> memref<10x1024xf32, #tpu.memory_space<vmem_shared>>
      tpu.wait_dma2 semaphore(%run_scoped3A : memref<!tpu.dma_semaphore, #tpu.memory_space<semaphore_mem>>) src(%dma_wait3A_324 : memref<10x1024xf32, #tpu.memory_space<vmem_shared>>) dst(%dma_wait3A_321 : memref<10x1024xf32, #tpu.memory_space<vmem>>)
      tpu.yield
    }) : () -> ()
    %parallel_loop3A_192 = arith.constant 0 : i32
    %parallel_loop3A_193 = arith.constant 640 : i32
    %parallel_loop3A_194 = arith.constant 1 : i32
    scf.for %parallel_loop3A_301 = %parallel_loop3A_192 to %parallel_loop3A_193 step %parallel_loop3A_194  : i32 {
      %parallel_loop3A_302 = arith.constant 6 : i32
      %parallel_loop3A_303 = arith.shrsi %parallel_loop3A_301, %parallel_loop3A_302 : i32
      %parallel_loop3A_304 = arith.constant 63 : i32
      %parallel_loop3A_305 = arith.andi %parallel_loop3A_301, %parallel_loop3A_304 : i32
      %parallel_loop3A_306 = arith.constant 16 : i32
      %parallel_loop3A_307 = arith.muli %parallel_loop3A_305, %parallel_loop3A_306 : i32
      %parallel_loop3A_308 = arith.index_cast %parallel_loop3A_303 : i32 to index
      %parallel_loop3A_309 = arith.index_cast %parallel_loop3A_307 : i32 to index
      %parallel_loop3A_310 = tpu.vector_load %arg7[%parallel_loop3A_308, %parallel_loop3A_309] {strides = array<i32>} : memref<16x1024xf32, #tpu.memory_space<vmem>>, vector<16xf32>,
      %parallel_loop3A_311 = arith.index_cast %parallel_loop3A_303 : i32 to index
      %parallel_loop3A_312 = arith.index_cast %parallel_loop3A_307 : i32 to index
      %parallel_loop3A_313 = tpu.vector_load %arg9[%parallel_loop3A_311, %parallel_loop3A_312] {strides = array<i32>} : memref<16x1024xf32, #tpu.memory_space<vmem>>, vector<16xf32>,
      %parallel_loop3A_314 = arith.mulf %parallel_loop3A_310, %parallel_loop3A_313 : vector<16xf32>
      %parallel_loop3A_315 = arith.index_cast %parallel_loop3A_303 : i32 to index
      %parallel_loop3A_316 = arith.index_cast %parallel_loop3A_307 : i32 to index
      %parallel_loop3A_317 = tpu.vector_load %arg7[%parallel_loop3A_315, %parallel_loop3A_316] {strides = array<i32>} : memref<16x1024xf32, #tpu.memory_space<vmem>>, vector<16xf32>,
      tpu.vector_store %arg7[%parallel_loop3A_315, %parallel_loop3A_316], %parallel_loop3A_314 {strides = array<i32>} : memref<16x1024xf32, #tpu.memory_space<vmem>>, vector<16xf32>,
    } {sc.loop_unroll_factor = 4 : i64, sc.parallel_access}
    %parallel_loop3A_195 = arith.constant 0 : i32
    %parallel_loop3A_196 = arith.constant 64 : i32
    %parallel_loop3A_197 = arith.constant 1 : i32
    scf.for %parallel_loop3A_301 = %parallel_loop3A_195 to %parallel_loop3A_196 step %parallel_loop3A_197  : i32 {
      %parallel_loop3A_302 = arith.constant 16 : i32
      %parallel_loop3A_303 = arith.muli %parallel_loop3A_301, %parallel_loop3A_302 : i32
      %parallel_loop3A_304 = arith.index_cast %parallel_loop3A_303 : i32 to index
      %parallel_loop3A_305 = tpu.vector_load %arg10[%parallel_loop3A_304] {strides = array<i32>} : memref<1024xf32, #tpu.memory_space<vmem>>, vector<16xf32>,
      %parallel_loop3A_306 = arith.index_cast %arg1 : i32 to index
      %parallel_loop3A_307 = arith.index_cast %parallel_loop3A_303 : i32 to index
      %parallel_loop3A_308 = tpu.vector_load %arg7[%parallel_loop3A_306, %parallel_loop3A_307] {strides = array<i32>} : memref<16x1024xf32, #tpu.memory_space<vmem>>, vector<16xf32>,
      %parallel_loop3A_309 = arith.constant 5.314410e-06 : f32
      %parallel_loop3A_310 = vector.broadcast %parallel_loop3A_309 : f32 to vector<16xf32>
      %parallel_loop3A_311 = arith.mulf %parallel_loop3A_310, %parallel_loop3A_308 : vector<16xf32>
      %parallel_loop3A_312 = arith.addf %parallel_loop3A_305, %parallel_loop3A_311 : vector<16xf32>
      %parallel_loop3A_313 = arith.index_cast %parallel_loop3A_303 : i32 to index
      %parallel_loop3A_314 = tpu.vector_load %arg10[%parallel_loop3A_313] {strides = array<i32>} : memref<1024xf32, #tpu.memory_space<vmem>>, vector<16xf32>,
      tpu.vector_store %arg10[%parallel_loop3A_313], %parallel_loop3A_312 {strides = array<i32>} : memref<1024xf32, #tpu.memory_space<vmem>>, vector<16xf32>,
    } {sc.loop_unroll_factor = 4 : i64, sc.parallel_access}
    %barrier3A_198 = arith.constant 0 : index
    tpu.barrier barrier_id(%barrier3A_198)
    %parallel_loop3A_199 = arith.constant 0 : i32
    %parallel_loop3A_200 = arith.constant 1250 : i32
    %parallel_loop3A_201 = arith.constant 1 : i32
    scf.for %parallel_loop3A_301 = %parallel_loop3A_199 to %parallel_loop3A_200 step %parallel_loop3A_201  : i32 {
      %parallel_loop3A_302 = arith.constant 16 : i32
      %parallel_loop3A_303 = arith.muli %parallel_loop3A_301, %parallel_loop3A_302 : i32
      %parallel_loop3A_304 = arith.index_cast %parallel_loop3A_303 : i32 to index
      %parallel_loop3A_305 = tpu.vector_load %arg6[%parallel_loop3A_304] {strides = array<i32>} : memref<20000xi32, #tpu.memory_space<vmem>>, vector<16xi32>,
      %parallel_loop3A_306 = arith.constant 10 : i32
      %parallel_loop3A_307 = vector.broadcast %parallel_loop3A_306 : i32 to vector<16xi32>
      %parallel_loop3A_308 = arith.shrsi %parallel_loop3A_305, %parallel_loop3A_307 : vector<16xi32>
      %parallel_loop3A_309 = arith.constant 15 : i32
      %parallel_loop3A_310 = vector.broadcast %parallel_loop3A_309 : i32 to vector<16xi32>
      %parallel_loop3A_311 = arith.andi %parallel_loop3A_308, %parallel_loop3A_310 : vector<16xi32>
      %parallel_loop3A_312 = arith.constant 1023 : i32
      %parallel_loop3A_313 = vector.broadcast %parallel_loop3A_312 : i32 to vector<16xi32>
      %parallel_loop3A_314 = arith.andi %parallel_loop3A_305, %parallel_loop3A_313 : vector<16xi32>
      %parallel_loop3A_315 = tpu.vector_load_idx %arg7[%parallel_loop3A_311, %parallel_loop3A_314] : memref<16x1024xf32, #tpu.memory_space<vmem>>[vector<16xi32>, vector<16xi32>], vector<16xf32>,
      %parallel_loop3A_316 = arith.constant 24 : i32
      %parallel_loop3A_317 = vector.broadcast %parallel_loop3A_316 : i32 to vector<16xi32>
      %parallel_loop3A_318 = arith.shrsi %parallel_loop3A_305, %parallel_loop3A_317 : vector<16xi32>
      %parallel_loop3A_319 = arith.constant 14 : i32
      %parallel_loop3A_320 = vector.broadcast %parallel_loop3A_319 : i32 to vector<16xi32>
      %parallel_loop3A_321 = arith.shrsi %parallel_loop3A_305, %parallel_loop3A_320 : vector<16xi32>
      %parallel_loop3A_322 = arith.constant 1023 : i32
      %parallel_loop3A_323 = vector.broadcast %parallel_loop3A_322 : i32 to vector<16xi32>
      %parallel_loop3A_324 = arith.andi %parallel_loop3A_321, %parallel_loop3A_323 : vector<16xi32>
      tpu.vector_store_idx %arg8[%parallel_loop3A_318, %parallel_loop3A_324], %parallel_loop3A_315 {add = true} : memref<16x1024xf32, #tpu.memory_space<vmem>>[vector<16xi32>, vector<16xi32>], vector<16xf32>,
    } {sc.loop_unroll_factor = 32 : i64, sc.parallel_access}
    %eq3A_202 = arith.constant 0 : i32
    %eq3A_203 = arith.cmpi eq, %arg1, %eq3A_202 : i32
    %convert_element_type3A_204 = arith.extui %eq3A_203 : i1 to i32
    %cond3A_205 = arith.constant 0 : i32
    %cond3A_206 = arith.cmpi ne, %convert_element_type3A_204, %cond3A_205 : i32
    scf.if %cond3A_206 {
      "tpu.region"() ({
        %run_scoped3A = tpu.sem_alloc : memref<!tpu.dma_semaphore, #tpu.memory_space<semaphore_mem>>
        %dma_start3A_301 = arith.constant 0 : i32
        %dma_start3A_302 = arith.constant 0 : i32
        %dma_start3A_303 = tpu.memref_slice %arg8[%dma_start3A_301, %dma_start3A_302] : memref<16x1024xf32, #tpu.memory_space<vmem>> -> memref<10x1024xf32, #tpu.memory_space<vmem>>
        %dma_start3A_304 = arith.constant 0 : i32
        %dma_start3A_305 = arith.constant 0 : i32
        %dma_start3A_306 = tpu.memref_slice %arg15[%dma_start3A_304, %dma_start3A_305] : memref<16x1024xf32, #tpu.memory_space<vmem_shared>> -> memref<10x1024xf32, #tpu.memory_space<vmem_shared>>
        %dma_start3A_307 = arith.constant 0 : i32
        %dma_start3A_308 = arith.constant 0 : i32
        %dma_start3A_309 = tpu.memref_slice %arg15[%dma_start3A_307, %dma_start3A_308] : memref<16x1024xf32, #tpu.memory_space<vmem_shared>> -> memref<10x1024xf32, #tpu.memory_space<vmem_shared>>
        %dma_start3A_310 = arith.constant 0 : i32
        %dma_start3A_311 = arith.constant 0 : i32
        %dma_start3A_312 = tpu.memref_slice %arg8[%dma_start3A_310, %dma_start3A_311] : memref<16x1024xf32, #tpu.memory_space<vmem>> -> memref<10x1024xf32, #tpu.memory_space<vmem>>
        tpu.enqueue_dma source(%dma_start3A_312 : memref<10x1024xf32, #tpu.memory_space<vmem>>) target(%dma_start3A_309 : memref<10x1024xf32, #tpu.memory_space<vmem_shared>>) target_semaphore(%run_scoped3A : memref<!tpu.dma_semaphore, #tpu.memory_space<semaphore_mem>>)
        %dma_wait3A_313 = arith.constant 0 : i32
        %dma_wait3A_314 = arith.constant 0 : i32
        %dma_wait3A_315 = tpu.memref_slice %arg8[%dma_wait3A_313, %dma_wait3A_314] : memref<16x1024xf32, #tpu.memory_space<vmem>> -> memref<10x1024xf32, #tpu.memory_space<vmem>>
        %dma_wait3A_316 = arith.constant 0 : i32
        %dma_wait3A_317 = arith.constant 0 : i32
        %dma_wait3A_318 = tpu.memref_slice %arg15[%dma_wait3A_316, %dma_wait3A_317] : memref<16x1024xf32, #tpu.memory_space<vmem_shared>> -> memref<10x1024xf32, #tpu.memory_space<vmem_shared>>
        %dma_wait3A_319 = arith.constant 0 : i32
        %dma_wait3A_320 = arith.constant 0 : i32
        %dma_wait3A_321 = tpu.memref_slice %arg15[%dma_wait3A_319, %dma_wait3A_320] : memref<16x1024xf32, #tpu.memory_space<vmem_shared>> -> memref<10x1024xf32, #tpu.memory_space<vmem_shared>>
        %dma_wait3A_322 = arith.constant 0 : i32
        %dma_wait3A_323 = arith.constant 0 : i32
        %dma_wait3A_324 = tpu.memref_slice %arg8[%dma_wait3A_322, %dma_wait3A_323] : memref<16x1024xf32, #tpu.memory_space<vmem>> -> memref<10x1024xf32, #tpu.memory_space<vmem>>
        tpu.wait_dma2 semaphore(%run_scoped3A : memref<!tpu.dma_semaphore, #tpu.memory_space<semaphore_mem>>) src(%dma_wait3A_324 : memref<10x1024xf32, #tpu.memory_space<vmem>>) dst(%dma_wait3A_321 : memref<10x1024xf32, #tpu.memory_space<vmem_shared>>)
        tpu.yield
      }) : () -> ()
    } else {
    }
    %barrier3A_207 = arith.constant 0 : index
    tpu.barrier barrier_id(%barrier3A_207)
    %ne3A_208 = arith.constant 0 : i32
    %ne3A_209 = arith.cmpi ne, %arg1, %ne3A_208 : i32
    %convert_element_type3A_210 = arith.extui %ne3A_209 : i1 to i32
    %cond3A_211 = arith.constant 0 : i32
    %cond3A_212 = arith.cmpi ne, %convert_element_type3A_210, %cond3A_211 : i32
    scf.if %cond3A_212 {
      "tpu.region"() ({
        %run_scoped3A = tpu.sem_alloc : memref<!tpu.dma_semaphore, #tpu.memory_space<semaphore_mem>>
        %dma_start3A_301 = arith.constant 0 : i32
        %dma_start3A_302 = arith.constant 0 : i32
        %dma_start3A_303 = tpu.memref_slice %arg8[%dma_start3A_301, %dma_start3A_302] : memref<16x1024xf32, #tpu.memory_space<vmem>> -> memref<10x1024xf32, #tpu.memory_space<vmem>>
        %dma_start3A_304 = arith.constant 0 : i32
        %dma_start3A_305 = arith.constant 0 : i32
        %dma_start3A_306 = tpu.memref_slice %arg15[%dma_start3A_304, %dma_start3A_305] : memref<16x1024xf32, #tpu.memory_space<vmem_shared>> -> memref<16x1024xf32, #tpu.memory_space<vmem_shared>>
        tpu.enqueue_indirect_dma source(%dma_start3A_303 : memref<10x1024xf32, #tpu.memory_space<vmem>>) target(%dma_start3A_306 : memref<16x1024xf32, #tpu.memory_space<vmem_shared>>) offsets(%arg12 : memref<10xi32, #tpu.memory_space<vmem>>) semaphore(%run_scoped3A : memref<!tpu.dma_semaphore, #tpu.memory_space<semaphore_mem>>) {add = true}
        %dma_wait3A_307 = arith.constant 0 : i32
        %dma_wait3A_308 = arith.constant 0 : i32
        %dma_wait3A_309 = tpu.memref_slice %arg8[%dma_wait3A_307, %dma_wait3A_308] : memref<16x1024xf32, #tpu.memory_space<vmem>> -> memref<10x1024xf32, #tpu.memory_space<vmem>>
        %dma_wait3A_310 = arith.constant 0 : i32
        %dma_wait3A_311 = arith.constant 0 : i32
        %dma_wait3A_312 = tpu.memref_slice %arg15[%dma_wait3A_310, %dma_wait3A_311] : memref<16x1024xf32, #tpu.memory_space<vmem_shared>> -> memref<16x1024xf32, #tpu.memory_space<vmem_shared>>
        tpu.wait_indirect_dma semaphore(%run_scoped3A : memref<!tpu.dma_semaphore, #tpu.memory_space<semaphore_mem>>) src(%dma_wait3A_309 : memref<10x1024xf32, #tpu.memory_space<vmem>>) dst(%dma_wait3A_312 : memref<16x1024xf32, #tpu.memory_space<vmem_shared>>)
        tpu.yield
      }) : () -> ()
    } else {
    }
    %parallel_loop3A_213 = arith.constant 0 : i32
    %parallel_loop3A_214 = arith.constant 640 : i32
    %parallel_loop3A_215 = arith.constant 1 : i32
    scf.for %parallel_loop3A_301 = %parallel_loop3A_213 to %parallel_loop3A_214 step %parallel_loop3A_215  : i32 {
      %parallel_loop3A_302 = arith.constant 6 : i32
      %parallel_loop3A_303 = arith.shrsi %parallel_loop3A_301, %parallel_loop3A_302 : i32
      %parallel_loop3A_304 = arith.constant 63 : i32
      %parallel_loop3A_305 = arith.andi %parallel_loop3A_301, %parallel_loop3A_304 : i32
      %parallel_loop3A_306 = arith.constant 16 : i32
      %parallel_loop3A_307 = arith.muli %parallel_loop3A_305, %parallel_loop3A_306 : i32
      %parallel_loop3A_308 = arith.index_cast %parallel_loop3A_303 : i32 to index
      %parallel_loop3A_309 = arith.index_cast %parallel_loop3A_307 : i32 to index
      %parallel_loop3A_310 = tpu.vector_load %arg8[%parallel_loop3A_308, %parallel_loop3A_309] {strides = array<i32>} : memref<16x1024xf32, #tpu.memory_space<vmem>>, vector<16xf32>,
      tpu.vector_store %arg8[%parallel_loop3A_308, %parallel_loop3A_309], %broadcast_in_dim3A_2 {strides = array<i32>} : memref<16x1024xf32, #tpu.memory_space<vmem>>, vector<16xf32>,
    } {sc.loop_unroll_factor = 8 : i64, sc.parallel_access}
    %barrier3A_216 = arith.constant 0 : index
    tpu.barrier barrier_id(%barrier3A_216)
    "tpu.region"() ({
      %run_scoped3A = tpu.sem_alloc : memref<!tpu.dma_semaphore, #tpu.memory_space<semaphore_mem>>
      %dma_start3A_301 = arith.constant 0 : i32
      %dma_start3A_302 = arith.constant 0 : i32
      %dma_start3A_303 = tpu.memref_slice %arg7[%dma_start3A_301, %dma_start3A_302] : memref<16x1024xf32, #tpu.memory_space<vmem>> -> memref<10x1024xf32, #tpu.memory_space<vmem>>
      %dma_start3A_304 = arith.constant 0 : i32
      %dma_start3A_305 = arith.constant 0 : i32
      %dma_start3A_306 = tpu.memref_slice %arg15[%dma_start3A_304, %dma_start3A_305] : memref<16x1024xf32, #tpu.memory_space<vmem_shared>> -> memref<10x1024xf32, #tpu.memory_space<vmem_shared>>
      %dma_start3A_307 = arith.constant 0 : i32
      %dma_start3A_308 = arith.constant 0 : i32
      %dma_start3A_309 = tpu.memref_slice %arg7[%dma_start3A_307, %dma_start3A_308] : memref<16x1024xf32, #tpu.memory_space<vmem>> -> memref<10x1024xf32, #tpu.memory_space<vmem>>
      %dma_start3A_310 = arith.constant 0 : i32
      %dma_start3A_311 = arith.constant 0 : i32
      %dma_start3A_312 = tpu.memref_slice %arg15[%dma_start3A_310, %dma_start3A_311] : memref<16x1024xf32, #tpu.memory_space<vmem_shared>> -> memref<10x1024xf32, #tpu.memory_space<vmem_shared>>
      tpu.enqueue_dma source(%dma_start3A_312 : memref<10x1024xf32, #tpu.memory_space<vmem_shared>>) target(%dma_start3A_309 : memref<10x1024xf32, #tpu.memory_space<vmem>>) target_semaphore(%run_scoped3A : memref<!tpu.dma_semaphore, #tpu.memory_space<semaphore_mem>>)
      %dma_wait3A_313 = arith.constant 0 : i32
      %dma_wait3A_314 = arith.constant 0 : i32
      %dma_wait3A_315 = tpu.memref_slice %arg7[%dma_wait3A_313, %dma_wait3A_314] : memref<16x1024xf32, #tpu.memory_space<vmem>> -> memref<10x1024xf32, #tpu.memory_space<vmem>>
      %dma_wait3A_316 = arith.constant 0 : i32
      %dma_wait3A_317 = arith.constant 0 : i32
      %dma_wait3A_318 = tpu.memref_slice %arg15[%dma_wait3A_316, %dma_wait3A_317] : memref<16x1024xf32, #tpu.memory_space<vmem_shared>> -> memref<10x1024xf32, #tpu.memory_space<vmem_shared>>
      %dma_wait3A_319 = arith.constant 0 : i32
      %dma_wait3A_320 = arith.constant 0 : i32
      %dma_wait3A_321 = tpu.memref_slice %arg7[%dma_wait3A_319, %dma_wait3A_320] : memref<16x1024xf32, #tpu.memory_space<vmem>> -> memref<10x1024xf32, #tpu.memory_space<vmem>>
      %dma_wait3A_322 = arith.constant 0 : i32
      %dma_wait3A_323 = arith.constant 0 : i32
      %dma_wait3A_324 = tpu.memref_slice %arg15[%dma_wait3A_322, %dma_wait3A_323] : memref<16x1024xf32, #tpu.memory_space<vmem_shared>> -> memref<10x1024xf32, #tpu.memory_space<vmem_shared>>
      tpu.wait_dma2 semaphore(%run_scoped3A : memref<!tpu.dma_semaphore, #tpu.memory_space<semaphore_mem>>) src(%dma_wait3A_324 : memref<10x1024xf32, #tpu.memory_space<vmem_shared>>) dst(%dma_wait3A_321 : memref<10x1024xf32, #tpu.memory_space<vmem>>)
      tpu.yield
    }) : () -> ()
    %parallel_loop3A_217 = arith.constant 0 : i32
    %parallel_loop3A_218 = arith.constant 640 : i32
    %parallel_loop3A_219 = arith.constant 1 : i32
    scf.for %parallel_loop3A_301 = %parallel_loop3A_217 to %parallel_loop3A_218 step %parallel_loop3A_219  : i32 {
      %parallel_loop3A_302 = arith.constant 6 : i32
      %parallel_loop3A_303 = arith.shrsi %parallel_loop3A_301, %parallel_loop3A_302 : i32
      %parallel_loop3A_304 = arith.constant 63 : i32
      %parallel_loop3A_305 = arith.andi %parallel_loop3A_301, %parallel_loop3A_304 : i32
      %parallel_loop3A_306 = arith.constant 16 : i32
      %parallel_loop3A_307 = arith.muli %parallel_loop3A_305, %parallel_loop3A_306 : i32
      %parallel_loop3A_308 = arith.index_cast %parallel_loop3A_303 : i32 to index
      %parallel_loop3A_309 = arith.index_cast %parallel_loop3A_307 : i32 to index
      %parallel_loop3A_310 = tpu.vector_load %arg7[%parallel_loop3A_308, %parallel_loop3A_309] {strides = array<i32>} : memref<16x1024xf32, #tpu.memory_space<vmem>>, vector<16xf32>,
      %parallel_loop3A_311 = arith.index_cast %parallel_loop3A_303 : i32 to index
      %parallel_loop3A_312 = arith.index_cast %parallel_loop3A_307 : i32 to index
      %parallel_loop3A_313 = tpu.vector_load %arg9[%parallel_loop3A_311, %parallel_loop3A_312] {strides = array<i32>} : memref<16x1024xf32, #tpu.memory_space<vmem>>, vector<16xf32>,
      %parallel_loop3A_314 = arith.mulf %parallel_loop3A_310, %parallel_loop3A_313 : vector<16xf32>
      %parallel_loop3A_315 = arith.index_cast %parallel_loop3A_303 : i32 to index
      %parallel_loop3A_316 = arith.index_cast %parallel_loop3A_307 : i32 to index
      %parallel_loop3A_317 = tpu.vector_load %arg7[%parallel_loop3A_315, %parallel_loop3A_316] {strides = array<i32>} : memref<16x1024xf32, #tpu.memory_space<vmem>>, vector<16xf32>,
      tpu.vector_store %arg7[%parallel_loop3A_315, %parallel_loop3A_316], %parallel_loop3A_314 {strides = array<i32>} : memref<16x1024xf32, #tpu.memory_space<vmem>>, vector<16xf32>,
    } {sc.loop_unroll_factor = 4 : i64, sc.parallel_access}
    %parallel_loop3A_220 = arith.constant 0 : i32
    %parallel_loop3A_221 = arith.constant 64 : i32
    %parallel_loop3A_222 = arith.constant 1 : i32
    scf.for %parallel_loop3A_301 = %parallel_loop3A_220 to %parallel_loop3A_221 step %parallel_loop3A_222  : i32 {
      %parallel_loop3A_302 = arith.constant 16 : i32
      %parallel_loop3A_303 = arith.muli %parallel_loop3A_301, %parallel_loop3A_302 : i32
      %parallel_loop3A_304 = arith.index_cast %parallel_loop3A_303 : i32 to index
      %parallel_loop3A_305 = tpu.vector_load %arg10[%parallel_loop3A_304] {strides = array<i32>} : memref<1024xf32, #tpu.memory_space<vmem>>, vector<16xf32>,
      %parallel_loop3A_306 = arith.index_cast %arg1 : i32 to index
      %parallel_loop3A_307 = arith.index_cast %parallel_loop3A_303 : i32 to index
      %parallel_loop3A_308 = tpu.vector_load %arg7[%parallel_loop3A_306, %parallel_loop3A_307] {strides = array<i32>} : memref<16x1024xf32, #tpu.memory_space<vmem>>, vector<16xf32>,
      %parallel_loop3A_309 = arith.constant 4.78296897E-6 : f32
      %parallel_loop3A_310 = vector.broadcast %parallel_loop3A_309 : f32 to vector<16xf32>
      %parallel_loop3A_311 = arith.mulf %parallel_loop3A_310, %parallel_loop3A_308 : vector<16xf32>
      %parallel_loop3A_312 = arith.addf %parallel_loop3A_305, %parallel_loop3A_311 : vector<16xf32>
      %parallel_loop3A_313 = arith.index_cast %parallel_loop3A_303 : i32 to index
      %parallel_loop3A_314 = tpu.vector_load %arg10[%parallel_loop3A_313] {strides = array<i32>} : memref<1024xf32, #tpu.memory_space<vmem>>, vector<16xf32>,
      tpu.vector_store %arg10[%parallel_loop3A_313], %parallel_loop3A_312 {strides = array<i32>} : memref<1024xf32, #tpu.memory_space<vmem>>, vector<16xf32>,
    } {sc.loop_unroll_factor = 4 : i64, sc.parallel_access}
    %barrier3A_223 = arith.constant 0 : index
    tpu.barrier barrier_id(%barrier3A_223)
    %parallel_loop3A_224 = arith.constant 0 : i32
    %parallel_loop3A_225 = arith.constant 1250 : i32
    %parallel_loop3A_226 = arith.constant 1 : i32
    scf.for %parallel_loop3A_301 = %parallel_loop3A_224 to %parallel_loop3A_225 step %parallel_loop3A_226  : i32 {
      %parallel_loop3A_302 = arith.constant 16 : i32
      %parallel_loop3A_303 = arith.muli %parallel_loop3A_301, %parallel_loop3A_302 : i32
      %parallel_loop3A_304 = arith.index_cast %parallel_loop3A_303 : i32 to index
      %parallel_loop3A_305 = tpu.vector_load %arg6[%parallel_loop3A_304] {strides = array<i32>} : memref<20000xi32, #tpu.memory_space<vmem>>, vector<16xi32>,
      %parallel_loop3A_306 = arith.constant 10 : i32
      %parallel_loop3A_307 = vector.broadcast %parallel_loop3A_306 : i32 to vector<16xi32>
      %parallel_loop3A_308 = arith.shrsi %parallel_loop3A_305, %parallel_loop3A_307 : vector<16xi32>
      %parallel_loop3A_309 = arith.constant 15 : i32
      %parallel_loop3A_310 = vector.broadcast %parallel_loop3A_309 : i32 to vector<16xi32>
      %parallel_loop3A_311 = arith.andi %parallel_loop3A_308, %parallel_loop3A_310 : vector<16xi32>
      %parallel_loop3A_312 = arith.constant 1023 : i32
      %parallel_loop3A_313 = vector.broadcast %parallel_loop3A_312 : i32 to vector<16xi32>
      %parallel_loop3A_314 = arith.andi %parallel_loop3A_305, %parallel_loop3A_313 : vector<16xi32>
      %parallel_loop3A_315 = tpu.vector_load_idx %arg7[%parallel_loop3A_311, %parallel_loop3A_314] : memref<16x1024xf32, #tpu.memory_space<vmem>>[vector<16xi32>, vector<16xi32>], vector<16xf32>,
      %parallel_loop3A_316 = arith.constant 24 : i32
      %parallel_loop3A_317 = vector.broadcast %parallel_loop3A_316 : i32 to vector<16xi32>
      %parallel_loop3A_318 = arith.shrsi %parallel_loop3A_305, %parallel_loop3A_317 : vector<16xi32>
      %parallel_loop3A_319 = arith.constant 14 : i32
      %parallel_loop3A_320 = vector.broadcast %parallel_loop3A_319 : i32 to vector<16xi32>
      %parallel_loop3A_321 = arith.shrsi %parallel_loop3A_305, %parallel_loop3A_320 : vector<16xi32>
      %parallel_loop3A_322 = arith.constant 1023 : i32
      %parallel_loop3A_323 = vector.broadcast %parallel_loop3A_322 : i32 to vector<16xi32>
      %parallel_loop3A_324 = arith.andi %parallel_loop3A_321, %parallel_loop3A_323 : vector<16xi32>
      tpu.vector_store_idx %arg8[%parallel_loop3A_318, %parallel_loop3A_324], %parallel_loop3A_315 {add = true} : memref<16x1024xf32, #tpu.memory_space<vmem>>[vector<16xi32>, vector<16xi32>], vector<16xf32>,
    } {sc.loop_unroll_factor = 32 : i64, sc.parallel_access}
    %eq3A_227 = arith.constant 0 : i32
    %eq3A_228 = arith.cmpi eq, %arg1, %eq3A_227 : i32
    %convert_element_type3A_229 = arith.extui %eq3A_228 : i1 to i32
    %cond3A_230 = arith.constant 0 : i32
    %cond3A_231 = arith.cmpi ne, %convert_element_type3A_229, %cond3A_230 : i32
    scf.if %cond3A_231 {
      "tpu.region"() ({
        %run_scoped3A = tpu.sem_alloc : memref<!tpu.dma_semaphore, #tpu.memory_space<semaphore_mem>>
        %dma_start3A_301 = arith.constant 0 : i32
        %dma_start3A_302 = arith.constant 0 : i32
        %dma_start3A_303 = tpu.memref_slice %arg8[%dma_start3A_301, %dma_start3A_302] : memref<16x1024xf32, #tpu.memory_space<vmem>> -> memref<10x1024xf32, #tpu.memory_space<vmem>>
        %dma_start3A_304 = arith.constant 0 : i32
        %dma_start3A_305 = arith.constant 0 : i32
        %dma_start3A_306 = tpu.memref_slice %arg15[%dma_start3A_304, %dma_start3A_305] : memref<16x1024xf32, #tpu.memory_space<vmem_shared>> -> memref<10x1024xf32, #tpu.memory_space<vmem_shared>>
        %dma_start3A_307 = arith.constant 0 : i32
        %dma_start3A_308 = arith.constant 0 : i32
        %dma_start3A_309 = tpu.memref_slice %arg15[%dma_start3A_307, %dma_start3A_308] : memref<16x1024xf32, #tpu.memory_space<vmem_shared>> -> memref<10x1024xf32, #tpu.memory_space<vmem_shared>>
        %dma_start3A_310 = arith.constant 0 : i32
        %dma_start3A_311 = arith.constant 0 : i32
        %dma_start3A_312 = tpu.memref_slice %arg8[%dma_start3A_310, %dma_start3A_311] : memref<16x1024xf32, #tpu.memory_space<vmem>> -> memref<10x1024xf32, #tpu.memory_space<vmem>>
        tpu.enqueue_dma source(%dma_start3A_312 : memref<10x1024xf32, #tpu.memory_space<vmem>>) target(%dma_start3A_309 : memref<10x1024xf32, #tpu.memory_space<vmem_shared>>) target_semaphore(%run_scoped3A : memref<!tpu.dma_semaphore, #tpu.memory_space<semaphore_mem>>)
        %dma_wait3A_313 = arith.constant 0 : i32
        %dma_wait3A_314 = arith.constant 0 : i32
        %dma_wait3A_315 = tpu.memref_slice %arg8[%dma_wait3A_313, %dma_wait3A_314] : memref<16x1024xf32, #tpu.memory_space<vmem>> -> memref<10x1024xf32, #tpu.memory_space<vmem>>
        %dma_wait3A_316 = arith.constant 0 : i32
        %dma_wait3A_317 = arith.constant 0 : i32
        %dma_wait3A_318 = tpu.memref_slice %arg15[%dma_wait3A_316, %dma_wait3A_317] : memref<16x1024xf32, #tpu.memory_space<vmem_shared>> -> memref<10x1024xf32, #tpu.memory_space<vmem_shared>>
        %dma_wait3A_319 = arith.constant 0 : i32
        %dma_wait3A_320 = arith.constant 0 : i32
        %dma_wait3A_321 = tpu.memref_slice %arg15[%dma_wait3A_319, %dma_wait3A_320] : memref<16x1024xf32, #tpu.memory_space<vmem_shared>> -> memref<10x1024xf32, #tpu.memory_space<vmem_shared>>
        %dma_wait3A_322 = arith.constant 0 : i32
        %dma_wait3A_323 = arith.constant 0 : i32
        %dma_wait3A_324 = tpu.memref_slice %arg8[%dma_wait3A_322, %dma_wait3A_323] : memref<16x1024xf32, #tpu.memory_space<vmem>> -> memref<10x1024xf32, #tpu.memory_space<vmem>>
        tpu.wait_dma2 semaphore(%run_scoped3A : memref<!tpu.dma_semaphore, #tpu.memory_space<semaphore_mem>>) src(%dma_wait3A_324 : memref<10x1024xf32, #tpu.memory_space<vmem>>) dst(%dma_wait3A_321 : memref<10x1024xf32, #tpu.memory_space<vmem_shared>>)
        tpu.yield
      }) : () -> ()
    } else {
    }
    %barrier3A_232 = arith.constant 0 : index
    tpu.barrier barrier_id(%barrier3A_232)
    %ne3A_233 = arith.constant 0 : i32
    %ne3A_234 = arith.cmpi ne, %arg1, %ne3A_233 : i32
    %convert_element_type3A_235 = arith.extui %ne3A_234 : i1 to i32
    %cond3A_236 = arith.constant 0 : i32
    %cond3A_237 = arith.cmpi ne, %convert_element_type3A_235, %cond3A_236 : i32
    scf.if %cond3A_237 {
      "tpu.region"() ({
        %run_scoped3A = tpu.sem_alloc : memref<!tpu.dma_semaphore, #tpu.memory_space<semaphore_mem>>
        %dma_start3A_301 = arith.constant 0 : i32
        %dma_start3A_302 = arith.constant 0 : i32
        %dma_start3A_303 = tpu.memref_slice %arg8[%dma_start3A_301, %dma_start3A_302] : memref<16x1024xf32, #tpu.memory_space<vmem>> -> memref<10x1024xf32, #tpu.memory_space<vmem>>
        %dma_start3A_304 = arith.constant 0 : i32
        %dma_start3A_305 = arith.constant 0 : i32
        %dma_start3A_306 = tpu.memref_slice %arg15[%dma_start3A_304, %dma_start3A_305] : memref<16x1024xf32, #tpu.memory_space<vmem_shared>> -> memref<16x1024xf32, #tpu.memory_space<vmem_shared>>
        tpu.enqueue_indirect_dma source(%dma_start3A_303 : memref<10x1024xf32, #tpu.memory_space<vmem>>) target(%dma_start3A_306 : memref<16x1024xf32, #tpu.memory_space<vmem_shared>>) offsets(%arg12 : memref<10xi32, #tpu.memory_space<vmem>>) semaphore(%run_scoped3A : memref<!tpu.dma_semaphore, #tpu.memory_space<semaphore_mem>>) {add = true}
        %dma_wait3A_307 = arith.constant 0 : i32
        %dma_wait3A_308 = arith.constant 0 : i32
        %dma_wait3A_309 = tpu.memref_slice %arg8[%dma_wait3A_307, %dma_wait3A_308] : memref<16x1024xf32, #tpu.memory_space<vmem>> -> memref<10x1024xf32, #tpu.memory_space<vmem>>
        %dma_wait3A_310 = arith.constant 0 : i32
        %dma_wait3A_311 = arith.constant 0 : i32
        %dma_wait3A_312 = tpu.memref_slice %arg15[%dma_wait3A_310, %dma_wait3A_311] : memref<16x1024xf32, #tpu.memory_space<vmem_shared>> -> memref<16x1024xf32, #tpu.memory_space<vmem_shared>>
        tpu.wait_indirect_dma semaphore(%run_scoped3A : memref<!tpu.dma_semaphore, #tpu.memory_space<semaphore_mem>>) src(%dma_wait3A_309 : memref<10x1024xf32, #tpu.memory_space<vmem>>) dst(%dma_wait3A_312 : memref<16x1024xf32, #tpu.memory_space<vmem_shared>>)
        tpu.yield
      }) : () -> ()
    } else {
    }
    %parallel_loop3A_238 = arith.constant 0 : i32
    %parallel_loop3A_239 = arith.constant 640 : i32
    %parallel_loop3A_240 = arith.constant 1 : i32
    scf.for %parallel_loop3A_301 = %parallel_loop3A_238 to %parallel_loop3A_239 step %parallel_loop3A_240  : i32 {
      %parallel_loop3A_302 = arith.constant 6 : i32
      %parallel_loop3A_303 = arith.shrsi %parallel_loop3A_301, %parallel_loop3A_302 : i32
      %parallel_loop3A_304 = arith.constant 63 : i32
      %parallel_loop3A_305 = arith.andi %parallel_loop3A_301, %parallel_loop3A_304 : i32
      %parallel_loop3A_306 = arith.constant 16 : i32
      %parallel_loop3A_307 = arith.muli %parallel_loop3A_305, %parallel_loop3A_306 : i32
      %parallel_loop3A_308 = arith.index_cast %parallel_loop3A_303 : i32 to index
      %parallel_loop3A_309 = arith.index_cast %parallel_loop3A_307 : i32 to index
      %parallel_loop3A_310 = tpu.vector_load %arg8[%parallel_loop3A_308, %parallel_loop3A_309] {strides = array<i32>} : memref<16x1024xf32, #tpu.memory_space<vmem>>, vector<16xf32>,
      tpu.vector_store %arg8[%parallel_loop3A_308, %parallel_loop3A_309], %broadcast_in_dim3A_2 {strides = array<i32>} : memref<16x1024xf32, #tpu.memory_space<vmem>>, vector<16xf32>,
    } {sc.loop_unroll_factor = 8 : i64, sc.parallel_access}
    %barrier3A_241 = arith.constant 0 : index
    tpu.barrier barrier_id(%barrier3A_241)
    "tpu.region"() ({
      %run_scoped3A = tpu.sem_alloc : memref<!tpu.dma_semaphore, #tpu.memory_space<semaphore_mem>>
      %dma_start3A_301 = arith.constant 0 : i32
      %dma_start3A_302 = arith.constant 0 : i32
      %dma_start3A_303 = tpu.memref_slice %arg7[%dma_start3A_301, %dma_start3A_302] : memref<16x1024xf32, #tpu.memory_space<vmem>> -> memref<10x1024xf32, #tpu.memory_space<vmem>>
      %dma_start3A_304 = arith.constant 0 : i32
      %dma_start3A_305 = arith.constant 0 : i32
      %dma_start3A_306 = tpu.memref_slice %arg15[%dma_start3A_304, %dma_start3A_305] : memref<16x1024xf32, #tpu.memory_space<vmem_shared>> -> memref<10x1024xf32, #tpu.memory_space<vmem_shared>>
      %dma_start3A_307 = arith.constant 0 : i32
      %dma_start3A_308 = arith.constant 0 : i32
      %dma_start3A_309 = tpu.memref_slice %arg7[%dma_start3A_307, %dma_start3A_308] : memref<16x1024xf32, #tpu.memory_space<vmem>> -> memref<10x1024xf32, #tpu.memory_space<vmem>>
      %dma_start3A_310 = arith.constant 0 : i32
      %dma_start3A_311 = arith.constant 0 : i32
      %dma_start3A_312 = tpu.memref_slice %arg15[%dma_start3A_310, %dma_start3A_311] : memref<16x1024xf32, #tpu.memory_space<vmem_shared>> -> memref<10x1024xf32, #tpu.memory_space<vmem_shared>>
      tpu.enqueue_dma source(%dma_start3A_312 : memref<10x1024xf32, #tpu.memory_space<vmem_shared>>) target(%dma_start3A_309 : memref<10x1024xf32, #tpu.memory_space<vmem>>) target_semaphore(%run_scoped3A : memref<!tpu.dma_semaphore, #tpu.memory_space<semaphore_mem>>)
      %dma_wait3A_313 = arith.constant 0 : i32
      %dma_wait3A_314 = arith.constant 0 : i32
      %dma_wait3A_315 = tpu.memref_slice %arg7[%dma_wait3A_313, %dma_wait3A_314] : memref<16x1024xf32, #tpu.memory_space<vmem>> -> memref<10x1024xf32, #tpu.memory_space<vmem>>
      %dma_wait3A_316 = arith.constant 0 : i32
      %dma_wait3A_317 = arith.constant 0 : i32
      %dma_wait3A_318 = tpu.memref_slice %arg15[%dma_wait3A_316, %dma_wait3A_317] : memref<16x1024xf32, #tpu.memory_space<vmem_shared>> -> memref<10x1024xf32, #tpu.memory_space<vmem_shared>>
      %dma_wait3A_319 = arith.constant 0 : i32
      %dma_wait3A_320 = arith.constant 0 : i32
      %dma_wait3A_321 = tpu.memref_slice %arg7[%dma_wait3A_319, %dma_wait3A_320] : memref<16x1024xf32, #tpu.memory_space<vmem>> -> memref<10x1024xf32, #tpu.memory_space<vmem>>
      %dma_wait3A_322 = arith.constant 0 : i32
      %dma_wait3A_323 = arith.constant 0 : i32
      %dma_wait3A_324 = tpu.memref_slice %arg15[%dma_wait3A_322, %dma_wait3A_323] : memref<16x1024xf32, #tpu.memory_space<vmem_shared>> -> memref<10x1024xf32, #tpu.memory_space<vmem_shared>>
      tpu.wait_dma2 semaphore(%run_scoped3A : memref<!tpu.dma_semaphore, #tpu.memory_space<semaphore_mem>>) src(%dma_wait3A_324 : memref<10x1024xf32, #tpu.memory_space<vmem_shared>>) dst(%dma_wait3A_321 : memref<10x1024xf32, #tpu.memory_space<vmem>>)
      tpu.yield
    }) : () -> ()
    %parallel_loop3A_242 = arith.constant 0 : i32
    %parallel_loop3A_243 = arith.constant 640 : i32
    %parallel_loop3A_244 = arith.constant 1 : i32
    scf.for %parallel_loop3A_301 = %parallel_loop3A_242 to %parallel_loop3A_243 step %parallel_loop3A_244  : i32 {
      %parallel_loop3A_302 = arith.constant 6 : i32
      %parallel_loop3A_303 = arith.shrsi %parallel_loop3A_301, %parallel_loop3A_302 : i32
      %parallel_loop3A_304 = arith.constant 63 : i32
      %parallel_loop3A_305 = arith.andi %parallel_loop3A_301, %parallel_loop3A_304 : i32
      %parallel_loop3A_306 = arith.constant 16 : i32
      %parallel_loop3A_307 = arith.muli %parallel_loop3A_305, %parallel_loop3A_306 : i32
      %parallel_loop3A_308 = arith.index_cast %parallel_loop3A_303 : i32 to index
      %parallel_loop3A_309 = arith.index_cast %parallel_loop3A_307 : i32 to index
      %parallel_loop3A_310 = tpu.vector_load %arg7[%parallel_loop3A_308, %parallel_loop3A_309] {strides = array<i32>} : memref<16x1024xf32, #tpu.memory_space<vmem>>, vector<16xf32>,
      %parallel_loop3A_311 = arith.index_cast %parallel_loop3A_303 : i32 to index
      %parallel_loop3A_312 = arith.index_cast %parallel_loop3A_307 : i32 to index
      %parallel_loop3A_313 = tpu.vector_load %arg9[%parallel_loop3A_311, %parallel_loop3A_312] {strides = array<i32>} : memref<16x1024xf32, #tpu.memory_space<vmem>>, vector<16xf32>,
      %parallel_loop3A_314 = arith.mulf %parallel_loop3A_310, %parallel_loop3A_313 : vector<16xf32>
      %parallel_loop3A_315 = arith.index_cast %parallel_loop3A_303 : i32 to index
      %parallel_loop3A_316 = arith.index_cast %parallel_loop3A_307 : i32 to index
      %parallel_loop3A_317 = tpu.vector_load %arg7[%parallel_loop3A_315, %parallel_loop3A_316] {strides = array<i32>} : memref<16x1024xf32, #tpu.memory_space<vmem>>, vector<16xf32>,
      tpu.vector_store %arg7[%parallel_loop3A_315, %parallel_loop3A_316], %parallel_loop3A_314 {strides = array<i32>} : memref<16x1024xf32, #tpu.memory_space<vmem>>, vector<16xf32>,
    } {sc.loop_unroll_factor = 4 : i64, sc.parallel_access}
    %parallel_loop3A_245 = arith.constant 0 : i32
    %parallel_loop3A_246 = arith.constant 64 : i32
    %parallel_loop3A_247 = arith.constant 1 : i32
    scf.for %parallel_loop3A_301 = %parallel_loop3A_245 to %parallel_loop3A_246 step %parallel_loop3A_247  : i32 {
      %parallel_loop3A_302 = arith.constant 16 : i32
      %parallel_loop3A_303 = arith.muli %parallel_loop3A_301, %parallel_loop3A_302 : i32
      %parallel_loop3A_304 = arith.index_cast %parallel_loop3A_303 : i32 to index
      %parallel_loop3A_305 = tpu.vector_load %arg10[%parallel_loop3A_304] {strides = array<i32>} : memref<1024xf32, #tpu.memory_space<vmem>>, vector<16xf32>,
      %parallel_loop3A_306 = arith.index_cast %arg1 : i32 to index
      %parallel_loop3A_307 = arith.index_cast %parallel_loop3A_303 : i32 to index
      %parallel_loop3A_308 = tpu.vector_load %arg7[%parallel_loop3A_306, %parallel_loop3A_307] {strides = array<i32>} : memref<16x1024xf32, #tpu.memory_space<vmem>>, vector<16xf32>,
      %parallel_loop3A_309 = arith.constant 4.30467207E-6 : f32
      %parallel_loop3A_310 = vector.broadcast %parallel_loop3A_309 : f32 to vector<16xf32>
      %parallel_loop3A_311 = arith.mulf %parallel_loop3A_310, %parallel_loop3A_308 : vector<16xf32>
      %parallel_loop3A_312 = arith.addf %parallel_loop3A_305, %parallel_loop3A_311 : vector<16xf32>
      %parallel_loop3A_313 = arith.index_cast %parallel_loop3A_303 : i32 to index
      %parallel_loop3A_314 = tpu.vector_load %arg10[%parallel_loop3A_313] {strides = array<i32>} : memref<1024xf32, #tpu.memory_space<vmem>>, vector<16xf32>,
      tpu.vector_store %arg10[%parallel_loop3A_313], %parallel_loop3A_312 {strides = array<i32>} : memref<1024xf32, #tpu.memory_space<vmem>>, vector<16xf32>,
    } {sc.loop_unroll_factor = 4 : i64, sc.parallel_access}
    %barrier3A_248 = arith.constant 0 : index
    tpu.barrier barrier_id(%barrier3A_248)
    %parallel_loop3A_249 = arith.constant 0 : i32
    %parallel_loop3A_250 = arith.constant 1250 : i32
    %parallel_loop3A_251 = arith.constant 1 : i32
    scf.for %parallel_loop3A_301 = %parallel_loop3A_249 to %parallel_loop3A_250 step %parallel_loop3A_251  : i32 {
      %parallel_loop3A_302 = arith.constant 16 : i32
      %parallel_loop3A_303 = arith.muli %parallel_loop3A_301, %parallel_loop3A_302 : i32
      %parallel_loop3A_304 = arith.index_cast %parallel_loop3A_303 : i32 to index
      %parallel_loop3A_305 = tpu.vector_load %arg6[%parallel_loop3A_304] {strides = array<i32>} : memref<20000xi32, #tpu.memory_space<vmem>>, vector<16xi32>,
      %parallel_loop3A_306 = arith.constant 10 : i32
      %parallel_loop3A_307 = vector.broadcast %parallel_loop3A_306 : i32 to vector<16xi32>
      %parallel_loop3A_308 = arith.shrsi %parallel_loop3A_305, %parallel_loop3A_307 : vector<16xi32>
      %parallel_loop3A_309 = arith.constant 15 : i32
      %parallel_loop3A_310 = vector.broadcast %parallel_loop3A_309 : i32 to vector<16xi32>
      %parallel_loop3A_311 = arith.andi %parallel_loop3A_308, %parallel_loop3A_310 : vector<16xi32>
      %parallel_loop3A_312 = arith.constant 1023 : i32
      %parallel_loop3A_313 = vector.broadcast %parallel_loop3A_312 : i32 to vector<16xi32>
      %parallel_loop3A_314 = arith.andi %parallel_loop3A_305, %parallel_loop3A_313 : vector<16xi32>
      %parallel_loop3A_315 = tpu.vector_load_idx %arg7[%parallel_loop3A_311, %parallel_loop3A_314] : memref<16x1024xf32, #tpu.memory_space<vmem>>[vector<16xi32>, vector<16xi32>], vector<16xf32>,
      %parallel_loop3A_316 = arith.constant 24 : i32
      %parallel_loop3A_317 = vector.broadcast %parallel_loop3A_316 : i32 to vector<16xi32>
      %parallel_loop3A_318 = arith.shrsi %parallel_loop3A_305, %parallel_loop3A_317 : vector<16xi32>
      %parallel_loop3A_319 = arith.constant 14 : i32
      %parallel_loop3A_320 = vector.broadcast %parallel_loop3A_319 : i32 to vector<16xi32>
      %parallel_loop3A_321 = arith.shrsi %parallel_loop3A_305, %parallel_loop3A_320 : vector<16xi32>
      %parallel_loop3A_322 = arith.constant 1023 : i32
      %parallel_loop3A_323 = vector.broadcast %parallel_loop3A_322 : i32 to vector<16xi32>
      %parallel_loop3A_324 = arith.andi %parallel_loop3A_321, %parallel_loop3A_323 : vector<16xi32>
      tpu.vector_store_idx %arg8[%parallel_loop3A_318, %parallel_loop3A_324], %parallel_loop3A_315 {add = true} : memref<16x1024xf32, #tpu.memory_space<vmem>>[vector<16xi32>, vector<16xi32>], vector<16xf32>,
    } {sc.loop_unroll_factor = 32 : i64, sc.parallel_access}
    %eq3A_252 = arith.constant 0 : i32
    %eq3A_253 = arith.cmpi eq, %arg1, %eq3A_252 : i32
    %convert_element_type3A_254 = arith.extui %eq3A_253 : i1 to i32
    %cond3A_255 = arith.constant 0 : i32
    %cond3A_256 = arith.cmpi ne, %convert_element_type3A_254, %cond3A_255 : i32
    scf.if %cond3A_256 {
      "tpu.region"() ({
        %run_scoped3A = tpu.sem_alloc : memref<!tpu.dma_semaphore, #tpu.memory_space<semaphore_mem>>
        %dma_start3A_301 = arith.constant 0 : i32
        %dma_start3A_302 = arith.constant 0 : i32
        %dma_start3A_303 = tpu.memref_slice %arg8[%dma_start3A_301, %dma_start3A_302] : memref<16x1024xf32, #tpu.memory_space<vmem>> -> memref<10x1024xf32, #tpu.memory_space<vmem>>
        %dma_start3A_304 = arith.constant 0 : i32
        %dma_start3A_305 = arith.constant 0 : i32
        %dma_start3A_306 = tpu.memref_slice %arg15[%dma_start3A_304, %dma_start3A_305] : memref<16x1024xf32, #tpu.memory_space<vmem_shared>> -> memref<10x1024xf32, #tpu.memory_space<vmem_shared>>
        %dma_start3A_307 = arith.constant 0 : i32
        %dma_start3A_308 = arith.constant 0 : i32
        %dma_start3A_309 = tpu.memref_slice %arg15[%dma_start3A_307, %dma_start3A_308] : memref<16x1024xf32, #tpu.memory_space<vmem_shared>> -> memref<10x1024xf32, #tpu.memory_space<vmem_shared>>
        %dma_start3A_310 = arith.constant 0 : i32
        %dma_start3A_311 = arith.constant 0 : i32
        %dma_start3A_312 = tpu.memref_slice %arg8[%dma_start3A_310, %dma_start3A_311] : memref<16x1024xf32, #tpu.memory_space<vmem>> -> memref<10x1024xf32, #tpu.memory_space<vmem>>
        tpu.enqueue_dma source(%dma_start3A_312 : memref<10x1024xf32, #tpu.memory_space<vmem>>) target(%dma_start3A_309 : memref<10x1024xf32, #tpu.memory_space<vmem_shared>>) target_semaphore(%run_scoped3A : memref<!tpu.dma_semaphore, #tpu.memory_space<semaphore_mem>>)
        %dma_wait3A_313 = arith.constant 0 : i32
        %dma_wait3A_314 = arith.constant 0 : i32
        %dma_wait3A_315 = tpu.memref_slice %arg8[%dma_wait3A_313, %dma_wait3A_314] : memref<16x1024xf32, #tpu.memory_space<vmem>> -> memref<10x1024xf32, #tpu.memory_space<vmem>>
        %dma_wait3A_316 = arith.constant 0 : i32
        %dma_wait3A_317 = arith.constant 0 : i32
        %dma_wait3A_318 = tpu.memref_slice %arg15[%dma_wait3A_316, %dma_wait3A_317] : memref<16x1024xf32, #tpu.memory_space<vmem_shared>> -> memref<10x1024xf32, #tpu.memory_space<vmem_shared>>
        %dma_wait3A_319 = arith.constant 0 : i32
        %dma_wait3A_320 = arith.constant 0 : i32
        %dma_wait3A_321 = tpu.memref_slice %arg15[%dma_wait3A_319, %dma_wait3A_320] : memref<16x1024xf32, #tpu.memory_space<vmem_shared>> -> memref<10x1024xf32, #tpu.memory_space<vmem_shared>>
        %dma_wait3A_322 = arith.constant 0 : i32
        %dma_wait3A_323 = arith.constant 0 : i32
        %dma_wait3A_324 = tpu.memref_slice %arg8[%dma_wait3A_322, %dma_wait3A_323] : memref<16x1024xf32, #tpu.memory_space<vmem>> -> memref<10x1024xf32, #tpu.memory_space<vmem>>
        tpu.wait_dma2 semaphore(%run_scoped3A : memref<!tpu.dma_semaphore, #tpu.memory_space<semaphore_mem>>) src(%dma_wait3A_324 : memref<10x1024xf32, #tpu.memory_space<vmem>>) dst(%dma_wait3A_321 : memref<10x1024xf32, #tpu.memory_space<vmem_shared>>)
        tpu.yield
      }) : () -> ()
    } else {
    }
    %barrier3A_257 = arith.constant 0 : index
    tpu.barrier barrier_id(%barrier3A_257)
    %ne3A_258 = arith.constant 0 : i32
    %ne3A_259 = arith.cmpi ne, %arg1, %ne3A_258 : i32
    %convert_element_type3A_260 = arith.extui %ne3A_259 : i1 to i32
    %cond3A_261 = arith.constant 0 : i32
    %cond3A_262 = arith.cmpi ne, %convert_element_type3A_260, %cond3A_261 : i32
    scf.if %cond3A_262 {
      "tpu.region"() ({
        %run_scoped3A = tpu.sem_alloc : memref<!tpu.dma_semaphore, #tpu.memory_space<semaphore_mem>>
        %dma_start3A_301 = arith.constant 0 : i32
        %dma_start3A_302 = arith.constant 0 : i32
        %dma_start3A_303 = tpu.memref_slice %arg8[%dma_start3A_301, %dma_start3A_302] : memref<16x1024xf32, #tpu.memory_space<vmem>> -> memref<10x1024xf32, #tpu.memory_space<vmem>>
        %dma_start3A_304 = arith.constant 0 : i32
        %dma_start3A_305 = arith.constant 0 : i32
        %dma_start3A_306 = tpu.memref_slice %arg15[%dma_start3A_304, %dma_start3A_305] : memref<16x1024xf32, #tpu.memory_space<vmem_shared>> -> memref<16x1024xf32, #tpu.memory_space<vmem_shared>>
        tpu.enqueue_indirect_dma source(%dma_start3A_303 : memref<10x1024xf32, #tpu.memory_space<vmem>>) target(%dma_start3A_306 : memref<16x1024xf32, #tpu.memory_space<vmem_shared>>) offsets(%arg12 : memref<10xi32, #tpu.memory_space<vmem>>) semaphore(%run_scoped3A : memref<!tpu.dma_semaphore, #tpu.memory_space<semaphore_mem>>) {add = true}
        %dma_wait3A_307 = arith.constant 0 : i32
        %dma_wait3A_308 = arith.constant 0 : i32
        %dma_wait3A_309 = tpu.memref_slice %arg8[%dma_wait3A_307, %dma_wait3A_308] : memref<16x1024xf32, #tpu.memory_space<vmem>> -> memref<10x1024xf32, #tpu.memory_space<vmem>>
        %dma_wait3A_310 = arith.constant 0 : i32
        %dma_wait3A_311 = arith.constant 0 : i32
        %dma_wait3A_312 = tpu.memref_slice %arg15[%dma_wait3A_310, %dma_wait3A_311] : memref<16x1024xf32, #tpu.memory_space<vmem_shared>> -> memref<16x1024xf32, #tpu.memory_space<vmem_shared>>
        tpu.wait_indirect_dma semaphore(%run_scoped3A : memref<!tpu.dma_semaphore, #tpu.memory_space<semaphore_mem>>) src(%dma_wait3A_309 : memref<10x1024xf32, #tpu.memory_space<vmem>>) dst(%dma_wait3A_312 : memref<16x1024xf32, #tpu.memory_space<vmem_shared>>)
        tpu.yield
      }) : () -> ()
    } else {
    }
    %parallel_loop3A_263 = arith.constant 0 : i32
    %parallel_loop3A_264 = arith.constant 640 : i32
    %parallel_loop3A_265 = arith.constant 1 : i32
    scf.for %parallel_loop3A_301 = %parallel_loop3A_263 to %parallel_loop3A_264 step %parallel_loop3A_265  : i32 {
      %parallel_loop3A_302 = arith.constant 6 : i32
      %parallel_loop3A_303 = arith.shrsi %parallel_loop3A_301, %parallel_loop3A_302 : i32
      %parallel_loop3A_304 = arith.constant 63 : i32
      %parallel_loop3A_305 = arith.andi %parallel_loop3A_301, %parallel_loop3A_304 : i32
      %parallel_loop3A_306 = arith.constant 16 : i32
      %parallel_loop3A_307 = arith.muli %parallel_loop3A_305, %parallel_loop3A_306 : i32
      %parallel_loop3A_308 = arith.index_cast %parallel_loop3A_303 : i32 to index
      %parallel_loop3A_309 = arith.index_cast %parallel_loop3A_307 : i32 to index
      %parallel_loop3A_310 = tpu.vector_load %arg8[%parallel_loop3A_308, %parallel_loop3A_309] {strides = array<i32>} : memref<16x1024xf32, #tpu.memory_space<vmem>>, vector<16xf32>,
      tpu.vector_store %arg8[%parallel_loop3A_308, %parallel_loop3A_309], %broadcast_in_dim3A_2 {strides = array<i32>} : memref<16x1024xf32, #tpu.memory_space<vmem>>, vector<16xf32>,
    } {sc.loop_unroll_factor = 8 : i64, sc.parallel_access}
    %barrier3A_266 = arith.constant 0 : index
    tpu.barrier barrier_id(%barrier3A_266)
    "tpu.region"() ({
      %run_scoped3A = tpu.sem_alloc : memref<!tpu.dma_semaphore, #tpu.memory_space<semaphore_mem>>
      %dma_start3A_301 = arith.constant 0 : i32
      %dma_start3A_302 = arith.constant 0 : i32
      %dma_start3A_303 = tpu.memref_slice %arg7[%dma_start3A_301, %dma_start3A_302] : memref<16x1024xf32, #tpu.memory_space<vmem>> -> memref<10x1024xf32, #tpu.memory_space<vmem>>
      %dma_start3A_304 = arith.constant 0 : i32
      %dma_start3A_305 = arith.constant 0 : i32
      %dma_start3A_306 = tpu.memref_slice %arg15[%dma_start3A_304, %dma_start3A_305] : memref<16x1024xf32, #tpu.memory_space<vmem_shared>> -> memref<10x1024xf32, #tpu.memory_space<vmem_shared>>
      %dma_start3A_307 = arith.constant 0 : i32
      %dma_start3A_308 = arith.constant 0 : i32
      %dma_start3A_309 = tpu.memref_slice %arg7[%dma_start3A_307, %dma_start3A_308] : memref<16x1024xf32, #tpu.memory_space<vmem>> -> memref<10x1024xf32, #tpu.memory_space<vmem>>
      %dma_start3A_310 = arith.constant 0 : i32
      %dma_start3A_311 = arith.constant 0 : i32
      %dma_start3A_312 = tpu.memref_slice %arg15[%dma_start3A_310, %dma_start3A_311] : memref<16x1024xf32, #tpu.memory_space<vmem_shared>> -> memref<10x1024xf32, #tpu.memory_space<vmem_shared>>
      tpu.enqueue_dma source(%dma_start3A_312 : memref<10x1024xf32, #tpu.memory_space<vmem_shared>>) target(%dma_start3A_309 : memref<10x1024xf32, #tpu.memory_space<vmem>>) target_semaphore(%run_scoped3A : memref<!tpu.dma_semaphore, #tpu.memory_space<semaphore_mem>>)
      %dma_wait3A_313 = arith.constant 0 : i32
      %dma_wait3A_314 = arith.constant 0 : i32
      %dma_wait3A_315 = tpu.memref_slice %arg7[%dma_wait3A_313, %dma_wait3A_314] : memref<16x1024xf32, #tpu.memory_space<vmem>> -> memref<10x1024xf32, #tpu.memory_space<vmem>>
      %dma_wait3A_316 = arith.constant 0 : i32
      %dma_wait3A_317 = arith.constant 0 : i32
      %dma_wait3A_318 = tpu.memref_slice %arg15[%dma_wait3A_316, %dma_wait3A_317] : memref<16x1024xf32, #tpu.memory_space<vmem_shared>> -> memref<10x1024xf32, #tpu.memory_space<vmem_shared>>
      %dma_wait3A_319 = arith.constant 0 : i32
      %dma_wait3A_320 = arith.constant 0 : i32
      %dma_wait3A_321 = tpu.memref_slice %arg7[%dma_wait3A_319, %dma_wait3A_320] : memref<16x1024xf32, #tpu.memory_space<vmem>> -> memref<10x1024xf32, #tpu.memory_space<vmem>>
      %dma_wait3A_322 = arith.constant 0 : i32
      %dma_wait3A_323 = arith.constant 0 : i32
      %dma_wait3A_324 = tpu.memref_slice %arg15[%dma_wait3A_322, %dma_wait3A_323] : memref<16x1024xf32, #tpu.memory_space<vmem_shared>> -> memref<10x1024xf32, #tpu.memory_space<vmem_shared>>
      tpu.wait_dma2 semaphore(%run_scoped3A : memref<!tpu.dma_semaphore, #tpu.memory_space<semaphore_mem>>) src(%dma_wait3A_324 : memref<10x1024xf32, #tpu.memory_space<vmem_shared>>) dst(%dma_wait3A_321 : memref<10x1024xf32, #tpu.memory_space<vmem>>)
      tpu.yield
    }) : () -> ()
    %parallel_loop3A_267 = arith.constant 0 : i32
    %parallel_loop3A_268 = arith.constant 640 : i32
    %parallel_loop3A_269 = arith.constant 1 : i32
    scf.for %parallel_loop3A_301 = %parallel_loop3A_267 to %parallel_loop3A_268 step %parallel_loop3A_269  : i32 {
      %parallel_loop3A_302 = arith.constant 6 : i32
      %parallel_loop3A_303 = arith.shrsi %parallel_loop3A_301, %parallel_loop3A_302 : i32
      %parallel_loop3A_304 = arith.constant 63 : i32
      %parallel_loop3A_305 = arith.andi %parallel_loop3A_301, %parallel_loop3A_304 : i32
      %parallel_loop3A_306 = arith.constant 16 : i32
      %parallel_loop3A_307 = arith.muli %parallel_loop3A_305, %parallel_loop3A_306 : i32
      %parallel_loop3A_308 = arith.index_cast %parallel_loop3A_303 : i32 to index
      %parallel_loop3A_309 = arith.index_cast %parallel_loop3A_307 : i32 to index
      %parallel_loop3A_310 = tpu.vector_load %arg7[%parallel_loop3A_308, %parallel_loop3A_309] {strides = array<i32>} : memref<16x1024xf32, #tpu.memory_space<vmem>>, vector<16xf32>,
      %parallel_loop3A_311 = arith.index_cast %parallel_loop3A_303 : i32 to index
      %parallel_loop3A_312 = arith.index_cast %parallel_loop3A_307 : i32 to index
      %parallel_loop3A_313 = tpu.vector_load %arg9[%parallel_loop3A_311, %parallel_loop3A_312] {strides = array<i32>} : memref<16x1024xf32, #tpu.memory_space<vmem>>, vector<16xf32>,
      %parallel_loop3A_314 = arith.mulf %parallel_loop3A_310, %parallel_loop3A_313 : vector<16xf32>
      %parallel_loop3A_315 = arith.index_cast %parallel_loop3A_303 : i32 to index
      %parallel_loop3A_316 = arith.index_cast %parallel_loop3A_307 : i32 to index
      %parallel_loop3A_317 = tpu.vector_load %arg7[%parallel_loop3A_315, %parallel_loop3A_316] {strides = array<i32>} : memref<16x1024xf32, #tpu.memory_space<vmem>>, vector<16xf32>,
      tpu.vector_store %arg7[%parallel_loop3A_315, %parallel_loop3A_316], %parallel_loop3A_314 {strides = array<i32>} : memref<16x1024xf32, #tpu.memory_space<vmem>>, vector<16xf32>,
    } {sc.loop_unroll_factor = 4 : i64, sc.parallel_access}
    %parallel_loop3A_270 = arith.constant 0 : i32
    %parallel_loop3A_271 = arith.constant 64 : i32
    %parallel_loop3A_272 = arith.constant 1 : i32
    scf.for %parallel_loop3A_301 = %parallel_loop3A_270 to %parallel_loop3A_271 step %parallel_loop3A_272  : i32 {
      %parallel_loop3A_302 = arith.constant 16 : i32
      %parallel_loop3A_303 = arith.muli %parallel_loop3A_301, %parallel_loop3A_302 : i32
      %parallel_loop3A_304 = arith.index_cast %parallel_loop3A_303 : i32 to index
      %parallel_loop3A_305 = tpu.vector_load %arg10[%parallel_loop3A_304] {strides = array<i32>} : memref<1024xf32, #tpu.memory_space<vmem>>, vector<16xf32>,
      %parallel_loop3A_306 = arith.index_cast %arg1 : i32 to index
      %parallel_loop3A_307 = arith.index_cast %parallel_loop3A_303 : i32 to index
      %parallel_loop3A_308 = tpu.vector_load %arg7[%parallel_loop3A_306, %parallel_loop3A_307] {strides = array<i32>} : memref<16x1024xf32, #tpu.memory_space<vmem>>, vector<16xf32>,
      %parallel_loop3A_309 = arith.constant 3.87420505E-6 : f32
      %parallel_loop3A_310 = vector.broadcast %parallel_loop3A_309 : f32 to vector<16xf32>
      %parallel_loop3A_311 = arith.mulf %parallel_loop3A_310, %parallel_loop3A_308 : vector<16xf32>
      %parallel_loop3A_312 = arith.addf %parallel_loop3A_305, %parallel_loop3A_311 : vector<16xf32>
      %parallel_loop3A_313 = arith.index_cast %parallel_loop3A_303 : i32 to index
      %parallel_loop3A_314 = tpu.vector_load %arg10[%parallel_loop3A_313] {strides = array<i32>} : memref<1024xf32, #tpu.memory_space<vmem>>, vector<16xf32>,
      tpu.vector_store %arg10[%parallel_loop3A_313], %parallel_loop3A_312 {strides = array<i32>} : memref<1024xf32, #tpu.memory_space<vmem>>, vector<16xf32>,
    } {sc.loop_unroll_factor = 4 : i64, sc.parallel_access}
    %barrier3A_273 = arith.constant 0 : index
    tpu.barrier barrier_id(%barrier3A_273)
    %parallel_loop3A_274 = arith.constant 0 : i32
    %parallel_loop3A_275 = arith.constant 1250 : i32
    %parallel_loop3A_276 = arith.constant 1 : i32
    scf.for %parallel_loop3A_301 = %parallel_loop3A_274 to %parallel_loop3A_275 step %parallel_loop3A_276  : i32 {
      %parallel_loop3A_302 = arith.constant 16 : i32
      %parallel_loop3A_303 = arith.muli %parallel_loop3A_301, %parallel_loop3A_302 : i32
      %parallel_loop3A_304 = arith.index_cast %parallel_loop3A_303 : i32 to index
      %parallel_loop3A_305 = tpu.vector_load %arg6[%parallel_loop3A_304] {strides = array<i32>} : memref<20000xi32, #tpu.memory_space<vmem>>, vector<16xi32>,
      %parallel_loop3A_306 = arith.constant 10 : i32
      %parallel_loop3A_307 = vector.broadcast %parallel_loop3A_306 : i32 to vector<16xi32>
      %parallel_loop3A_308 = arith.shrsi %parallel_loop3A_305, %parallel_loop3A_307 : vector<16xi32>
      %parallel_loop3A_309 = arith.constant 15 : i32
      %parallel_loop3A_310 = vector.broadcast %parallel_loop3A_309 : i32 to vector<16xi32>
      %parallel_loop3A_311 = arith.andi %parallel_loop3A_308, %parallel_loop3A_310 : vector<16xi32>
      %parallel_loop3A_312 = arith.constant 1023 : i32
      %parallel_loop3A_313 = vector.broadcast %parallel_loop3A_312 : i32 to vector<16xi32>
      %parallel_loop3A_314 = arith.andi %parallel_loop3A_305, %parallel_loop3A_313 : vector<16xi32>
      %parallel_loop3A_315 = tpu.vector_load_idx %arg7[%parallel_loop3A_311, %parallel_loop3A_314] : memref<16x1024xf32, #tpu.memory_space<vmem>>[vector<16xi32>, vector<16xi32>], vector<16xf32>,
      %parallel_loop3A_316 = arith.constant 24 : i32
      %parallel_loop3A_317 = vector.broadcast %parallel_loop3A_316 : i32 to vector<16xi32>
      %parallel_loop3A_318 = arith.shrsi %parallel_loop3A_305, %parallel_loop3A_317 : vector<16xi32>
      %parallel_loop3A_319 = arith.constant 14 : i32
      %parallel_loop3A_320 = vector.broadcast %parallel_loop3A_319 : i32 to vector<16xi32>
      %parallel_loop3A_321 = arith.shrsi %parallel_loop3A_305, %parallel_loop3A_320 : vector<16xi32>
      %parallel_loop3A_322 = arith.constant 1023 : i32
      %parallel_loop3A_323 = vector.broadcast %parallel_loop3A_322 : i32 to vector<16xi32>
      %parallel_loop3A_324 = arith.andi %parallel_loop3A_321, %parallel_loop3A_323 : vector<16xi32>
      tpu.vector_store_idx %arg8[%parallel_loop3A_318, %parallel_loop3A_324], %parallel_loop3A_315 {add = true} : memref<16x1024xf32, #tpu.memory_space<vmem>>[vector<16xi32>, vector<16xi32>], vector<16xf32>,
    } {sc.loop_unroll_factor = 32 : i64, sc.parallel_access}
    %eq3A_277 = arith.constant 0 : i32
    %eq3A_278 = arith.cmpi eq, %arg1, %eq3A_277 : i32
    %convert_element_type3A_279 = arith.extui %eq3A_278 : i1 to i32
    %cond3A_280 = arith.constant 0 : i32
    %cond3A_281 = arith.cmpi ne, %convert_element_type3A_279, %cond3A_280 : i32
    scf.if %cond3A_281 {
      "tpu.region"() ({
        %run_scoped3A = tpu.sem_alloc : memref<!tpu.dma_semaphore, #tpu.memory_space<semaphore_mem>>
        %dma_start3A_301 = arith.constant 0 : i32
        %dma_start3A_302 = arith.constant 0 : i32
        %dma_start3A_303 = tpu.memref_slice %arg8[%dma_start3A_301, %dma_start3A_302] : memref<16x1024xf32, #tpu.memory_space<vmem>> -> memref<10x1024xf32, #tpu.memory_space<vmem>>
        %dma_start3A_304 = arith.constant 0 : i32
        %dma_start3A_305 = arith.constant 0 : i32
        %dma_start3A_306 = tpu.memref_slice %arg15[%dma_start3A_304, %dma_start3A_305] : memref<16x1024xf32, #tpu.memory_space<vmem_shared>> -> memref<10x1024xf32, #tpu.memory_space<vmem_shared>>
        %dma_start3A_307 = arith.constant 0 : i32
        %dma_start3A_308 = arith.constant 0 : i32
        %dma_start3A_309 = tpu.memref_slice %arg15[%dma_start3A_307, %dma_start3A_308] : memref<16x1024xf32, #tpu.memory_space<vmem_shared>> -> memref<10x1024xf32, #tpu.memory_space<vmem_shared>>
        %dma_start3A_310 = arith.constant 0 : i32
        %dma_start3A_311 = arith.constant 0 : i32
        %dma_start3A_312 = tpu.memref_slice %arg8[%dma_start3A_310, %dma_start3A_311] : memref<16x1024xf32, #tpu.memory_space<vmem>> -> memref<10x1024xf32, #tpu.memory_space<vmem>>
        tpu.enqueue_dma source(%dma_start3A_312 : memref<10x1024xf32, #tpu.memory_space<vmem>>) target(%dma_start3A_309 : memref<10x1024xf32, #tpu.memory_space<vmem_shared>>) target_semaphore(%run_scoped3A : memref<!tpu.dma_semaphore, #tpu.memory_space<semaphore_mem>>)
        %dma_wait3A_313 = arith.constant 0 : i32
        %dma_wait3A_314 = arith.constant 0 : i32
        %dma_wait3A_315 = tpu.memref_slice %arg8[%dma_wait3A_313, %dma_wait3A_314] : memref<16x1024xf32, #tpu.memory_space<vmem>> -> memref<10x1024xf32, #tpu.memory_space<vmem>>
        %dma_wait3A_316 = arith.constant 0 : i32
        %dma_wait3A_317 = arith.constant 0 : i32
        %dma_wait3A_318 = tpu.memref_slice %arg15[%dma_wait3A_316, %dma_wait3A_317] : memref<16x1024xf32, #tpu.memory_space<vmem_shared>> -> memref<10x1024xf32, #tpu.memory_space<vmem_shared>>
        %dma_wait3A_319 = arith.constant 0 : i32
        %dma_wait3A_320 = arith.constant 0 : i32
        %dma_wait3A_321 = tpu.memref_slice %arg15[%dma_wait3A_319, %dma_wait3A_320] : memref<16x1024xf32, #tpu.memory_space<vmem_shared>> -> memref<10x1024xf32, #tpu.memory_space<vmem_shared>>
        %dma_wait3A_322 = arith.constant 0 : i32
        %dma_wait3A_323 = arith.constant 0 : i32
        %dma_wait3A_324 = tpu.memref_slice %arg8[%dma_wait3A_322, %dma_wait3A_323] : memref<16x1024xf32, #tpu.memory_space<vmem>> -> memref<10x1024xf32, #tpu.memory_space<vmem>>
        tpu.wait_dma2 semaphore(%run_scoped3A : memref<!tpu.dma_semaphore, #tpu.memory_space<semaphore_mem>>) src(%dma_wait3A_324 : memref<10x1024xf32, #tpu.memory_space<vmem>>) dst(%dma_wait3A_321 : memref<10x1024xf32, #tpu.memory_space<vmem_shared>>)
        tpu.yield
      }) : () -> ()
    } else {
    }
    %barrier3A_282 = arith.constant 0 : index
    tpu.barrier barrier_id(%barrier3A_282)
    %ne3A_283 = arith.constant 0 : i32
    %ne3A_284 = arith.cmpi ne, %arg1, %ne3A_283 : i32
    %convert_element_type3A_285 = arith.extui %ne3A_284 : i1 to i32
    %cond3A_286 = arith.constant 0 : i32
    %cond3A_287 = arith.cmpi ne, %convert_element_type3A_285, %cond3A_286 : i32
    scf.if %cond3A_287 {
      "tpu.region"() ({
        %run_scoped3A = tpu.sem_alloc : memref<!tpu.dma_semaphore, #tpu.memory_space<semaphore_mem>>
        %dma_start3A_301 = arith.constant 0 : i32
        %dma_start3A_302 = arith.constant 0 : i32
        %dma_start3A_303 = tpu.memref_slice %arg8[%dma_start3A_301, %dma_start3A_302] : memref<16x1024xf32, #tpu.memory_space<vmem>> -> memref<10x1024xf32, #tpu.memory_space<vmem>>
        %dma_start3A_304 = arith.constant 0 : i32
        %dma_start3A_305 = arith.constant 0 : i32
        %dma_start3A_306 = tpu.memref_slice %arg15[%dma_start3A_304, %dma_start3A_305] : memref<16x1024xf32, #tpu.memory_space<vmem_shared>> -> memref<16x1024xf32, #tpu.memory_space<vmem_shared>>
        tpu.enqueue_indirect_dma source(%dma_start3A_303 : memref<10x1024xf32, #tpu.memory_space<vmem>>) target(%dma_start3A_306 : memref<16x1024xf32, #tpu.memory_space<vmem_shared>>) offsets(%arg12 : memref<10xi32, #tpu.memory_space<vmem>>) semaphore(%run_scoped3A : memref<!tpu.dma_semaphore, #tpu.memory_space<semaphore_mem>>) {add = true}
        %dma_wait3A_307 = arith.constant 0 : i32
        %dma_wait3A_308 = arith.constant 0 : i32
        %dma_wait3A_309 = tpu.memref_slice %arg8[%dma_wait3A_307, %dma_wait3A_308] : memref<16x1024xf32, #tpu.memory_space<vmem>> -> memref<10x1024xf32, #tpu.memory_space<vmem>>
        %dma_wait3A_310 = arith.constant 0 : i32
        %dma_wait3A_311 = arith.constant 0 : i32
        %dma_wait3A_312 = tpu.memref_slice %arg15[%dma_wait3A_310, %dma_wait3A_311] : memref<16x1024xf32, #tpu.memory_space<vmem_shared>> -> memref<16x1024xf32, #tpu.memory_space<vmem_shared>>
        tpu.wait_indirect_dma semaphore(%run_scoped3A : memref<!tpu.dma_semaphore, #tpu.memory_space<semaphore_mem>>) src(%dma_wait3A_309 : memref<10x1024xf32, #tpu.memory_space<vmem>>) dst(%dma_wait3A_312 : memref<16x1024xf32, #tpu.memory_space<vmem_shared>>)
        tpu.yield
      }) : () -> ()
    } else {
    }
    %parallel_loop3A_288 = arith.constant 0 : i32
    %parallel_loop3A_289 = arith.constant 640 : i32
    %parallel_loop3A_290 = arith.constant 1 : i32
    scf.for %parallel_loop3A_301 = %parallel_loop3A_288 to %parallel_loop3A_289 step %parallel_loop3A_290  : i32 {
      %parallel_loop3A_302 = arith.constant 6 : i32
      %parallel_loop3A_303 = arith.shrsi %parallel_loop3A_301, %parallel_loop3A_302 : i32
      %parallel_loop3A_304 = arith.constant 63 : i32
      %parallel_loop3A_305 = arith.andi %parallel_loop3A_301, %parallel_loop3A_304 : i32
      %parallel_loop3A_306 = arith.constant 16 : i32
      %parallel_loop3A_307 = arith.muli %parallel_loop3A_305, %parallel_loop3A_306 : i32
      %parallel_loop3A_308 = arith.index_cast %parallel_loop3A_303 : i32 to index
      %parallel_loop3A_309 = arith.index_cast %parallel_loop3A_307 : i32 to index
      %parallel_loop3A_310 = tpu.vector_load %arg8[%parallel_loop3A_308, %parallel_loop3A_309] {strides = array<i32>} : memref<16x1024xf32, #tpu.memory_space<vmem>>, vector<16xf32>,
      tpu.vector_store %arg8[%parallel_loop3A_308, %parallel_loop3A_309], %broadcast_in_dim3A_2 {strides = array<i32>} : memref<16x1024xf32, #tpu.memory_space<vmem>>, vector<16xf32>,
    } {sc.loop_unroll_factor = 8 : i64, sc.parallel_access}
    %barrier3A_291 = arith.constant 0 : index
    tpu.barrier barrier_id(%barrier3A_291)
    "tpu.region"() ({
      %run_scoped3A = tpu.sem_alloc : memref<!tpu.dma_semaphore, #tpu.memory_space<semaphore_mem>>
      %dma_start3A_301 = arith.constant 0 : i32
      %dma_start3A_302 = arith.constant 0 : i32
      %dma_start3A_303 = tpu.memref_slice %arg7[%dma_start3A_301, %dma_start3A_302] : memref<16x1024xf32, #tpu.memory_space<vmem>> -> memref<10x1024xf32, #tpu.memory_space<vmem>>
      %dma_start3A_304 = arith.constant 0 : i32
      %dma_start3A_305 = arith.constant 0 : i32
      %dma_start3A_306 = tpu.memref_slice %arg15[%dma_start3A_304, %dma_start3A_305] : memref<16x1024xf32, #tpu.memory_space<vmem_shared>> -> memref<10x1024xf32, #tpu.memory_space<vmem_shared>>
      %dma_start3A_307 = arith.constant 0 : i32
      %dma_start3A_308 = arith.constant 0 : i32
      %dma_start3A_309 = tpu.memref_slice %arg7[%dma_start3A_307, %dma_start3A_308] : memref<16x1024xf32, #tpu.memory_space<vmem>> -> memref<10x1024xf32, #tpu.memory_space<vmem>>
      %dma_start3A_310 = arith.constant 0 : i32
      %dma_start3A_311 = arith.constant 0 : i32
      %dma_start3A_312 = tpu.memref_slice %arg15[%dma_start3A_310, %dma_start3A_311] : memref<16x1024xf32, #tpu.memory_space<vmem_shared>> -> memref<10x1024xf32, #tpu.memory_space<vmem_shared>>
      tpu.enqueue_dma source(%dma_start3A_312 : memref<10x1024xf32, #tpu.memory_space<vmem_shared>>) target(%dma_start3A_309 : memref<10x1024xf32, #tpu.memory_space<vmem>>) target_semaphore(%run_scoped3A : memref<!tpu.dma_semaphore, #tpu.memory_space<semaphore_mem>>)
      %dma_wait3A_313 = arith.constant 0 : i32
      %dma_wait3A_314 = arith.constant 0 : i32
      %dma_wait3A_315 = tpu.memref_slice %arg7[%dma_wait3A_313, %dma_wait3A_314] : memref<16x1024xf32, #tpu.memory_space<vmem>> -> memref<10x1024xf32, #tpu.memory_space<vmem>>
      %dma_wait3A_316 = arith.constant 0 : i32
      %dma_wait3A_317 = arith.constant 0 : i32
      %dma_wait3A_318 = tpu.memref_slice %arg15[%dma_wait3A_316, %dma_wait3A_317] : memref<16x1024xf32, #tpu.memory_space<vmem_shared>> -> memref<10x1024xf32, #tpu.memory_space<vmem_shared>>
      %dma_wait3A_319 = arith.constant 0 : i32
      %dma_wait3A_320 = arith.constant 0 : i32
      %dma_wait3A_321 = tpu.memref_slice %arg7[%dma_wait3A_319, %dma_wait3A_320] : memref<16x1024xf32, #tpu.memory_space<vmem>> -> memref<10x1024xf32, #tpu.memory_space<vmem>>
      %dma_wait3A_322 = arith.constant 0 : i32
      %dma_wait3A_323 = arith.constant 0 : i32
      %dma_wait3A_324 = tpu.memref_slice %arg15[%dma_wait3A_322, %dma_wait3A_323] : memref<16x1024xf32, #tpu.memory_space<vmem_shared>> -> memref<10x1024xf32, #tpu.memory_space<vmem_shared>>
      tpu.wait_dma2 semaphore(%run_scoped3A : memref<!tpu.dma_semaphore, #tpu.memory_space<semaphore_mem>>) src(%dma_wait3A_324 : memref<10x1024xf32, #tpu.memory_space<vmem_shared>>) dst(%dma_wait3A_321 : memref<10x1024xf32, #tpu.memory_space<vmem>>)
      tpu.yield
    }) : () -> ()
    %parallel_loop3A_292 = arith.constant 0 : i32
    %parallel_loop3A_293 = arith.constant 64 : i32
    %parallel_loop3A_294 = arith.constant 1 : i32
    scf.for %parallel_loop3A_301 = %parallel_loop3A_292 to %parallel_loop3A_293 step %parallel_loop3A_294  : i32 {
      %parallel_loop3A_302 = arith.constant 16 : i32
      %parallel_loop3A_303 = arith.muli %parallel_loop3A_301, %parallel_loop3A_302 : i32
      %parallel_loop3A_304 = arith.index_cast %parallel_loop3A_303 : i32 to index
      %parallel_loop3A_305 = tpu.vector_load %arg10[%parallel_loop3A_304] {strides = array<i32>} : memref<1024xf32, #tpu.memory_space<vmem>>, vector<16xf32>,
      %parallel_loop3A_306 = arith.index_cast %arg1 : i32 to index
      %parallel_loop3A_307 = arith.index_cast %parallel_loop3A_303 : i32 to index
      %parallel_loop3A_308 = tpu.vector_load %arg7[%parallel_loop3A_306, %parallel_loop3A_307] {strides = array<i32>} : memref<16x1024xf32, #tpu.memory_space<vmem>>, vector<16xf32>,
      %parallel_loop3A_309 = arith.index_cast %arg1 : i32 to index
      %parallel_loop3A_310 = arith.index_cast %parallel_loop3A_303 : i32 to index
      %parallel_loop3A_311 = tpu.vector_load %arg9[%parallel_loop3A_309, %parallel_loop3A_310] {strides = array<i32>} : memref<16x1024xf32, #tpu.memory_space<vmem>>, vector<16xf32>,
      %parallel_loop3A_312 = arith.mulf %parallel_loop3A_308, %parallel_loop3A_311 : vector<16xf32>
      %parallel_loop3A_313 = arith.constant 3.48678441E-5 : f32
      %parallel_loop3A_314 = vector.broadcast %parallel_loop3A_313 : f32 to vector<16xf32>
      %parallel_loop3A_315 = arith.mulf %parallel_loop3A_314, %parallel_loop3A_312 : vector<16xf32>
      %parallel_loop3A_316 = arith.addf %parallel_loop3A_305, %parallel_loop3A_315 : vector<16xf32>
      %parallel_loop3A_317 = arith.index_cast %parallel_loop3A_303 : i32 to index
      %parallel_loop3A_318 = tpu.vector_load %arg10[%parallel_loop3A_317] {strides = array<i32>} : memref<1024xf32, #tpu.memory_space<vmem>>, vector<16xf32>,
      tpu.vector_store %arg10[%parallel_loop3A_317], %parallel_loop3A_316 {strides = array<i32>} : memref<1024xf32, #tpu.memory_space<vmem>>, vector<16xf32>,
    } {sc.loop_unroll_factor = 4 : i64, sc.parallel_access}
    %barrier3A_295 = arith.constant 0 : index
    tpu.barrier barrier_id(%barrier3A_295)
    %parallel_loop3A_296 = arith.constant 0 : i32
    %parallel_loop3A_297 = arith.constant 64 : i32
    %parallel_loop3A_298 = arith.constant 1 : i32
    scf.for %parallel_loop3A_301 = %parallel_loop3A_296 to %parallel_loop3A_297 step %parallel_loop3A_298  : i32 {
      %parallel_loop3A_302 = arith.constant 16 : i32
      %parallel_loop3A_303 = arith.muli %parallel_loop3A_301, %parallel_loop3A_302 : i32
      %parallel_loop3A_304 = arith.index_cast %parallel_loop3A_303 : i32 to index
      %parallel_loop3A_305 = tpu.vector_load %arg10[%parallel_loop3A_304] {strides = array<i32>} : memref<1024xf32, #tpu.memory_space<vmem>>, vector<16xf32>,
      %parallel_loop3A_306 = arith.index_cast %parallel_loop3A_303 : i32 to index
      %parallel_loop3A_307 = tpu.vector_load %arg11[%parallel_loop3A_306] {strides = array<i32>} : memref<1024xf32, #tpu.memory_space<vmem>>, vector<16xf32>,
      %parallel_loop3A_308 = arith.divf %parallel_loop3A_305, %parallel_loop3A_307 : vector<16xf32>
      %parallel_loop3A_309 = arith.index_cast %parallel_loop3A_303 : i32 to index
      %parallel_loop3A_310 = tpu.vector_load %arg10[%parallel_loop3A_309] {strides = array<i32>} : memref<1024xf32, #tpu.memory_space<vmem>>, vector<16xf32>,
      tpu.vector_store %arg10[%parallel_loop3A_309], %parallel_loop3A_308 {strides = array<i32>} : memref<1024xf32, #tpu.memory_space<vmem>>, vector<16xf32>,
    } {sc.loop_unroll_factor = 4 : i64, sc.parallel_access}
    %mul3A_299 = arith.constant 1024 : i32
    %mul3A_300 = arith.muli %arg1, %mul3A_299 : i32
    "tpu.region"() ({
      %run_scoped3A = tpu.sem_alloc : memref<!tpu.dma_semaphore, #tpu.memory_space<semaphore_mem>>
      %dma_start3A_301 = tpu.memref_slice %arg4[%mul3A_300] : memref<16384xf32, #tpu.memory_space<hbm>> -> memref<1024xf32, #tpu.memory_space<hbm>>
      %dma_start3A_302 = tpu.memref_slice %arg4[%mul3A_300] : memref<16384xf32, #tpu.memory_space<hbm>> -> memref<1024xf32, #tpu.memory_space<hbm>>
      tpu.enqueue_dma source(%arg10 : memref<1024xf32, #tpu.memory_space<vmem>>) target(%dma_start3A_302 : memref<1024xf32, #tpu.memory_space<hbm>>) target_semaphore(%run_scoped3A : memref<!tpu.dma_semaphore, #tpu.memory_space<semaphore_mem>>)
      %dma_wait3A_303 = tpu.memref_slice %arg4[%mul3A_300] : memref<16384xf32, #tpu.memory_space<hbm>> -> memref<1024xf32, #tpu.memory_space<hbm>>
      %dma_wait3A_304 = tpu.memref_slice %arg4[%mul3A_300] : memref<16384xf32, #tpu.memory_space<hbm>> -> memref<1024xf32, #tpu.memory_space<hbm>>
      tpu.wait_dma2 semaphore(%run_scoped3A : memref<!tpu.dma_semaphore, #tpu.memory_space<semaphore_mem>>) src(%arg10 : memref<1024xf32, #tpu.memory_space<vmem>>) dst(%dma_wait3A_304 : memref<1024xf32, #tpu.memory_space<hbm>>)
      tpu.yield
    }) : () -> ()
    return
  }
}

</mosaic_0001>

<sc_bundles>
// kernel: _sc_weights.3.cloned.1.call-start
scs
__scs_entry_jumppad:
0x0: {  	(pc) =	sbr.rel $0x88, $3  }
0x1: {  	(tag) =	ssettag $0x0;
	lr =	simm.s32 $0x1  }
0x2: {  	[smem:$0x3FA0] =	sst lr;
	_ =	strace $0xD0000000  }
0x3: {  	_ = 	snop  }
0x4: {  	_ = 	snop  }
0x5: {  	_ = 	snop  }
0x6: {  	_ = 	snop  }
0x7: {  	_ = 	snop  }
__scs_overlays_trampoline_lowered:
0x8: {  	[smem:$0x3FAF] =	sst s0  }
0x9: {  	[smem:$0x3FB0] =	sst s1  }
0xa: {  	[smem:$0x3FB1] =	sst s2  }
0xb: {  	[smem:$0x3FB2] =	sst s3  }
0xc: {  	[smem:$0x3FB3] =	sst s4  }
0xd: {  	[smem:$0x3FB4] =	sst s5  }
0xe: {  	[smem:$0x3FB5] =	sst s6  }
0xf: {  	[smem:$0x3FB6] =	sst s7  }
0x10: {  	[smem:$0x3FB7] =	sst s8  }
0x11: {  	[smem:$0x3FB8] =	sst s9;
	s0 =	simm.s32 @!p0 $0x0  }
0x12: {  	s1 =	sld [smem:$0x3F9E];
	s0 =	simm.s32 @p0 $0x1  }
0x13: {  	[smem:$0x3FB9] =	sst s0;
	s0 =	simm.s32 @!p1 $0x0  }
0x14: {  	s2 =	sld [smem:$0x3F9D];
	s0 =	simm.s32 @p1 $0x1  }
0x15: {  	[smem:$0x3FBA] =	sst s0;
	s0 =	simm.s32 @!p2 $0x0  }
0x16: {  	s3 =	sld [smem:$0x3FDB];
	s0 =	simm.s32 @p2 $0x1  }
0x17: {  	s4 =	simm.s32 $0x1BF5;
	[smem:$0x3FBC] =	sst s0  }
0x18: {  	s0 =	sld [smem:$0x3F9F];
	_ =	swait.ge [sflag:s4], $0x0  }
0x19: {  	s7 =	sld [smem:$0x3FA0]  }
0x1a: {  	s8 =	sadd.s32 $0xFFFFE003, lr  }
0x1b: {  	s9 =	sadd.s32 $0xFFFFFEF7, lr;
	s5 =	simm.s32 $0xFFFFFFFF;
	p2 =	slt.u32 s8, $0xFFFFF086  }
0x1c: {  	p1 =	slt.u32 s9, $0xF7A;
	s5 =	simm.s32 @!p2 $0x0  }
0x1d: {  	s5 =	simm.s32 @p1 $0x1;
	p0 =	seq.s32 s7, s2  }
0x1e: {  	s7 =	smul.u32 @!p0 $0xF7A, s2;
	p2 =	seq.s32 @!p0 s5, $0x0  }
0x1f: {  	s9 =	smul.u32 $0xF7A, s1;
	s8 =	simm.s32 @!p0 $0x1BF5;
	p2 =	por !p2, p0  }
0x20: {  	[sflag:s8] =	ssyncset.s32 @!p0 $0xFFFFF086;
	s6 =	sadd.s32 @!p0 s3, s7;
	s7 =	simm.s32 @!p0 $0x108  }
0x21: {  	s3 =	sadd.s32 s3, s9;
	s6 =	sadd.s32 @!p0 $0x88, s6;
	s7 =	simm.s32 @p2 $0x1082  }
0x22: {  	[simem:s7], [sflag:s8] =	dma.local @!p0 [hbm:s6], $0xF7A  }
0x23: {  	s9 =	sor.u32 $0xD0000000, s2;
	s6 =	simm.s32 $0x108;
	_ =	swait.ge @!p0 [sflag:s8], $0x0  }
0x24: {  	s3 =	sadd.s32 $0x88, s3;
	s6 =	simm.s32 @!p1 $0x1082;
	[sflag:s4] =	ssyncset.s32 $0xFFFFF086  }
0x25: {  	[simem:s6], [sflag:s4] =	dma.local [hbm:s3], $0xF7A  }
0x26: {  	[smem:$0x3FA0] =	sst s1;
	(tag) =	ssettag s2;
	_ =	strace s9  }
0x27: {  	s1 =	sld [smem:$0x3FB0]  }
0x28: {  	s2 =	sld [smem:$0x3FB1]  }
0x29: {  	s4 =	sld [smem:$0x3FB3]  }
0x2a: {  	p0 =	seq.s32 s5, $0x0;
	s5 =	sld [smem:$0x3FB4]  }
0x2b: {  	s6 =	sld [smem:$0x3FB5]  }
0x2c: {  	s7 =	sld [smem:$0x3FB6]  }
0x2d: {  	s3 =	simm.s32 $0x108;
	s8 =	sld [smem:$0x3FB7]  }
0x2e: {  	s3 =	simm.s32 @!p0 $0x1082;
	s9 =	sld [smem:$0x3FB8]  }
0x2f: {  	lr =	sadd.s32 s0, s3;
	s0 =	sld [smem:$0x3FAF]  }
0x30: {  	s3 =	sld [smem:$0x3FB2]  }
0x31: {  	[smem:$0x3FBB] =	sst s10  }
0x32: {  	s10 =	sld [smem:$0x3FB9];
	_ =	sdelay $0x3  }
0x33: {  	p0 =	seq.s32 s10, $0x1;
	s10 =	sld [smem:$0x3FBB];
	_ =	sdelay $0x3  }
0x34: {  	[smem:$0x3FBB] =	sst s10  }
0x35: {  	s10 =	sld [smem:$0x3FBA];
	_ =	sdelay $0x3  }
0x36: {  	p1 =	seq.s32 s10, $0x1;
	s10 =	sld [smem:$0x3FBB];
	_ =	sdelay $0x3  }
0x37: {  	[smem:$0x3FBB] =	sst s10  }
0x38: {  	s10 =	sld [smem:$0x3FBC]  }
0x39: {  	_ = 	snop;
	(pc) =	sbr.ind lr, $3  }
0x3a: {  	_ = 	snop  }
0x3b: {  	_ = 	snop  }
0x3c: {  	p2 =	seq.s32 s10, $0x1;
	s10 =	sld [smem:$0x3FBB]  }
0x3d: {  	_ =	shalt  }
0x3e: {  	_ =	shalt  }
0x3f: {  	_ =	shalt  }
0x40: {  	_ =	shalt  }
0x41: {  	_ =	shalt  }
0x42: {  	_ =	shalt  }
0x43: {  	_ =	shalt  }
0x44: {  	_ =	shalt  }
0x45: {  	_ =	shalt  }
0x46: {  	_ =	shalt  }
0x47: {  	_ =	shalt  }
0x48: {  	_ =	shalt  }
0x49: {  	_ =	shalt  }
0x4a: {  	_ =	shalt  }
0x4b: {  	_ =	shalt  }
0x4c: {  	_ =	shalt  }
0x4d: {  	_ =	shalt  }
0x4e: {  	_ =	shalt  }
0x4f: {  	_ =	shalt  }
0x50: {  	_ =	shalt  }
0x51: {  	_ =	shalt  }
0x52: {  	_ =	shalt  }
0x53: {  	_ =	shalt  }
0x54: {  	_ =	shalt  }
0x55: {  	_ =	shalt  }
0x56: {  	_ =	shalt  }
0x57: {  	_ =	shalt  }
0x58: {  	_ =	shalt  }
0x59: {  	_ =	shalt  }
0x5a: {  	_ =	shalt  }
0x5b: {  	_ =	shalt  }
0x5c: {  	_ =	shalt  }
0x5d: {  	_ =	shalt  }
0x5e: {  	_ =	shalt  }
0x5f: {  	_ =	shalt  }
0x60: {  	_ =	shalt  }
0x61: {  	_ =	shalt  }
0x62: {  	_ =	shalt  }
0x63: {  	_ =	shalt  }
0x64: {  	_ =	shalt  }
0x65: {  	_ =	shalt  }
0x66: {  	_ =	shalt  }
0x67: {  	_ =	shalt  }
0x68: {  	_ =	shalt  }
0x69: {  	_ =	shalt  }
0x6a: {  	_ =	shalt  }
0x6b: {  	_ =	shalt  }
0x6c: {  	_ =	shalt  }
0x6d: {  	_ =	shalt  }
0x6e: {  	_ =	shalt  }
0x6f: {  	_ =	shalt  }
0x70: {  	_ =	shalt  }
0x71: {  	_ =	shalt  }
0x72: {  	_ =	shalt  }
0x73: {  	_ =	shalt  }
0x74: {  	_ =	shalt  }
0x75: {  	_ =	shalt  }
0x76: {  	_ =	shalt  }
0x77: {  	_ =	shalt  }
0x78: {  	_ =	shalt  }
0x79: {  	_ =	shalt  }
0x7a: {  	_ =	shalt  }
0x7b: {  	_ =	shalt  }
0x7c: {  	_ =	shalt  }
0x7d: {  	_ =	shalt  }
0x7e: {  	_ =	shalt  }
0x7f: {  	_ =	shalt  }
0x80: {  	_ =	shalt  }
0x81: {  	_ =	shalt  }
0x82: {  	_ =	shalt  }
0x83: {  	_ =	shalt  }
0x84: {  	_ =	shalt  }
0x85: {  	_ =	shalt  }
0x86: {  	_ =	shalt  }
0x87: {  	_ =	shalt  }
.Lfunc_end0:
.L_simem_size_0:
called_computation_lowered:
.L_overlay_start_0:
0x88: {  	s0 =	sld [smem:$0x3FD9]  }
0x89: {  	s1 =	sld [smem:$0x3FFE];
	_ =	sdelay $0x3  }
0x8a: {  	s0 =	sadd.s32 s1, s0  }
0x8b: {  	[smem:$0x3FC7] =	sst s0  }
0x8c: {  	_ = 	snop  }
0x8d: {  	s0 =	sld [smem:$0x3FD0];
	(tm) =	ssettm $0x1  }
0x8e: {  	s16 =	sld [smem:$0x3FFB];
	_ =	sdelay $0x3  }
0x8f: {  	_ =	strace s16  }
0x90: {  	s1 =	sld [smem:$0x3FFC];
	_ =	sdelay $0x3  }
0x91: {  	_ =	strace s1  }
0x92: {  	s1 =	sld [smem:$0x3FFD];
	_ =	sdelay $0x3  }
0x93: {  	_ =	strace s1  }
0x94: {  	_ =	strace $0x8FFFFFFF  }
0x95: {  	s17 =	sld [smem:$0x3FDB];
	_ =	sdelay $0x1  }
0x96: {  	s2 =	simm.s32 $_scs_section_size  }
0x97: {  	s3 =	simm.s32 $_size__tile_overlayer_lowered;
	s4 =	simm.s32 $_tile_overlayer_lowered  }
0x98: {  	s20 =	simm.s32 $0x1BFF;
	s19 =	sshll.u32 s4, $0x1;
	s1 =	sadd.s32 s2, s17  }
0x99: {  	s5 =	simm.s32 $0x0;
	s18 =	sshll.u32 s3, $0x1;
	s3 =	sadd.s32 s19, s1  }
0x9a: {  	[timem:s5], [sflag:s20] =	dma.local [hbm:s3], s18  }
0x9b: {  	_ =	swait.ge [sflag:s20], s18  }
0x9c: {  	s2 =	ssub.s32 $0x0, s18;
	[sflag:s20] =	ssyncset.done $0x0  }
0x9d: {  	[sflag:s20] =	ssyncadd.s32 s2;
	_ =	sdelay $0x1  }
0x9e: {  	s21 =	simm.s32 $0x1B8B  }
0x9f: {  	_ =	swait.ge [sflag:s21], $0x1  }
0xa0: {  	[sflag:s21] =	ssyncset.done $0x0  }
0xa1: {  	s23 =	simm.s32 $0x1B8E;
	s22 =	sld [smem:$0x3FFE];
	[sflag:s21] =	ssyncadd.s32 $0xFFFFFFFF  }
0xa2: {  	s24 =	simm.s32 $execute0_lowered;
	[smem:$0x3FD2] =	sst s23  }
0xa3: {  	s3 =	sshll.u32 s24, $0x1;
	_ =	strace $0x80000046;
	[dreg:$0x1] =	wrdreg $0xFFFFFFFF  }
0xa4: {  	s25 =	simm.s32 $_size_execute0_lowered;
	s1 =	sadd.s32 s1, s3;
	[dreg:$0x0] =	wrdreg $0x0  }
0xa5: {  	s3 =	sshll.u32 s25, $0x1;
	[dreg:$0x2] =	wrdreg s1  }
0xa6: {  	[dreg:$0x3] =	wrdreg s3  }
0xa7: {  	[dreg:$0x4] =	wrdreg $0xC0  }
0xa8: {  	_ =	task [dreg:s5], $0x5FFFF  }
0xa9: {  	[dreg:$0x1] =	wrdreg $0xFFFFFFFF  }
0xaa: {  	[dreg:$0x0] =	wrdreg $0x60  }
0xab: {  	[dreg:$0x2] =	wrdreg s22  }
0xac: {  	[dreg:$0x3] =	wrdreg s0  }
0xad: {  	[dreg:$0x4] =	wrdreg $0x164500  }
0xae: {  	[dreg:$0x5] =	wrdreg $0x9  }
0xaf: {  	_ =	task.clear_ibuf [dreg:s5], $0x6FFFF;
	_ =	strace $0x90000046  }
0xb0: {  	s26 =	simm.s32 $0x9;
	_ =	strace $0x80000048  }
0xb1: {  	_ =	swait.ge [sflag:s26], $0x1  }
0xb2: {  	[sflag:s26] =	ssyncadd.s32 $0xFFFFFFFF  }
0xb3: {  	_ =	strace $0x90000048  }
0xb4: {  	_ =	sfence  }
0xb5: {  	s28 =	sld [smem:$0x0];
	_ =	sdelay $0x1  }
0xb6: {  	s29 =	srdreg.scid  }
0xb7: {  	s30 =	sshll.u32 s29, $0xD;
	s31 =	sshrl.u32 s29, $0x2  }
0xb8: {  	s2 =	sand.u32 $0x4000, s30;
	s1 =	sand.u32 $0x1, s29;
	s0 =	sadd.s32 s31, s28  }
0xb9: {  	s1 =	sor.u32 s2, s1;
	s0 =	sshll.u32 s0, $0x11  }
0xba: {  	s0 =	sor.u32 s0, s1  }
0xbb: {  	s0 =	sadd.s32 $0x8F2B, s0  }
0xbc: {  	[sflag:s0] =	ssyncadd.remote.s32 $0x1  }
0xbd: {  	_ =	sfence.sel $0xFFFF  }
0xbe: {  	[dreg:$0x0] =	wrdreg $0xFFFFFFFF;
	(pc) =	sbr.abs _section_cstart, $3  }
0xbf: {  	[dreg:$0x1] =	wrdreg $0xFFFFFFFF  }
0xc0: {  	_ =	task.clear_ibuf [dreg:s5], $0x2FFFF;
	_ =	strace $0x9FFFFFFF  }
0xc1: {  	(tm) =	ssettm $0x7FFFFFFF  }
tec
execute0_lowered:
.L_overlay_start_1:
0x0: {  	(tag) =	ssettag $0x1  }
0x1: {  	s2 =	stileid.u32  }
0x2: {  	s4 =	rddreg [dreg:$0x0];
	s5 =	smul.u32 $0x4E20, s2  }
0x3: {  	s1 =	rddreg [dreg:$0x1]  }
0x4: {  	s3 =	rddreg [dreg:$0x2];
	s6 =	simm.s32 $0x0;
	s5 =	sshrl.u32 s5, $0x3  }
0x5: {  	[smem:$0x7FF] =	sst s6;
	s5 =	sadd.s32 s5, s4  }
0x6: {  	s0 =	rddreg [dreg:$0x3];
	_ =	strace $0x80000047;
	s7 =	sadd.s32 $0x400, s5  }
0x7: {  	[tilespmem:s6], [sflag:$0x1] =	stream.linear.gather [hbm4b:s7+s6], $0x4E20, $0x38;
	[tilespmem:$0x16850] =	vst v63  }
0x8: {  	s28 =	simm.s32 $0x4E20;
	s5 =	sadd.s32 $0xA040, s5  }
0x9: {  	[tilespmem:s28], [sflag:$0x2] =	stream.linear.gather [hbm4b:s5+s6], $0x4E20, $0x38;
	[tilespmem:$0x16850] =	vst v63  }
0xa: {  	s29 =	simm.s32 $0x16440;
	s30 =	simm.s32 $0x3;
	s4 =	sadd.s32 $0x13E00, s4  }
0xb: {  	[tilespmem:s29], [sflag:$0x3] =	stream.linear.gather [hbm4b:s4+s6], $0x10, $0x38;
	[tilespmem:$0x16850] =	vst v63  }
0xc: {  	_ =	swait.ge [sflag:s30], $0x10  }
0xd: {  	[sflag:s30] =	ssyncset.done $0x0  }
0xe: {  	s31 =	simm.s32 $0x2;
	[sflag:s30] =	ssyncadd.s32 $0xFFFFFFF0  }
0xf: {  	_ =	swait.ge [sflag:s31], $0x4E20  }
0x10: {  	[sflag:s31] =	ssyncset.done $0x0  }
0x11: {  	v0 =	vimm.f32 $0.0e+00;
	s4 =	sand.u32 $0x3F80, s6;
	[sflag:s31] =	ssyncadd.s32 $0xFFFFB1E0  }
0x12: {  	[tilespmem:s4+$0xDCB0] =	vst v0  }
0x13: {  	[tilespmem:s4+$0xDC40] =	vst v0  }
0x14: {  	[tilespmem:s4+$0xDC50] =	vst v0  }
0x15: {  	[tilespmem:s4+$0xDC60] =	vst v0  }
0x16: {  	[tilespmem:s4+$0xDC70] =	vst v0  }
0x17: {  	[tilespmem:s4+$0xDC80] =	vst v0  }
0x18: {  	s5 =	simm.s32 $0x0;
	s6 =	simm.s32 $0x80;
	[tilespmem:s4+$0xDC90] =	vst v0  }
.LBB2_1:
0x19: {  	s5 =	sadd.s32 $0x8, s5;
	[tilespmem:s4+$0xDCA0] =	vst v0;
	s4 =	sand.u32 $0x3F80, s6  }
0x1a: {  	[tilespmem:s4+$0xDCB0] =	vst v0;
	p0 =	slt.u32 s5, $0x278  }
0x1b: {  	[tilespmem:s4+$0xDC40] =	vst v0  }
.Ltmp0:
0x1c: {  	[tilespmem:s4+$0xDC50] =	vst v0;
	(pc) =	sbr.rel @p0 .LBB2_1-.Ltmp0, $4  }
0x1d: {  	[tilespmem:s4+$0xDC60] =	vst v0  }
0x1e: {  	[tilespmem:s4+$0xDC70] =	vst v0  }
0x1f: {  	[tilespmem:s4+$0xDC80] =	vst v0  }
0x20: {  	s6 =	sadd.s32 $0x80, s6;
	[tilespmem:s4+$0xDC90] =	vst v0  }
0x21: {  	[tilespmem:s4+$0xDCA0] =	vst v0;
	s4 =	simm.s32 $0x4E60  }
0x22: {  	v2 =	vld [tilespmem:s4+$0xFFFFFFC0]  }
0x23: {  	v3 =	vld [tilespmem:s4+$0x30]  }
0x24: {  	v4 =	vld [tilespmem:s4+$0x20]  }
0x25: {  	v5 =	vld [tilespmem:s4+$0x10]  }
0x26: {  	v6 =	vld [tilespmem:s4+$0x0]  }
0x27: {  	v7 =	vld [tilespmem:s4+$0xFFFFFFF0]  }
0x28: {  	v8 =	vld [tilespmem:s4+$0xFFFFFFE0]  }
0x29: {  	v0 =	vimm.f32 $1.000000000e+00;
	s5 =	simm.s32 $0xDC40;
	v1 =	vld [tilespmem:s4+$0xFFFFFFD0]  }
0x2a: {  	[tilespmem:v2+s5+$0x0] =	vst.idx.add.f32.msk $0xffff, v0  }
0x2b: {  	[tilespmem:v3+s5+$0x0] =	vst.idx.add.f32.msk $0xffff, v0  }
0x2c: {  	[tilespmem:v4+s5+$0x0] =	vst.idx.add.f32.msk $0xffff, v0  }
0x2d: {  	[tilespmem:v5+s5+$0x0] =	vst.idx.add.f32.msk $0xffff, v0  }
0x2e: {  	[tilespmem:v6+s5+$0x0] =	vst.idx.add.f32.msk $0xffff, v0  }
0x2f: {  	[tilespmem:v7+s5+$0x0] =	vst.idx.add.f32.msk $0xffff, v0  }
0x30: {  	s6 =	simm.s32 $0x0;
	[tilespmem:v8+s5+$0x0] =	vst.idx.add.f32.msk $0xffff, v0  }
.LBB2_3:
0x31: {  	s6 =	sadd.s32 $0x8, s6;
	[tilespmem:v1+s5+$0x0] =	vst.idx.add.f32.msk $0xffff, v0;
	s4 =	sadd.s32 $0x80, s4  }
0x32: {  	v2 =	vld [tilespmem:s4+$0xFFFFFFC0];
	p0 =	slt.u32 s6, $0x4D8  }
0x33: {  	v3 =	vld [tilespmem:s4+$0x30]  }
0x34: {  	v4 =	vld [tilespmem:s4+$0x20]  }
0x35: {  	v5 =	vld [tilespmem:s4+$0x10]  }
0x36: {  	v6 =	vld [tilespmem:s4+$0x0]  }
0x37: {  	v7 =	vld [tilespmem:s4+$0xFFFFFFF0]  }
0x38: {  	v8 =	vld [tilespmem:s4+$0xFFFFFFE0]  }
0x39: {  	v1 =	vld [tilespmem:s4+$0xFFFFFFD0]  }
0x3a: {  	[tilespmem:v2+s5+$0x0] =	vst.idx.add.f32.msk $0xffff, v0  }
0x3b: {  	[tilespmem:v3+s5+$0x0] =	vst.idx.add.f32.msk $0xffff, v0  }
.Ltmp1:
0x3c: {  	[tilespmem:v4+s5+$0x0] =	vst.idx.add.f32.msk $0xffff, v0;
	(pc) =	sbr.rel @p0 .LBB2_3-.Ltmp1, $4  }
0x3d: {  	[tilespmem:v5+s5+$0x0] =	vst.idx.add.f32.msk $0xffff, v0  }
0x3e: {  	[tilespmem:v6+s5+$0x0] =	vst.idx.add.f32.msk $0xffff, v0  }
0x3f: {  	[tilespmem:v7+s5+$0x0] =	vst.idx.add.f32.msk $0xffff, v0  }
0x40: {  	[tilespmem:v8+s5+$0x0] =	vst.idx.add.f32.msk $0xffff, v0  }
0x41: {  	_ =	sdelay $0x3  }
0x42: {  	[tilespmem:v1+s5+$0x0] =	vst.idx.add.f32.msk $0xffff, v0;
	s4 =	simm.s32 $0x0;
	v0 =	vimm.f32 $1.000000000e+00;
	s5 =	simm.s32 $0xDC40  }
.LBB2_5:
0x43: {  	s6 =	sshra.s32 s4, $0x2  }
0x44: {  	v1 =	vld [tilespmem:s6+$0x9C20];
	_ =	sdelay $0x2  }
0x45: {  	p0 =	sne.s32 s4, $0x40  }
.Ltmp2:
0x46: {  	_ = 	snop;
	(pc) =	sbr.rel @p0 .LBB2_5-.Ltmp2, $2  }
0x47: {  	_ =	sdelay $0x2  }
0x48: {  	s4 =	sadd.s32 $0x40, s4;
	[tilespmem:v1+s5+$0x0] =	vst.idx.add.f32.msk $0xffff, v0  }
0x49: {  	p0 =	sne.s32 s2, $0x0  }
0x4a: {  	[bflag:$0x0] =	sbarrier.arrive @p0 $0xFFFF  }
0x4b: {  	s4 =	simm.s32 @p0 $0xA;
	s5 =	simm.s32 @p0 $0x16440;
	s6 =	simm.s32 @p0 $0xDC40  }
0x4c: {  	[spmem:s3] =	stream.indirect.scatter.add.f32 @p0 [tilespmem:s6], [sflag:$0x3], $0x400, s5, s4, $0xb8;
	[tilespmem:$0x16850] =	vst v63  }
0x4d: {  	s4 =	simm.s32 @p0 $0x3  }
0x4e: {  	_ =	swait.ge @p0 [sflag:s4], $0x2800  }
0x4f: {  	[sflag:s4] =	ssyncset.done @p0 $0x0  }
0x50: {  	[sflag:s4] =	ssyncadd.s32 @p0 $0xFFFFD800;
	s4 =	simm.s32 @!p0 $0xDC40  }
0x51: {  	[spmem:s3] =	stream.linear.scatter @!p0 [tilespmem:s4], [sflag:$0x3], $0x2800, $0x38;
	[tilespmem:$0x16850] =	vst v63  }
0x52: {  	s4 =	simm.s32 @!p0 $0x3  }
0x53: {  	_ =	swait.ge @!p0 [sflag:s4], $0x2800  }
0x54: {  	[sflag:s4] =	ssyncset.done @!p0 $0x0  }
0x55: {  	s30 =	simm.s32 $0x0;
	[sflag:s4] =	ssyncadd.s32 @!p0 $0xFFFFD800  }
0x56: {  	v0 =	vimm.f32 $0.0e+00;
	s5 =	sand.u32 $0x3F80, s30;
	[bflag:$0x0] =	sbarrier.arrive @!p0 $0xFFFF  }
0x57: {  	[tilespmem:s5+$0xDCB0] =	vst v0  }
0x58: {  	[tilespmem:s5+$0xDC40] =	vst v0  }
0x59: {  	[tilespmem:s5+$0xDC50] =	vst v0  }
0x5a: {  	[tilespmem:s5+$0xDC60] =	vst v0  }
0x5b: {  	[tilespmem:s5+$0xDC70] =	vst v0  }
0x5c: {  	s31 =	sshll.u32 s2, $0x7;
	s7 =	simm.s32 $0x80;
	[tilespmem:s5+$0xDC80] =	vst v0  }
0x5d: {  	s1 =	sadd.s32 s1, s31;
	s6 =	simm.s32 $0x0;
	s4 =	sshll.u32 s2, $0xC;
	[tilespmem:s5+$0xDC90] =	vst v0  }
.LBB2_7:
0x5e: {  	s6 =	sadd.s32 $0x8, s6;
	[tilespmem:s5+$0xDCA0] =	vst v0;
	s5 =	sand.u32 $0x3F80, s7  }
0x5f: {  	[tilespmem:s5+$0xDCB0] =	vst v0;
	p1 =	slt.u32 s6, $0x278  }
0x60: {  	[tilespmem:s5+$0xDC40] =	vst v0  }
.Ltmp3:
0x61: {  	[tilespmem:s5+$0xDC50] =	vst v0;
	(pc) =	sbr.rel @p1 .LBB2_7-.Ltmp3, $4  }
0x62: {  	[tilespmem:s5+$0xDC60] =	vst v0  }
0x63: {  	[tilespmem:s5+$0xDC70] =	vst v0  }
0x64: {  	[tilespmem:s5+$0xDC80] =	vst v0  }
0x65: {  	s7 =	sadd.s32 $0x80, s7;
	[tilespmem:s5+$0xDC90] =	vst v0  }
0x66: {  	[tilespmem:s5+$0xDCA0] =	vst v0  }
0x67: {  	s30 =	simm.s32 $0x9C40;
	s31 =	simm.s32 $0x3;
	[bflag:$0x0] =	sbarrier.arrive $0xFFFF  }
0x68: {  	[tilespmem:s30], [sflag:$0x3] =	stream.linear.gather [spmem:s3], $0x2800, $0x38;
	[tilespmem:$0x16850] =	vst v63  }
0x69: {  	_ =	swait.ge [sflag:s31], $0x2800  }
0x6a: {  	[sflag:s31] =	ssyncset.done $0x0  }
0x6b: {  	s5 =	simm.s32 $0x9C60;
	[sflag:s31] =	ssyncadd.s32 $0xFFFFD800  }
0x6c: {  	v0 =	vld [tilespmem:s5+$0x10];
	_ =	sdelay $0x4  }
0x6d: {  	v0 =	vmax.f32 v0, $1.000000000e+00  }
0x6e: {  	v2 =	vld [tilespmem:s5+$0x0];
	v1 =	vshra.s32 v0, $0x1;
	v0 =	vmul.f32 $5.000000000e-01, v0  }
0x6f: {  	v1 =	vsub.s32 $0x5F3759DF, v1  }
0x70: {  	v3 =	vmul.f32 v1, v0  }
0x71: {  	v4 =	vld [tilespmem:s5+$0xFFFFFFF0]  }
0x72: {  	v6 =	vld [tilespmem:s5+$0xFFFFFFE0];
	v3 =	vmul.f32 v1, v3  }
0x73: {  	v2 =	vmax.f32 v2, $1.000000000e+00  }
0x74: {  	v5 =	vmul.f32 $5.000000000e-01, v2;
	v2 =	vshra.s32 v2, $0x1;
	v3 =	vsub.f32 $1.500000000e+00, v3  }
0x75: {  	v2 =	vsub.s32 $0x5F3759DF, v2  }
0x76: {  	v4 =	vmax.f32 v4, $1.000000000e+00;
	v7 =	vmul.f32 v2, v5;
	v1 =	vmul.f32 v1, v3  }
0x77: {  	v6 =	vmax.f32 v6, $1.000000000e+00;
	v3 =	vshra.s32 v4, $0x1;
	v4 =	vmul.f32 $5.000000000e-01, v4  }
0x78: {  	v7 =	vmul.f32 v2, v7;
	v3 =	vsub.s32 $0x5F3759DF, v3;
	v8 =	vmul.f32 v1, v0  }
0x79: {  	v10 =	vshra.s32 v6, $0x1;
	v9 =	vmul.f32 v3, v4  }
0x7a: {  	v6 =	vmul.f32 $5.000000000e-01, v6;
	v7 =	vsub.f32 $1.500000000e+00, v7;
	v8 =	vmul.f32 v8, v1  }
0x7b: {  	v10 =	vsub.s32 $0x5F3759DF, v10;
	v9 =	vmul.f32 v3, v9  }
0x7c: {  	s6 =	simm.s32 $0x9CA0;
	v2 =	vmul.f32 v2, v7;
	v7 =	vmul.f32 v10, v6;
	v8 =	vsub.f32 $1.500000000e+00, v8  }
0x7d: {  	v11 =	vld [tilespmem:s6+$0x10];
	v9 =	vsub.f32 $1.500000000e+00, v9  }
0x7e: {  	v13 =	vld [tilespmem:s6+$0xFFFFFFF0];
	v7 =	vmul.f32 v10, v7;
	v1 =	vmul.f32 v8, v1  }
0x7f: {  	v8 =	vld [tilespmem:s6+$0x0];
	v9 =	vmul.f32 v3, v9;
	v3 =	vmul.f32 v2, v5  }
0x80: {  	v0 =	vmul.f32 v1, v0  }
0x81: {  	v7 =	vsub.f32 $1.500000000e+00, v7;
	v3 =	vmul.f32 v3, v2  }
0x82: {  	v11 =	vmax.f32 v11, $1.000000000e+00;
	v0 =	vmul.f32 v0, v1  }
0x83: {  	v7 =	vmul.f32 v10, v7;
	v10 =	vmax.f32 v13, $1.000000000e+00;
	v3 =	vsub.f32 $1.500000000e+00, v3  }
0x84: {  	v12 =	vmul.f32 v9, v4;
	v8 =	vmax.f32 v8, $1.000000000e+00;
	v14 =	vsub.f32 $1.500000000e+00, v0  }
0x85: {  	v15 =	vmul.f32 v3, v2;
	v2 =	vshra.s32 v11, $0x1;
	v3 =	vmul.f32 $5.000000000e-01, v11  }
0x86: {  	v12 =	vmul.f32 v12, v9;
	v0 =	vmul.f32 $5.000000000e-01, v8;
	v2 =	vsub.s32 $0x5F3759DF, v2  }
0x87: {  	v16 =	vshra.s32 v10, $0x1;
	v11 =	vld [tilespmem:s6+$0xFFFFFFE0];
	v13 =	vmul.f32 v14, v1;
	v14 =	vmul.f32 v2, v3  }
0x88: {  	v8 =	vshra.s32 v8, $0x1;
	v5 =	vmul.f32 v15, v5;
	v1 =	vmul.f32 $5.000000000e-01, v10  }
0x89: {  	v17 =	vsub.s32 $0x5F3759DF, v8;
	v10 =	vmul.f32 v7, v6;
	v8 =	vmul.f32 v2, v14  }
0x8a: {  	v16 =	vsub.s32 $0x5F3759DF, v16;
	v19 =	vmul.f32 v17, v0;
	v14 =	vmul.f32 v5, v15  }
0x8b: {  	v18 =	vmul.f32 v13, v13;
	v5 =	vsub.f32 $1.500000000e+00, v8;
	v8 =	vsub.f32 $1.500000000e+00, v12  }
0x8c: {  	v10 =	vmul.f32 v10, v7;
	v11 =	vmax.f32 v11, $1.000000000e+00;
	v12 =	vmul.f32 v16, v1  }
0x8d: {  	v21 =	vshra.s32 v11, $0x1;
	v20 =	vmul.f32 v2, v5;
	v5 =	vmul.f32 v8, v9  }
0x8e: {  	v62 =	vsub.f32 $1.500000000e+00, v14;
	v8 =	vmul.f32 v16, v12;
	v9 =	vmul.f32 v17, v19  }
0x8f: {  	v10 =	vsub.f32 $1.500000000e+00, v10;
	v2 =	vmul.f32 $5.000000000e-01, v11;
	v12 =	vmul.f32 v20, v3  }
0x90: {  	[tilespmem:s5+$0x10] =	vst v13;
	v13 =	vmul.f32 v62, v15;
	v4 =	vmul.f32 v5, v4;
	v11 =	vsub.f32 $1.500000000e+00, v8  }
0x91: {  	v8 =	vmul.f32 v10, v7;
	v9 =	vsub.f32 $1.500000000e+00, v9;
	v10 =	vmul.f32 v12, v20  }
0x92: {  	v7 =	vsub.s32 $0x5F3759DF, v21;
	v22 =	vmul.f32 v4, v5;
	v4 =	vmul.f32 v16, v11  }
0x93: {  	v14 =	vmul.f32 v7, v2;
	v6 =	vmul.f32 v8, v6;
	v63 =	vsub.f32 $1.500000000e+00, v10  }
0x94: {  	s7 =	simm.s32 $0x11C60;
	v9 =	vmul.f32 v17, v9;
	v10 =	vmul.f32 v4, v1  }
0x95: {  	s9 =	simm.s32 $0x4;
	s10 =	simm.s32 $0x9CE0;
	s8 =	simm.s32 $0x11C60;
	[tilespmem:s7+$0x10] =	vst v18;
	v12 =	vmul.f32 v6, v8;
	v11 =	vsub.f32 $1.500000000e+00, v22;
	v6 =	vmul.f32 v63, v20  }
.LBB2_9:
0x96: {  	v15 =	vld [tilespmem:s10+$0x0];
	s9 =	sadd.s32 $0x4, s9;
	v14 =	vmul.f32 v7, v14;
	v16 =	vmul.f32 v9, v0;
	s7 =	sadd.s32 $0x40, s7  }
0x97: {  	v12 =	vsub.f32 $1.500000000e+00, v12;
	v17 =	vld [tilespmem:s10+$0x10];
	p1 =	slt.u32 s9, $0x27C;
	v3 =	vmul.f32 v6, v3;
	[tilespmem:s5+$0x0] =	vst v13;
	v13 =	vmul.f32 v13, v13  }
0x98: {  	v5 =	vmul.f32 v11, v5;
	v18 =	vld [tilespmem:s10+$0xFFFFFFF0];
	v16 =	vmul.f32 v16, v9  }
0x99: {  	v14 =	vsub.f32 $1.500000000e+00, v14;
	v8 =	vmul.f32 v12, v8;
	v11 =	vld [tilespmem:s10+$0xFFFFFFE0];
	v3 =	vmul.f32 v3, v6;
	[tilespmem:s8+$0x0] =	vst v13  }
0x9a: {  	v10 =	vmul.f32 v10, v4;
	v12 =	vsub.f32 $1.500000000e+00, v16;
	[tilespmem:s5+$0xFFFFFFF0] =	vst v5;
	v5 =	vmul.f32 v5, v5  }
0x9b: {  	v13 =	vmax.f32 v15, $1.000000000e+00;
	v15 =	vsub.f32 $1.500000000e+00, v3;
	[tilespmem:s5+$0xFFFFFFE0] =	vst v8;
	v8 =	vmul.f32 v8, v8;
	s5 =	smov.u32 s6;
	s6 =	smov.u32 s10  }
0x9c: {  	v16 =	vmul.f32 $5.000000000e-01, v13;
	v3 =	vmax.f32 v17, $1.000000000e+00;
	v17 =	vmul.f32 v12, v9;
	[tilespmem:s8+$0xFFFFFFF0] =	vst v5  }
0x9d: {  	v7 =	vmul.f32 v7, v14;
	v5 =	vshra.s32 v3, $0x1;
	v3 =	vmul.f32 $5.000000000e-01, v3;
	[tilespmem:s8+$0xFFFFFFE0] =	vst v8;
	s8 =	smov.u32 s7  }
0x9e: {  	v8 =	vmax.f32 v18, $1.000000000e+00;
	v6 =	vmul.f32 v15, v6;
	v5 =	vsub.s32 $0x5F3759DF, v5  }
0x9f: {  	v9 =	vshra.s32 v13, $0x1;
	v13 =	vmul.f32 v17, v0;
	v0 =	vmovc v16;
	v12 =	vmul.f32 v5, v3  }
0xa0: {  	v15 =	vmul.f32 v7, v2;
	v14 =	vshra.s32 v8, $0x1;
	v8 =	vmul.f32 $5.000000000e-01, v8;
	[tilespmem:s5+$0x10] =	vst v6  }
0xa1: {  	v9 =	vsub.s32 $0x5F3759DF, v9;
	v13 =	vmul.f32 v13, v17;
	v12 =	vmul.f32 v5, v12  }
0xa2: {  	v11 =	vmax.f32 v11, $1.000000000e+00;
	v14 =	vsub.s32 $0x5F3759DF, v14;
	v6 =	vmul.f32 v6, v6  }
0xa3: {  	v10 =	vsub.f32 $1.500000000e+00, v10;
	v16 =	vmul.f32 v9, v0;
	v12 =	vsub.f32 $1.500000000e+00, v12  }
0xa4: {  	v18 =	vshra.s32 v11, $0x1;
	v15 =	vmul.f32 v15, v7;
	v19 =	vmul.f32 v14, v8;
	[tilespmem:s7+$0x10] =	vst v6  }
0xa5: {  	v13 =	vsub.f32 $1.500000000e+00, v13;
	v6 =	vmul.f32 v5, v12;
	v5 =	vmul.f32 v10, v4  }
0xa6: {  	v4 =	vmul.f32 v14, v19;
	v10 =	vmul.f32 v9, v16;
	v12 =	vsub.f32 $1.500000000e+00, v15  }
0xa7: {  	v15 =	vmul.f32 v6, v3;
	v16 =	vmul.f32 v5, v1;
	v1 =	vmov v8  }
0xa8: {  	v11 =	vmul.f32 $5.000000000e-01, v11;
	v4 =	vsub.f32 $1.500000000e+00, v4;
	v8 =	vmul.f32 v12, v7  }
.Ltmp4:
0xa9: {  	v10 =	vsub.f32 $1.500000000e+00, v10;
	v12 =	vmul.f32 v15, v6;
	v15 =	vmul.f32 v16, v5;
	(pc) =	sbr.rel @p1 .LBB2_9-.Ltmp4, $4  }
0xaa: {  	v7 =	vsub.s32 $0x5F3759DF, v18;
	v4 =	vmul.f32 v14, v4;
	v16 =	vmul.f32 v8, v2;
	v2 =	vmovc v11  }
0xab: {  	v9 =	vmul.f32 v9, v10;
	v14 =	vmul.f32 v7, v2;
	v18 =	vsub.f32 $1.500000000e+00, v12  }
0xac: {  	v10 =	vmul.f32 v4, v1;
	v12 =	vmul.f32 v16, v8;
	v11 =	vsub.f32 $1.500000000e+00, v15  }
0xad: {  	s10 =	sadd.s32 $0x40, s10;
	v13 =	vmul.f32 v13, v17;
	v6 =	vmul.f32 v18, v6  }
0xae: {  	v14 =	vmul.f32 v7, v14;
	_ =	sdelay $0x1  }
0xaf: {  	v15 =	vmul.f32 v9, v0;
	v14 =	vsub.f32 $1.500000000e+00, v14;
	_ =	sdelay $0x1  }
0xb0: {  	v15 =	vmul.f32 v15, v9;
	v57 =	vmul.f32 v7, v14;
	_ =	sdelay $0x1  }
0xb1: {  	v10 =	vmul.f32 v10, v4;
	v58 =	vsub.f32 $1.500000000e+00, v15;
	v59 =	vmul.f32 v57, v2  }
0xb2: {  	v5 =	vmul.f32 v11, v5;
	v3 =	vmul.f32 v6, v3  }
0xb3: {  	v12 =	vsub.f32 $1.500000000e+00, v12;
	v60 =	vmul.f32 v58, v9;
	v15 =	vmul.f32 v59, v57  }
0xb4: {  	v61 =	vmul.f32 v13, v13;
	v10 =	vsub.f32 $1.500000000e+00, v10;
	v3 =	vmul.f32 v3, v6  }
0xb5: {  	v8 =	vmul.f32 v12, v8;
	v0 =	vmul.f32 v60, v0;
	v62 =	vsub.f32 $1.500000000e+00, v15  }
0xb6: {  	[tilespmem:s5+$0x0] =	vst v13;
	v63 =	vmul.f32 v5, v5;
	v4 =	vmul.f32 v10, v4;
	v3 =	vsub.f32 $1.500000000e+00, v3  }
0xb7: {  	[tilespmem:s5+$0xFFFFFFF0] =	vst v5;
	v0 =	vmul.f32 v0, v60;
	v7 =	vmul.f32 v62, v57  }
0xb8: {  	[tilespmem:s8+$0x0] =	vst v61;
	v1 =	vmul.f32 v4, v1;
	v3 =	vmul.f32 v3, v6  }
0xb9: {  	[tilespmem:s5+$0xFFFFFFE0] =	vst v8;
	v5 =	vmul.f32 v8, v8;
	v0 =	vsub.f32 $1.500000000e+00, v0;
	v2 =	vmul.f32 v7, v2  }
0xba: {  	[tilespmem:s8+$0xFFFFFFF0] =	vst v63;
	v1 =	vmul.f32 v1, v4;
	v6 =	vmul.f32 v3, v3  }
0xbb: {  	[tilespmem:s8+$0xFFFFFFE0] =	vst v5;
	v0 =	vmul.f32 v0, v60;
	v2 =	vmul.f32 v2, v7  }
0xbc: {  	s31 =	sadd.s32 $0x40, s7;
	[tilespmem:s6+$0x10] =	vst v3;
	v1 =	vsub.f32 $1.500000000e+00, v1  }
0xbd: {  	[tilespmem:s31+$0x10] =	vst v6;
	v3 =	vmul.f32 v0, v0;
	v2 =	vsub.f32 $1.500000000e+00, v2  }
0xbe: {  	[tilespmem:s6+$0x0] =	vst v0;
	v0 =	vmul.f32 v1, v4  }
0xbf: {  	[tilespmem:s31+$0x0] =	vst v3;
	v1 =	vmul.f32 v2, v7  }
0xc0: {  	[tilespmem:s6+$0xFFFFFFF0] =	vst v0;
	v0 =	vmul.f32 v0, v0  }
0xc1: {  	[tilespmem:s6+$0xFFFFFFE0] =	vst v1;
	v1 =	vmul.f32 v1, v1  }
0xc2: {  	s4 =	sshrl.u32 s4, $0x2;
	[tilespmem:s31+$0xFFFFFFF0] =	vst v0  }
0xc3: {  	s4 =	sadd.s32 $0x9C60, s4;
	[tilespmem:s31+$0xFFFFFFE0] =	vst v1  }
0xc4: {  	v0 =	vld [tilespmem:s4+$0xFFFFFFE0]  }
0xc5: {  	v1 =	vld [tilespmem:s4+$0x10]  }
0xc6: {  	v4 =	vld [tilespmem:s4+$0x0]  }
0xc7: {  	v2 =	vld [tilespmem:s4+$0xFFFFFFF0]  }
0xc8: {  	s5 =	simm.s32 $0x16060  }
0xc9: {  	[tilespmem:s5+$0xFFFFFFE0] =	vst v0  }
0xca: {  	s7 =	simm.s32 $0x0;
	v0 =	vmul.f32 $9.999999740e-06, v0;
	[tilespmem:s5+$0x10] =	vst v1  }
0xcb: {  	s9 =	sadd.s32 $0x40, s4;
	s8 =	simm.s32 $0x15C60;
	s6 =	simm.s32 $0x15C60;
	v3 =	vmul.f32 $9.999999740e-06, v1;
	[tilespmem:s5+$0x0] =	vst v4;
	v1 =	vmul.f32 $9.999999740e-06, v4  }
.LBB2_11:
0xcc: {  	v4 =	vld [tilespmem:s9+$0xFFFFFFE0];
	s7 =	sadd.s32 $0x4, s7;
	[tilespmem:s5+$0xFFFFFFF0] =	vst v2;
	v5 =	vmul.f32 $9.999999740e-06, v2;
	s5 =	sadd.s32 $0x40, s5;
	s6 =	sadd.s32 $0x40, s6  }
0xcd: {  	v6 =	vld [tilespmem:s9+$0x10];
	p1 =	slt.u32 s7, $0x3C;
	[tilespmem:s8+$0x10] =	vst v3  }
0xce: {  	v7 =	vld [tilespmem:s9+$0x0];
	[tilespmem:s8+$0xFFFFFFE0] =	vst v0  }
.Ltmp5:
0xcf: {  	v2 =	vld [tilespmem:s9+$0xFFFFFFF0];
	[tilespmem:s8+$0xFFFFFFF0] =	vst v5;
	(pc) =	sbr.rel @p1 .LBB2_11-.Ltmp5, $4  }
0xd0: {  	[tilespmem:s8+$0x0] =	vst v1;
	s8 =	smov.u32 s6  }
0xd1: {  	[tilespmem:s5+$0xFFFFFFE0] =	vst v4;
	v0 =	vmul.f32 $9.999999740e-06, v4  }
0xd2: {  	[tilespmem:s5+$0x10] =	vst v6;
	v3 =	vmul.f32 $9.999999740e-06, v6  }
0xd3: {  	s9 =	sadd.s32 $0x40, s9;
	[tilespmem:s5+$0x0] =	vst v7;
	v1 =	vmul.f32 $9.999999740e-06, v7  }
0xd4: {  	[tilespmem:s5+$0xFFFFFFF0] =	vst v2  }
0xd5: {  	[tilespmem:s8+$0x10] =	vst v3  }
0xd6: {  	v2 =	vmul.f32 $9.999999740e-06, v2;
	[tilespmem:s8+$0xFFFFFFE0] =	vst v0  }
0xd7: {  	[tilespmem:s8+$0x0] =	vst v1  }
0xd8: {  	s31 =	simm.s32 $0x1;
	[tilespmem:s8+$0xFFFFFFF0] =	vst v2  }
0xd9: {  	_ =	swait.ge [sflag:s31], $0x4E20  }
0xda: {  	[sflag:s31] =	ssyncset.done $0x0  }
0xdb: {  	s6 =	simm.s32 $0x40;
	[sflag:s31] =	ssyncadd.s32 $0xFFFFB1E0  }
0xdc: {  	s5 =	simm.s32 $0x4E60;
	v0 =	vld [tilespmem:s6+$0x30]  }
0xdd: {  	v1 =	vld [tilespmem:s5+$0x30]  }
0xde: {  	v2 =	vld [tilespmem:s6+$0xFFFFFFD0]  }
0xdf: {  	v3 =	vld [tilespmem:s6+$0xFFFFFFE0]  }
0xe0: {  	v8 =	vld [tilespmem:s6+$0xFFFFFFF0]  }
0xe1: {  	v9 =	vld [tilespmem:s6+$0x0]  }
0xe2: {  	v10 =	vld [tilespmem:s6+$0x10]  }
0xe3: {  	v11 =	vld [tilespmem:s6+$0x20]  }
0xe4: {  	v6 =	vld [tilespmem:s6+$0xFFFFFFC0]  }
0xe5: {  	v12 =	vld [tilespmem:s5+$0xFFFFFFC0]  }
0xe6: {  	v13 =	vld [tilespmem:s5+$0xFFFFFFD0]  }
0xe7: {  	v7 =	vld [tilespmem:s5+$0xFFFFFFE0]  }
0xe8: {  	v5 =	vld [tilespmem:s5+$0xFFFFFFF0];
	v0 =	vshll.u32 v0, $0xE;
	v14 =	vshll.u32 v2, $0xE  }
0xe9: {  	v4 =	vshll.u32 v3, $0xE;
	v2 =	vshll.u32 v6, $0xE;
	v6 =	vld [tilespmem:s5+$0x0];
	v0 =	vor.u32 v1, v0  }
0xea: {  	v3 =	vshll.u32 v8, $0xE;
	v8 =	vld [tilespmem:s5+$0x10];
	v1 =	vshll.u32 v9, $0xE;
	v9 =	vor.u32 v12, v2;
	[tilespmem:s5+$0x30] =	vst v0  }
0xeb: {  	s7 =	simm.s32 $0xC0;
	s8 =	simm.s32 $0x4E60;
	s6 =	simm.s32 $0x0;
	v2 =	vshll.u32 v10, $0xE;
	v10 =	vor.u32 v13, v14;
	v0 =	vshll.u32 v11, $0xE;
	[tilespmem:s5+$0xFFFFFFC0] =	vst v9;
	v9 =	vld [tilespmem:s5+$0x20]  }
.LBB2_13:
0xec: {  	v11 =	vld [tilespmem:s7+$0x30];
	s6 =	sadd.s32 $0x8, s6;
	[tilespmem:s5+$0xFFFFFFD0] =	vst v10;
	v4 =	vor.u32 v7, v4;
	s8 =	sadd.s32 $0x80, s8  }
0xed: {  	v7 =	vld [tilespmem:s8+$0x30];
	p1 =	slt.u32 s6, $0x4D8;
	[tilespmem:s5+$0xFFFFFFE0] =	vst v4;
	v3 =	vor.u32 v5, v3  }
0xee: {  	v4 =	vld [tilespmem:s7+$0xFFFFFFD0];
	[tilespmem:s5+$0xFFFFFFF0] =	vst v3;
	v1 =	vor.u32 v6, v1  }
0xef: {  	v3 =	vld [tilespmem:s7+$0xFFFFFFE0];
	[tilespmem:s5+$0x0] =	vst v1;
	v1 =	vor.u32 v8, v2  }
0xf0: {  	v2 =	vld [tilespmem:s7+$0xFFFFFFF0];
	[tilespmem:s5+$0x10] =	vst v1;
	v0 =	vor.u32 v9, v0  }
0xf1: {  	v1 =	vld [tilespmem:s7+$0x0];
	v5 =	vshll.u32 v11, $0xE;
	[tilespmem:s5+$0x20] =	vst v0;
	s5 =	smov.u32 s8  }
0xf2: {  	v0 =	vld [tilespmem:s7+$0x10];
	v5 =	vor.u32 v7, v5  }
0xf3: {  	v9 =	vshll.u32 v4, $0xE;
	v6 =	vld [tilespmem:s7+$0x20];
	[tilespmem:s8+$0x30] =	vst v5  }
0xf4: {  	v8 =	vld [tilespmem:s7+$0xFFFFFFC0];
	v4 =	vshll.u32 v3, $0xE  }
0xf5: {  	v10 =	vld [tilespmem:s8+$0xFFFFFFC0];
	v3 =	vshll.u32 v2, $0xE  }
0xf6: {  	v11 =	vld [tilespmem:s8+$0xFFFFFFD0];
	v1 =	vshll.u32 v1, $0xE  }
.Ltmp6:
0xf7: {  	v7 =	vld [tilespmem:s8+$0xFFFFFFE0];
	v2 =	vshll.u32 v0, $0xE;
	(pc) =	sbr.rel @p1 .LBB2_13-.Ltmp6, $4  }
0xf8: {  	v5 =	vld [tilespmem:s8+$0xFFFFFFF0];
	v0 =	vshll.u32 v6, $0xE  }
0xf9: {  	v8 =	vshll.u32 v8, $0xE;
	v6 =	vld [tilespmem:s8+$0x0]  }
0xfa: {  	v10 =	vor.u32 v10, v8;
	v8 =	vld [tilespmem:s8+$0x10]  }
0xfb: {  	s7 =	sadd.s32 $0x80, s7;
	[tilespmem:s8+$0xFFFFFFC0] =	vst v10;
	v10 =	vor.u32 v11, v9;
	v9 =	vld [tilespmem:s8+$0x20]  }
0xfc: {  	[tilespmem:s5+$0xFFFFFFD0] =	vst v10;
	v4 =	vor.u32 v7, v4  }
0xfd: {  	[tilespmem:s5+$0xFFFFFFE0] =	vst v4;
	v3 =	vor.u32 v5, v3  }
0xfe: {  	[tilespmem:s5+$0xFFFFFFF0] =	vst v3;
	v1 =	vor.u32 v6, v1  }
0xff: {  	[tilespmem:s5+$0x0] =	vst v1;
	v63 =	vor.u32 v8, v2  }
0x100: {  	[tilespmem:s5+$0x10] =	vst v63;
	v0 =	vor.u32 v9, v0  }
0x101: {  	[tilespmem:s5+$0x20] =	vst v0;
	s5 =	simm.s32 $0x0  }
.LBB2_15:
0x102: {  	s6 =	sshra.s32 s5, $0x2  }
0x103: {  	v0 =	vld [tilespmem:s6+$0x4E00]  }
0x104: {  	v1 =	vld [tilespmem:s6+$0x9C20]  }
0x105: {  	p1 =	sne.s32 s5, $0x40  }
.Ltmp7:
0x106: {  	_ = 	snop;
	(pc) =	sbr.rel @p1 .LBB2_15-.Ltmp7, $4  }
0x107: {  	_ = 	snop  }
0x108: {  	v0 =	vshll.u32 v0, $0xE  }
0x109: {  	v0 =	vor.u32 v1, v0  }
0x10a: {  	s5 =	sadd.s32 $0x40, s5;
	[tilespmem:s6+$0x9C20] =	vst v0  }
0x10b: {  	[bflag:$0x0] =	sbarrier.arrive $0xFFFF;
	s5 =	simm.s32 $0xFFFFFFE0  }
0x10c: {  	s6 =	simm.s32 $0x4F20;
	s7 =	simm.s32 $0x9C40;
	s8 =	simm.s32 $0xDC40  }
.LBB2_17:
0x10d: {  	v0 =	vld [tilespmem:s6+$0xFFFFFF00]  }
0x10e: {  	v2 =	vld [tilespmem:s6+$0xFFFFFF10]  }
0x10f: {  	v3 =	vld [tilespmem:s6+$0xFFFFFF20]  }
0x110: {  	v5 =	vld [tilespmem:s6+$0xFFFFFF30]  }
0x111: {  	v6 =	vld [tilespmem:s6+$0xFFFFFF40]  }
0x112: {  	v42 =	vld [tilespmem:s6+$0xFFFFFF50]  }
0x113: {  	v12 =	vld [tilespmem:s6+$0xFFFFFF60]  }
0x114: {  	v50 =	vld [tilespmem:s6+$0xFFFFFF70]  }
0x115: {  	v14 =	vld [tilespmem:s6+$0xFFFFFF80]  }
0x116: {  	v52 =	vld [tilespmem:s6+$0xFFFFFF90]  }
0x117: {  	v53 =	vld [tilespmem:s6+$0xFFFFFFA0]  }
0x118: {  	v23 =	vld [tilespmem:s6+$0xFFFFFFD0]  }
0x119: {  	v20 =	vld [tilespmem:s6+$0xFFFFFFB0]  }
0x11a: {  	v22 =	vld [tilespmem:s6+$0xFFFFFFC0];
	v1 =	vand.u32 $0x3FFF, v0;
	v4 =	vshrl.u32 v0, $0xE;
	v0 =	vshra.s32 v0, $0xE  }
0x11b: {  	v30 =	vld [tilespmem:s6+$0xFFFFFFE0];
	v7 =	vand.u32 $0x3FFF, v2;
	v8 =	vand.u32 $0x3FFF, v3;
	v9 =	vand.u32 $0x3FFF, v5  }
0x11c: {  	v32 =	vld [tilespmem:s6+$0xFFFFFFF0];
	v10 =	vand.u32 $0x3FFF, v6;
	v48 =	vshra.s32 v6, $0xE;
	v6 =	vshrl.u32 v6, $0xE  }
0x11d: {  	v37 =	vld [tilespmem:s6+$0x0];
	v13 =	vshrl.u32 v42, $0xE;
	v19 =	vshrl.u32 v53, $0xE;
	v28 =	vand.u32 $0x3FFF, v23  }
0x11e: {  	v39 =	vld [tilespmem:s6+$0x10];
	v33 =	vshrl.u32 v23, $0xE;
	v34 =	vshra.s32 v23, $0xE;
	v0 =	vand.u32 $0xFFFFFC00, v0  }
0x11f: {  	v23 =	vld [tilespmem:s6+$0x90];
	v4 =	vand.u32 $0x3FF, v4;
	v49 =	vand.u32 $0xFFFFFC00, v48;
	v6 =	vand.u32 $0x3FF, v6  }
0x120: {  	v21 =	vand.u32 $0x3FF, v19;
	v19 =	vld [tilespmem:s6+$0x70];
	v0 =	vor.u32 v4, v0;
	v4 =	vshra.s32 v42, $0xE  }
0x121: {  	v51 =	vand.u32 $0x3FF, v13;
	v6 =	vor.u32 v6, v49;
	v49 =	vld [tilespmem:s6+$0x20];
	v4 =	vand.u32 $0xFFFFFC00, v4  }
0x122: {  	v4 =	vor.u32 v51, v4;
	v51 =	vld [tilespmem:s6+$0x30]  }
0x123: {  	v43 =	vand.u32 $0x3FFF, v42;
	v45 =	vshra.s32 v2, $0xE;
	v36 =	vand.u32 $0x3FFF, v30;
	v1 =	vld.idx.msk [tilespmem:v1+s7+$0x0], $0xffff  }
0x124: {  	v2 =	vshrl.u32 v2, $0xE;
	v11 =	vshrl.u32 v3, $0xE;
	v3 =	vshra.s32 v3, $0xE;
	v44 =	vld.idx.msk [tilespmem:v7+s7+$0x0], $0xffff  }
0x125: {  	v47 =	vshrl.u32 v5, $0xE;
	v5 =	vshra.s32 v5, $0xE;
	v2 =	vand.u32 $0x3FF, v2;
	v8 =	vld.idx.msk [tilespmem:v8+s7+$0x0], $0xffff  }
0x126: {  	v3 =	vand.u32 $0xFFFFFC00, v3;
	v46 =	vand.u32 $0x3FF, v11;
	v7 =	vand.u32 $0xFFFFFC00, v45;
	v9 =	vld.idx.msk [tilespmem:v9+s7+$0x0], $0xffff  }
0x127: {  	v5 =	vand.u32 $0xFFFFFC00, v5;
	v10 =	vld.idx.msk [tilespmem:v10+s7+$0x0], $0xffff;
	v2 =	vor.u32 v2, v7;
	v7 =	vand.u32 $0x3FF, v47  }
0x128: {  	v3 =	vor.u32 v46, v3;
	v42 =	vld.idx.msk [tilespmem:v36+s7+$0x0], $0xffff;
	v5 =	vor.u32 v7, v5;
	v7 =	vshra.s32 v53, $0xE  }
0x129: {  	v61 =	vand.u32 $0x3FFF, v53;
	v53 =	vld [tilespmem:s6+$0x40];
	v7 =	vand.u32 $0xFFFFFC00, v7  }
0x12a: {  	v54 =	vand.u32 $0x3FFF, v12;
	v7 =	vor.u32 v21, v7;
	v21 =	vld [tilespmem:s6+$0x80]  }
0x12b: {  	v56 =	vand.u32 $0x3FFF, v14;
	[tilespmem:v0+s8+$0x0] =	vst.idx.add.f32.msk $0xffff, v1  }
0x12c: {  	v58 =	vand.u32 $0x3FFF, v52;
	v0 =	vld.idx.msk [tilespmem:v43+s7+$0x0], $0xffff  }
0x12d: {  	[tilespmem:v3+s8+$0x0] =	vst.idx.add.f32.msk $0xffff, v8  }
0x12e: {  	[tilespmem:v6+s8+$0x0] =	vst.idx.add.f32.msk $0xffff, v10  }
0x12f: {  	v55 =	vand.u32 $0x3FFF, v50;
	v1 =	vld.idx.msk [tilespmem:v54+s7+$0x0], $0xffff  }
0x130: {  	v3 =	vld.idx.msk [tilespmem:v56+s7+$0x0], $0xffff  }
0x131: {  	v6 =	vld.idx.msk [tilespmem:v58+s7+$0x0], $0xffff  }
0x132: {  	v58 =	vld [tilespmem:s6+$0x50]  }
0x133: {  	[tilespmem:v2+s8+$0x0] =	vst.idx.add.f32.msk $0xffff, v44  }
0x134: {  	v57 =	vshra.s32 v12, $0xE;
	v38 =	vand.u32 $0x3FFF, v32;
	v2 =	vld.idx.msk [tilespmem:v55+s7+$0x0], $0xffff  }
0x135: {  	v59 =	vshrl.u32 v12, $0xE;
	v62 =	vshrl.u32 v50, $0xE;
	v63 =	vshra.s32 v50, $0xE;
	[tilespmem:v5+s8+$0x0] =	vst.idx.add.f32.msk $0xffff, v9  }
0x136: {  	v15 =	vshrl.u32 v14, $0xE;
	v12 =	vand.u32 $0xFFFFFC00, v63;
	v8 =	vand.u32 $0x3FF, v62;
	v5 =	vld.idx.msk [tilespmem:v61+s7+$0x0], $0xffff  }
0x137: {  	v16 =	vshra.s32 v14, $0xE;
	v17 =	vshra.s32 v52, $0xE;
	[tilespmem:v4+s8+$0x0] =	vst.idx.add.f32.msk $0xffff, v0;
	v4 =	vor.u32 v8, v12  }
0x138: {  	v60 =	vand.u32 $0xFFFFFC00, v57;
	v10 =	vand.u32 $0xFFFFFC00, v17;
	v17 =	vld [tilespmem:s6+$0x60];
	v0 =	vand.u32 $0x3FF, v59  }
0x139: {  	v44 =	vld.idx.msk [tilespmem:v38+s7+$0x0], $0xffff;
	v9 =	vand.u32 $0xFFFFFC00, v16;
	v8 =	vand.u32 $0x3FF, v15;
	v0 =	vor.u32 v0, v60  }
0x13a: {  	v38 =	vld [tilespmem:s6+$0xB0];
	v8 =	vor.u32 v8, v9  }
0x13b: {  	v24 =	vand.u32 $0x3FFF, v20;
	[tilespmem:v7+s8+$0x0] =	vst.idx.add.f32.msk $0xffff, v5  }
0x13c: {  	v18 =	vshrl.u32 v52, $0xE;
	v25 =	vand.u32 $0x3FFF, v22;
	[tilespmem:v4+s8+$0x0] =	vst.idx.add.f32.msk $0xffff, v2  }
0x13d: {  	v9 =	vand.u32 $0x3FF, v18;
	v4 =	vld.idx.msk [tilespmem:v28+s7+$0x0], $0xffff  }
0x13e: {  	v26 =	vshrl.u32 v20, $0xE;
	v9 =	vor.u32 v9, v10;
	[tilespmem:v0+s8+$0x0] =	vst.idx.add.f32.msk $0xffff, v1  }
0x13f: {  	v27 =	vshra.s32 v20, $0xE;
	v29 =	vshra.s32 v22, $0xE;
	v47 =	vand.u32 $0x3FFF, v39;
	[tilespmem:v8+s8+$0x0] =	vst.idx.add.f32.msk $0xffff, v3  }
0x140: {  	v31 =	vshrl.u32 v22, $0xE;
	v2 =	vand.u32 $0x3FF, v26;
	v3 =	vand.u32 $0xFFFFFC00, v27;
	v0 =	vld.idx.msk [tilespmem:v24+s7+$0x0], $0xffff  }
0x141: {  	v5 =	vand.u32 $0xFFFFFC00, v29;
	v1 =	vld.idx.msk [tilespmem:v25+s7+$0x0], $0xffff;
	v2 =	vor.u32 v2, v3;
	v3 =	vand.u32 $0x3FF, v31  }
0x142: {  	v35 =	vand.u32 $0xFFFFFC00, v34;
	v8 =	vand.u32 $0x3FF, v33;
	v25 =	vld [tilespmem:s6+$0xA0];
	v3 =	vor.u32 v3, v5  }
0x143: {  	v40 =	vshrl.u32 v30, $0xE;
	v41 =	vshra.s32 v30, $0xE;
	[tilespmem:v9+s8+$0x0] =	vst.idx.add.f32.msk $0xffff, v6;
	v5 =	vor.u32 v8, v35  }
0x144: {  	v50 =	vshrl.u32 v37, $0xE;
	v16 =	vshra.s32 v53, $0xE;
	v24 =	vand.u32 $0x3FFF, v17;
	v6 =	vld.idx.msk [tilespmem:v47+s7+$0x0], $0xffff  }
0x145: {  	v52 =	vshrl.u32 v39, $0xE;
	v56 =	vand.u32 $0x3FFF, v51;
	v8 =	vand.u32 $0xFFFFFC00, v16;
	v16 =	vld [tilespmem:s6+$0xF0]  }
0x146: {  	v46 =	vshra.s32 v32, $0xE;
	v45 =	vshrl.u32 v32, $0xE;
	v43 =	vand.u32 $0x3FFF, v37;
	[tilespmem:v2+s8+$0x0] =	vst.idx.add.f32.msk $0xffff, v0  }
0x147: {  	v57 =	vand.u32 $0x3FFF, v53;
	v0 =	vand.u32 $0x3FF, v40;
	[tilespmem:v3+s8+$0x0] =	vst.idx.add.f32.msk $0xffff, v1;
	v1 =	vand.u32 $0xFFFFFC00, v41  }
0x148: {  	[tilespmem:v5+s8+$0x0] =	vst.idx.add.f32.msk $0xffff, v4;
	v5 =	vand.u32 $0xFFFFFC00, v46;
	v4 =	vand.u32 $0x3FF, v45;
	v0 =	vor.u32 v0, v1  }
0x149: {  	v48 =	vshra.s32 v37, $0xE;
	v11 =	vshra.s32 v39, $0xE;
	v29 =	vld.idx.msk [tilespmem:v24+s7+$0x0], $0xffff;
	v4 =	vor.u32 v4, v5  }
0x14a: {  	v55 =	vand.u32 $0x3FFF, v49;
	v7 =	vand.u32 $0xFFFFFC00, v48;
	v2 =	vld.idx.msk [tilespmem:v56+s7+$0x0], $0xffff;
	v5 =	vand.u32 $0x3FF, v50  }
0x14b: {  	v54 =	vand.u32 $0xFFFFFC00, v11;
	v10 =	vand.u32 $0x3FF, v52;
	v1 =	vld.idx.msk [tilespmem:v43+s7+$0x0], $0xffff;
	v5 =	vor.u32 v5, v7  }
0x14c: {  	v3 =	vld.idx.msk [tilespmem:v57+s7+$0x0], $0xffff;
	v7 =	vor.u32 v10, v54  }
0x14d: {  	v34 =	vshra.s32 v19, $0xE;
	v39 =	vshra.s32 v23, $0xE;
	v63 =	vand.u32 $0x3FFF, v58;
	[tilespmem:v0+s8+$0x0] =	vst.idx.add.f32.msk $0xffff, v42  }
0x14e: {  	v62 =	vshra.s32 v51, $0xE;
	v61 =	vshrl.u32 v51, $0xE;
	v59 =	vshrl.u32 v49, $0xE;
	[tilespmem:v4+s8+$0x0] =	vst.idx.add.f32.msk $0xffff, v44  }
0x14f: {  	v20 =	vshrl.u32 v58, $0xE;
	v60 =	vshra.s32 v49, $0xE;
	v18 =	vshrl.u32 v53, $0xE;
	v0 =	vld.idx.msk [tilespmem:v55+s7+$0x0], $0xffff  }
0x150: {  	v4 =	vshra.s32 v58, $0xE;
	[tilespmem:v5+s8+$0x0] =	vst.idx.add.f32.msk $0xffff, v1;
	v5 =	vand.u32 $0xFFFFFC00, v60;
	v1 =	vand.u32 $0x3FF, v59  }
0x151: {  	v22 =	vand.u32 $0x3FF, v20;
	[tilespmem:v7+s8+$0x0] =	vst.idx.add.f32.msk $0xffff, v6;
	v4 =	vand.u32 $0xFFFFFC00, v4;
	v1 =	vor.u32 v1, v5  }
0x152: {  	v6 =	vand.u32 $0xFFFFFC00, v62;
	v7 =	vld.idx.msk [tilespmem:v63+s7+$0x0], $0xffff;
	v5 =	vand.u32 $0x3FF, v61;
	v4 =	vor.u32 v22, v4  }
0x153: {  	v26 =	vand.u32 $0x3FFF, v19;
	v41 =	vld [tilespmem:s6+$0xC0];
	v5 =	vor.u32 v5, v6;
	v6 =	vand.u32 $0x3FF, v18  }
0x154: {  	v36 =	vshrl.u32 v21, $0xE;
	v37 =	vshra.s32 v21, $0xE;
	v45 =	vld [tilespmem:s6+$0xE0];
	v6 =	vor.u32 v6, v8  }
0x155: {  	v30 =	vshra.s32 v17, $0xE;
	v15 =	vshra.s32 v38, $0xE;
	v27 =	vand.u32 $0x3FFF, v21;
	v43 =	vld [tilespmem:s6+$0xD0]  }
0x156: {  	v32 =	vshrl.u32 v17, $0xE;
	v48 =	vand.u32 $0xFFFFFC00, v15;
	v28 =	vand.u32 $0x3FFF, v23;
	[tilespmem:v1+s8+$0x0] =	vst.idx.add.f32.msk $0xffff, v0  }
0x157: {  	v33 =	vshrl.u32 v19, $0xE;
	v47 =	vand.u32 $0x3FFF, v38;
	v35 =	vand.u32 $0xFFFFFC00, v34;
	[tilespmem:v4+s8+$0x0] =	vst.idx.add.f32.msk $0xffff, v7  }
0x158: {  	v31 =	vand.u32 $0x3FFF, v25;
	v13 =	vshra.s32 v25, $0xE;
	v40 =	vshrl.u32 v23, $0xE;
	v0 =	vld.idx.msk [tilespmem:v26+s7+$0x0], $0xffff  }
0x159: {  	v46 =	vshrl.u32 v38, $0xE;
	v4 =	vand.u32 $0xFFFFFC00, v30;
	[tilespmem:v6+s8+$0x0] =	vst.idx.add.f32.msk $0xffff, v3;
	v6 =	vand.u32 $0x3FF, v32  }
0x15a: {  	v49 =	vand.u32 $0x3FF, v46;
	v1 =	vld.idx.msk [tilespmem:v27+s7+$0x0], $0xffff;
	v7 =	vand.u32 $0x3FF, v33;
	v4 =	vor.u32 v6, v4  }
0x15b: {  	v10 =	vand.u32 $0xFFFFFC00, v39;
	v54 =	vor.u32 v49, v48;
	[tilespmem:v5+s8+$0x0] =	vst.idx.add.f32.msk $0xffff, v2;
	v6 =	vor.u32 v7, v35  }
0x15c: {  	v50 =	vand.u32 $0x3FFF, v41;
	v42 =	vshrl.u32 v25, $0xE;
	v44 =	vand.u32 $0xFFFFFC00, v13;
	v2 =	vld.idx.msk [tilespmem:v28+s7+$0x0], $0xffff  }
0x15d: {  	v55 =	vand.u32 $0x3FFF, v45;
	v8 =	vand.u32 $0xFFFFFC00, v37;
	v5 =	vld.idx.msk [tilespmem:v31+s7+$0x0], $0xffff;
	v7 =	vand.u32 $0x3FF, v36  }
0x15e: {  	v12 =	vand.u32 $0x3FF, v42;
	v3 =	vld.idx.msk [tilespmem:v47+s7+$0x0], $0xffff;
	v7 =	vor.u32 v7, v8;
	v8 =	vand.u32 $0x3FF, v40  }
0x15f: {  	v8 =	vor.u32 v8, v10;
	v10 =	vor.u32 v12, v44;
	[tilespmem:v4+s8+$0x0] =	vst.idx.add.f32.msk $0xffff, v29  }
0x160: {  	v51 =	vshrl.u32 v41, $0xE;
	v11 =	vshra.s32 v41, $0xE;
	v53 =	vand.u32 $0x3FFF, v43;
	[tilespmem:v6+s8+$0x0] =	vst.idx.add.f32.msk $0xffff, v0  }
0x161: {  	v52 =	vand.u32 $0xFFFFFC00, v11;
	v56 =	vshrl.u32 v43, $0xE;
	v57 =	vshra.s32 v43, $0xE;
	v0 =	vld.idx.msk [tilespmem:v50+s7+$0x0], $0xffff  }
0x162: {  	v58 =	vand.u32 $0x3FFF, v16;
	v59 =	vshra.s32 v45, $0xE;
	v60 =	vshrl.u32 v45, $0xE;
	v4 =	vld.idx.msk [tilespmem:v55+s7+$0x0], $0xffff  }
0x163: {  	v62 =	vshra.s32 v16, $0xE;
	v9 =	vand.u32 $0xFFFFFC00, v59;
	v6 =	vand.u32 $0x3FF, v51;
	[tilespmem:v7+s8+$0x0] =	vst.idx.add.f32.msk $0xffff, v1  }
0x164: {  	v1 =	vor.u32 v6, v52;
	v6 =	vand.u32 $0xFFFFFC00, v57;
	[tilespmem:v10+s8+$0x0] =	vst.idx.add.f32.msk $0xffff, v5;
	v5 =	vand.u32 $0x3FF, v56  }
0x165: {  	v61 =	vshrl.u32 v16, $0xE;
	v7 =	vld.idx.msk [tilespmem:v53+s7+$0x0], $0xffff;
	v5 =	vor.u32 v5, v6;
	v6 =	vand.u32 $0x3FF, v60  }
0x166: {  	s5 =	sadd.s32 $0x20, s5;
	v63 =	vand.u32 $0xFFFFFC00, v62;
	[tilespmem:v8+s8+$0x0] =	vst.idx.add.f32.msk $0xffff, v2;
	v10 =	vand.u32 $0x3FF, v61;
	v6 =	vor.u32 v6, v9  }
0x167: {  	p1 =	slt.u32 s5, $0x4C0;
	v8 =	vld.idx.msk [tilespmem:v58+s7+$0x0], $0xffff;
	v9 =	vor.u32 v10, v63  }
.Ltmp8:
0x168: {  	[tilespmem:v54+s8+$0x0] =	vst.idx.add.f32.msk $0xffff, v3;
	(pc) =	sbr.rel @p1 .LBB2_17-.Ltmp8, $4  }
0x169: {  	[tilespmem:v1+s8+$0x0] =	vst.idx.add.f32.msk $0xffff, v0  }
0x16a: {  	[tilespmem:v5+s8+$0x0] =	vst.idx.add.f32.msk $0xffff, v7  }
0x16b: {  	[tilespmem:v6+s8+$0x0] =	vst.idx.add.f32.msk $0xffff, v4  }
0x16c: {  	s6 =	sadd.s32 $0x200, s6;
	[tilespmem:v9+s8+$0x0] =	vst.idx.add.f32.msk $0xffff, v8  }
0x16d: {  	s5 =	simm.s32 $0x0;
	s6 =	simm.s32 $0x9C40;
	s7 =	simm.s32 $0xDC40  }
.LBB2_19:
0x16e: {  	s8 =	sshra.s32 s5, $0x2  }
0x16f: {  	v0 =	vld [tilespmem:s8+$0x9C20];
	_ =	sdelay $0x4  }
0x170: {  	v1 =	vand.u32 $0x3FFF, v0;
	_ =	sdelay $0x2  }
0x171: {  	v2 =	vshrl.u32 v0, $0xE;
	v0 =	vshra.s32 v0, $0xE  }
0x172: {  	v0 =	vand.u32 $0xFFFFFC00, v0;
	v2 =	vand.u32 $0x3FF, v2  }
0x173: {  	p1 =	sne.s32 s5, $0x40;
	v0 =	vor.u32 v2, v0;
	v1 =	vld.idx.msk [tilespmem:v1+s6+$0x0], $0xffff  }
.Ltmp9:
0x174: {  	_ = 	snop;
	(pc) =	sbr.rel @p1 .LBB2_19-.Ltmp9, $2  }
0x175: {  	_ =	sdelay $0x2  }
0x176: {  	s5 =	sadd.s32 $0x40, s5;
	[tilespmem:v0+s7+$0x0] =	vst.idx.add.f32.msk $0xffff, v1  }
0x177: {  	[bflag:$0x0] =	sbarrier.arrive @p0 $0xFFFF  }
0x178: {  	s5 =	simm.s32 @p0 $0xA;
	s6 =	simm.s32 @p0 $0x16440;
	s7 =	simm.s32 @p0 $0xDC40  }
0x179: {  	[spmem:s3] =	stream.indirect.scatter.add.f32 @p0 [tilespmem:s7], [sflag:$0x3], $0x400, s6, s5, $0xb8;
	[tilespmem:$0x16850] =	vst v63  }
0x17a: {  	s5 =	simm.s32 @p0 $0x3  }
0x17b: {  	_ =	swait.ge @p0 [sflag:s5], $0x2800  }
0x17c: {  	[sflag:s5] =	ssyncset.done @p0 $0x0  }
0x17d: {  	[sflag:s5] =	ssyncadd.s32 @p0 $0xFFFFD800;
	s5 =	simm.s32 @!p0 $0xDC40  }
0x17e: {  	[spmem:s3] =	stream.linear.scatter @!p0 [tilespmem:s5], [sflag:$0x3], $0x2800, $0x38;
	[tilespmem:$0x16850] =	vst v63  }
0x17f: {  	s5 =	simm.s32 @!p0 $0x3  }
0x180: {  	_ =	swait.ge @!p0 [sflag:s5], $0x2800  }
0x181: {  	[sflag:s5] =	ssyncset.done @!p0 $0x0  }
0x182: {  	s31 =	simm.s32 $0x0;
	[sflag:s5] =	ssyncadd.s32 @!p0 $0xFFFFD800  }
0x183: {  	v0 =	vimm.f32 $0.0e+00;
	s5 =	sand.u32 $0x3F80, s31;
	[bflag:$0x0] =	sbarrier.arrive @!p0 $0xFFFF  }
0x184: {  	[tilespmem:s5+$0xDCB0] =	vst v0  }
0x185: {  	[tilespmem:s5+$0xDC40] =	vst v0  }
0x186: {  	[tilespmem:s5+$0xDC50] =	vst v0  }
0x187: {  	[tilespmem:s5+$0xDC60] =	vst v0  }
0x188: {  	[tilespmem:s5+$0xDC70] =	vst v0  }
0x189: {  	[tilespmem:s5+$0xDC80] =	vst v0  }
0x18a: {  	s6 =	simm.s32 $0x0;
	s7 =	simm.s32 $0x80;
	[tilespmem:s5+$0xDC90] =	vst v0  }
.LBB2_21:
0x18b: {  	s6 =	sadd.s32 $0x8, s6;
	[tilespmem:s5+$0xDCA0] =	vst v0;
	s5 =	sand.u32 $0x3F80, s7  }
0x18c: {  	[tilespmem:s5+$0xDCB0] =	vst v0;
	p1 =	slt.u32 s6, $0x278  }
0x18d: {  	[tilespmem:s5+$0xDC40] =	vst v0  }
.Ltmp10:
0x18e: {  	[tilespmem:s5+$0xDC50] =	vst v0;
	(pc) =	sbr.rel @p1 .LBB2_21-.Ltmp10, $4  }
0x18f: {  	[tilespmem:s5+$0xDC60] =	vst v0  }
0x190: {  	[tilespmem:s5+$0xDC70] =	vst v0  }
0x191: {  	[tilespmem:s5+$0xDC80] =	vst v0  }
0x192: {  	s7 =	sadd.s32 $0x80, s7;
	[tilespmem:s5+$0xDC90] =	vst v0  }
0x193: {  	[tilespmem:s5+$0xDCA0] =	vst v0  }
0x194: {  	s30 =	simm.s32 $0x9C40;
	s31 =	simm.s32 $0x3;
	[bflag:$0x0] =	sbarrier.arrive $0xFFFF  }
0x195: {  	[tilespmem:s30], [sflag:$0x3] =	stream.linear.gather [spmem:s3], $0x2800, $0x38;
	[tilespmem:$0x16850] =	vst v63  }
0x196: {  	_ =	swait.ge [sflag:s31], $0x2800  }
0x197: {  	[sflag:s31] =	ssyncset.done $0x0  }
0x198: {  	s5 =	simm.s32 $0x9C60;
	[sflag:s31] =	ssyncadd.s32 $0xFFFFD800  }
0x199: {  	s6 =	simm.s32 $0x11C60;
	v5 =	vld [tilespmem:s5+$0x10]  }
0x19a: {  	v6 =	vld [tilespmem:s6+$0x10]  }
0x19b: {  	v2 =	vld [tilespmem:s6+$0xFFFFFFE0]  }
0x19c: {  	v0 =	vld [tilespmem:s5+$0xFFFFFFF0]  }
0x19d: {  	v4 =	vld [tilespmem:s6+$0xFFFFFFF0]  }
0x19e: {  	v1 =	vld [tilespmem:s5+$0x0]  }
0x19f: {  	v3 =	vld [tilespmem:s6+$0x0];
	v6 =	vmul.f32 v6, v5  }
0x1a0: {  	s7 =	simm.s32 $0x0;
	s8 =	simm.s32 $0x9CA0;
	v5 =	vld [tilespmem:s5+$0xFFFFFFE0]  }
.LBB2_23:
0x1a1: {  	v7 =	vld [tilespmem:s8+$0x10];
	[tilespmem:s5+$0x10] =	vst v6;
	s6 =	sadd.s32 $0x40, s6  }
0x1a2: {  	s7 =	sadd.s32 $0x4, s7;
	v6 =	vld [tilespmem:s6+$0x10];
	v4 =	vmul.f32 v4, v0  }
0x1a3: {  	p1 =	slt.u32 s7, $0x27C;
	v8 =	vld [tilespmem:s6+$0xFFFFFFE0]  }
.Ltmp11:
0x1a4: {  	v0 =	vld [tilespmem:s8+$0xFFFFFFF0];
	[tilespmem:s5+$0xFFFFFFF0] =	vst v4;
	v3 =	vmul.f32 v3, v1;
	(pc) =	sbr.rel @p1 .LBB2_23-.Ltmp11, $4  }
0x1a5: {  	v4 =	vld [tilespmem:s6+$0xFFFFFFF0];
	v9 =	vmul.f32 v2, v5  }
0x1a6: {  	v1 =	vld [tilespmem:s8+$0x0];
	[tilespmem:s5+$0x0] =	vst v3  }
0x1a7: {  	v3 =	vld [tilespmem:s6+$0x0];
	v6 =	vmul.f32 v6, v7;
	[tilespmem:s5+$0xFFFFFFE0] =	vst v9;
	s5 =	smov.u32 s8  }
0x1a8: {  	s8 =	sadd.s32 $0x40, s8;
	v5 =	vld [tilespmem:s5+$0xFFFFFFE0];
	v2 =	vmov v8  }
0x1a9: {  	_ =	sdelay $0x1  }
0x1aa: {  	v0 =	vmul.f32 v4, v0  }
0x1ab: {  	[tilespmem:s5+$0x10] =	vst v6;
	v1 =	vmul.f32 v3, v1  }
0x1ac: {  	[tilespmem:s5+$0xFFFFFFF0] =	vst v0;
	v0 =	vmul.f32 v2, v5  }
0x1ad: {  	[tilespmem:s5+$0x0] =	vst v1  }
0x1ae: {  	[tilespmem:s5+$0xFFFFFFE0] =	vst v0  }
0x1af: {  	v0 =	vld [tilespmem:s4+$0x10]  }
0x1b0: {  	s5 =	simm.s32 $0x15C60;
	v5 =	vld [tilespmem:s4+$0xFFFFFFE0]  }
0x1b1: {  	v6 =	vld [tilespmem:s5+$0x10]  }
0x1b2: {  	v3 =	vld [tilespmem:s4+$0xFFFFFFF0]  }
0x1b3: {  	v2 =	vld [tilespmem:s4+$0x0]  }
0x1b4: {  	v1 =	vld [tilespmem:s5+$0xFFFFFFF0];
	v7 =	vmul.f32 $9.000000310e-06, v0  }
0x1b5: {  	v4 =	vld [tilespmem:s5+$0x0]  }
0x1b6: {  	s6 =	simm.s32 $0x0;
	s7 =	sadd.s32 $0x40, s4;
	s8 =	simm.s32 $0x15C60;
	v0 =	vmul.f32 $9.000000310e-06, v5;
	v5 =	vld [tilespmem:s5+$0xFFFFFFE0];
	v6 =	vadd.f32 v7, v6  }
.LBB2_25:
0x1b7: {  	v7 =	vld [tilespmem:s7+$0x10];
	s6 =	sadd.s32 $0x4, s6;
	v3 =	vmul.f32 $9.000000310e-06, v3  }
0x1b8: {  	s8 =	sadd.s32 $0x40, s8;
	v8 =	vld [tilespmem:s7+$0xFFFFFFE0];
	p1 =	slt.u32 s6, $0x3C;
	v2 =	vmul.f32 $9.000000310e-06, v2;
	[tilespmem:s5+$0x10] =	vst v6  }
0x1b9: {  	v6 =	vld [tilespmem:s8+$0x10];
	v1 =	vadd.f32 v3, v1  }
.Ltmp12:
0x1ba: {  	v3 =	vld [tilespmem:s7+$0xFFFFFFF0];
	v4 =	vadd.f32 v2, v4;
	(pc) =	sbr.rel @p1 .LBB2_25-.Ltmp12, $4  }
0x1bb: {  	v2 =	vld [tilespmem:s7+$0x0];
	v5 =	vadd.f32 v0, v5;
	[tilespmem:s5+$0xFFFFFFF0] =	vst v1  }
0x1bc: {  	v1 =	vld [tilespmem:s8+$0xFFFFFFF0];
	v7 =	vmul.f32 $9.000000310e-06, v7;
	[tilespmem:s5+$0x0] =	vst v4  }
0x1bd: {  	v0 =	vmul.f32 $9.000000310e-06, v8;
	v4 =	vld [tilespmem:s8+$0x0];
	[tilespmem:s5+$0xFFFFFFE0] =	vst v5;
	s5 =	smov.u32 s8  }
0x1be: {  	s7 =	sadd.s32 $0x40, s7;
	v5 =	vld [tilespmem:s8+$0xFFFFFFE0];
	v6 =	vadd.f32 v7, v6  }
0x1bf: {  	v3 =	vmul.f32 $9.000000310e-06, v3  }
0x1c0: {  	v2 =	vmul.f32 $9.000000310e-06, v2  }
0x1c1: {  	v1 =	vadd.f32 v3, v1  }
0x1c2: {  	[tilespmem:s5+$0x10] =	vst v6;
	v2 =	vadd.f32 v2, v4  }
0x1c3: {  	v0 =	vadd.f32 v0, v5;
	[tilespmem:s5+$0xFFFFFFF0] =	vst v1  }
0x1c4: {  	[tilespmem:s5+$0x0] =	vst v2  }
0x1c5: {  	s6 =	simm.s32 $0x4F20;
	s7 =	simm.s32 $0x9C40;
	[tilespmem:s5+$0xFFFFFFE0] =	vst v0  }
0x1c6: {  	s8 =	simm.s32 $0xDC40;
	s5 =	simm.s32 $0xFFFFFFE0;
	[bflag:$0x0] =	sbarrier.arrive $0xFFFF  }
.LBB2_27:
0x1c7: {  	v0 =	vld [tilespmem:s6+$0xFFFFFF00]  }
0x1c8: {  	v2 =	vld [tilespmem:s6+$0xFFFFFF10]  }
0x1c9: {  	v3 =	vld [tilespmem:s6+$0xFFFFFF20]  }
0x1ca: {  	v5 =	vld [tilespmem:s6+$0xFFFFFF30]  }
0x1cb: {  	v6 =	vld [tilespmem:s6+$0xFFFFFF40]  }
0x1cc: {  	v42 =	vld [tilespmem:s6+$0xFFFFFF50]  }
0x1cd: {  	v12 =	vld [tilespmem:s6+$0xFFFFFF60]  }
0x1ce: {  	v50 =	vld [tilespmem:s6+$0xFFFFFF70]  }
0x1cf: {  	v14 =	vld [tilespmem:s6+$0xFFFFFF80]  }
0x1d0: {  	v52 =	vld [tilespmem:s6+$0xFFFFFF90]  }
0x1d1: {  	v53 =	vld [tilespmem:s6+$0xFFFFFFA0]  }
0x1d2: {  	v23 =	vld [tilespmem:s6+$0xFFFFFFD0]  }
0x1d3: {  	v20 =	vld [tilespmem:s6+$0xFFFFFFB0]  }
0x1d4: {  	v22 =	vld [tilespmem:s6+$0xFFFFFFC0];
	v1 =	vand.u32 $0x3FFF, v0;
	v4 =	vshrl.u32 v0, $0xE;
	v0 =	vshra.s32 v0, $0xE  }
0x1d5: {  	v30 =	vld [tilespmem:s6+$0xFFFFFFE0];
	v7 =	vand.u32 $0x3FFF, v2;
	v8 =	vand.u32 $0x3FFF, v3;
	v9 =	vand.u32 $0x3FFF, v5  }
0x1d6: {  	v32 =	vld [tilespmem:s6+$0xFFFFFFF0];
	v10 =	vand.u32 $0x3FFF, v6;
	v48 =	vshra.s32 v6, $0xE;
	v6 =	vshrl.u32 v6, $0xE  }
0x1d7: {  	v37 =	vld [tilespmem:s6+$0x0];
	v13 =	vshrl.u32 v42, $0xE;
	v19 =	vshrl.u32 v53, $0xE;
	v28 =	vand.u32 $0x3FFF, v23  }
0x1d8: {  	v39 =	vld [tilespmem:s6+$0x10];
	v33 =	vshrl.u32 v23, $0xE;
	v34 =	vshra.s32 v23, $0xE;
	v0 =	vand.u32 $0xFFFFFC00, v0  }
0x1d9: {  	v23 =	vld [tilespmem:s6+$0x90];
	v4 =	vand.u32 $0x3FF, v4;
	v49 =	vand.u32 $0xFFFFFC00, v48;
	v6 =	vand.u32 $0x3FF, v6  }
0x1da: {  	v21 =	vand.u32 $0x3FF, v19;
	v19 =	vld [tilespmem:s6+$0x70];
	v0 =	vor.u32 v4, v0;
	v4 =	vshra.s32 v42, $0xE  }
0x1db: {  	v51 =	vand.u32 $0x3FF, v13;
	v6 =	vor.u32 v6, v49;
	v49 =	vld [tilespmem:s6+$0x20];
	v4 =	vand.u32 $0xFFFFFC00, v4  }
0x1dc: {  	v4 =	vor.u32 v51, v4;
	v51 =	vld [tilespmem:s6+$0x30]  }
0x1dd: {  	v43 =	vand.u32 $0x3FFF, v42;
	v45 =	vshra.s32 v2, $0xE;
	v36 =	vand.u32 $0x3FFF, v30;
	v1 =	vld.idx.msk [tilespmem:v1+s7+$0x0], $0xffff  }
0x1de: {  	v2 =	vshrl.u32 v2, $0xE;
	v11 =	vshrl.u32 v3, $0xE;
	v3 =	vshra.s32 v3, $0xE;
	v44 =	vld.idx.msk [tilespmem:v7+s7+$0x0], $0xffff  }
0x1df: {  	v47 =	vshrl.u32 v5, $0xE;
	v5 =	vshra.s32 v5, $0xE;
	v2 =	vand.u32 $0x3FF, v2;
	v8 =	vld.idx.msk [tilespmem:v8+s7+$0x0], $0xffff  }
0x1e0: {  	v3 =	vand.u32 $0xFFFFFC00, v3;
	v46 =	vand.u32 $0x3FF, v11;
	v7 =	vand.u32 $0xFFFFFC00, v45;
	v9 =	vld.idx.msk [tilespmem:v9+s7+$0x0], $0xffff  }
0x1e1: {  	v5 =	vand.u32 $0xFFFFFC00, v5;
	v10 =	vld.idx.msk [tilespmem:v10+s7+$0x0], $0xffff;
	v2 =	vor.u32 v2, v7;
	v7 =	vand.u32 $0x3FF, v47  }
0x1e2: {  	v3 =	vor.u32 v46, v3;
	v42 =	vld.idx.msk [tilespmem:v36+s7+$0x0], $0xffff;
	v5 =	vor.u32 v7, v5;
	v7 =	vshra.s32 v53, $0xE  }
0x1e3: {  	v61 =	vand.u32 $0x3FFF, v53;
	v53 =	vld [tilespmem:s6+$0x40];
	v7 =	vand.u32 $0xFFFFFC00, v7  }
0x1e4: {  	v54 =	vand.u32 $0x3FFF, v12;
	v7 =	vor.u32 v21, v7;
	v21 =	vld [tilespmem:s6+$0x80]  }
0x1e5: {  	v56 =	vand.u32 $0x3FFF, v14;
	[tilespmem:v0+s8+$0x0] =	vst.idx.add.f32.msk $0xffff, v1  }
0x1e6: {  	v58 =	vand.u32 $0x3FFF, v52;
	v0 =	vld.idx.msk [tilespmem:v43+s7+$0x0], $0xffff  }
0x1e7: {  	[tilespmem:v3+s8+$0x0] =	vst.idx.add.f32.msk $0xffff, v8  }
0x1e8: {  	[tilespmem:v6+s8+$0x0] =	vst.idx.add.f32.msk $0xffff, v10  }
0x1e9: {  	v55 =	vand.u32 $0x3FFF, v50;
	v1 =	vld.idx.msk [tilespmem:v54+s7+$0x0], $0xffff  }
0x1ea: {  	v3 =	vld.idx.msk [tilespmem:v56+s7+$0x0], $0xffff  }
0x1eb: {  	v6 =	vld.idx.msk [tilespmem:v58+s7+$0x0], $0xffff  }
0x1ec: {  	v58 =	vld [tilespmem:s6+$0x50]  }
0x1ed: {  	[tilespmem:v2+s8+$0x0] =	vst.idx.add.f32.msk $0xffff, v44  }
0x1ee: {  	v57 =	vshra.s32 v12, $0xE;
	v38 =	vand.u32 $0x3FFF, v32;
	v2 =	vld.idx.msk [tilespmem:v55+s7+$0x0], $0xffff  }
0x1ef: {  	v59 =	vshrl.u32 v12, $0xE;
	v62 =	vshrl.u32 v50, $0xE;
	v63 =	vshra.s32 v50, $0xE;
	[tilespmem:v5+s8+$0x0] =	vst.idx.add.f32.msk $0xffff, v9  }
0x1f0: {  	v15 =	vshrl.u32 v14, $0xE;
	v12 =	vand.u32 $0xFFFFFC00, v63;
	v8 =	vand.u32 $0x3FF, v62;
	v5 =	vld.idx.msk [tilespmem:v61+s7+$0x0], $0xffff  }
0x1f1: {  	v16 =	vshra.s32 v14, $0xE;
	v17 =	vshra.s32 v52, $0xE;
	[tilespmem:v4+s8+$0x0] =	vst.idx.add.f32.msk $0xffff, v0;
	v4 =	vor.u32 v8, v12  }
0x1f2: {  	v60 =	vand.u32 $0xFFFFFC00, v57;
	v10 =	vand.u32 $0xFFFFFC00, v17;
	v17 =	vld [tilespmem:s6+$0x60];
	v0 =	vand.u32 $0x3FF, v59  }
0x1f3: {  	v44 =	vld.idx.msk [tilespmem:v38+s7+$0x0], $0xffff;
	v9 =	vand.u32 $0xFFFFFC00, v16;
	v8 =	vand.u32 $0x3FF, v15;
	v0 =	vor.u32 v0, v60  }
0x1f4: {  	v38 =	vld [tilespmem:s6+$0xB0];
	v8 =	vor.u32 v8, v9  }
0x1f5: {  	v24 =	vand.u32 $0x3FFF, v20;
	[tilespmem:v7+s8+$0x0] =	vst.idx.add.f32.msk $0xffff, v5  }
0x1f6: {  	v18 =	vshrl.u32 v52, $0xE;
	v25 =	vand.u32 $0x3FFF, v22;
	[tilespmem:v4+s8+$0x0] =	vst.idx.add.f32.msk $0xffff, v2  }
0x1f7: {  	v9 =	vand.u32 $0x3FF, v18;
	v4 =	vld.idx.msk [tilespmem:v28+s7+$0x0], $0xffff  }
0x1f8: {  	v26 =	vshrl.u32 v20, $0xE;
	v9 =	vor.u32 v9, v10;
	[tilespmem:v0+s8+$0x0] =	vst.idx.add.f32.msk $0xffff, v1  }
0x1f9: {  	v27 =	vshra.s32 v20, $0xE;
	v29 =	vshra.s32 v22, $0xE;
	v47 =	vand.u32 $0x3FFF, v39;
	[tilespmem:v8+s8+$0x0] =	vst.idx.add.f32.msk $0xffff, v3  }
0x1fa: {  	v31 =	vshrl.u32 v22, $0xE;
	v2 =	vand.u32 $0x3FF, v26;
	v3 =	vand.u32 $0xFFFFFC00, v27;
	v0 =	vld.idx.msk [tilespmem:v24+s7+$0x0], $0xffff  }
0x1fb: {  	v5 =	vand.u32 $0xFFFFFC00, v29;
	v1 =	vld.idx.msk [tilespmem:v25+s7+$0x0], $0xffff;
	v2 =	vor.u32 v2, v3;
	v3 =	vand.u32 $0x3FF, v31  }
0x1fc: {  	v35 =	vand.u32 $0xFFFFFC00, v34;
	v8 =	vand.u32 $0x3FF, v33;
	v25 =	vld [tilespmem:s6+$0xA0];
	v3 =	vor.u32 v3, v5  }
0x1fd: {  	v40 =	vshrl.u32 v30, $0xE;
	v41 =	vshra.s32 v30, $0xE;
	[tilespmem:v9+s8+$0x0] =	vst.idx.add.f32.msk $0xffff, v6;
	v5 =	vor.u32 v8, v35  }
0x1fe: {  	v50 =	vshrl.u32 v37, $0xE;
	v16 =	vshra.s32 v53, $0xE;
	v24 =	vand.u32 $0x3FFF, v17;
	v6 =	vld.idx.msk [tilespmem:v47+s7+$0x0], $0xffff  }
0x1ff: {  	v52 =	vshrl.u32 v39, $0xE;
	v56 =	vand.u32 $0x3FFF, v51;
	v8 =	vand.u32 $0xFFFFFC00, v16;
	v16 =	vld [tilespmem:s6+$0xF0]  }
0x200: {  	v46 =	vshra.s32 v32, $0xE;
	v45 =	vshrl.u32 v32, $0xE;
	v43 =	vand.u32 $0x3FFF, v37;
	[tilespmem:v2+s8+$0x0] =	vst.idx.add.f32.msk $0xffff, v0  }
0x201: {  	v57 =	vand.u32 $0x3FFF, v53;
	v0 =	vand.u32 $0x3FF, v40;
	[tilespmem:v3+s8+$0x0] =	vst.idx.add.f32.msk $0xffff, v1;
	v1 =	vand.u32 $0xFFFFFC00, v41  }
0x202: {  	[tilespmem:v5+s8+$0x0] =	vst.idx.add.f32.msk $0xffff, v4;
	v5 =	vand.u32 $0xFFFFFC00, v46;
	v4 =	vand.u32 $0x3FF, v45;
	v0 =	vor.u32 v0, v1  }
0x203: {  	v48 =	vshra.s32 v37, $0xE;
	v11 =	vshra.s32 v39, $0xE;
	v29 =	vld.idx.msk [tilespmem:v24+s7+$0x0], $0xffff;
	v4 =	vor.u32 v4, v5  }
0x204: {  	v55 =	vand.u32 $0x3FFF, v49;
	v7 =	vand.u32 $0xFFFFFC00, v48;
	v2 =	vld.idx.msk [tilespmem:v56+s7+$0x0], $0xffff;
	v5 =	vand.u32 $0x3FF, v50  }
0x205: {  	v54 =	vand.u32 $0xFFFFFC00, v11;
	v10 =	vand.u32 $0x3FF, v52;
	v1 =	vld.idx.msk [tilespmem:v43+s7+$0x0], $0xffff;
	v5 =	vor.u32 v5, v7  }
0x206: {  	v3 =	vld.idx.msk [tilespmem:v57+s7+$0x0], $0xffff;
	v7 =	vor.u32 v10, v54  }
0x207: {  	v34 =	vshra.s32 v19, $0xE;
	v39 =	vshra.s32 v23, $0xE;
	v63 =	vand.u32 $0x3FFF, v58;
	[tilespmem:v0+s8+$0x0] =	vst.idx.add.f32.msk $0xffff, v42  }
0x208: {  	v62 =	vshra.s32 v51, $0xE;
	v61 =	vshrl.u32 v51, $0xE;
	v59 =	vshrl.u32 v49, $0xE;
	[tilespmem:v4+s8+$0x0] =	vst.idx.add.f32.msk $0xffff, v44  }
0x209: {  	v20 =	vshrl.u32 v58, $0xE;
	v60 =	vshra.s32 v49, $0xE;
	v18 =	vshrl.u32 v53, $0xE;
	v0 =	vld.idx.msk [tilespmem:v55+s7+$0x0], $0xffff  }
0x20a: {  	v4 =	vshra.s32 v58, $0xE;
	[tilespmem:v5+s8+$0x0] =	vst.idx.add.f32.msk $0xffff, v1;
	v5 =	vand.u32 $0xFFFFFC00, v60;
	v1 =	vand.u32 $0x3FF, v59  }
0x20b: {  	v22 =	vand.u32 $0x3FF, v20;
	[tilespmem:v7+s8+$0x0] =	vst.idx.add.f32.msk $0xffff, v6;
	v4 =	vand.u32 $0xFFFFFC00, v4;
	v1 =	vor.u32 v1, v5  }
0x20c: {  	v6 =	vand.u32 $0xFFFFFC00, v62;
	v7 =	vld.idx.msk [tilespmem:v63+s7+$0x0], $0xffff;
	v5 =	vand.u32 $0x3FF, v61;
	v4 =	vor.u32 v22, v4  }
0x20d: {  	v26 =	vand.u32 $0x3FFF, v19;
	v41 =	vld [tilespmem:s6+$0xC0];
	v5 =	vor.u32 v5, v6;
	v6 =	vand.u32 $0x3FF, v18  }
0x20e: {  	v36 =	vshrl.u32 v21, $0xE;
	v37 =	vshra.s32 v21, $0xE;
	v45 =	vld [tilespmem:s6+$0xE0];
	v6 =	vor.u32 v6, v8  }
0x20f: {  	v30 =	vshra.s32 v17, $0xE;
	v15 =	vshra.s32 v38, $0xE;
	v27 =	vand.u32 $0x3FFF, v21;
	v43 =	vld [tilespmem:s6+$0xD0]  }
0x210: {  	v32 =	vshrl.u32 v17, $0xE;
	v48 =	vand.u32 $0xFFFFFC00, v15;
	v28 =	vand.u32 $0x3FFF, v23;
	[tilespmem:v1+s8+$0x0] =	vst.idx.add.f32.msk $0xffff, v0  }
0x211: {  	v33 =	vshrl.u32 v19, $0xE;
	v47 =	vand.u32 $0x3FFF, v38;
	v35 =	vand.u32 $0xFFFFFC00, v34;
	[tilespmem:v4+s8+$0x0] =	vst.idx.add.f32.msk $0xffff, v7  }
0x212: {  	v31 =	vand.u32 $0x3FFF, v25;
	v13 =	vshra.s32 v25, $0xE;
	v40 =	vshrl.u32 v23, $0xE;
	v0 =	vld.idx.msk [tilespmem:v26+s7+$0x0], $0xffff  }
0x213: {  	v46 =	vshrl.u32 v38, $0xE;
	v4 =	vand.u32 $0xFFFFFC00, v30;
	[tilespmem:v6+s8+$0x0] =	vst.idx.add.f32.msk $0xffff, v3;
	v6 =	vand.u32 $0x3FF, v32  }
0x214: {  	v49 =	vand.u32 $0x3FF, v46;
	v1 =	vld.idx.msk [tilespmem:v27+s7+$0x0], $0xffff;
	v7 =	vand.u32 $0x3FF, v33;
	v4 =	vor.u32 v6, v4  }
0x215: {  	v10 =	vand.u32 $0xFFFFFC00, v39;
	v54 =	vor.u32 v49, v48;
	[tilespmem:v5+s8+$0x0] =	vst.idx.add.f32.msk $0xffff, v2;
	v6 =	vor.u32 v7, v35  }
0x216: {  	v50 =	vand.u32 $0x3FFF, v41;
	v42 =	vshrl.u32 v25, $0xE;
	v44 =	vand.u32 $0xFFFFFC00, v13;
	v2 =	vld.idx.msk [tilespmem:v28+s7+$0x0], $0xffff  }
0x217: {  	v55 =	vand.u32 $0x3FFF, v45;
	v8 =	vand.u32 $0xFFFFFC00, v37;
	v5 =	vld.idx.msk [tilespmem:v31+s7+$0x0], $0xffff;
	v7 =	vand.u32 $0x3FF, v36  }
0x218: {  	v12 =	vand.u32 $0x3FF, v42;
	v3 =	vld.idx.msk [tilespmem:v47+s7+$0x0], $0xffff;
	v7 =	vor.u32 v7, v8;
	v8 =	vand.u32 $0x3FF, v40  }
0x219: {  	v8 =	vor.u32 v8, v10;
	v10 =	vor.u32 v12, v44;
	[tilespmem:v4+s8+$0x0] =	vst.idx.add.f32.msk $0xffff, v29  }
0x21a: {  	v51 =	vshrl.u32 v41, $0xE;
	v11 =	vshra.s32 v41, $0xE;
	v53 =	vand.u32 $0x3FFF, v43;
	[tilespmem:v6+s8+$0x0] =	vst.idx.add.f32.msk $0xffff, v0  }
0x21b: {  	v52 =	vand.u32 $0xFFFFFC00, v11;
	v56 =	vshrl.u32 v43, $0xE;
	v57 =	vshra.s32 v43, $0xE;
	v0 =	vld.idx.msk [tilespmem:v50+s7+$0x0], $0xffff  }
0x21c: {  	v58 =	vand.u32 $0x3FFF, v16;
	v59 =	vshra.s32 v45, $0xE;
	v60 =	vshrl.u32 v45, $0xE;
	v4 =	vld.idx.msk [tilespmem:v55+s7+$0x0], $0xffff  }
0x21d: {  	v62 =	vshra.s32 v16, $0xE;
	v9 =	vand.u32 $0xFFFFFC00, v59;
	v6 =	vand.u32 $0x3FF, v51;
	[tilespmem:v7+s8+$0x0] =	vst.idx.add.f32.msk $0xffff, v1  }
0x21e: {  	v1 =	vor.u32 v6, v52;
	v6 =	vand.u32 $0xFFFFFC00, v57;
	[tilespmem:v10+s8+$0x0] =	vst.idx.add.f32.msk $0xffff, v5;
	v5 =	vand.u32 $0x3FF, v56  }
0x21f: {  	v61 =	vshrl.u32 v16, $0xE;
	v7 =	vld.idx.msk [tilespmem:v53+s7+$0x0], $0xffff;
	v5 =	vor.u32 v5, v6;
	v6 =	vand.u32 $0x3FF, v60  }
0x220: {  	s5 =	sadd.s32 $0x20, s5;
	v63 =	vand.u32 $0xFFFFFC00, v62;
	[tilespmem:v8+s8+$0x0] =	vst.idx.add.f32.msk $0xffff, v2;
	v10 =	vand.u32 $0x3FF, v61;
	v6 =	vor.u32 v6, v9  }
0x221: {  	p1 =	slt.u32 s5, $0x4C0;
	v8 =	vld.idx.msk [tilespmem:v58+s7+$0x0], $0xffff;
	v9 =	vor.u32 v10, v63  }
.Ltmp13:
0x222: {  	[tilespmem:v54+s8+$0x0] =	vst.idx.add.f32.msk $0xffff, v3;
	(pc) =	sbr.rel @p1 .LBB2_27-.Ltmp13, $4  }
0x223: {  	[tilespmem:v1+s8+$0x0] =	vst.idx.add.f32.msk $0xffff, v0  }
0x224: {  	[tilespmem:v5+s8+$0x0] =	vst.idx.add.f32.msk $0xffff, v7  }
0x225: {  	[tilespmem:v6+s8+$0x0] =	vst.idx.add.f32.msk $0xffff, v4  }
0x226: {  	s6 =	sadd.s32 $0x200, s6;
	[tilespmem:v9+s8+$0x0] =	vst.idx.add.f32.msk $0xffff, v8  }
0x227: {  	s5 =	simm.s32 $0x0;
	s6 =	simm.s32 $0x9C40;
	s7 =	simm.s32 $0xDC40  }
.LBB2_29:
0x228: {  	s8 =	sshra.s32 s5, $0x2  }
0x229: {  	v0 =	vld [tilespmem:s8+$0x9C20];
	_ =	sdelay $0x4  }
0x22a: {  	v1 =	vand.u32 $0x3FFF, v0;
	_ =	sdelay $0x2  }
0x22b: {  	v2 =	vshrl.u32 v0, $0xE;
	v0 =	vshra.s32 v0, $0xE  }
0x22c: {  	v0 =	vand.u32 $0xFFFFFC00, v0;
	v2 =	vand.u32 $0x3FF, v2  }
0x22d: {  	p1 =	sne.s32 s5, $0x40;
	v0 =	vor.u32 v2, v0;
	v1 =	vld.idx.msk [tilespmem:v1+s6+$0x0], $0xffff  }
.Ltmp14:
0x22e: {  	_ = 	snop;
	(pc) =	sbr.rel @p1 .LBB2_29-.Ltmp14, $2  }
0x22f: {  	_ =	sdelay $0x2  }
0x230: {  	s5 =	sadd.s32 $0x40, s5;
	[tilespmem:v0+s7+$0x0] =	vst.idx.add.f32.msk $0xffff, v1  }
0x231: {  	[bflag:$0x0] =	sbarrier.arrive @p0 $0xFFFF  }
0x232: {  	s5 =	simm.s32 @p0 $0xA;
	s6 =	simm.s32 @p0 $0x16440;
	s7 =	simm.s32 @p0 $0xDC40  }
0x233: {  	[spmem:s3] =	stream.indirect.scatter.add.f32 @p0 [tilespmem:s7], [sflag:$0x3], $0x400, s6, s5, $0xb8;
	[tilespmem:$0x16850] =	vst v63  }
0x234: {  	s5 =	simm.s32 @p0 $0x3  }
0x235: {  	_ =	swait.ge @p0 [sflag:s5], $0x2800  }
0x236: {  	[sflag:s5] =	ssyncset.done @p0 $0x0  }
0x237: {  	[sflag:s5] =	ssyncadd.s32 @p0 $0xFFFFD800;
	s5 =	simm.s32 @!p0 $0xDC40  }
0x238: {  	[spmem:s3] =	stream.linear.scatter @!p0 [tilespmem:s5], [sflag:$0x3], $0x2800, $0x38;
	[tilespmem:$0x16850] =	vst v63  }
0x239: {  	s5 =	simm.s32 @!p0 $0x3  }
0x23a: {  	_ =	swait.ge @!p0 [sflag:s5], $0x2800  }
0x23b: {  	[sflag:s5] =	ssyncset.done @!p0 $0x0  }
0x23c: {  	s31 =	simm.s32 $0x0;
	[sflag:s5] =	ssyncadd.s32 @!p0 $0xFFFFD800  }
0x23d: {  	v0 =	vimm.f32 $0.0e+00;
	s5 =	sand.u32 $0x3F80, s31;
	[bflag:$0x0] =	sbarrier.arrive @!p0 $0xFFFF  }
0x23e: {  	[tilespmem:s5+$0xDCB0] =	vst v0  }
0x23f: {  	[tilespmem:s5+$0xDC40] =	vst v0  }
0x240: {  	[tilespmem:s5+$0xDC50] =	vst v0  }
0x241: {  	[tilespmem:s5+$0xDC60] =	vst v0  }
0x242: {  	[tilespmem:s5+$0xDC70] =	vst v0  }
0x243: {  	[tilespmem:s5+$0xDC80] =	vst v0  }
0x244: {  	s6 =	simm.s32 $0x0;
	s7 =	simm.s32 $0x80;
	[tilespmem:s5+$0xDC90] =	vst v0  }
.LBB2_31:
0x245: {  	s6 =	sadd.s32 $0x8, s6;
	[tilespmem:s5+$0xDCA0] =	vst v0;
	s5 =	sand.u32 $0x3F80, s7  }
0x246: {  	[tilespmem:s5+$0xDCB0] =	vst v0;
	p1 =	slt.u32 s6, $0x278  }
0x247: {  	[tilespmem:s5+$0xDC40] =	vst v0  }
.Ltmp15:
0x248: {  	[tilespmem:s5+$0xDC50] =	vst v0;
	(pc) =	sbr.rel @p1 .LBB2_31-.Ltmp15, $4  }
0x249: {  	[tilespmem:s5+$0xDC60] =	vst v0  }
0x24a: {  	[tilespmem:s5+$0xDC70] =	vst v0  }
0x24b: {  	[tilespmem:s5+$0xDC80] =	vst v0  }
0x24c: {  	s7 =	sadd.s32 $0x80, s7;
	[tilespmem:s5+$0xDC90] =	vst v0  }
0x24d: {  	[tilespmem:s5+$0xDCA0] =	vst v0  }
0x24e: {  	s30 =	simm.s32 $0x9C40;
	s31 =	simm.s32 $0x3;
	[bflag:$0x0] =	sbarrier.arrive $0xFFFF  }
0x24f: {  	[tilespmem:s30], [sflag:$0x3] =	stream.linear.gather [spmem:s3], $0x2800, $0x38;
	[tilespmem:$0x16850] =	vst v63  }
0x250: {  	_ =	swait.ge [sflag:s31], $0x2800  }
0x251: {  	[sflag:s31] =	ssyncset.done $0x0  }
0x252: {  	s5 =	simm.s32 $0x9C60;
	[sflag:s31] =	ssyncadd.s32 $0xFFFFD800  }
0x253: {  	s6 =	simm.s32 $0x11C60;
	v5 =	vld [tilespmem:s5+$0x10]  }
0x254: {  	v6 =	vld [tilespmem:s6+$0x10]  }
0x255: {  	v2 =	vld [tilespmem:s6+$0xFFFFFFE0]  }
0x256: {  	v0 =	vld [tilespmem:s5+$0xFFFFFFF0]  }
0x257: {  	v4 =	vld [tilespmem:s6+$0xFFFFFFF0]  }
0x258: {  	v1 =	vld [tilespmem:s5+$0x0]  }
0x259: {  	v3 =	vld [tilespmem:s6+$0x0];
	v6 =	vmul.f32 v6, v5  }
0x25a: {  	s7 =	simm.s32 $0x0;
	s8 =	simm.s32 $0x9CA0;
	v5 =	vld [tilespmem:s5+$0xFFFFFFE0]  }
.LBB2_33:
0x25b: {  	v7 =	vld [tilespmem:s8+$0x10];
	[tilespmem:s5+$0x10] =	vst v6;
	s6 =	sadd.s32 $0x40, s6  }
0x25c: {  	s7 =	sadd.s32 $0x4, s7;
	v6 =	vld [tilespmem:s6+$0x10];
	v4 =	vmul.f32 v4, v0  }
0x25d: {  	p1 =	slt.u32 s7, $0x27C;
	v8 =	vld [tilespmem:s6+$0xFFFFFFE0]  }
.Ltmp16:
0x25e: {  	v0 =	vld [tilespmem:s8+$0xFFFFFFF0];
	[tilespmem:s5+$0xFFFFFFF0] =	vst v4;
	v3 =	vmul.f32 v3, v1;
	(pc) =	sbr.rel @p1 .LBB2_33-.Ltmp16, $4  }
0x25f: {  	v4 =	vld [tilespmem:s6+$0xFFFFFFF0];
	v9 =	vmul.f32 v2, v5  }
0x260: {  	v1 =	vld [tilespmem:s8+$0x0];
	[tilespmem:s5+$0x0] =	vst v3  }
0x261: {  	v3 =	vld [tilespmem:s6+$0x0];
	v6 =	vmul.f32 v6, v7;
	[tilespmem:s5+$0xFFFFFFE0] =	vst v9;
	s5 =	smov.u32 s8  }
0x262: {  	s8 =	sadd.s32 $0x40, s8;
	v5 =	vld [tilespmem:s5+$0xFFFFFFE0];
	v2 =	vmov v8  }
0x263: {  	_ =	sdelay $0x1  }
0x264: {  	v0 =	vmul.f32 v4, v0  }
0x265: {  	[tilespmem:s5+$0x10] =	vst v6;
	v1 =	vmul.f32 v3, v1  }
0x266: {  	[tilespmem:s5+$0xFFFFFFF0] =	vst v0;
	v0 =	vmul.f32 v2, v5  }
0x267: {  	[tilespmem:s5+$0x0] =	vst v1  }
0x268: {  	[tilespmem:s5+$0xFFFFFFE0] =	vst v0  }
0x269: {  	v0 =	vld [tilespmem:s4+$0x10]  }
0x26a: {  	s5 =	simm.s32 $0x15C60;
	v5 =	vld [tilespmem:s4+$0xFFFFFFE0]  }
0x26b: {  	v6 =	vld [tilespmem:s5+$0x10]  }
0x26c: {  	v3 =	vld [tilespmem:s4+$0xFFFFFFF0]  }
0x26d: {  	v2 =	vld [tilespmem:s4+$0x0]  }
0x26e: {  	v1 =	vld [tilespmem:s5+$0xFFFFFFF0];
	v7 =	vmul.f32 $8.099999830e-06, v0  }
0x26f: {  	v4 =	vld [tilespmem:s5+$0x0]  }
0x270: {  	s6 =	simm.s32 $0x0;
	s7 =	sadd.s32 $0x40, s4;
	s8 =	simm.s32 $0x15C60;
	v0 =	vmul.f32 $8.099999830e-06, v5;
	v5 =	vld [tilespmem:s5+$0xFFFFFFE0];
	v6 =	vadd.f32 v7, v6  }
.LBB2_35:
0x271: {  	v7 =	vld [tilespmem:s7+$0x10];
	s6 =	sadd.s32 $0x4, s6;
	v3 =	vmul.f32 $8.099999830e-06, v3  }
0x272: {  	s8 =	sadd.s32 $0x40, s8;
	v8 =	vld [tilespmem:s7+$0xFFFFFFE0];
	p1 =	slt.u32 s6, $0x3C;
	v2 =	vmul.f32 $8.099999830e-06, v2;
	[tilespmem:s5+$0x10] =	vst v6  }
0x273: {  	v6 =	vld [tilespmem:s8+$0x10];
	v1 =	vadd.f32 v3, v1  }
.Ltmp17:
0x274: {  	v3 =	vld [tilespmem:s7+$0xFFFFFFF0];
	v4 =	vadd.f32 v2, v4;
	(pc) =	sbr.rel @p1 .LBB2_35-.Ltmp17, $4  }
0x275: {  	v2 =	vld [tilespmem:s7+$0x0];
	v5 =	vadd.f32 v0, v5;
	[tilespmem:s5+$0xFFFFFFF0] =	vst v1  }
0x276: {  	v1 =	vld [tilespmem:s8+$0xFFFFFFF0];
	v7 =	vmul.f32 $8.099999830e-06, v7;
	[tilespmem:s5+$0x0] =	vst v4  }
0x277: {  	v0 =	vmul.f32 $8.099999830e-06, v8;
	v4 =	vld [tilespmem:s8+$0x0];
	[tilespmem:s5+$0xFFFFFFE0] =	vst v5;
	s5 =	smov.u32 s8  }
0x278: {  	s7 =	sadd.s32 $0x40, s7;
	v5 =	vld [tilespmem:s8+$0xFFFFFFE0];
	v6 =	vadd.f32 v7, v6  }
0x279: {  	v3 =	vmul.f32 $8.099999830e-06, v3  }
0x27a: {  	v2 =	vmul.f32 $8.099999830e-06, v2  }
0x27b: {  	v1 =	vadd.f32 v3, v1  }
0x27c: {  	[tilespmem:s5+$0x10] =	vst v6;
	v2 =	vadd.f32 v2, v4  }
0x27d: {  	v0 =	vadd.f32 v0, v5;
	[tilespmem:s5+$0xFFFFFFF0] =	vst v1  }
0x27e: {  	[tilespmem:s5+$0x0] =	vst v2  }
0x27f: {  	s6 =	simm.s32 $0x4F20;
	s7 =	simm.s32 $0x9C40;
	[tilespmem:s5+$0xFFFFFFE0] =	vst v0  }
0x280: {  	s8 =	simm.s32 $0xDC40;
	s5 =	simm.s32 $0xFFFFFFE0;
	[bflag:$0x0] =	sbarrier.arrive $0xFFFF  }
.LBB2_37:
0x281: {  	v0 =	vld [tilespmem:s6+$0xFFFFFF00]  }
0x282: {  	v2 =	vld [tilespmem:s6+$0xFFFFFF10]  }
0x283: {  	v3 =	vld [tilespmem:s6+$0xFFFFFF20]  }
0x284: {  	v5 =	vld [tilespmem:s6+$0xFFFFFF30]  }
0x285: {  	v6 =	vld [tilespmem:s6+$0xFFFFFF40]  }
0x286: {  	v42 =	vld [tilespmem:s6+$0xFFFFFF50]  }
0x287: {  	v12 =	vld [tilespmem:s6+$0xFFFFFF60]  }
0x288: {  	v50 =	vld [tilespmem:s6+$0xFFFFFF70]  }
0x289: {  	v14 =	vld [tilespmem:s6+$0xFFFFFF80]  }
0x28a: {  	v52 =	vld [tilespmem:s6+$0xFFFFFF90]  }
0x28b: {  	v53 =	vld [tilespmem:s6+$0xFFFFFFA0]  }
0x28c: {  	v23 =	vld [tilespmem:s6+$0xFFFFFFD0]  }
0x28d: {  	v20 =	vld [tilespmem:s6+$0xFFFFFFB0]  }
0x28e: {  	v22 =	vld [tilespmem:s6+$0xFFFFFFC0];
	v1 =	vand.u32 $0x3FFF, v0;
	v4 =	vshrl.u32 v0, $0xE;
	v0 =	vshra.s32 v0, $0xE  }
0x28f: {  	v30 =	vld [tilespmem:s6+$0xFFFFFFE0];
	v7 =	vand.u32 $0x3FFF, v2;
	v8 =	vand.u32 $0x3FFF, v3;
	v9 =	vand.u32 $0x3FFF, v5  }
0x290: {  	v32 =	vld [tilespmem:s6+$0xFFFFFFF0];
	v10 =	vand.u32 $0x3FFF, v6;
	v48 =	vshra.s32 v6, $0xE;
	v6 =	vshrl.u32 v6, $0xE  }
0x291: {  	v37 =	vld [tilespmem:s6+$0x0];
	v13 =	vshrl.u32 v42, $0xE;
	v19 =	vshrl.u32 v53, $0xE;
	v28 =	vand.u32 $0x3FFF, v23  }
0x292: {  	v39 =	vld [tilespmem:s6+$0x10];
	v33 =	vshrl.u32 v23, $0xE;
	v34 =	vshra.s32 v23, $0xE;
	v0 =	vand.u32 $0xFFFFFC00, v0  }
0x293: {  	v23 =	vld [tilespmem:s6+$0x90];
	v4 =	vand.u32 $0x3FF, v4;
	v49 =	vand.u32 $0xFFFFFC00, v48;
	v6 =	vand.u32 $0x3FF, v6  }
0x294: {  	v21 =	vand.u32 $0x3FF, v19;
	v19 =	vld [tilespmem:s6+$0x70];
	v0 =	vor.u32 v4, v0;
	v4 =	vshra.s32 v42, $0xE  }
0x295: {  	v51 =	vand.u32 $0x3FF, v13;
	v6 =	vor.u32 v6, v49;
	v49 =	vld [tilespmem:s6+$0x20];
	v4 =	vand.u32 $0xFFFFFC00, v4  }
0x296: {  	v4 =	vor.u32 v51, v4;
	v51 =	vld [tilespmem:s6+$0x30]  }
0x297: {  	v43 =	vand.u32 $0x3FFF, v42;
	v45 =	vshra.s32 v2, $0xE;
	v36 =	vand.u32 $0x3FFF, v30;
	v1 =	vld.idx.msk [tilespmem:v1+s7+$0x0], $0xffff  }
0x298: {  	v2 =	vshrl.u32 v2, $0xE;
	v11 =	vshrl.u32 v3, $0xE;
	v3 =	vshra.s32 v3, $0xE;
	v44 =	vld.idx.msk [tilespmem:v7+s7+$0x0], $0xffff  }
0x299: {  	v47 =	vshrl.u32 v5, $0xE;
	v5 =	vshra.s32 v5, $0xE;
	v2 =	vand.u32 $0x3FF, v2;
	v8 =	vld.idx.msk [tilespmem:v8+s7+$0x0], $0xffff  }
0x29a: {  	v3 =	vand.u32 $0xFFFFFC00, v3;
	v46 =	vand.u32 $0x3FF, v11;
	v7 =	vand.u32 $0xFFFFFC00, v45;
	v9 =	vld.idx.msk [tilespmem:v9+s7+$0x0], $0xffff  }
0x29b: {  	v5 =	vand.u32 $0xFFFFFC00, v5;
	v10 =	vld.idx.msk [tilespmem:v10+s7+$0x0], $0xffff;
	v2 =	vor.u32 v2, v7;
	v7 =	vand.u32 $0x3FF, v47  }
0x29c: {  	v3 =	vor.u32 v46, v3;
	v42 =	vld.idx.msk [tilespmem:v36+s7+$0x0], $0xffff;
	v5 =	vor.u32 v7, v5;
	v7 =	vshra.s32 v53, $0xE  }
0x29d: {  	v61 =	vand.u32 $0x3FFF, v53;
	v53 =	vld [tilespmem:s6+$0x40];
	v7 =	vand.u32 $0xFFFFFC00, v7  }
0x29e: {  	v54 =	vand.u32 $0x3FFF, v12;
	v7 =	vor.u32 v21, v7;
	v21 =	vld [tilespmem:s6+$0x80]  }
0x29f: {  	v56 =	vand.u32 $0x3FFF, v14;
	[tilespmem:v0+s8+$0x0] =	vst.idx.add.f32.msk $0xffff, v1  }
0x2a0: {  	v58 =	vand.u32 $0x3FFF, v52;
	v0 =	vld.idx.msk [tilespmem:v43+s7+$0x0], $0xffff  }
0x2a1: {  	[tilespmem:v3+s8+$0x0] =	vst.idx.add.f32.msk $0xffff, v8  }
0x2a2: {  	[tilespmem:v6+s8+$0x0] =	vst.idx.add.f32.msk $0xffff, v10  }
0x2a3: {  	v55 =	vand.u32 $0x3FFF, v50;
	v1 =	vld.idx.msk [tilespmem:v54+s7+$0x0], $0xffff  }
0x2a4: {  	v3 =	vld.idx.msk [tilespmem:v56+s7+$0x0], $0xffff  }
0x2a5: {  	v6 =	vld.idx.msk [tilespmem:v58+s7+$0x0], $0xffff  }
0x2a6: {  	v58 =	vld [tilespmem:s6+$0x50]  }
0x2a7: {  	[tilespmem:v2+s8+$0x0] =	vst.idx.add.f32.msk $0xffff, v44  }
0x2a8: {  	v57 =	vshra.s32 v12, $0xE;
	v38 =	vand.u32 $0x3FFF, v32;
	v2 =	vld.idx.msk [tilespmem:v55+s7+$0x0], $0xffff  }
0x2a9: {  	v59 =	vshrl.u32 v12, $0xE;
	v62 =	vshrl.u32 v50, $0xE;
	v63 =	vshra.s32 v50, $0xE;
	[tilespmem:v5+s8+$0x0] =	vst.idx.add.f32.msk $0xffff, v9  }
0x2aa: {  	v15 =	vshrl.u32 v14, $0xE;
	v12 =	vand.u32 $0xFFFFFC00, v63;
	v8 =	vand.u32 $0x3FF, v62;
	v5 =	vld.idx.msk [tilespmem:v61+s7+$0x0], $0xffff  }
0x2ab: {  	v16 =	vshra.s32 v14, $0xE;
	v17 =	vshra.s32 v52, $0xE;
	[tilespmem:v4+s8+$0x0] =	vst.idx.add.f32.msk $0xffff, v0;
	v4 =	vor.u32 v8, v12  }
0x2ac: {  	v60 =	vand.u32 $0xFFFFFC00, v57;
	v10 =	vand.u32 $0xFFFFFC00, v17;
	v17 =	vld [tilespmem:s6+$0x60];
	v0 =	vand.u32 $0x3FF, v59  }
0x2ad: {  	v44 =	vld.idx.msk [tilespmem:v38+s7+$0x0], $0xffff;
	v9 =	vand.u32 $0xFFFFFC00, v16;
	v8 =	vand.u32 $0x3FF, v15;
	v0 =	vor.u32 v0, v60  }
0x2ae: {  	v38 =	vld [tilespmem:s6+$0xB0];
	v8 =	vor.u32 v8, v9  }
0x2af: {  	v24 =	vand.u32 $0x3FFF, v20;
	[tilespmem:v7+s8+$0x0] =	vst.idx.add.f32.msk $0xffff, v5  }
0x2b0: {  	v18 =	vshrl.u32 v52, $0xE;
	v25 =	vand.u32 $0x3FFF, v22;
	[tilespmem:v4+s8+$0x0] =	vst.idx.add.f32.msk $0xffff, v2  }
0x2b1: {  	v9 =	vand.u32 $0x3FF, v18;
	v4 =	vld.idx.msk [tilespmem:v28+s7+$0x0], $0xffff  }
0x2b2: {  	v26 =	vshrl.u32 v20, $0xE;
	v9 =	vor.u32 v9, v10;
	[tilespmem:v0+s8+$0x0] =	vst.idx.add.f32.msk $0xffff, v1  }
0x2b3: {  	v27 =	vshra.s32 v20, $0xE;
	v29 =	vshra.s32 v22, $0xE;
	v47 =	vand.u32 $0x3FFF, v39;
	[tilespmem:v8+s8+$0x0] =	vst.idx.add.f32.msk $0xffff, v3  }
0x2b4: {  	v31 =	vshrl.u32 v22, $0xE;
	v2 =	vand.u32 $0x3FF, v26;
	v3 =	vand.u32 $0xFFFFFC00, v27;
	v0 =	vld.idx.msk [tilespmem:v24+s7+$0x0], $0xffff  }
0x2b5: {  	v5 =	vand.u32 $0xFFFFFC00, v29;
	v1 =	vld.idx.msk [tilespmem:v25+s7+$0x0], $0xffff;
	v2 =	vor.u32 v2, v3;
	v3 =	vand.u32 $0x3FF, v31  }
0x2b6: {  	v35 =	vand.u32 $0xFFFFFC00, v34;
	v8 =	vand.u32 $0x3FF, v33;
	v25 =	vld [tilespmem:s6+$0xA0];
	v3 =	vor.u32 v3, v5  }
0x2b7: {  	v40 =	vshrl.u32 v30, $0xE;
	v41 =	vshra.s32 v30, $0xE;
	[tilespmem:v9+s8+$0x0] =	vst.idx.add.f32.msk $0xffff, v6;
	v5 =	vor.u32 v8, v35  }
0x2b8: {  	v50 =	vshrl.u32 v37, $0xE;
	v16 =	vshra.s32 v53, $0xE;
	v24 =	vand.u32 $0x3FFF, v17;
	v6 =	vld.idx.msk [tilespmem:v47+s7+$0x0], $0xffff  }
0x2b9: {  	v52 =	vshrl.u32 v39, $0xE;
	v56 =	vand.u32 $0x3FFF, v51;
	v8 =	vand.u32 $0xFFFFFC00, v16;
	v16 =	vld [tilespmem:s6+$0xF0]  }
0x2ba: {  	v46 =	vshra.s32 v32, $0xE;
	v45 =	vshrl.u32 v32, $0xE;
	v43 =	vand.u32 $0x3FFF, v37;
	[tilespmem:v2+s8+$0x0] =	vst.idx.add.f32.msk $0xffff, v0  }
0x2bb: {  	v57 =	vand.u32 $0x3FFF, v53;
	v0 =	vand.u32 $0x3FF, v40;
	[tilespmem:v3+s8+$0x0] =	vst.idx.add.f32.msk $0xffff, v1;
	v1 =	vand.u32 $0xFFFFFC00, v41  }
0x2bc: {  	[tilespmem:v5+s8+$0x0] =	vst.idx.add.f32.msk $0xffff, v4;
	v5 =	vand.u32 $0xFFFFFC00, v46;
	v4 =	vand.u32 $0x3FF, v45;
	v0 =	vor.u32 v0, v1  }
0x2bd: {  	v48 =	vshra.s32 v37, $0xE;
	v11 =	vshra.s32 v39, $0xE;
	v29 =	vld.idx.msk [tilespmem:v24+s7+$0x0], $0xffff;
	v4 =	vor.u32 v4, v5  }
0x2be: {  	v55 =	vand.u32 $0x3FFF, v49;
	v7 =	vand.u32 $0xFFFFFC00, v48;
	v2 =	vld.idx.msk [tilespmem:v56+s7+$0x0], $0xffff;
	v5 =	vand.u32 $0x3FF, v50  }
0x2bf: {  	v54 =	vand.u32 $0xFFFFFC00, v11;
	v10 =	vand.u32 $0x3FF, v52;
	v1 =	vld.idx.msk [tilespmem:v43+s7+$0x0], $0xffff;
	v5 =	vor.u32 v5, v7  }
0x2c0: {  	v3 =	vld.idx.msk [tilespmem:v57+s7+$0x0], $0xffff;
	v7 =	vor.u32 v10, v54  }
0x2c1: {  	v34 =	vshra.s32 v19, $0xE;
	v39 =	vshra.s32 v23, $0xE;
	v63 =	vand.u32 $0x3FFF, v58;
	[tilespmem:v0+s8+$0x0] =	vst.idx.add.f32.msk $0xffff, v42  }
0x2c2: {  	v62 =	vshra.s32 v51, $0xE;
	v61 =	vshrl.u32 v51, $0xE;
	v59 =	vshrl.u32 v49, $0xE;
	[tilespmem:v4+s8+$0x0] =	vst.idx.add.f32.msk $0xffff, v44  }
0x2c3: {  	v20 =	vshrl.u32 v58, $0xE;
	v60 =	vshra.s32 v49, $0xE;
	v18 =	vshrl.u32 v53, $0xE;
	v0 =	vld.idx.msk [tilespmem:v55+s7+$0x0], $0xffff  }
0x2c4: {  	v4 =	vshra.s32 v58, $0xE;
	[tilespmem:v5+s8+$0x0] =	vst.idx.add.f32.msk $0xffff, v1;
	v5 =	vand.u32 $0xFFFFFC00, v60;
	v1 =	vand.u32 $0x3FF, v59  }
0x2c5: {  	v22 =	vand.u32 $0x3FF, v20;
	[tilespmem:v7+s8+$0x0] =	vst.idx.add.f32.msk $0xffff, v6;
	v4 =	vand.u32 $0xFFFFFC00, v4;
	v1 =	vor.u32 v1, v5  }
0x2c6: {  	v6 =	vand.u32 $0xFFFFFC00, v62;
	v7 =	vld.idx.msk [tilespmem:v63+s7+$0x0], $0xffff;
	v5 =	vand.u32 $0x3FF, v61;
	v4 =	vor.u32 v22, v4  }
0x2c7: {  	v26 =	vand.u32 $0x3FFF, v19;
	v41 =	vld [tilespmem:s6+$0xC0];
	v5 =	vor.u32 v5, v6;
	v6 =	vand.u32 $0x3FF, v18  }
0x2c8: {  	v36 =	vshrl.u32 v21, $0xE;
	v37 =	vshra.s32 v21, $0xE;
	v45 =	vld [tilespmem:s6+$0xE0];
	v6 =	vor.u32 v6, v8  }
0x2c9: {  	v30 =	vshra.s32 v17, $0xE;
	v15 =	vshra.s32 v38, $0xE;
	v27 =	vand.u32 $0x3FFF, v21;
	v43 =	vld [tilespmem:s6+$0xD0]  }
0x2ca: {  	v32 =	vshrl.u32 v17, $0xE;
	v48 =	vand.u32 $0xFFFFFC00, v15;
	v28 =	vand.u32 $0x3FFF, v23;
	[tilespmem:v1+s8+$0x0] =	vst.idx.add.f32.msk $0xffff, v0  }
0x2cb: {  	v33 =	vshrl.u32 v19, $0xE;
	v47 =	vand.u32 $0x3FFF, v38;
	v35 =	vand.u32 $0xFFFFFC00, v34;
	[tilespmem:v4+s8+$0x0] =	vst.idx.add.f32.msk $0xffff, v7  }
0x2cc: {  	v31 =	vand.u32 $0x3FFF, v25;
	v13 =	vshra.s32 v25, $0xE;
	v40 =	vshrl.u32 v23, $0xE;
	v0 =	vld.idx.msk [tilespmem:v26+s7+$0x0], $0xffff  }
0x2cd: {  	v46 =	vshrl.u32 v38, $0xE;
	v4 =	vand.u32 $0xFFFFFC00, v30;
	[tilespmem:v6+s8+$0x0] =	vst.idx.add.f32.msk $0xffff, v3;
	v6 =	vand.u32 $0x3FF, v32  }
0x2ce: {  	v49 =	vand.u32 $0x3FF, v46;
	v1 =	vld.idx.msk [tilespmem:v27+s7+$0x0], $0xffff;
	v7 =	vand.u32 $0x3FF, v33;
	v4 =	vor.u32 v6, v4  }
0x2cf: {  	v10 =	vand.u32 $0xFFFFFC00, v39;
	v54 =	vor.u32 v49, v48;
	[tilespmem:v5+s8+$0x0] =	vst.idx.add.f32.msk $0xffff, v2;
	v6 =	vor.u32 v7, v35  }
0x2d0: {  	v50 =	vand.u32 $0x3FFF, v41;
	v42 =	vshrl.u32 v25, $0xE;
	v44 =	vand.u32 $0xFFFFFC00, v13;
	v2 =	vld.idx.msk [tilespmem:v28+s7+$0x0], $0xffff  }
0x2d1: {  	v55 =	vand.u32 $0x3FFF, v45;
	v8 =	vand.u32 $0xFFFFFC00, v37;
	v5 =	vld.idx.msk [tilespmem:v31+s7+$0x0], $0xffff;
	v7 =	vand.u32 $0x3FF, v36  }
0x2d2: {  	v12 =	vand.u32 $0x3FF, v42;
	v3 =	vld.idx.msk [tilespmem:v47+s7+$0x0], $0xffff;
	v7 =	vor.u32 v7, v8;
	v8 =	vand.u32 $0x3FF, v40  }
0x2d3: {  	v8 =	vor.u32 v8, v10;
	v10 =	vor.u32 v12, v44;
	[tilespmem:v4+s8+$0x0] =	vst.idx.add.f32.msk $0xffff, v29  }
0x2d4: {  	v51 =	vshrl.u32 v41, $0xE;
	v11 =	vshra.s32 v41, $0xE;
	v53 =	vand.u32 $0x3FFF, v43;
	[tilespmem:v6+s8+$0x0] =	vst.idx.add.f32.msk $0xffff, v0  }
0x2d5: {  	v52 =	vand.u32 $0xFFFFFC00, v11;
	v56 =	vshrl.u32 v43, $0xE;
	v57 =	vshra.s32 v43, $0xE;
	v0 =	vld.idx.msk [tilespmem:v50+s7+$0x0], $0xffff  }
0x2d6: {  	v58 =	vand.u32 $0x3FFF, v16;
	v59 =	vshra.s32 v45, $0xE;
	v60 =	vshrl.u32 v45, $0xE;
	v4 =	vld.idx.msk [tilespmem:v55+s7+$0x0], $0xffff  }
0x2d7: {  	v62 =	vshra.s32 v16, $0xE;
	v9 =	vand.u32 $0xFFFFFC00, v59;
	v6 =	vand.u32 $0x3FF, v51;
	[tilespmem:v7+s8+$0x0] =	vst.idx.add.f32.msk $0xffff, v1  }
0x2d8: {  	v1 =	vor.u32 v6, v52;
	v6 =	vand.u32 $0xFFFFFC00, v57;
	[tilespmem:v10+s8+$0x0] =	vst.idx.add.f32.msk $0xffff, v5;
	v5 =	vand.u32 $0x3FF, v56  }
0x2d9: {  	v61 =	vshrl.u32 v16, $0xE;
	v7 =	vld.idx.msk [tilespmem:v53+s7+$0x0], $0xffff;
	v5 =	vor.u32 v5, v6;
	v6 =	vand.u32 $0x3FF, v60  }
0x2da: {  	s5 =	sadd.s32 $0x20, s5;
	v63 =	vand.u32 $0xFFFFFC00, v62;
	[tilespmem:v8+s8+$0x0] =	vst.idx.add.f32.msk $0xffff, v2;
	v10 =	vand.u32 $0x3FF, v61;
	v6 =	vor.u32 v6, v9  }
0x2db: {  	p1 =	slt.u32 s5, $0x4C0;
	v8 =	vld.idx.msk [tilespmem:v58+s7+$0x0], $0xffff;
	v9 =	vor.u32 v10, v63  }
.Ltmp18:
0x2dc: {  	[tilespmem:v54+s8+$0x0] =	vst.idx.add.f32.msk $0xffff, v3;
	(pc) =	sbr.rel @p1 .LBB2_37-.Ltmp18, $4  }
0x2dd: {  	[tilespmem:v1+s8+$0x0] =	vst.idx.add.f32.msk $0xffff, v0  }
0x2de: {  	[tilespmem:v5+s8+$0x0] =	vst.idx.add.f32.msk $0xffff, v7  }
0x2df: {  	[tilespmem:v6+s8+$0x0] =	vst.idx.add.f32.msk $0xffff, v4  }
0x2e0: {  	s6 =	sadd.s32 $0x200, s6;
	[tilespmem:v9+s8+$0x0] =	vst.idx.add.f32.msk $0xffff, v8  }
0x2e1: {  	s5 =	simm.s32 $0x0;
	s6 =	simm.s32 $0x9C40;
	s7 =	simm.s32 $0xDC40  }
.LBB2_39:
0x2e2: {  	s8 =	sshra.s32 s5, $0x2  }
0x2e3: {  	v0 =	vld [tilespmem:s8+$0x9C20];
	_ =	sdelay $0x4  }
0x2e4: {  	v1 =	vand.u32 $0x3FFF, v0;
	_ =	sdelay $0x2  }
0x2e5: {  	v2 =	vshrl.u32 v0, $0xE;
	v0 =	vshra.s32 v0, $0xE  }
0x2e6: {  	v0 =	vand.u32 $0xFFFFFC00, v0;
	v2 =	vand.u32 $0x3FF, v2  }
0x2e7: {  	p1 =	sne.s32 s5, $0x40;
	v0 =	vor.u32 v2, v0;
	v1 =	vld.idx.msk [tilespmem:v1+s6+$0x0], $0xffff  }
.Ltmp19:
0x2e8: {  	_ = 	snop;
	(pc) =	sbr.rel @p1 .LBB2_39-.Ltmp19, $2  }
0x2e9: {  	_ =	sdelay $0x2  }
0x2ea: {  	s5 =	sadd.s32 $0x40, s5;
	[tilespmem:v0+s7+$0x0] =	vst.idx.add.f32.msk $0xffff, v1  }
0x2eb: {  	[bflag:$0x0] =	sbarrier.arrive @p0 $0xFFFF  }
0x2ec: {  	s5 =	simm.s32 @p0 $0xA;
	s6 =	simm.s32 @p0 $0x16440;
	s7 =	simm.s32 @p0 $0xDC40  }
0x2ed: {  	[spmem:s3] =	stream.indirect.scatter.add.f32 @p0 [tilespmem:s7], [sflag:$0x3], $0x400, s6, s5, $0xb8;
	[tilespmem:$0x16850] =	vst v63  }
0x2ee: {  	s5 =	simm.s32 @p0 $0x3  }
0x2ef: {  	_ =	swait.ge @p0 [sflag:s5], $0x2800  }
0x2f0: {  	[sflag:s5] =	ssyncset.done @p0 $0x0  }
0x2f1: {  	[sflag:s5] =	ssyncadd.s32 @p0 $0xFFFFD800;
	s5 =	simm.s32 @!p0 $0xDC40  }
0x2f2: {  	[spmem:s3] =	stream.linear.scatter @!p0 [tilespmem:s5], [sflag:$0x3], $0x2800, $0x38;
	[tilespmem:$0x16850] =	vst v63  }
0x2f3: {  	s5 =	simm.s32 @!p0 $0x3  }
0x2f4: {  	_ =	swait.ge @!p0 [sflag:s5], $0x2800  }
0x2f5: {  	[sflag:s5] =	ssyncset.done @!p0 $0x0  }
0x2f6: {  	s31 =	simm.s32 $0x0;
	[sflag:s5] =	ssyncadd.s32 @!p0 $0xFFFFD800  }
0x2f7: {  	v0 =	vimm.f32 $0.0e+00;
	s5 =	sand.u32 $0x3F80, s31;
	[bflag:$0x0] =	sbarrier.arrive @!p0 $0xFFFF  }
0x2f8: {  	[tilespmem:s5+$0xDCB0] =	vst v0  }
0x2f9: {  	[tilespmem:s5+$0xDC40] =	vst v0  }
0x2fa: {  	[tilespmem:s5+$0xDC50] =	vst v0  }
0x2fb: {  	[tilespmem:s5+$0xDC60] =	vst v0  }
0x2fc: {  	[tilespmem:s5+$0xDC70] =	vst v0  }
0x2fd: {  	[tilespmem:s5+$0xDC80] =	vst v0  }
0x2fe: {  	s6 =	simm.s32 $0x0;
	s7 =	simm.s32 $0x80;
	[tilespmem:s5+$0xDC90] =	vst v0  }
.LBB2_41:
0x2ff: {  	s6 =	sadd.s32 $0x8, s6;
	[tilespmem:s5+$0xDCA0] =	vst v0;
	s5 =	sand.u32 $0x3F80, s7  }
0x300: {  	[tilespmem:s5+$0xDCB0] =	vst v0;
	p1 =	slt.u32 s6, $0x278  }
0x301: {  	[tilespmem:s5+$0xDC40] =	vst v0  }
.Ltmp20:
0x302: {  	[tilespmem:s5+$0xDC50] =	vst v0;
	(pc) =	sbr.rel @p1 .LBB2_41-.Ltmp20, $4  }
0x303: {  	[tilespmem:s5+$0xDC60] =	vst v0  }
0x304: {  	[tilespmem:s5+$0xDC70] =	vst v0  }
0x305: {  	[tilespmem:s5+$0xDC80] =	vst v0  }
0x306: {  	s7 =	sadd.s32 $0x80, s7;
	[tilespmem:s5+$0xDC90] =	vst v0  }
0x307: {  	[tilespmem:s5+$0xDCA0] =	vst v0  }
0x308: {  	s30 =	simm.s32 $0x9C40;
	s31 =	simm.s32 $0x3;
	[bflag:$0x0] =	sbarrier.arrive $0xFFFF  }
0x309: {  	[tilespmem:s30], [sflag:$0x3] =	stream.linear.gather [spmem:s3], $0x2800, $0x38;
	[tilespmem:$0x16850] =	vst v63  }
0x30a: {  	_ =	swait.ge [sflag:s31], $0x2800  }
0x30b: {  	[sflag:s31] =	ssyncset.done $0x0  }
0x30c: {  	s5 =	simm.s32 $0x9C60;
	[sflag:s31] =	ssyncadd.s32 $0xFFFFD800  }
0x30d: {  	s6 =	simm.s32 $0x11C60;
	v5 =	vld [tilespmem:s5+$0x10]  }
0x30e: {  	v6 =	vld [tilespmem:s6+$0x10]  }
0x30f: {  	v2 =	vld [tilespmem:s6+$0xFFFFFFE0]  }
0x310: {  	v0 =	vld [tilespmem:s5+$0xFFFFFFF0]  }
0x311: {  	v4 =	vld [tilespmem:s6+$0xFFFFFFF0]  }
0x312: {  	v1 =	vld [tilespmem:s5+$0x0]  }
0x313: {  	v3 =	vld [tilespmem:s6+$0x0];
	v6 =	vmul.f32 v6, v5  }
0x314: {  	s7 =	simm.s32 $0x0;
	s8 =	simm.s32 $0x9CA0;
	v5 =	vld [tilespmem:s5+$0xFFFFFFE0]  }
.LBB2_43:
0x315: {  	v7 =	vld [tilespmem:s8+$0x10];
	[tilespmem:s5+$0x10] =	vst v6;
	s6 =	sadd.s32 $0x40, s6  }
0x316: {  	s7 =	sadd.s32 $0x4, s7;
	v6 =	vld [tilespmem:s6+$0x10];
	v4 =	vmul.f32 v4, v0  }
0x317: {  	p1 =	slt.u32 s7, $0x27C;
	v8 =	vld [tilespmem:s6+$0xFFFFFFE0]  }
.Ltmp21:
0x318: {  	v0 =	vld [tilespmem:s8+$0xFFFFFFF0];
	[tilespmem:s5+$0xFFFFFFF0] =	vst v4;
	v3 =	vmul.f32 v3, v1;
	(pc) =	sbr.rel @p1 .LBB2_43-.Ltmp21, $4  }
0x319: {  	v4 =	vld [tilespmem:s6+$0xFFFFFFF0];
	v9 =	vmul.f32 v2, v5  }
0x31a: {  	v1 =	vld [tilespmem:s8+$0x0];
	[tilespmem:s5+$0x0] =	vst v3  }
0x31b: {  	v3 =	vld [tilespmem:s6+$0x0];
	v6 =	vmul.f32 v6, v7;
	[tilespmem:s5+$0xFFFFFFE0] =	vst v9;
	s5 =	smov.u32 s8  }
0x31c: {  	s8 =	sadd.s32 $0x40, s8;
	v5 =	vld [tilespmem:s5+$0xFFFFFFE0];
	v2 =	vmov v8  }
0x31d: {  	_ =	sdelay $0x1  }
0x31e: {  	v0 =	vmul.f32 v4, v0  }
0x31f: {  	[tilespmem:s5+$0x10] =	vst v6;
	v1 =	vmul.f32 v3, v1  }
0x320: {  	[tilespmem:s5+$0xFFFFFFF0] =	vst v0;
	v0 =	vmul.f32 v2, v5  }
0x321: {  	[tilespmem:s5+$0x0] =	vst v1  }
0x322: {  	[tilespmem:s5+$0xFFFFFFE0] =	vst v0  }
0x323: {  	v0 =	vld [tilespmem:s4+$0x10]  }
0x324: {  	s5 =	simm.s32 $0x15C60;
	v5 =	vld [tilespmem:s4+$0xFFFFFFE0]  }
0x325: {  	v6 =	vld [tilespmem:s5+$0x10]  }
0x326: {  	v3 =	vld [tilespmem:s4+$0xFFFFFFF0]  }
0x327: {  	v2 =	vld [tilespmem:s4+$0x0]  }
0x328: {  	v1 =	vld [tilespmem:s5+$0xFFFFFFF0];
	v7 =	vmul.f32 $7.290000210e-06, v0  }
0x329: {  	v4 =	vld [tilespmem:s5+$0x0]  }
0x32a: {  	s6 =	simm.s32 $0x0;
	s7 =	sadd.s32 $0x40, s4;
	s8 =	simm.s32 $0x15C60;
	v0 =	vmul.f32 $7.290000210e-06, v5;
	v5 =	vld [tilespmem:s5+$0xFFFFFFE0];
	v6 =	vadd.f32 v7, v6  }
.LBB2_45:
0x32b: {  	v7 =	vld [tilespmem:s7+$0x10];
	s6 =	sadd.s32 $0x4, s6;
	v3 =	vmul.f32 $7.290000210e-06, v3  }
0x32c: {  	s8 =	sadd.s32 $0x40, s8;
	v8 =	vld [tilespmem:s7+$0xFFFFFFE0];
	p1 =	slt.u32 s6, $0x3C;
	v2 =	vmul.f32 $7.290000210e-06, v2;
	[tilespmem:s5+$0x10] =	vst v6  }
0x32d: {  	v6 =	vld [tilespmem:s8+$0x10];
	v1 =	vadd.f32 v3, v1  }
.Ltmp22:
0x32e: {  	v3 =	vld [tilespmem:s7+$0xFFFFFFF0];
	v4 =	vadd.f32 v2, v4;
	(pc) =	sbr.rel @p1 .LBB2_45-.Ltmp22, $4  }
0x32f: {  	v2 =	vld [tilespmem:s7+$0x0];
	v5 =	vadd.f32 v0, v5;
	[tilespmem:s5+$0xFFFFFFF0] =	vst v1  }
0x330: {  	v1 =	vld [tilespmem:s8+$0xFFFFFFF0];
	v7 =	vmul.f32 $7.290000210e-06, v7;
	[tilespmem:s5+$0x0] =	vst v4  }
0x331: {  	v0 =	vmul.f32 $7.290000210e-06, v8;
	v4 =	vld [tilespmem:s8+$0x0];
	[tilespmem:s5+$0xFFFFFFE0] =	vst v5;
	s5 =	smov.u32 s8  }
0x332: {  	s7 =	sadd.s32 $0x40, s7;
	v5 =	vld [tilespmem:s8+$0xFFFFFFE0];
	v6 =	vadd.f32 v7, v6  }
0x333: {  	v3 =	vmul.f32 $7.290000210e-06, v3  }
0x334: {  	v2 =	vmul.f32 $7.290000210e-06, v2  }
0x335: {  	v1 =	vadd.f32 v3, v1  }
0x336: {  	[tilespmem:s5+$0x10] =	vst v6;
	v2 =	vadd.f32 v2, v4  }
0x337: {  	v0 =	vadd.f32 v0, v5;
	[tilespmem:s5+$0xFFFFFFF0] =	vst v1  }
0x338: {  	[tilespmem:s5+$0x0] =	vst v2  }
0x339: {  	s6 =	simm.s32 $0x4F20;
	s7 =	simm.s32 $0x9C40;
	[tilespmem:s5+$0xFFFFFFE0] =	vst v0  }
0x33a: {  	s8 =	simm.s32 $0xDC40;
	s5 =	simm.s32 $0xFFFFFFE0;
	[bflag:$0x0] =	sbarrier.arrive $0xFFFF  }
.LBB2_47:
0x33b: {  	v0 =	vld [tilespmem:s6+$0xFFFFFF00]  }
0x33c: {  	v2 =	vld [tilespmem:s6+$0xFFFFFF10]  }
0x33d: {  	v3 =	vld [tilespmem:s6+$0xFFFFFF20]  }
0x33e: {  	v5 =	vld [tilespmem:s6+$0xFFFFFF30]  }
0x33f: {  	v6 =	vld [tilespmem:s6+$0xFFFFFF40]  }
0x340: {  	v42 =	vld [tilespmem:s6+$0xFFFFFF50]  }
0x341: {  	v12 =	vld [tilespmem:s6+$0xFFFFFF60]  }
0x342: {  	v50 =	vld [tilespmem:s6+$0xFFFFFF70]  }
0x343: {  	v14 =	vld [tilespmem:s6+$0xFFFFFF80]  }
0x344: {  	v52 =	vld [tilespmem:s6+$0xFFFFFF90]  }
0x345: {  	v53 =	vld [tilespmem:s6+$0xFFFFFFA0]  }
0x346: {  	v23 =	vld [tilespmem:s6+$0xFFFFFFD0]  }
0x347: {  	v20 =	vld [tilespmem:s6+$0xFFFFFFB0]  }
0x348: {  	v22 =	vld [tilespmem:s6+$0xFFFFFFC0];
	v1 =	vand.u32 $0x3FFF, v0;
	v4 =	vshrl.u32 v0, $0xE;
	v0 =	vshra.s32 v0, $0xE  }
0x349: {  	v30 =	vld [tilespmem:s6+$0xFFFFFFE0];
	v7 =	vand.u32 $0x3FFF, v2;
	v8 =	vand.u32 $0x3FFF, v3;
	v9 =	vand.u32 $0x3FFF, v5  }
0x34a: {  	v32 =	vld [tilespmem:s6+$0xFFFFFFF0];
	v10 =	vand.u32 $0x3FFF, v6;
	v48 =	vshra.s32 v6, $0xE;
	v6 =	vshrl.u32 v6, $0xE  }
0x34b: {  	v37 =	vld [tilespmem:s6+$0x0];
	v13 =	vshrl.u32 v42, $0xE;
	v19 =	vshrl.u32 v53, $0xE;
	v28 =	vand.u32 $0x3FFF, v23  }
0x34c: {  	v39 =	vld [tilespmem:s6+$0x10];
	v33 =	vshrl.u32 v23, $0xE;
	v34 =	vshra.s32 v23, $0xE;
	v0 =	vand.u32 $0xFFFFFC00, v0  }
0x34d: {  	v23 =	vld [tilespmem:s6+$0x90];
	v4 =	vand.u32 $0x3FF, v4;
	v49 =	vand.u32 $0xFFFFFC00, v48;
	v6 =	vand.u32 $0x3FF, v6  }
0x34e: {  	v21 =	vand.u32 $0x3FF, v19;
	v19 =	vld [tilespmem:s6+$0x70];
	v0 =	vor.u32 v4, v0;
	v4 =	vshra.s32 v42, $0xE  }
0x34f: {  	v51 =	vand.u32 $0x3FF, v13;
	v6 =	vor.u32 v6, v49;
	v49 =	vld [tilespmem:s6+$0x20];
	v4 =	vand.u32 $0xFFFFFC00, v4  }
0x350: {  	v4 =	vor.u32 v51, v4;
	v51 =	vld [tilespmem:s6+$0x30]  }
0x351: {  	v43 =	vand.u32 $0x3FFF, v42;
	v45 =	vshra.s32 v2, $0xE;
	v36 =	vand.u32 $0x3FFF, v30;
	v1 =	vld.idx.msk [tilespmem:v1+s7+$0x0], $0xffff  }
0x352: {  	v2 =	vshrl.u32 v2, $0xE;
	v11 =	vshrl.u32 v3, $0xE;
	v3 =	vshra.s32 v3, $0xE;
	v44 =	vld.idx.msk [tilespmem:v7+s7+$0x0], $0xffff  }
0x353: {  	v47 =	vshrl.u32 v5, $0xE;
	v5 =	vshra.s32 v5, $0xE;
	v2 =	vand.u32 $0x3FF, v2;
	v8 =	vld.idx.msk [tilespmem:v8+s7+$0x0], $0xffff  }
0x354: {  	v3 =	vand.u32 $0xFFFFFC00, v3;
	v46 =	vand.u32 $0x3FF, v11;
	v7 =	vand.u32 $0xFFFFFC00, v45;
	v9 =	vld.idx.msk [tilespmem:v9+s7+$0x0], $0xffff  }
0x355: {  	v5 =	vand.u32 $0xFFFFFC00, v5;
	v10 =	vld.idx.msk [tilespmem:v10+s7+$0x0], $0xffff;
	v2 =	vor.u32 v2, v7;
	v7 =	vand.u32 $0x3FF, v47  }
0x356: {  	v3 =	vor.u32 v46, v3;
	v42 =	vld.idx.msk [tilespmem:v36+s7+$0x0], $0xffff;
	v5 =	vor.u32 v7, v5;
	v7 =	vshra.s32 v53, $0xE  }
0x357: {  	v61 =	vand.u32 $0x3FFF, v53;
	v53 =	vld [tilespmem:s6+$0x40];
	v7 =	vand.u32 $0xFFFFFC00, v7  }
0x358: {  	v54 =	vand.u32 $0x3FFF, v12;
	v7 =	vor.u32 v21, v7;
	v21 =	vld [tilespmem:s6+$0x80]  }
0x359: {  	v56 =	vand.u32 $0x3FFF, v14;
	[tilespmem:v0+s8+$0x0] =	vst.idx.add.f32.msk $0xffff, v1  }
0x35a: {  	v58 =	vand.u32 $0x3FFF, v52;
	v0 =	vld.idx.msk [tilespmem:v43+s7+$0x0], $0xffff  }
0x35b: {  	[tilespmem:v3+s8+$0x0] =	vst.idx.add.f32.msk $0xffff, v8  }
0x35c: {  	[tilespmem:v6+s8+$0x0] =	vst.idx.add.f32.msk $0xffff, v10  }
0x35d: {  	v55 =	vand.u32 $0x3FFF, v50;
	v1 =	vld.idx.msk [tilespmem:v54+s7+$0x0], $0xffff  }
0x35e: {  	v3 =	vld.idx.msk [tilespmem:v56+s7+$0x0], $0xffff  }
0x35f: {  	v6 =	vld.idx.msk [tilespmem:v58+s7+$0x0], $0xffff  }
0x360: {  	v58 =	vld [tilespmem:s6+$0x50]  }
0x361: {  	[tilespmem:v2+s8+$0x0] =	vst.idx.add.f32.msk $0xffff, v44  }
0x362: {  	v57 =	vshra.s32 v12, $0xE;
	v38 =	vand.u32 $0x3FFF, v32;
	v2 =	vld.idx.msk [tilespmem:v55+s7+$0x0], $0xffff  }
0x363: {  	v59 =	vshrl.u32 v12, $0xE;
	v62 =	vshrl.u32 v50, $0xE;
	v63 =	vshra.s32 v50, $0xE;
	[tilespmem:v5+s8+$0x0] =	vst.idx.add.f32.msk $0xffff, v9  }
0x364: {  	v15 =	vshrl.u32 v14, $0xE;
	v12 =	vand.u32 $0xFFFFFC00, v63;
	v8 =	vand.u32 $0x3FF, v62;
	v5 =	vld.idx.msk [tilespmem:v61+s7+$0x0], $0xffff  }
0x365: {  	v16 =	vshra.s32 v14, $0xE;
	v17 =	vshra.s32 v52, $0xE;
	[tilespmem:v4+s8+$0x0] =	vst.idx.add.f32.msk $0xffff, v0;
	v4 =	vor.u32 v8, v12  }
0x366: {  	v60 =	vand.u32 $0xFFFFFC00, v57;
	v10 =	vand.u32 $0xFFFFFC00, v17;
	v17 =	vld [tilespmem:s6+$0x60];
	v0 =	vand.u32 $0x3FF, v59  }
0x367: {  	v44 =	vld.idx.msk [tilespmem:v38+s7+$0x0], $0xffff;
	v9 =	vand.u32 $0xFFFFFC00, v16;
	v8 =	vand.u32 $0x3FF, v15;
	v0 =	vor.u32 v0, v60  }
0x368: {  	v38 =	vld [tilespmem:s6+$0xB0];
	v8 =	vor.u32 v8, v9  }
0x369: {  	v24 =	vand.u32 $0x3FFF, v20;
	[tilespmem:v7+s8+$0x0] =	vst.idx.add.f32.msk $0xffff, v5  }
0x36a: {  	v18 =	vshrl.u32 v52, $0xE;
	v25 =	vand.u32 $0x3FFF, v22;
	[tilespmem:v4+s8+$0x0] =	vst.idx.add.f32.msk $0xffff, v2  }
0x36b: {  	v9 =	vand.u32 $0x3FF, v18;
	v4 =	vld.idx.msk [tilespmem:v28+s7+$0x0], $0xffff  }
0x36c: {  	v26 =	vshrl.u32 v20, $0xE;
	v9 =	vor.u32 v9, v10;
	[tilespmem:v0+s8+$0x0] =	vst.idx.add.f32.msk $0xffff, v1  }
0x36d: {  	v27 =	vshra.s32 v20, $0xE;
	v29 =	vshra.s32 v22, $0xE;
	v47 =	vand.u32 $0x3FFF, v39;
	[tilespmem:v8+s8+$0x0] =	vst.idx.add.f32.msk $0xffff, v3  }
0x36e: {  	v31 =	vshrl.u32 v22, $0xE;
	v2 =	vand.u32 $0x3FF, v26;
	v3 =	vand.u32 $0xFFFFFC00, v27;
	v0 =	vld.idx.msk [tilespmem:v24+s7+$0x0], $0xffff  }
0x36f: {  	v5 =	vand.u32 $0xFFFFFC00, v29;
	v1 =	vld.idx.msk [tilespmem:v25+s7+$0x0], $0xffff;
	v2 =	vor.u32 v2, v3;
	v3 =	vand.u32 $0x3FF, v31  }
0x370: {  	v35 =	vand.u32 $0xFFFFFC00, v34;
	v8 =	vand.u32 $0x3FF, v33;
	v25 =	vld [tilespmem:s6+$0xA0];
	v3 =	vor.u32 v3, v5  }
0x371: {  	v40 =	vshrl.u32 v30, $0xE;
	v41 =	vshra.s32 v30, $0xE;
	[tilespmem:v9+s8+$0x0] =	vst.idx.add.f32.msk $0xffff, v6;
	v5 =	vor.u32 v8, v35  }
0x372: {  	v50 =	vshrl.u32 v37, $0xE;
	v16 =	vshra.s32 v53, $0xE;
	v24 =	vand.u32 $0x3FFF, v17;
	v6 =	vld.idx.msk [tilespmem:v47+s7+$0x0], $0xffff  }
0x373: {  	v52 =	vshrl.u32 v39, $0xE;
	v56 =	vand.u32 $0x3FFF, v51;
	v8 =	vand.u32 $0xFFFFFC00, v16;
	v16 =	vld [tilespmem:s6+$0xF0]  }
0x374: {  	v46 =	vshra.s32 v32, $0xE;
	v45 =	vshrl.u32 v32, $0xE;
	v43 =	vand.u32 $0x3FFF, v37;
	[tilespmem:v2+s8+$0x0] =	vst.idx.add.f32.msk $0xffff, v0  }
0x375: {  	v57 =	vand.u32 $0x3FFF, v53;
	v0 =	vand.u32 $0x3FF, v40;
	[tilespmem:v3+s8+$0x0] =	vst.idx.add.f32.msk $0xffff, v1;
	v1 =	vand.u32 $0xFFFFFC00, v41  }
0x376: {  	[tilespmem:v5+s8+$0x0] =	vst.idx.add.f32.msk $0xffff, v4;
	v5 =	vand.u32 $0xFFFFFC00, v46;
	v4 =	vand.u32 $0x3FF, v45;
	v0 =	vor.u32 v0, v1  }
0x377: {  	v48 =	vshra.s32 v37, $0xE;
	v11 =	vshra.s32 v39, $0xE;
	v29 =	vld.idx.msk [tilespmem:v24+s7+$0x0], $0xffff;
	v4 =	vor.u32 v4, v5  }
0x378: {  	v55 =	vand.u32 $0x3FFF, v49;
	v7 =	vand.u32 $0xFFFFFC00, v48;
	v2 =	vld.idx.msk [tilespmem:v56+s7+$0x0], $0xffff;
	v5 =	vand.u32 $0x3FF, v50  }
0x379: {  	v54 =	vand.u32 $0xFFFFFC00, v11;
	v10 =	vand.u32 $0x3FF, v52;
	v1 =	vld.idx.msk [tilespmem:v43+s7+$0x0], $0xffff;
	v5 =	vor.u32 v5, v7  }
0x37a: {  	v3 =	vld.idx.msk [tilespmem:v57+s7+$0x0], $0xffff;
	v7 =	vor.u32 v10, v54  }
0x37b: {  	v34 =	vshra.s32 v19, $0xE;
	v39 =	vshra.s32 v23, $0xE;
	v63 =	vand.u32 $0x3FFF, v58;
	[tilespmem:v0+s8+$0x0] =	vst.idx.add.f32.msk $0xffff, v42  }
0x37c: {  	v62 =	vshra.s32 v51, $0xE;
	v61 =	vshrl.u32 v51, $0xE;
	v59 =	vshrl.u32 v49, $0xE;
	[tilespmem:v4+s8+$0x0] =	vst.idx.add.f32.msk $0xffff, v44  }
0x37d: {  	v20 =	vshrl.u32 v58, $0xE;
	v60 =	vshra.s32 v49, $0xE;
	v18 =	vshrl.u32 v53, $0xE;
	v0 =	vld.idx.msk [tilespmem:v55+s7+$0x0], $0xffff  }
0x37e: {  	v4 =	vshra.s32 v58, $0xE;
	[tilespmem:v5+s8+$0x0] =	vst.idx.add.f32.msk $0xffff, v1;
	v5 =	vand.u32 $0xFFFFFC00, v60;
	v1 =	vand.u32 $0x3FF, v59  }
0x37f: {  	v22 =	vand.u32 $0x3FF, v20;
	[tilespmem:v7+s8+$0x0] =	vst.idx.add.f32.msk $0xffff, v6;
	v4 =	vand.u32 $0xFFFFFC00, v4;
	v1 =	vor.u32 v1, v5  }
0x380: {  	v6 =	vand.u32 $0xFFFFFC00, v62;
	v7 =	vld.idx.msk [tilespmem:v63+s7+$0x0], $0xffff;
	v5 =	vand.u32 $0x3FF, v61;
	v4 =	vor.u32 v22, v4  }
0x381: {  	v26 =	vand.u32 $0x3FFF, v19;
	v41 =	vld [tilespmem:s6+$0xC0];
	v5 =	vor.u32 v5, v6;
	v6 =	vand.u32 $0x3FF, v18  }
0x382: {  	v36 =	vshrl.u32 v21, $0xE;
	v37 =	vshra.s32 v21, $0xE;
	v45 =	vld [tilespmem:s6+$0xE0];
	v6 =	vor.u32 v6, v8  }
0x383: {  	v30 =	vshra.s32 v17, $0xE;
	v15 =	vshra.s32 v38, $0xE;
	v27 =	vand.u32 $0x3FFF, v21;
	v43 =	vld [tilespmem:s6+$0xD0]  }
0x384: {  	v32 =	vshrl.u32 v17, $0xE;
	v48 =	vand.u32 $0xFFFFFC00, v15;
	v28 =	vand.u32 $0x3FFF, v23;
	[tilespmem:v1+s8+$0x0] =	vst.idx.add.f32.msk $0xffff, v0  }
0x385: {  	v33 =	vshrl.u32 v19, $0xE;
	v47 =	vand.u32 $0x3FFF, v38;
	v35 =	vand.u32 $0xFFFFFC00, v34;
	[tilespmem:v4+s8+$0x0] =	vst.idx.add.f32.msk $0xffff, v7  }
0x386: {  	v31 =	vand.u32 $0x3FFF, v25;
	v13 =	vshra.s32 v25, $0xE;
	v40 =	vshrl.u32 v23, $0xE;
	v0 =	vld.idx.msk [tilespmem:v26+s7+$0x0], $0xffff  }
0x387: {  	v46 =	vshrl.u32 v38, $0xE;
	v4 =	vand.u32 $0xFFFFFC00, v30;
	[tilespmem:v6+s8+$0x0] =	vst.idx.add.f32.msk $0xffff, v3;
	v6 =	vand.u32 $0x3FF, v32  }
0x388: {  	v49 =	vand.u32 $0x3FF, v46;
	v1 =	vld.idx.msk [tilespmem:v27+s7+$0x0], $0xffff;
	v7 =	vand.u32 $0x3FF, v33;
	v4 =	vor.u32 v6, v4  }
0x389: {  	v10 =	vand.u32 $0xFFFFFC00, v39;
	v54 =	vor.u32 v49, v48;
	[tilespmem:v5+s8+$0x0] =	vst.idx.add.f32.msk $0xffff, v2;
	v6 =	vor.u32 v7, v35  }
0x38a: {  	v50 =	vand.u32 $0x3FFF, v41;
	v42 =	vshrl.u32 v25, $0xE;
	v44 =	vand.u32 $0xFFFFFC00, v13;
	v2 =	vld.idx.msk [tilespmem:v28+s7+$0x0], $0xffff  }
0x38b: {  	v55 =	vand.u32 $0x3FFF, v45;
	v8 =	vand.u32 $0xFFFFFC00, v37;
	v5 =	vld.idx.msk [tilespmem:v31+s7+$0x0], $0xffff;
	v7 =	vand.u32 $0x3FF, v36  }
0x38c: {  	v12 =	vand.u32 $0x3FF, v42;
	v3 =	vld.idx.msk [tilespmem:v47+s7+$0x0], $0xffff;
	v7 =	vor.u32 v7, v8;
	v8 =	vand.u32 $0x3FF, v40  }
0x38d: {  	v8 =	vor.u32 v8, v10;
	v10 =	vor.u32 v12, v44;
	[tilespmem:v4+s8+$0x0] =	vst.idx.add.f32.msk $0xffff, v29  }
0x38e: {  	v51 =	vshrl.u32 v41, $0xE;
	v11 =	vshra.s32 v41, $0xE;
	v53 =	vand.u32 $0x3FFF, v43;
	[tilespmem:v6+s8+$0x0] =	vst.idx.add.f32.msk $0xffff, v0  }
0x38f: {  	v52 =	vand.u32 $0xFFFFFC00, v11;
	v56 =	vshrl.u32 v43, $0xE;
	v57 =	vshra.s32 v43, $0xE;
	v0 =	vld.idx.msk [tilespmem:v50+s7+$0x0], $0xffff  }
0x390: {  	v58 =	vand.u32 $0x3FFF, v16;
	v59 =	vshra.s32 v45, $0xE;
	v60 =	vshrl.u32 v45, $0xE;
	v4 =	vld.idx.msk [tilespmem:v55+s7+$0x0], $0xffff  }
0x391: {  	v62 =	vshra.s32 v16, $0xE;
	v9 =	vand.u32 $0xFFFFFC00, v59;
	v6 =	vand.u32 $0x3FF, v51;
	[tilespmem:v7+s8+$0x0] =	vst.idx.add.f32.msk $0xffff, v1  }
0x392: {  	v1 =	vor.u32 v6, v52;
	v6 =	vand.u32 $0xFFFFFC00, v57;
	[tilespmem:v10+s8+$0x0] =	vst.idx.add.f32.msk $0xffff, v5;
	v5 =	vand.u32 $0x3FF, v56  }
0x393: {  	v61 =	vshrl.u32 v16, $0xE;
	v7 =	vld.idx.msk [tilespmem:v53+s7+$0x0], $0xffff;
	v5 =	vor.u32 v5, v6;
	v6 =	vand.u32 $0x3FF, v60  }
0x394: {  	s5 =	sadd.s32 $0x20, s5;
	v63 =	vand.u32 $0xFFFFFC00, v62;
	[tilespmem:v8+s8+$0x0] =	vst.idx.add.f32.msk $0xffff, v2;
	v10 =	vand.u32 $0x3FF, v61;
	v6 =	vor.u32 v6, v9  }
0x395: {  	p1 =	slt.u32 s5, $0x4C0;
	v8 =	vld.idx.msk [tilespmem:v58+s7+$0x0], $0xffff;
	v9 =	vor.u32 v10, v63  }
.Ltmp23:
0x396: {  	[tilespmem:v54+s8+$0x0] =	vst.idx.add.f32.msk $0xffff, v3;
	(pc) =	sbr.rel @p1 .LBB2_47-.Ltmp23, $4  }
0x397: {  	[tilespmem:v1+s8+$0x0] =	vst.idx.add.f32.msk $0xffff, v0  }
0x398: {  	[tilespmem:v5+s8+$0x0] =	vst.idx.add.f32.msk $0xffff, v7  }
0x399: {  	[tilespmem:v6+s8+$0x0] =	vst.idx.add.f32.msk $0xffff, v4  }
0x39a: {  	s6 =	sadd.s32 $0x200, s6;
	[tilespmem:v9+s8+$0x0] =	vst.idx.add.f32.msk $0xffff, v8  }
0x39b: {  	s5 =	simm.s32 $0x0;
	s6 =	simm.s32 $0x9C40;
	s7 =	simm.s32 $0xDC40  }
.LBB2_49:
0x39c: {  	s8 =	sshra.s32 s5, $0x2  }
0x39d: {  	v0 =	vld [tilespmem:s8+$0x9C20];
	_ =	sdelay $0x4  }
0x39e: {  	v1 =	vand.u32 $0x3FFF, v0;
	_ =	sdelay $0x2  }
0x39f: {  	v2 =	vshrl.u32 v0, $0xE;
	v0 =	vshra.s32 v0, $0xE  }
0x3a0: {  	v0 =	vand.u32 $0xFFFFFC00, v0;
	v2 =	vand.u32 $0x3FF, v2  }
0x3a1: {  	p1 =	sne.s32 s5, $0x40;
	v0 =	vor.u32 v2, v0;
	v1 =	vld.idx.msk [tilespmem:v1+s6+$0x0], $0xffff  }
.Ltmp24:
0x3a2: {  	_ = 	snop;
	(pc) =	sbr.rel @p1 .LBB2_49-.Ltmp24, $2  }
0x3a3: {  	_ =	sdelay $0x2  }
0x3a4: {  	s5 =	sadd.s32 $0x40, s5;
	[tilespmem:v0+s7+$0x0] =	vst.idx.add.f32.msk $0xffff, v1  }
0x3a5: {  	[bflag:$0x0] =	sbarrier.arrive @p0 $0xFFFF  }
0x3a6: {  	s5 =	simm.s32 @p0 $0xA;
	s6 =	simm.s32 @p0 $0x16440;
	s7 =	simm.s32 @p0 $0xDC40  }
0x3a7: {  	[spmem:s3] =	stream.indirect.scatter.add.f32 @p0 [tilespmem:s7], [sflag:$0x3], $0x400, s6, s5, $0xb8;
	[tilespmem:$0x16850] =	vst v63  }
0x3a8: {  	s5 =	simm.s32 @p0 $0x3  }
0x3a9: {  	_ =	swait.ge @p0 [sflag:s5], $0x2800  }
0x3aa: {  	[sflag:s5] =	ssyncset.done @p0 $0x0  }
0x3ab: {  	[sflag:s5] =	ssyncadd.s32 @p0 $0xFFFFD800;
	s5 =	simm.s32 @!p0 $0xDC40  }
0x3ac: {  	[spmem:s3] =	stream.linear.scatter @!p0 [tilespmem:s5], [sflag:$0x3], $0x2800, $0x38;
	[tilespmem:$0x16850] =	vst v63  }
0x3ad: {  	s5 =	simm.s32 @!p0 $0x3  }
0x3ae: {  	_ =	swait.ge @!p0 [sflag:s5], $0x2800  }
0x3af: {  	[sflag:s5] =	ssyncset.done @!p0 $0x0  }
0x3b0: {  	s31 =	simm.s32 $0x0;
	[sflag:s5] =	ssyncadd.s32 @!p0 $0xFFFFD800  }
0x3b1: {  	v0 =	vimm.f32 $0.0e+00;
	s5 =	sand.u32 $0x3F80, s31;
	[bflag:$0x0] =	sbarrier.arrive @!p0 $0xFFFF  }
0x3b2: {  	[tilespmem:s5+$0xDCB0] =	vst v0  }
0x3b3: {  	[tilespmem:s5+$0xDC40] =	vst v0  }
0x3b4: {  	[tilespmem:s5+$0xDC50] =	vst v0  }
0x3b5: {  	[tilespmem:s5+$0xDC60] =	vst v0  }
0x3b6: {  	[tilespmem:s5+$0xDC70] =	vst v0  }
0x3b7: {  	[tilespmem:s5+$0xDC80] =	vst v0  }
0x3b8: {  	s6 =	simm.s32 $0x0;
	s7 =	simm.s32 $0x80;
	[tilespmem:s5+$0xDC90] =	vst v0  }
.LBB2_51:
0x3b9: {  	s6 =	sadd.s32 $0x8, s6;
	[tilespmem:s5+$0xDCA0] =	vst v0;
	s5 =	sand.u32 $0x3F80, s7  }
0x3ba: {  	[tilespmem:s5+$0xDCB0] =	vst v0;
	p1 =	slt.u32 s6, $0x278  }
0x3bb: {  	[tilespmem:s5+$0xDC40] =	vst v0  }
.Ltmp25:
0x3bc: {  	[tilespmem:s5+$0xDC50] =	vst v0;
	(pc) =	sbr.rel @p1 .LBB2_51-.Ltmp25, $4  }
0x3bd: {  	[tilespmem:s5+$0xDC60] =	vst v0  }
0x3be: {  	[tilespmem:s5+$0xDC70] =	vst v0  }
0x3bf: {  	[tilespmem:s5+$0xDC80] =	vst v0  }
0x3c0: {  	s7 =	sadd.s32 $0x80, s7;
	[tilespmem:s5+$0xDC90] =	vst v0  }
0x3c1: {  	[tilespmem:s5+$0xDCA0] =	vst v0  }
0x3c2: {  	s30 =	simm.s32 $0x9C40;
	s31 =	simm.s32 $0x3;
	[bflag:$0x0] =	sbarrier.arrive $0xFFFF  }
0x3c3: {  	[tilespmem:s30], [sflag:$0x3] =	stream.linear.gather [spmem:s3], $0x2800, $0x38;
	[tilespmem:$0x16850] =	vst v63  }
0x3c4: {  	_ =	swait.ge [sflag:s31], $0x2800  }
0x3c5: {  	[sflag:s31] =	ssyncset.done $0x0  }
0x3c6: {  	s5 =	simm.s32 $0x9C60;
	[sflag:s31] =	ssyncadd.s32 $0xFFFFD800  }
0x3c7: {  	s6 =	simm.s32 $0x11C60;
	v5 =	vld [tilespmem:s5+$0x10]  }
0x3c8: {  	v6 =	vld [tilespmem:s6+$0x10]  }
0x3c9: {  	v2 =	vld [tilespmem:s6+$0xFFFFFFE0]  }
0x3ca: {  	v0 =	vld [tilespmem:s5+$0xFFFFFFF0]  }
0x3cb: {  	v4 =	vld [tilespmem:s6+$0xFFFFFFF0]  }
0x3cc: {  	v1 =	vld [tilespmem:s5+$0x0]  }
0x3cd: {  	v3 =	vld [tilespmem:s6+$0x0];
	v6 =	vmul.f32 v6, v5  }
0x3ce: {  	s7 =	simm.s32 $0x0;
	s8 =	simm.s32 $0x9CA0;
	v5 =	vld [tilespmem:s5+$0xFFFFFFE0]  }
.LBB2_53:
0x3cf: {  	v7 =	vld [tilespmem:s8+$0x10];
	[tilespmem:s5+$0x10] =	vst v6;
	s6 =	sadd.s32 $0x40, s6  }
0x3d0: {  	s7 =	sadd.s32 $0x4, s7;
	v6 =	vld [tilespmem:s6+$0x10];
	v4 =	vmul.f32 v4, v0  }
0x3d1: {  	p1 =	slt.u32 s7, $0x27C;
	v8 =	vld [tilespmem:s6+$0xFFFFFFE0]  }
.Ltmp26:
0x3d2: {  	v0 =	vld [tilespmem:s8+$0xFFFFFFF0];
	[tilespmem:s5+$0xFFFFFFF0] =	vst v4;
	v3 =	vmul.f32 v3, v1;
	(pc) =	sbr.rel @p1 .LBB2_53-.Ltmp26, $4  }
0x3d3: {  	v4 =	vld [tilespmem:s6+$0xFFFFFFF0];
	v9 =	vmul.f32 v2, v5  }
0x3d4: {  	v1 =	vld [tilespmem:s8+$0x0];
	[tilespmem:s5+$0x0] =	vst v3  }
0x3d5: {  	v3 =	vld [tilespmem:s6+$0x0];
	v6 =	vmul.f32 v6, v7;
	[tilespmem:s5+$0xFFFFFFE0] =	vst v9;
	s5 =	smov.u32 s8  }
0x3d6: {  	s8 =	sadd.s32 $0x40, s8;
	v5 =	vld [tilespmem:s5+$0xFFFFFFE0];
	v2 =	vmov v8  }
0x3d7: {  	_ =	sdelay $0x1  }
0x3d8: {  	v0 =	vmul.f32 v4, v0  }
0x3d9: {  	[tilespmem:s5+$0x10] =	vst v6;
	v1 =	vmul.f32 v3, v1  }
0x3da: {  	[tilespmem:s5+$0xFFFFFFF0] =	vst v0;
	v0 =	vmul.f32 v2, v5  }
0x3db: {  	[tilespmem:s5+$0x0] =	vst v1  }
0x3dc: {  	[tilespmem:s5+$0xFFFFFFE0] =	vst v0  }
0x3dd: {  	v0 =	vld [tilespmem:s4+$0x10]  }
0x3de: {  	s5 =	simm.s32 $0x15C60;
	v5 =	vld [tilespmem:s4+$0xFFFFFFE0]  }
0x3df: {  	v6 =	vld [tilespmem:s5+$0x10]  }
0x3e0: {  	v3 =	vld [tilespmem:s4+$0xFFFFFFF0]  }
0x3e1: {  	v2 =	vld [tilespmem:s4+$0x0]  }
0x3e2: {  	v1 =	vld [tilespmem:s5+$0xFFFFFFF0];
	v7 =	vmul.f32 $6.561000190e-06, v0  }
0x3e3: {  	v4 =	vld [tilespmem:s5+$0x0]  }
0x3e4: {  	s6 =	simm.s32 $0x0;
	s7 =	sadd.s32 $0x40, s4;
	s8 =	simm.s32 $0x15C60;
	v0 =	vmul.f32 $6.561000190e-06, v5;
	v5 =	vld [tilespmem:s5+$0xFFFFFFE0];
	v6 =	vadd.f32 v7, v6  }
.LBB2_55:
0x3e5: {  	v7 =	vld [tilespmem:s7+$0x10];
	s6 =	sadd.s32 $0x4, s6;
	v3 =	vmul.f32 $6.561000190e-06, v3  }
0x3e6: {  	s8 =	sadd.s32 $0x40, s8;
	v8 =	vld [tilespmem:s7+$0xFFFFFFE0];
	p1 =	slt.u32 s6, $0x3C;
	v2 =	vmul.f32 $6.561000190e-06, v2;
	[tilespmem:s5+$0x10] =	vst v6  }
0x3e7: {  	v6 =	vld [tilespmem:s8+$0x10];
	v1 =	vadd.f32 v3, v1  }
.Ltmp27:
0x3e8: {  	v3 =	vld [tilespmem:s7+$0xFFFFFFF0];
	v4 =	vadd.f32 v2, v4;
	(pc) =	sbr.rel @p1 .LBB2_55-.Ltmp27, $4  }
0x3e9: {  	v2 =	vld [tilespmem:s7+$0x0];
	v5 =	vadd.f32 v0, v5;
	[tilespmem:s5+$0xFFFFFFF0] =	vst v1  }
0x3ea: {  	v1 =	vld [tilespmem:s8+$0xFFFFFFF0];
	v7 =	vmul.f32 $6.561000190e-06, v7;
	[tilespmem:s5+$0x0] =	vst v4  }
0x3eb: {  	v0 =	vmul.f32 $6.561000190e-06, v8;
	v4 =	vld [tilespmem:s8+$0x0];
	[tilespmem:s5+$0xFFFFFFE0] =	vst v5;
	s5 =	smov.u32 s8  }
0x3ec: {  	s7 =	sadd.s32 $0x40, s7;
	v5 =	vld [tilespmem:s8+$0xFFFFFFE0];
	v6 =	vadd.f32 v7, v6  }
0x3ed: {  	v3 =	vmul.f32 $6.561000190e-06, v3  }
0x3ee: {  	v2 =	vmul.f32 $6.561000190e-06, v2  }
0x3ef: {  	v1 =	vadd.f32 v3, v1  }
0x3f0: {  	[tilespmem:s5+$0x10] =	vst v6;
	v2 =	vadd.f32 v2, v4  }
0x3f1: {  	v0 =	vadd.f32 v0, v5;
	[tilespmem:s5+$0xFFFFFFF0] =	vst v1  }
0x3f2: {  	[tilespmem:s5+$0x0] =	vst v2  }
0x3f3: {  	s6 =	simm.s32 $0x4F20;
	s7 =	simm.s32 $0x9C40;
	[tilespmem:s5+$0xFFFFFFE0] =	vst v0  }
0x3f4: {  	s8 =	simm.s32 $0xDC40;
	s5 =	simm.s32 $0xFFFFFFE0;
	[bflag:$0x0] =	sbarrier.arrive $0xFFFF  }
.LBB2_57:
0x3f5: {  	v0 =	vld [tilespmem:s6+$0xFFFFFF00]  }
0x3f6: {  	v2 =	vld [tilespmem:s6+$0xFFFFFF10]  }
0x3f7: {  	v3 =	vld [tilespmem:s6+$0xFFFFFF20]  }
0x3f8: {  	v5 =	vld [tilespmem:s6+$0xFFFFFF30]  }
0x3f9: {  	v6 =	vld [tilespmem:s6+$0xFFFFFF40]  }
0x3fa: {  	v42 =	vld [tilespmem:s6+$0xFFFFFF50]  }
0x3fb: {  	v12 =	vld [tilespmem:s6+$0xFFFFFF60]  }
0x3fc: {  	v50 =	vld [tilespmem:s6+$0xFFFFFF70]  }
0x3fd: {  	v14 =	vld [tilespmem:s6+$0xFFFFFF80]  }
0x3fe: {  	v52 =	vld [tilespmem:s6+$0xFFFFFF90]  }
0x3ff: {  	v53 =	vld [tilespmem:s6+$0xFFFFFFA0]  }
0x400: {  	v23 =	vld [tilespmem:s6+$0xFFFFFFD0]  }
0x401: {  	v20 =	vld [tilespmem:s6+$0xFFFFFFB0]  }
0x402: {  	v22 =	vld [tilespmem:s6+$0xFFFFFFC0];
	v1 =	vand.u32 $0x3FFF, v0;
	v4 =	vshrl.u32 v0, $0xE;
	v0 =	vshra.s32 v0, $0xE  }
0x403: {  	v30 =	vld [tilespmem:s6+$0xFFFFFFE0];
	v7 =	vand.u32 $0x3FFF, v2;
	v8 =	vand.u32 $0x3FFF, v3;
	v9 =	vand.u32 $0x3FFF, v5  }
0x404: {  	v32 =	vld [tilespmem:s6+$0xFFFFFFF0];
	v10 =	vand.u32 $0x3FFF, v6;
	v48 =	vshra.s32 v6, $0xE;
	v6 =	vshrl.u32 v6, $0xE  }
0x405: {  	v37 =	vld [tilespmem:s6+$0x0];
	v13 =	vshrl.u32 v42, $0xE;
	v19 =	vshrl.u32 v53, $0xE;
	v28 =	vand.u32 $0x3FFF, v23  }
0x406: {  	v39 =	vld [tilespmem:s6+$0x10];
	v33 =	vshrl.u32 v23, $0xE;
	v34 =	vshra.s32 v23, $0xE;
	v0 =	vand.u32 $0xFFFFFC00, v0  }
0x407: {  	v23 =	vld [tilespmem:s6+$0x90];
	v4 =	vand.u32 $0x3FF, v4;
	v49 =	vand.u32 $0xFFFFFC00, v48;
	v6 =	vand.u32 $0x3FF, v6  }
0x408: {  	v21 =	vand.u32 $0x3FF, v19;
	v19 =	vld [tilespmem:s6+$0x70];
	v0 =	vor.u32 v4, v0;
	v4 =	vshra.s32 v42, $0xE  }
0x409: {  	v51 =	vand.u32 $0x3FF, v13;
	v6 =	vor.u32 v6, v49;
	v49 =	vld [tilespmem:s6+$0x20];
	v4 =	vand.u32 $0xFFFFFC00, v4  }
0x40a: {  	v4 =	vor.u32 v51, v4;
	v51 =	vld [tilespmem:s6+$0x30]  }
0x40b: {  	v43 =	vand.u32 $0x3FFF, v42;
	v45 =	vshra.s32 v2, $0xE;
	v36 =	vand.u32 $0x3FFF, v30;
	v1 =	vld.idx.msk [tilespmem:v1+s7+$0x0], $0xffff  }
0x40c: {  	v2 =	vshrl.u32 v2, $0xE;
	v11 =	vshrl.u32 v3, $0xE;
	v3 =	vshra.s32 v3, $0xE;
	v44 =	vld.idx.msk [tilespmem:v7+s7+$0x0], $0xffff  }
0x40d: {  	v47 =	vshrl.u32 v5, $0xE;
	v5 =	vshra.s32 v5, $0xE;
	v2 =	vand.u32 $0x3FF, v2;
	v8 =	vld.idx.msk [tilespmem:v8+s7+$0x0], $0xffff  }
0x40e: {  	v3 =	vand.u32 $0xFFFFFC00, v3;
	v46 =	vand.u32 $0x3FF, v11;
	v7 =	vand.u32 $0xFFFFFC00, v45;
	v9 =	vld.idx.msk [tilespmem:v9+s7+$0x0], $0xffff  }
0x40f: {  	v5 =	vand.u32 $0xFFFFFC00, v5;
	v10 =	vld.idx.msk [tilespmem:v10+s7+$0x0], $0xffff;
	v2 =	vor.u32 v2, v7;
	v7 =	vand.u32 $0x3FF, v47  }
0x410: {  	v3 =	vor.u32 v46, v3;
	v42 =	vld.idx.msk [tilespmem:v36+s7+$0x0], $0xffff;
	v5 =	vor.u32 v7, v5;
	v7 =	vshra.s32 v53, $0xE  }
0x411: {  	v61 =	vand.u32 $0x3FFF, v53;
	v53 =	vld [tilespmem:s6+$0x40];
	v7 =	vand.u32 $0xFFFFFC00, v7  }
0x412: {  	v54 =	vand.u32 $0x3FFF, v12;
	v7 =	vor.u32 v21, v7;
	v21 =	vld [tilespmem:s6+$0x80]  }
0x413: {  	v56 =	vand.u32 $0x3FFF, v14;
	[tilespmem:v0+s8+$0x0] =	vst.idx.add.f32.msk $0xffff, v1  }
0x414: {  	v58 =	vand.u32 $0x3FFF, v52;
	v0 =	vld.idx.msk [tilespmem:v43+s7+$0x0], $0xffff  }
0x415: {  	[tilespmem:v3+s8+$0x0] =	vst.idx.add.f32.msk $0xffff, v8  }
0x416: {  	[tilespmem:v6+s8+$0x0] =	vst.idx.add.f32.msk $0xffff, v10  }
0x417: {  	v55 =	vand.u32 $0x3FFF, v50;
	v1 =	vld.idx.msk [tilespmem:v54+s7+$0x0], $0xffff  }
0x418: {  	v3 =	vld.idx.msk [tilespmem:v56+s7+$0x0], $0xffff  }
0x419: {  	v6 =	vld.idx.msk [tilespmem:v58+s7+$0x0], $0xffff  }
0x41a: {  	v58 =	vld [tilespmem:s6+$0x50]  }
0x41b: {  	[tilespmem:v2+s8+$0x0] =	vst.idx.add.f32.msk $0xffff, v44  }
0x41c: {  	v57 =	vshra.s32 v12, $0xE;
	v38 =	vand.u32 $0x3FFF, v32;
	v2 =	vld.idx.msk [tilespmem:v55+s7+$0x0], $0xffff  }
0x41d: {  	v59 =	vshrl.u32 v12, $0xE;
	v62 =	vshrl.u32 v50, $0xE;
	v63 =	vshra.s32 v50, $0xE;
	[tilespmem:v5+s8+$0x0] =	vst.idx.add.f32.msk $0xffff, v9  }
0x41e: {  	v15 =	vshrl.u32 v14, $0xE;
	v12 =	vand.u32 $0xFFFFFC00, v63;
	v8 =	vand.u32 $0x3FF, v62;
	v5 =	vld.idx.msk [tilespmem:v61+s7+$0x0], $0xffff  }
0x41f: {  	v16 =	vshra.s32 v14, $0xE;
	v17 =	vshra.s32 v52, $0xE;
	[tilespmem:v4+s8+$0x0] =	vst.idx.add.f32.msk $0xffff, v0;
	v4 =	vor.u32 v8, v12  }
0x420: {  	v60 =	vand.u32 $0xFFFFFC00, v57;
	v10 =	vand.u32 $0xFFFFFC00, v17;
	v17 =	vld [tilespmem:s6+$0x60];
	v0 =	vand.u32 $0x3FF, v59  }
0x421: {  	v44 =	vld.idx.msk [tilespmem:v38+s7+$0x0], $0xffff;
	v9 =	vand.u32 $0xFFFFFC00, v16;
	v8 =	vand.u32 $0x3FF, v15;
	v0 =	vor.u32 v0, v60  }
0x422: {  	v38 =	vld [tilespmem:s6+$0xB0];
	v8 =	vor.u32 v8, v9  }
0x423: {  	v24 =	vand.u32 $0x3FFF, v20;
	[tilespmem:v7+s8+$0x0] =	vst.idx.add.f32.msk $0xffff, v5  }
0x424: {  	v18 =	vshrl.u32 v52, $0xE;
	v25 =	vand.u32 $0x3FFF, v22;
	[tilespmem:v4+s8+$0x0] =	vst.idx.add.f32.msk $0xffff, v2  }
0x425: {  	v9 =	vand.u32 $0x3FF, v18;
	v4 =	vld.idx.msk [tilespmem:v28+s7+$0x0], $0xffff  }
0x426: {  	v26 =	vshrl.u32 v20, $0xE;
	v9 =	vor.u32 v9, v10;
	[tilespmem:v0+s8+$0x0] =	vst.idx.add.f32.msk $0xffff, v1  }
0x427: {  	v27 =	vshra.s32 v20, $0xE;
	v29 =	vshra.s32 v22, $0xE;
	v47 =	vand.u32 $0x3FFF, v39;
	[tilespmem:v8+s8+$0x0] =	vst.idx.add.f32.msk $0xffff, v3  }
0x428: {  	v31 =	vshrl.u32 v22, $0xE;
	v2 =	vand.u32 $0x3FF, v26;
	v3 =	vand.u32 $0xFFFFFC00, v27;
	v0 =	vld.idx.msk [tilespmem:v24+s7+$0x0], $0xffff  }
0x429: {  	v5 =	vand.u32 $0xFFFFFC00, v29;
	v1 =	vld.idx.msk [tilespmem:v25+s7+$0x0], $0xffff;
	v2 =	vor.u32 v2, v3;
	v3 =	vand.u32 $0x3FF, v31  }
0x42a: {  	v35 =	vand.u32 $0xFFFFFC00, v34;
	v8 =	vand.u32 $0x3FF, v33;
	v25 =	vld [tilespmem:s6+$0xA0];
	v3 =	vor.u32 v3, v5  }
0x42b: {  	v40 =	vshrl.u32 v30, $0xE;
	v41 =	vshra.s32 v30, $0xE;
	[tilespmem:v9+s8+$0x0] =	vst.idx.add.f32.msk $0xffff, v6;
	v5 =	vor.u32 v8, v35  }
0x42c: {  	v50 =	vshrl.u32 v37, $0xE;
	v16 =	vshra.s32 v53, $0xE;
	v24 =	vand.u32 $0x3FFF, v17;
	v6 =	vld.idx.msk [tilespmem:v47+s7+$0x0], $0xffff  }
0x42d: {  	v52 =	vshrl.u32 v39, $0xE;
	v56 =	vand.u32 $0x3FFF, v51;
	v8 =	vand.u32 $0xFFFFFC00, v16;
	v16 =	vld [tilespmem:s6+$0xF0]  }
0x42e: {  	v46 =	vshra.s32 v32, $0xE;
	v45 =	vshrl.u32 v32, $0xE;
	v43 =	vand.u32 $0x3FFF, v37;
	[tilespmem:v2+s8+$0x0] =	vst.idx.add.f32.msk $0xffff, v0  }
0x42f: {  	v57 =	vand.u32 $0x3FFF, v53;
	v0 =	vand.u32 $0x3FF, v40;
	[tilespmem:v3+s8+$0x0] =	vst.idx.add.f32.msk $0xffff, v1;
	v1 =	vand.u32 $0xFFFFFC00, v41  }
0x430: {  	[tilespmem:v5+s8+$0x0] =	vst.idx.add.f32.msk $0xffff, v4;
	v5 =	vand.u32 $0xFFFFFC00, v46;
	v4 =	vand.u32 $0x3FF, v45;
	v0 =	vor.u32 v0, v1  }
0x431: {  	v48 =	vshra.s32 v37, $0xE;
	v11 =	vshra.s32 v39, $0xE;
	v29 =	vld.idx.msk [tilespmem:v24+s7+$0x0], $0xffff;
	v4 =	vor.u32 v4, v5  }
0x432: {  	v55 =	vand.u32 $0x3FFF, v49;
	v7 =	vand.u32 $0xFFFFFC00, v48;
	v2 =	vld.idx.msk [tilespmem:v56+s7+$0x0], $0xffff;
	v5 =	vand.u32 $0x3FF, v50  }
0x433: {  	v54 =	vand.u32 $0xFFFFFC00, v11;
	v10 =	vand.u32 $0x3FF, v52;
	v1 =	vld.idx.msk [tilespmem:v43+s7+$0x0], $0xffff;
	v5 =	vor.u32 v5, v7  }
0x434: {  	v3 =	vld.idx.msk [tilespmem:v57+s7+$0x0], $0xffff;
	v7 =	vor.u32 v10, v54  }
0x435: {  	v34 =	vshra.s32 v19, $0xE;
	v39 =	vshra.s32 v23, $0xE;
	v63 =	vand.u32 $0x3FFF, v58;
	[tilespmem:v0+s8+$0x0] =	vst.idx.add.f32.msk $0xffff, v42  }
0x436: {  	v62 =	vshra.s32 v51, $0xE;
	v61 =	vshrl.u32 v51, $0xE;
	v59 =	vshrl.u32 v49, $0xE;
	[tilespmem:v4+s8+$0x0] =	vst.idx.add.f32.msk $0xffff, v44  }
0x437: {  	v20 =	vshrl.u32 v58, $0xE;
	v60 =	vshra.s32 v49, $0xE;
	v18 =	vshrl.u32 v53, $0xE;
	v0 =	vld.idx.msk [tilespmem:v55+s7+$0x0], $0xffff  }
0x438: {  	v4 =	vshra.s32 v58, $0xE;
	[tilespmem:v5+s8+$0x0] =	vst.idx.add.f32.msk $0xffff, v1;
	v5 =	vand.u32 $0xFFFFFC00, v60;
	v1 =	vand.u32 $0x3FF, v59  }
0x439: {  	v22 =	vand.u32 $0x3FF, v20;
	[tilespmem:v7+s8+$0x0] =	vst.idx.add.f32.msk $0xffff, v6;
	v4 =	vand.u32 $0xFFFFFC00, v4;
	v1 =	vor.u32 v1, v5  }
0x43a: {  	v6 =	vand.u32 $0xFFFFFC00, v62;
	v7 =	vld.idx.msk [tilespmem:v63+s7+$0x0], $0xffff;
	v5 =	vand.u32 $0x3FF, v61;
	v4 =	vor.u32 v22, v4  }
0x43b: {  	v26 =	vand.u32 $0x3FFF, v19;
	v41 =	vld [tilespmem:s6+$0xC0];
	v5 =	vor.u32 v5, v6;
	v6 =	vand.u32 $0x3FF, v18  }
0x43c: {  	v36 =	vshrl.u32 v21, $0xE;
	v37 =	vshra.s32 v21, $0xE;
	v45 =	vld [tilespmem:s6+$0xE0];
	v6 =	vor.u32 v6, v8  }
0x43d: {  	v30 =	vshra.s32 v17, $0xE;
	v15 =	vshra.s32 v38, $0xE;
	v27 =	vand.u32 $0x3FFF, v21;
	v43 =	vld [tilespmem:s6+$0xD0]  }
0x43e: {  	v32 =	vshrl.u32 v17, $0xE;
	v48 =	vand.u32 $0xFFFFFC00, v15;
	v28 =	vand.u32 $0x3FFF, v23;
	[tilespmem:v1+s8+$0x0] =	vst.idx.add.f32.msk $0xffff, v0  }
0x43f: {  	v33 =	vshrl.u32 v19, $0xE;
	v47 =	vand.u32 $0x3FFF, v38;
	v35 =	vand.u32 $0xFFFFFC00, v34;
	[tilespmem:v4+s8+$0x0] =	vst.idx.add.f32.msk $0xffff, v7  }
0x440: {  	v31 =	vand.u32 $0x3FFF, v25;
	v13 =	vshra.s32 v25, $0xE;
	v40 =	vshrl.u32 v23, $0xE;
	v0 =	vld.idx.msk [tilespmem:v26+s7+$0x0], $0xffff  }
0x441: {  	v46 =	vshrl.u32 v38, $0xE;
	v4 =	vand.u32 $0xFFFFFC00, v30;
	[tilespmem:v6+s8+$0x0] =	vst.idx.add.f32.msk $0xffff, v3;
	v6 =	vand.u32 $0x3FF, v32  }
0x442: {  	v49 =	vand.u32 $0x3FF, v46;
	v1 =	vld.idx.msk [tilespmem:v27+s7+$0x0], $0xffff;
	v7 =	vand.u32 $0x3FF, v33;
	v4 =	vor.u32 v6, v4  }
0x443: {  	v10 =	vand.u32 $0xFFFFFC00, v39;
	v54 =	vor.u32 v49, v48;
	[tilespmem:v5+s8+$0x0] =	vst.idx.add.f32.msk $0xffff, v2;
	v6 =	vor.u32 v7, v35  }
0x444: {  	v50 =	vand.u32 $0x3FFF, v41;
	v42 =	vshrl.u32 v25, $0xE;
	v44 =	vand.u32 $0xFFFFFC00, v13;
	v2 =	vld.idx.msk [tilespmem:v28+s7+$0x0], $0xffff  }
0x445: {  	v55 =	vand.u32 $0x3FFF, v45;
	v8 =	vand.u32 $0xFFFFFC00, v37;
	v5 =	vld.idx.msk [tilespmem:v31+s7+$0x0], $0xffff;
	v7 =	vand.u32 $0x3FF, v36  }
0x446: {  	v12 =	vand.u32 $0x3FF, v42;
	v3 =	vld.idx.msk [tilespmem:v47+s7+$0x0], $0xffff;
	v7 =	vor.u32 v7, v8;
	v8 =	vand.u32 $0x3FF, v40  }
0x447: {  	v8 =	vor.u32 v8, v10;
	v10 =	vor.u32 v12, v44;
	[tilespmem:v4+s8+$0x0] =	vst.idx.add.f32.msk $0xffff, v29  }
0x448: {  	v51 =	vshrl.u32 v41, $0xE;
	v11 =	vshra.s32 v41, $0xE;
	v53 =	vand.u32 $0x3FFF, v43;
	[tilespmem:v6+s8+$0x0] =	vst.idx.add.f32.msk $0xffff, v0  }
0x449: {  	v52 =	vand.u32 $0xFFFFFC00, v11;
	v56 =	vshrl.u32 v43, $0xE;
	v57 =	vshra.s32 v43, $0xE;
	v0 =	vld.idx.msk [tilespmem:v50+s7+$0x0], $0xffff  }
0x44a: {  	v58 =	vand.u32 $0x3FFF, v16;
	v59 =	vshra.s32 v45, $0xE;
	v60 =	vshrl.u32 v45, $0xE;
	v4 =	vld.idx.msk [tilespmem:v55+s7+$0x0], $0xffff  }
0x44b: {  	v62 =	vshra.s32 v16, $0xE;
	v9 =	vand.u32 $0xFFFFFC00, v59;
	v6 =	vand.u32 $0x3FF, v51;
	[tilespmem:v7+s8+$0x0] =	vst.idx.add.f32.msk $0xffff, v1  }
0x44c: {  	v1 =	vor.u32 v6, v52;
	v6 =	vand.u32 $0xFFFFFC00, v57;
	[tilespmem:v10+s8+$0x0] =	vst.idx.add.f32.msk $0xffff, v5;
	v5 =	vand.u32 $0x3FF, v56  }
0x44d: {  	v61 =	vshrl.u32 v16, $0xE;
	v7 =	vld.idx.msk [tilespmem:v53+s7+$0x0], $0xffff;
	v5 =	vor.u32 v5, v6;
	v6 =	vand.u32 $0x3FF, v60  }
0x44e: {  	s5 =	sadd.s32 $0x20, s5;
	v63 =	vand.u32 $0xFFFFFC00, v62;
	[tilespmem:v8+s8+$0x0] =	vst.idx.add.f32.msk $0xffff, v2;
	v10 =	vand.u32 $0x3FF, v61;
	v6 =	vor.u32 v6, v9  }
0x44f: {  	p1 =	slt.u32 s5, $0x4C0;
	v8 =	vld.idx.msk [tilespmem:v58+s7+$0x0], $0xffff;
	v9 =	vor.u32 v10, v63  }
.Ltmp28:
0x450: {  	[tilespmem:v54+s8+$0x0] =	vst.idx.add.f32.msk $0xffff, v3;
	(pc) =	sbr.rel @p1 .LBB2_57-.Ltmp28, $4  }
0x451: {  	[tilespmem:v1+s8+$0x0] =	vst.idx.add.f32.msk $0xffff, v0  }
0x452: {  	[tilespmem:v5+s8+$0x0] =	vst.idx.add.f32.msk $0xffff, v7  }
0x453: {  	[tilespmem:v6+s8+$0x0] =	vst.idx.add.f32.msk $0xffff, v4  }
0x454: {  	s6 =	sadd.s32 $0x200, s6;
	[tilespmem:v9+s8+$0x0] =	vst.idx.add.f32.msk $0xffff, v8  }
0x455: {  	s5 =	simm.s32 $0x0;
	s6 =	simm.s32 $0x9C40;
	s7 =	simm.s32 $0xDC40  }
.LBB2_59:
0x456: {  	s8 =	sshra.s32 s5, $0x2  }
0x457: {  	v0 =	vld [tilespmem:s8+$0x9C20];
	_ =	sdelay $0x4  }
0x458: {  	v1 =	vand.u32 $0x3FFF, v0;
	_ =	sdelay $0x2  }
0x459: {  	v2 =	vshrl.u32 v0, $0xE;
	v0 =	vshra.s32 v0, $0xE  }
0x45a: {  	v0 =	vand.u32 $0xFFFFFC00, v0;
	v2 =	vand.u32 $0x3FF, v2  }
0x45b: {  	p1 =	sne.s32 s5, $0x40;
	v0 =	vor.u32 v2, v0;
	v1 =	vld.idx.msk [tilespmem:v1+s6+$0x0], $0xffff  }
.Ltmp29:
0x45c: {  	_ = 	snop;
	(pc) =	sbr.rel @p1 .LBB2_59-.Ltmp29, $2  }
0x45d: {  	_ =	sdelay $0x2  }
0x45e: {  	s5 =	sadd.s32 $0x40, s5;
	[tilespmem:v0+s7+$0x0] =	vst.idx.add.f32.msk $0xffff, v1  }
0x45f: {  	[bflag:$0x0] =	sbarrier.arrive @p0 $0xFFFF  }
0x460: {  	s5 =	simm.s32 @p0 $0xA;
	s6 =	simm.s32 @p0 $0x16440;
	s7 =	simm.s32 @p0 $0xDC40  }
0x461: {  	[spmem:s3] =	stream.indirect.scatter.add.f32 @p0 [tilespmem:s7], [sflag:$0x3], $0x400, s6, s5, $0xb8;
	[tilespmem:$0x16850] =	vst v63  }
0x462: {  	s5 =	simm.s32 @p0 $0x3  }
0x463: {  	_ =	swait.ge @p0 [sflag:s5], $0x2800  }
0x464: {  	[sflag:s5] =	ssyncset.done @p0 $0x0  }
0x465: {  	[sflag:s5] =	ssyncadd.s32 @p0 $0xFFFFD800;
	s5 =	simm.s32 @!p0 $0xDC40  }
0x466: {  	[spmem:s3] =	stream.linear.scatter @!p0 [tilespmem:s5], [sflag:$0x3], $0x2800, $0x38;
	[tilespmem:$0x16850] =	vst v63  }
0x467: {  	s5 =	simm.s32 @!p0 $0x3  }
0x468: {  	_ =	swait.ge @!p0 [sflag:s5], $0x2800  }
0x469: {  	[sflag:s5] =	ssyncset.done @!p0 $0x0  }
0x46a: {  	s31 =	simm.s32 $0x0;
	[sflag:s5] =	ssyncadd.s32 @!p0 $0xFFFFD800  }
0x46b: {  	v0 =	vimm.f32 $0.0e+00;
	s5 =	sand.u32 $0x3F80, s31;
	[bflag:$0x0] =	sbarrier.arrive @!p0 $0xFFFF  }
0x46c: {  	[tilespmem:s5+$0xDCB0] =	vst v0  }
0x46d: {  	[tilespmem:s5+$0xDC40] =	vst v0  }
0x46e: {  	[tilespmem:s5+$0xDC50] =	vst v0  }
0x46f: {  	[tilespmem:s5+$0xDC60] =	vst v0  }
0x470: {  	[tilespmem:s5+$0xDC70] =	vst v0  }
0x471: {  	[tilespmem:s5+$0xDC80] =	vst v0  }
0x472: {  	s6 =	simm.s32 $0x0;
	s7 =	simm.s32 $0x80;
	[tilespmem:s5+$0xDC90] =	vst v0  }
.LBB2_61:
0x473: {  	s6 =	sadd.s32 $0x8, s6;
	[tilespmem:s5+$0xDCA0] =	vst v0;
	s5 =	sand.u32 $0x3F80, s7  }
0x474: {  	[tilespmem:s5+$0xDCB0] =	vst v0;
	p1 =	slt.u32 s6, $0x278  }
0x475: {  	[tilespmem:s5+$0xDC40] =	vst v0  }
.Ltmp30:
0x476: {  	[tilespmem:s5+$0xDC50] =	vst v0;
	(pc) =	sbr.rel @p1 .LBB2_61-.Ltmp30, $4  }
0x477: {  	[tilespmem:s5+$0xDC60] =	vst v0  }
0x478: {  	[tilespmem:s5+$0xDC70] =	vst v0  }
0x479: {  	[tilespmem:s5+$0xDC80] =	vst v0  }
0x47a: {  	s7 =	sadd.s32 $0x80, s7;
	[tilespmem:s5+$0xDC90] =	vst v0  }
0x47b: {  	[tilespmem:s5+$0xDCA0] =	vst v0  }
0x47c: {  	s30 =	simm.s32 $0x9C40;
	s31 =	simm.s32 $0x3;
	[bflag:$0x0] =	sbarrier.arrive $0xFFFF  }
0x47d: {  	[tilespmem:s30], [sflag:$0x3] =	stream.linear.gather [spmem:s3], $0x2800, $0x38;
	[tilespmem:$0x16850] =	vst v63  }
0x47e: {  	_ =	swait.ge [sflag:s31], $0x2800  }
0x47f: {  	[sflag:s31] =	ssyncset.done $0x0  }
0x480: {  	s5 =	simm.s32 $0x9C60;
	[sflag:s31] =	ssyncadd.s32 $0xFFFFD800  }
0x481: {  	s6 =	simm.s32 $0x11C60;
	v5 =	vld [tilespmem:s5+$0x10]  }
0x482: {  	v6 =	vld [tilespmem:s6+$0x10]  }
0x483: {  	v2 =	vld [tilespmem:s6+$0xFFFFFFE0]  }
0x484: {  	v0 =	vld [tilespmem:s5+$0xFFFFFFF0]  }
0x485: {  	v4 =	vld [tilespmem:s6+$0xFFFFFFF0]  }
0x486: {  	v1 =	vld [tilespmem:s5+$0x0]  }
0x487: {  	v3 =	vld [tilespmem:s6+$0x0];
	v6 =	vmul.f32 v6, v5  }
0x488: {  	s7 =	simm.s32 $0x0;
	s8 =	simm.s32 $0x9CA0;
	v5 =	vld [tilespmem:s5+$0xFFFFFFE0]  }
.LBB2_63:
0x489: {  	v7 =	vld [tilespmem:s8+$0x10];
	[tilespmem:s5+$0x10] =	vst v6;
	s6 =	sadd.s32 $0x40, s6  }
0x48a: {  	s7 =	sadd.s32 $0x4, s7;
	v6 =	vld [tilespmem:s6+$0x10];
	v4 =	vmul.f32 v4, v0  }
0x48b: {  	p1 =	slt.u32 s7, $0x27C;
	v8 =	vld [tilespmem:s6+$0xFFFFFFE0]  }
.Ltmp31:
0x48c: {  	v0 =	vld [tilespmem:s8+$0xFFFFFFF0];
	[tilespmem:s5+$0xFFFFFFF0] =	vst v4;
	v3 =	vmul.f32 v3, v1;
	(pc) =	sbr.rel @p1 .LBB2_63-.Ltmp31, $4  }
0x48d: {  	v4 =	vld [tilespmem:s6+$0xFFFFFFF0];
	v9 =	vmul.f32 v2, v5  }
0x48e: {  	v1 =	vld [tilespmem:s8+$0x0];
	[tilespmem:s5+$0x0] =	vst v3  }
0x48f: {  	v3 =	vld [tilespmem:s6+$0x0];
	v6 =	vmul.f32 v6, v7;
	[tilespmem:s5+$0xFFFFFFE0] =	vst v9;
	s5 =	smov.u32 s8  }
0x490: {  	s8 =	sadd.s32 $0x40, s8;
	v5 =	vld [tilespmem:s5+$0xFFFFFFE0];
	v2 =	vmov v8  }
0x491: {  	_ =	sdelay $0x1  }
0x492: {  	v0 =	vmul.f32 v4, v0  }
0x493: {  	[tilespmem:s5+$0x10] =	vst v6;
	v1 =	vmul.f32 v3, v1  }
0x494: {  	[tilespmem:s5+$0xFFFFFFF0] =	vst v0;
	v0 =	vmul.f32 v2, v5  }
0x495: {  	[tilespmem:s5+$0x0] =	vst v1  }
0x496: {  	[tilespmem:s5+$0xFFFFFFE0] =	vst v0  }
0x497: {  	v0 =	vld [tilespmem:s4+$0x10]  }
0x498: {  	s5 =	simm.s32 $0x15C60;
	v5 =	vld [tilespmem:s4+$0xFFFFFFE0]  }
0x499: {  	v6 =	vld [tilespmem:s5+$0x10]  }
0x49a: {  	v3 =	vld [tilespmem:s4+$0xFFFFFFF0]  }
0x49b: {  	v2 =	vld [tilespmem:s4+$0x0]  }
0x49c: {  	v1 =	vld [tilespmem:s5+$0xFFFFFFF0];
	v7 =	vmul.f32 $5.904899810e-06, v0  }
0x49d: {  	v4 =	vld [tilespmem:s5+$0x0]  }
0x49e: {  	s6 =	simm.s32 $0x0;
	s7 =	sadd.s32 $0x40, s4;
	s8 =	simm.s32 $0x15C60;
	v0 =	vmul.f32 $5.904899810e-06, v5;
	v5 =	vld [tilespmem:s5+$0xFFFFFFE0];
	v6 =	vadd.f32 v7, v6  }
.LBB2_65:
0x49f: {  	v7 =	vld [tilespmem:s7+$0x10];
	s6 =	sadd.s32 $0x4, s6;
	v3 =	vmul.f32 $5.904899810e-06, v3  }
0x4a0: {  	s8 =	sadd.s32 $0x40, s8;
	v8 =	vld [tilespmem:s7+$0xFFFFFFE0];
	p1 =	slt.u32 s6, $0x3C;
	v2 =	vmul.f32 $5.904899810e-06, v2;
	[tilespmem:s5+$0x10] =	vst v6  }
0x4a1: {  	v6 =	vld [tilespmem:s8+$0x10];
	v1 =	vadd.f32 v3, v1  }
.Ltmp32:
0x4a2: {  	v3 =	vld [tilespmem:s7+$0xFFFFFFF0];
	v4 =	vadd.f32 v2, v4;
	(pc) =	sbr.rel @p1 .LBB2_65-.Ltmp32, $4  }
0x4a3: {  	v2 =	vld [tilespmem:s7+$0x0];
	v5 =	vadd.f32 v0, v5;
	[tilespmem:s5+$0xFFFFFFF0] =	vst v1  }
0x4a4: {  	v1 =	vld [tilespmem:s8+$0xFFFFFFF0];
	v7 =	vmul.f32 $5.904899810e-06, v7;
	[tilespmem:s5+$0x0] =	vst v4  }
0x4a5: {  	v0 =	vmul.f32 $5.904899810e-06, v8;
	v4 =	vld [tilespmem:s8+$0x0];
	[tilespmem:s5+$0xFFFFFFE0] =	vst v5;
	s5 =	smov.u32 s8  }
0x4a6: {  	s7 =	sadd.s32 $0x40, s7;
	v5 =	vld [tilespmem:s8+$0xFFFFFFE0];
	v6 =	vadd.f32 v7, v6  }
0x4a7: {  	v3 =	vmul.f32 $5.904899810e-06, v3  }
0x4a8: {  	v2 =	vmul.f32 $5.904899810e-06, v2  }
0x4a9: {  	v1 =	vadd.f32 v3, v1  }
0x4aa: {  	[tilespmem:s5+$0x10] =	vst v6;
	v2 =	vadd.f32 v2, v4  }
0x4ab: {  	v0 =	vadd.f32 v0, v5;
	[tilespmem:s5+$0xFFFFFFF0] =	vst v1  }
0x4ac: {  	[tilespmem:s5+$0x0] =	vst v2  }
0x4ad: {  	s6 =	simm.s32 $0x4F20;
	s7 =	simm.s32 $0x9C40;
	[tilespmem:s5+$0xFFFFFFE0] =	vst v0  }
0x4ae: {  	s8 =	simm.s32 $0xDC40;
	s5 =	simm.s32 $0xFFFFFFE0;
	[bflag:$0x0] =	sbarrier.arrive $0xFFFF  }
.LBB2_67:
0x4af: {  	v0 =	vld [tilespmem:s6+$0xFFFFFF00]  }
0x4b0: {  	v2 =	vld [tilespmem:s6+$0xFFFFFF10]  }
0x4b1: {  	v3 =	vld [tilespmem:s6+$0xFFFFFF20]  }
0x4b2: {  	v5 =	vld [tilespmem:s6+$0xFFFFFF30]  }
0x4b3: {  	v6 =	vld [tilespmem:s6+$0xFFFFFF40]  }
0x4b4: {  	v42 =	vld [tilespmem:s6+$0xFFFFFF50]  }
0x4b5: {  	v12 =	vld [tilespmem:s6+$0xFFFFFF60]  }
0x4b6: {  	v50 =	vld [tilespmem:s6+$0xFFFFFF70]  }
0x4b7: {  	v14 =	vld [tilespmem:s6+$0xFFFFFF80]  }
0x4b8: {  	v52 =	vld [tilespmem:s6+$0xFFFFFF90]  }
0x4b9: {  	v53 =	vld [tilespmem:s6+$0xFFFFFFA0]  }
0x4ba: {  	v23 =	vld [tilespmem:s6+$0xFFFFFFD0]  }
0x4bb: {  	v20 =	vld [tilespmem:s6+$0xFFFFFFB0]  }
0x4bc: {  	v22 =	vld [tilespmem:s6+$0xFFFFFFC0];
	v1 =	vand.u32 $0x3FFF, v0;
	v4 =	vshrl.u32 v0, $0xE;
	v0 =	vshra.s32 v0, $0xE  }
0x4bd: {  	v30 =	vld [tilespmem:s6+$0xFFFFFFE0];
	v7 =	vand.u32 $0x3FFF, v2;
	v8 =	vand.u32 $0x3FFF, v3;
	v9 =	vand.u32 $0x3FFF, v5  }
0x4be: {  	v32 =	vld [tilespmem:s6+$0xFFFFFFF0];
	v10 =	vand.u32 $0x3FFF, v6;
	v48 =	vshra.s32 v6, $0xE;
	v6 =	vshrl.u32 v6, $0xE  }
0x4bf: {  	v37 =	vld [tilespmem:s6+$0x0];
	v13 =	vshrl.u32 v42, $0xE;
	v19 =	vshrl.u32 v53, $0xE;
	v28 =	vand.u32 $0x3FFF, v23  }
0x4c0: {  	v39 =	vld [tilespmem:s6+$0x10];
	v33 =	vshrl.u32 v23, $0xE;
	v34 =	vshra.s32 v23, $0xE;
	v0 =	vand.u32 $0xFFFFFC00, v0  }
0x4c1: {  	v23 =	vld [tilespmem:s6+$0x90];
	v4 =	vand.u32 $0x3FF, v4;
	v49 =	vand.u32 $0xFFFFFC00, v48;
	v6 =	vand.u32 $0x3FF, v6  }
0x4c2: {  	v21 =	vand.u32 $0x3FF, v19;
	v19 =	vld [tilespmem:s6+$0x70];
	v0 =	vor.u32 v4, v0;
	v4 =	vshra.s32 v42, $0xE  }
0x4c3: {  	v51 =	vand.u32 $0x3FF, v13;
	v6 =	vor.u32 v6, v49;
	v49 =	vld [tilespmem:s6+$0x20];
	v4 =	vand.u32 $0xFFFFFC00, v4  }
0x4c4: {  	v4 =	vor.u32 v51, v4;
	v51 =	vld [tilespmem:s6+$0x30]  }
0x4c5: {  	v43 =	vand.u32 $0x3FFF, v42;
	v45 =	vshra.s32 v2, $0xE;
	v36 =	vand.u32 $0x3FFF, v30;
	v1 =	vld.idx.msk [tilespmem:v1+s7+$0x0], $0xffff  }
0x4c6: {  	v2 =	vshrl.u32 v2, $0xE;
	v11 =	vshrl.u32 v3, $0xE;
	v3 =	vshra.s32 v3, $0xE;
	v44 =	vld.idx.msk [tilespmem:v7+s7+$0x0], $0xffff  }
0x4c7: {  	v47 =	vshrl.u32 v5, $0xE;
	v5 =	vshra.s32 v5, $0xE;
	v2 =	vand.u32 $0x3FF, v2;
	v8 =	vld.idx.msk [tilespmem:v8+s7+$0x0], $0xffff  }
0x4c8: {  	v3 =	vand.u32 $0xFFFFFC00, v3;
	v46 =	vand.u32 $0x3FF, v11;
	v7 =	vand.u32 $0xFFFFFC00, v45;
	v9 =	vld.idx.msk [tilespmem:v9+s7+$0x0], $0xffff  }
0x4c9: {  	v5 =	vand.u32 $0xFFFFFC00, v5;
	v10 =	vld.idx.msk [tilespmem:v10+s7+$0x0], $0xffff;
	v2 =	vor.u32 v2, v7;
	v7 =	vand.u32 $0x3FF, v47  }
0x4ca: {  	v3 =	vor.u32 v46, v3;
	v42 =	vld.idx.msk [tilespmem:v36+s7+$0x0], $0xffff;
	v5 =	vor.u32 v7, v5;
	v7 =	vshra.s32 v53, $0xE  }
0x4cb: {  	v61 =	vand.u32 $0x3FFF, v53;
	v53 =	vld [tilespmem:s6+$0x40];
	v7 =	vand.u32 $0xFFFFFC00, v7  }
0x4cc: {  	v54 =	vand.u32 $0x3FFF, v12;
	v7 =	vor.u32 v21, v7;
	v21 =	vld [tilespmem:s6+$0x80]  }
0x4cd: {  	v56 =	vand.u32 $0x3FFF, v14;
	[tilespmem:v0+s8+$0x0] =	vst.idx.add.f32.msk $0xffff, v1  }
0x4ce: {  	v58 =	vand.u32 $0x3FFF, v52;
	v0 =	vld.idx.msk [tilespmem:v43+s7+$0x0], $0xffff  }
0x4cf: {  	[tilespmem:v3+s8+$0x0] =	vst.idx.add.f32.msk $0xffff, v8  }
0x4d0: {  	[tilespmem:v6+s8+$0x0] =	vst.idx.add.f32.msk $0xffff, v10  }
0x4d1: {  	v55 =	vand.u32 $0x3FFF, v50;
	v1 =	vld.idx.msk [tilespmem:v54+s7+$0x0], $0xffff  }
0x4d2: {  	v3 =	vld.idx.msk [tilespmem:v56+s7+$0x0], $0xffff  }
0x4d3: {  	v6 =	vld.idx.msk [tilespmem:v58+s7+$0x0], $0xffff  }
0x4d4: {  	v58 =	vld [tilespmem:s6+$0x50]  }
0x4d5: {  	[tilespmem:v2+s8+$0x0] =	vst.idx.add.f32.msk $0xffff, v44  }
0x4d6: {  	v57 =	vshra.s32 v12, $0xE;
	v38 =	vand.u32 $0x3FFF, v32;
	v2 =	vld.idx.msk [tilespmem:v55+s7+$0x0], $0xffff  }
0x4d7: {  	v59 =	vshrl.u32 v12, $0xE;
	v62 =	vshrl.u32 v50, $0xE;
	v63 =	vshra.s32 v50, $0xE;
	[tilespmem:v5+s8+$0x0] =	vst.idx.add.f32.msk $0xffff, v9  }
0x4d8: {  	v15 =	vshrl.u32 v14, $0xE;
	v12 =	vand.u32 $0xFFFFFC00, v63;
	v8 =	vand.u32 $0x3FF, v62;
	v5 =	vld.idx.msk [tilespmem:v61+s7+$0x0], $0xffff  }
0x4d9: {  	v16 =	vshra.s32 v14, $0xE;
	v17 =	vshra.s32 v52, $0xE;
	[tilespmem:v4+s8+$0x0] =	vst.idx.add.f32.msk $0xffff, v0;
	v4 =	vor.u32 v8, v12  }
0x4da: {  	v60 =	vand.u32 $0xFFFFFC00, v57;
	v10 =	vand.u32 $0xFFFFFC00, v17;
	v17 =	vld [tilespmem:s6+$0x60];
	v0 =	vand.u32 $0x3FF, v59  }
0x4db: {  	v44 =	vld.idx.msk [tilespmem:v38+s7+$0x0], $0xffff;
	v9 =	vand.u32 $0xFFFFFC00, v16;
	v8 =	vand.u32 $0x3FF, v15;
	v0 =	vor.u32 v0, v60  }
0x4dc: {  	v38 =	vld [tilespmem:s6+$0xB0];
	v8 =	vor.u32 v8, v9  }
0x4dd: {  	v24 =	vand.u32 $0x3FFF, v20;
	[tilespmem:v7+s8+$0x0] =	vst.idx.add.f32.msk $0xffff, v5  }
0x4de: {  	v18 =	vshrl.u32 v52, $0xE;
	v25 =	vand.u32 $0x3FFF, v22;
	[tilespmem:v4+s8+$0x0] =	vst.idx.add.f32.msk $0xffff, v2  }
0x4df: {  	v9 =	vand.u32 $0x3FF, v18;
	v4 =	vld.idx.msk [tilespmem:v28+s7+$0x0], $0xffff  }
0x4e0: {  	v26 =	vshrl.u32 v20, $0xE;
	v9 =	vor.u32 v9, v10;
	[tilespmem:v0+s8+$0x0] =	vst.idx.add.f32.msk $0xffff, v1  }
0x4e1: {  	v27 =	vshra.s32 v20, $0xE;
	v29 =	vshra.s32 v22, $0xE;
	v47 =	vand.u32 $0x3FFF, v39;
	[tilespmem:v8+s8+$0x0] =	vst.idx.add.f32.msk $0xffff, v3  }
0x4e2: {  	v31 =	vshrl.u32 v22, $0xE;
	v2 =	vand.u32 $0x3FF, v26;
	v3 =	vand.u32 $0xFFFFFC00, v27;
	v0 =	vld.idx.msk [tilespmem:v24+s7+$0x0], $0xffff  }
0x4e3: {  	v5 =	vand.u32 $0xFFFFFC00, v29;
	v1 =	vld.idx.msk [tilespmem:v25+s7+$0x0], $0xffff;
	v2 =	vor.u32 v2, v3;
	v3 =	vand.u32 $0x3FF, v31  }
0x4e4: {  	v35 =	vand.u32 $0xFFFFFC00, v34;
	v8 =	vand.u32 $0x3FF, v33;
	v25 =	vld [tilespmem:s6+$0xA0];
	v3 =	vor.u32 v3, v5  }
0x4e5: {  	v40 =	vshrl.u32 v30, $0xE;
	v41 =	vshra.s32 v30, $0xE;
	[tilespmem:v9+s8+$0x0] =	vst.idx.add.f32.msk $0xffff, v6;
	v5 =	vor.u32 v8, v35  }
0x4e6: {  	v50 =	vshrl.u32 v37, $0xE;
	v16 =	vshra.s32 v53, $0xE;
	v24 =	vand.u32 $0x3FFF, v17;
	v6 =	vld.idx.msk [tilespmem:v47+s7+$0x0], $0xffff  }
0x4e7: {  	v52 =	vshrl.u32 v39, $0xE;
	v56 =	vand.u32 $0x3FFF, v51;
	v8 =	vand.u32 $0xFFFFFC00, v16;
	v16 =	vld [tilespmem:s6+$0xF0]  }
0x4e8: {  	v46 =	vshra.s32 v32, $0xE;
	v45 =	vshrl.u32 v32, $0xE;
	v43 =	vand.u32 $0x3FFF, v37;
	[tilespmem:v2+s8+$0x0] =	vst.idx.add.f32.msk $0xffff, v0  }
0x4e9: {  	v57 =	vand.u32 $0x3FFF, v53;
	v0 =	vand.u32 $0x3FF, v40;
	[tilespmem:v3+s8+$0x0] =	vst.idx.add.f32.msk $0xffff, v1;
	v1 =	vand.u32 $0xFFFFFC00, v41  }
0x4ea: {  	[tilespmem:v5+s8+$0x0] =	vst.idx.add.f32.msk $0xffff, v4;
	v5 =	vand.u32 $0xFFFFFC00, v46;
	v4 =	vand.u32 $0x3FF, v45;
	v0 =	vor.u32 v0, v1  }
0x4eb: {  	v48 =	vshra.s32 v37, $0xE;
	v11 =	vshra.s32 v39, $0xE;
	v29 =	vld.idx.msk [tilespmem:v24+s7+$0x0], $0xffff;
	v4 =	vor.u32 v4, v5  }
0x4ec: {  	v55 =	vand.u32 $0x3FFF, v49;
	v7 =	vand.u32 $0xFFFFFC00, v48;
	v2 =	vld.idx.msk [tilespmem:v56+s7+$0x0], $0xffff;
	v5 =	vand.u32 $0x3FF, v50  }
0x4ed: {  	v54 =	vand.u32 $0xFFFFFC00, v11;
	v10 =	vand.u32 $0x3FF, v52;
	v1 =	vld.idx.msk [tilespmem:v43+s7+$0x0], $0xffff;
	v5 =	vor.u32 v5, v7  }
0x4ee: {  	v3 =	vld.idx.msk [tilespmem:v57+s7+$0x0], $0xffff;
	v7 =	vor.u32 v10, v54  }
0x4ef: {  	v34 =	vshra.s32 v19, $0xE;
	v39 =	vshra.s32 v23, $0xE;
	v63 =	vand.u32 $0x3FFF, v58;
	[tilespmem:v0+s8+$0x0] =	vst.idx.add.f32.msk $0xffff, v42  }
0x4f0: {  	v62 =	vshra.s32 v51, $0xE;
	v61 =	vshrl.u32 v51, $0xE;
	v59 =	vshrl.u32 v49, $0xE;
	[tilespmem:v4+s8+$0x0] =	vst.idx.add.f32.msk $0xffff, v44  }
0x4f1: {  	v20 =	vshrl.u32 v58, $0xE;
	v60 =	vshra.s32 v49, $0xE;
	v18 =	vshrl.u32 v53, $0xE;
	v0 =	vld.idx.msk [tilespmem:v55+s7+$0x0], $0xffff  }
0x4f2: {  	v4 =	vshra.s32 v58, $0xE;
	[tilespmem:v5+s8+$0x0] =	vst.idx.add.f32.msk $0xffff, v1;
	v5 =	vand.u32 $0xFFFFFC00, v60;
	v1 =	vand.u32 $0x3FF, v59  }
0x4f3: {  	v22 =	vand.u32 $0x3FF, v20;
	[tilespmem:v7+s8+$0x0] =	vst.idx.add.f32.msk $0xffff, v6;
	v4 =	vand.u32 $0xFFFFFC00, v4;
	v1 =	vor.u32 v1, v5  }
0x4f4: {  	v6 =	vand.u32 $0xFFFFFC00, v62;
	v7 =	vld.idx.msk [tilespmem:v63+s7+$0x0], $0xffff;
	v5 =	vand.u32 $0x3FF, v61;
	v4 =	vor.u32 v22, v4  }
0x4f5: {  	v26 =	vand.u32 $0x3FFF, v19;
	v41 =	vld [tilespmem:s6+$0xC0];
	v5 =	vor.u32 v5, v6;
	v6 =	vand.u32 $0x3FF, v18  }
0x4f6: {  	v36 =	vshrl.u32 v21, $0xE;
	v37 =	vshra.s32 v21, $0xE;
	v45 =	vld [tilespmem:s6+$0xE0];
	v6 =	vor.u32 v6, v8  }
0x4f7: {  	v30 =	vshra.s32 v17, $0xE;
	v15 =	vshra.s32 v38, $0xE;
	v27 =	vand.u32 $0x3FFF, v21;
	v43 =	vld [tilespmem:s6+$0xD0]  }
0x4f8: {  	v32 =	vshrl.u32 v17, $0xE;
	v48 =	vand.u32 $0xFFFFFC00, v15;
	v28 =	vand.u32 $0x3FFF, v23;
	[tilespmem:v1+s8+$0x0] =	vst.idx.add.f32.msk $0xffff, v0  }
0x4f9: {  	v33 =	vshrl.u32 v19, $0xE;
	v47 =	vand.u32 $0x3FFF, v38;
	v35 =	vand.u32 $0xFFFFFC00, v34;
	[tilespmem:v4+s8+$0x0] =	vst.idx.add.f32.msk $0xffff, v7  }
0x4fa: {  	v31 =	vand.u32 $0x3FFF, v25;
	v13 =	vshra.s32 v25, $0xE;
	v40 =	vshrl.u32 v23, $0xE;
	v0 =	vld.idx.msk [tilespmem:v26+s7+$0x0], $0xffff  }
0x4fb: {  	v46 =	vshrl.u32 v38, $0xE;
	v4 =	vand.u32 $0xFFFFFC00, v30;
	[tilespmem:v6+s8+$0x0] =	vst.idx.add.f32.msk $0xffff, v3;
	v6 =	vand.u32 $0x3FF, v32  }
0x4fc: {  	v49 =	vand.u32 $0x3FF, v46;
	v1 =	vld.idx.msk [tilespmem:v27+s7+$0x0], $0xffff;
	v7 =	vand.u32 $0x3FF, v33;
	v4 =	vor.u32 v6, v4  }
0x4fd: {  	v10 =	vand.u32 $0xFFFFFC00, v39;
	v54 =	vor.u32 v49, v48;
	[tilespmem:v5+s8+$0x0] =	vst.idx.add.f32.msk $0xffff, v2;
	v6 =	vor.u32 v7, v35  }
0x4fe: {  	v50 =	vand.u32 $0x3FFF, v41;
	v42 =	vshrl.u32 v25, $0xE;
	v44 =	vand.u32 $0xFFFFFC00, v13;
	v2 =	vld.idx.msk [tilespmem:v28+s7+$0x0], $0xffff  }
0x4ff: {  	v55 =	vand.u32 $0x3FFF, v45;
	v8 =	vand.u32 $0xFFFFFC00, v37;
	v5 =	vld.idx.msk [tilespmem:v31+s7+$0x0], $0xffff;
	v7 =	vand.u32 $0x3FF, v36  }
0x500: {  	v12 =	vand.u32 $0x3FF, v42;
	v3 =	vld.idx.msk [tilespmem:v47+s7+$0x0], $0xffff;
	v7 =	vor.u32 v7, v8;
	v8 =	vand.u32 $0x3FF, v40  }
0x501: {  	v8 =	vor.u32 v8, v10;
	v10 =	vor.u32 v12, v44;
	[tilespmem:v4+s8+$0x0] =	vst.idx.add.f32.msk $0xffff, v29  }
0x502: {  	v51 =	vshrl.u32 v41, $0xE;
	v11 =	vshra.s32 v41, $0xE;
	v53 =	vand.u32 $0x3FFF, v43;
	[tilespmem:v6+s8+$0x0] =	vst.idx.add.f32.msk $0xffff, v0  }
0x503: {  	v52 =	vand.u32 $0xFFFFFC00, v11;
	v56 =	vshrl.u32 v43, $0xE;
	v57 =	vshra.s32 v43, $0xE;
	v0 =	vld.idx.msk [tilespmem:v50+s7+$0x0], $0xffff  }
0x504: {  	v58 =	vand.u32 $0x3FFF, v16;
	v59 =	vshra.s32 v45, $0xE;
	v60 =	vshrl.u32 v45, $0xE;
	v4 =	vld.idx.msk [tilespmem:v55+s7+$0x0], $0xffff  }
0x505: {  	v62 =	vshra.s32 v16, $0xE;
	v9 =	vand.u32 $0xFFFFFC00, v59;
	v6 =	vand.u32 $0x3FF, v51;
	[tilespmem:v7+s8+$0x0] =	vst.idx.add.f32.msk $0xffff, v1  }
0x506: {  	v1 =	vor.u32 v6, v52;
	v6 =	vand.u32 $0xFFFFFC00, v57;
	[tilespmem:v10+s8+$0x0] =	vst.idx.add.f32.msk $0xffff, v5;
	v5 =	vand.u32 $0x3FF, v56  }
0x507: {  	v61 =	vshrl.u32 v16, $0xE;
	v7 =	vld.idx.msk [tilespmem:v53+s7+$0x0], $0xffff;
	v5 =	vor.u32 v5, v6;
	v6 =	vand.u32 $0x3FF, v60  }
0x508: {  	s5 =	sadd.s32 $0x20, s5;
	v63 =	vand.u32 $0xFFFFFC00, v62;
	[tilespmem:v8+s8+$0x0] =	vst.idx.add.f32.msk $0xffff, v2;
	v10 =	vand.u32 $0x3FF, v61;
	v6 =	vor.u32 v6, v9  }
0x509: {  	p1 =	slt.u32 s5, $0x4C0;
	v8 =	vld.idx.msk [tilespmem:v58+s7+$0x0], $0xffff;
	v9 =	vor.u32 v10, v63  }
.Ltmp33:
0x50a: {  	[tilespmem:v54+s8+$0x0] =	vst.idx.add.f32.msk $0xffff, v3;
	(pc) =	sbr.rel @p1 .LBB2_67-.Ltmp33, $4  }
0x50b: {  	[tilespmem:v1+s8+$0x0] =	vst.idx.add.f32.msk $0xffff, v0  }
0x50c: {  	[tilespmem:v5+s8+$0x0] =	vst.idx.add.f32.msk $0xffff, v7  }
0x50d: {  	[tilespmem:v6+s8+$0x0] =	vst.idx.add.f32.msk $0xffff, v4  }
0x50e: {  	s6 =	sadd.s32 $0x200, s6;
	[tilespmem:v9+s8+$0x0] =	vst.idx.add.f32.msk $0xffff, v8  }
0x50f: {  	s5 =	simm.s32 $0x0;
	s6 =	simm.s32 $0x9C40;
	s7 =	simm.s32 $0xDC40  }
.LBB2_69:
0x510: {  	s8 =	sshra.s32 s5, $0x2  }
0x511: {  	v0 =	vld [tilespmem:s8+$0x9C20];
	_ =	sdelay $0x4  }
0x512: {  	v1 =	vand.u32 $0x3FFF, v0;
	_ =	sdelay $0x2  }
0x513: {  	v2 =	vshrl.u32 v0, $0xE;
	v0 =	vshra.s32 v0, $0xE  }
0x514: {  	v0 =	vand.u32 $0xFFFFFC00, v0;
	v2 =	vand.u32 $0x3FF, v2  }
0x515: {  	p1 =	sne.s32 s5, $0x40;
	v0 =	vor.u32 v2, v0;
	v1 =	vld.idx.msk [tilespmem:v1+s6+$0x0], $0xffff  }
.Ltmp34:
0x516: {  	_ = 	snop;
	(pc) =	sbr.rel @p1 .LBB2_69-.Ltmp34, $2  }
0x517: {  	_ =	sdelay $0x2  }
0x518: {  	s5 =	sadd.s32 $0x40, s5;
	[tilespmem:v0+s7+$0x0] =	vst.idx.add.f32.msk $0xffff, v1  }
0x519: {  	[bflag:$0x0] =	sbarrier.arrive @p0 $0xFFFF  }
0x51a: {  	s5 =	simm.s32 @p0 $0xA;
	s6 =	simm.s32 @p0 $0x16440;
	s7 =	simm.s32 @p0 $0xDC40  }
0x51b: {  	[spmem:s3] =	stream.indirect.scatter.add.f32 @p0 [tilespmem:s7], [sflag:$0x3], $0x400, s6, s5, $0xb8;
	[tilespmem:$0x16850] =	vst v63  }
0x51c: {  	s5 =	simm.s32 @p0 $0x3  }
0x51d: {  	_ =	swait.ge @p0 [sflag:s5], $0x2800  }
0x51e: {  	[sflag:s5] =	ssyncset.done @p0 $0x0  }
0x51f: {  	[sflag:s5] =	ssyncadd.s32 @p0 $0xFFFFD800;
	s5 =	simm.s32 @!p0 $0xDC40  }
0x520: {  	[spmem:s3] =	stream.linear.scatter @!p0 [tilespmem:s5], [sflag:$0x3], $0x2800, $0x38;
	[tilespmem:$0x16850] =	vst v63  }
0x521: {  	s5 =	simm.s32 @!p0 $0x3  }
0x522: {  	_ =	swait.ge @!p0 [sflag:s5], $0x2800  }
0x523: {  	[sflag:s5] =	ssyncset.done @!p0 $0x0  }
0x524: {  	s31 =	simm.s32 $0x0;
	[sflag:s5] =	ssyncadd.s32 @!p0 $0xFFFFD800  }
0x525: {  	v0 =	vimm.f32 $0.0e+00;
	s5 =	sand.u32 $0x3F80, s31;
	[bflag:$0x0] =	sbarrier.arrive @!p0 $0xFFFF  }
0x526: {  	[tilespmem:s5+$0xDCB0] =	vst v0  }
0x527: {  	[tilespmem:s5+$0xDC40] =	vst v0  }
0x528: {  	[tilespmem:s5+$0xDC50] =	vst v0  }
0x529: {  	[tilespmem:s5+$0xDC60] =	vst v0  }
0x52a: {  	[tilespmem:s5+$0xDC70] =	vst v0  }
0x52b: {  	[tilespmem:s5+$0xDC80] =	vst v0  }
0x52c: {  	s6 =	simm.s32 $0x0;
	s7 =	simm.s32 $0x80;
	[tilespmem:s5+$0xDC90] =	vst v0  }
.LBB2_71:
0x52d: {  	s6 =	sadd.s32 $0x8, s6;
	[tilespmem:s5+$0xDCA0] =	vst v0;
	s5 =	sand.u32 $0x3F80, s7  }
0x52e: {  	[tilespmem:s5+$0xDCB0] =	vst v0;
	p1 =	slt.u32 s6, $0x278  }
0x52f: {  	[tilespmem:s5+$0xDC40] =	vst v0  }
.Ltmp35:
0x530: {  	[tilespmem:s5+$0xDC50] =	vst v0;
	(pc) =	sbr.rel @p1 .LBB2_71-.Ltmp35, $4  }
0x531: {  	[tilespmem:s5+$0xDC60] =	vst v0  }
0x532: {  	[tilespmem:s5+$0xDC70] =	vst v0  }
0x533: {  	[tilespmem:s5+$0xDC80] =	vst v0  }
0x534: {  	s7 =	sadd.s32 $0x80, s7;
	[tilespmem:s5+$0xDC90] =	vst v0  }
0x535: {  	[tilespmem:s5+$0xDCA0] =	vst v0  }
0x536: {  	s30 =	simm.s32 $0x9C40;
	s31 =	simm.s32 $0x3;
	[bflag:$0x0] =	sbarrier.arrive $0xFFFF  }
0x537: {  	[tilespmem:s30], [sflag:$0x3] =	stream.linear.gather [spmem:s3], $0x2800, $0x38;
	[tilespmem:$0x16850] =	vst v63  }
0x538: {  	_ =	swait.ge [sflag:s31], $0x2800  }
0x539: {  	[sflag:s31] =	ssyncset.done $0x0  }
0x53a: {  	s5 =	simm.s32 $0x9C60;
	[sflag:s31] =	ssyncadd.s32 $0xFFFFD800  }
0x53b: {  	s6 =	simm.s32 $0x11C60;
	v5 =	vld [tilespmem:s5+$0x10]  }
0x53c: {  	v6 =	vld [tilespmem:s6+$0x10]  }
0x53d: {  	v2 =	vld [tilespmem:s6+$0xFFFFFFE0]  }
0x53e: {  	v0 =	vld [tilespmem:s5+$0xFFFFFFF0]  }
0x53f: {  	v4 =	vld [tilespmem:s6+$0xFFFFFFF0]  }
0x540: {  	v1 =	vld [tilespmem:s5+$0x0]  }
0x541: {  	v3 =	vld [tilespmem:s6+$0x0];
	v6 =	vmul.f32 v6, v5  }
0x542: {  	s7 =	simm.s32 $0x0;
	s8 =	simm.s32 $0x9CA0;
	v5 =	vld [tilespmem:s5+$0xFFFFFFE0]  }
.LBB2_73:
0x543: {  	v7 =	vld [tilespmem:s8+$0x10];
	[tilespmem:s5+$0x10] =	vst v6;
	s6 =	sadd.s32 $0x40, s6  }
0x544: {  	s7 =	sadd.s32 $0x4, s7;
	v6 =	vld [tilespmem:s6+$0x10];
	v4 =	vmul.f32 v4, v0  }
0x545: {  	p1 =	slt.u32 s7, $0x27C;
	v8 =	vld [tilespmem:s6+$0xFFFFFFE0]  }
.Ltmp36:
0x546: {  	v0 =	vld [tilespmem:s8+$0xFFFFFFF0];
	[tilespmem:s5+$0xFFFFFFF0] =	vst v4;
	v3 =	vmul.f32 v3, v1;
	(pc) =	sbr.rel @p1 .LBB2_73-.Ltmp36, $4  }
0x547: {  	v4 =	vld [tilespmem:s6+$0xFFFFFFF0];
	v9 =	vmul.f32 v2, v5  }
0x548: {  	v1 =	vld [tilespmem:s8+$0x0];
	[tilespmem:s5+$0x0] =	vst v3  }
0x549: {  	v3 =	vld [tilespmem:s6+$0x0];
	v6 =	vmul.f32 v6, v7;
	[tilespmem:s5+$0xFFFFFFE0] =	vst v9;
	s5 =	smov.u32 s8  }
0x54a: {  	s8 =	sadd.s32 $0x40, s8;
	v5 =	vld [tilespmem:s5+$0xFFFFFFE0];
	v2 =	vmov v8  }
0x54b: {  	_ =	sdelay $0x1  }
0x54c: {  	v0 =	vmul.f32 v4, v0  }
0x54d: {  	[tilespmem:s5+$0x10] =	vst v6;
	v1 =	vmul.f32 v3, v1  }
0x54e: {  	[tilespmem:s5+$0xFFFFFFF0] =	vst v0;
	v0 =	vmul.f32 v2, v5  }
0x54f: {  	[tilespmem:s5+$0x0] =	vst v1  }
0x550: {  	[tilespmem:s5+$0xFFFFFFE0] =	vst v0  }
0x551: {  	v0 =	vld [tilespmem:s4+$0x10]  }
0x552: {  	s5 =	simm.s32 $0x15C60;
	v5 =	vld [tilespmem:s4+$0xFFFFFFE0]  }
0x553: {  	v6 =	vld [tilespmem:s5+$0x10]  }
0x554: {  	v3 =	vld [tilespmem:s4+$0xFFFFFFF0]  }
0x555: {  	v2 =	vld [tilespmem:s4+$0x0]  }
0x556: {  	v1 =	vld [tilespmem:s5+$0xFFFFFFF0];
	v7 =	vmul.f32 $5.314409920e-06, v0  }
0x557: {  	v4 =	vld [tilespmem:s5+$0x0]  }
0x558: {  	s6 =	simm.s32 $0x0;
	s7 =	sadd.s32 $0x40, s4;
	s8 =	simm.s32 $0x15C60;
	v0 =	vmul.f32 $5.314409920e-06, v5;
	v5 =	vld [tilespmem:s5+$0xFFFFFFE0];
	v6 =	vadd.f32 v7, v6  }
.LBB2_75:
0x559: {  	v7 =	vld [tilespmem:s7+$0x10];
	s6 =	sadd.s32 $0x4, s6;
	v3 =	vmul.f32 $5.314409920e-06, v3  }
0x55a: {  	s8 =	sadd.s32 $0x40, s8;
	v8 =	vld [tilespmem:s7+$0xFFFFFFE0];
	p1 =	slt.u32 s6, $0x3C;
	v2 =	vmul.f32 $5.314409920e-06, v2;
	[tilespmem:s5+$0x10] =	vst v6  }
0x55b: {  	v6 =	vld [tilespmem:s8+$0x10];
	v1 =	vadd.f32 v3, v1  }
.Ltmp37:
0x55c: {  	v3 =	vld [tilespmem:s7+$0xFFFFFFF0];
	v4 =	vadd.f32 v2, v4;
	(pc) =	sbr.rel @p1 .LBB2_75-.Ltmp37, $4  }
0x55d: {  	v2 =	vld [tilespmem:s7+$0x0];
	v5 =	vadd.f32 v0, v5;
	[tilespmem:s5+$0xFFFFFFF0] =	vst v1  }
0x55e: {  	v1 =	vld [tilespmem:s8+$0xFFFFFFF0];
	v7 =	vmul.f32 $5.314409920e-06, v7;
	[tilespmem:s5+$0x0] =	vst v4  }
0x55f: {  	v0 =	vmul.f32 $5.314409920e-06, v8;
	v4 =	vld [tilespmem:s8+$0x0];
	[tilespmem:s5+$0xFFFFFFE0] =	vst v5;
	s5 =	smov.u32 s8  }
0x560: {  	s7 =	sadd.s32 $0x40, s7;
	v5 =	vld [tilespmem:s8+$0xFFFFFFE0];
	v6 =	vadd.f32 v7, v6  }
0x561: {  	v3 =	vmul.f32 $5.314409920e-06, v3  }
0x562: {  	v2 =	vmul.f32 $5.314409920e-06, v2  }
0x563: {  	v1 =	vadd.f32 v3, v1  }
0x564: {  	[tilespmem:s5+$0x10] =	vst v6;
	v2 =	vadd.f32 v2, v4  }
0x565: {  	v0 =	vadd.f32 v0, v5;
	[tilespmem:s5+$0xFFFFFFF0] =	vst v1  }
0x566: {  	[tilespmem:s5+$0x0] =	vst v2  }
0x567: {  	s6 =	simm.s32 $0x4F20;
	s7 =	simm.s32 $0x9C40;
	[tilespmem:s5+$0xFFFFFFE0] =	vst v0  }
0x568: {  	s8 =	simm.s32 $0xDC40;
	s5 =	simm.s32 $0xFFFFFFE0;
	[bflag:$0x0] =	sbarrier.arrive $0xFFFF  }
.LBB2_77:
0x569: {  	v0 =	vld [tilespmem:s6+$0xFFFFFF00]  }
0x56a: {  	v2 =	vld [tilespmem:s6+$0xFFFFFF10]  }
0x56b: {  	v3 =	vld [tilespmem:s6+$0xFFFFFF20]  }
0x56c: {  	v5 =	vld [tilespmem:s6+$0xFFFFFF30]  }
0x56d: {  	v6 =	vld [tilespmem:s6+$0xFFFFFF40]  }
0x56e: {  	v42 =	vld [tilespmem:s6+$0xFFFFFF50]  }
0x56f: {  	v12 =	vld [tilespmem:s6+$0xFFFFFF60]  }
0x570: {  	v50 =	vld [tilespmem:s6+$0xFFFFFF70]  }
0x571: {  	v14 =	vld [tilespmem:s6+$0xFFFFFF80]  }
0x572: {  	v52 =	vld [tilespmem:s6+$0xFFFFFF90]  }
0x573: {  	v53 =	vld [tilespmem:s6+$0xFFFFFFA0]  }
0x574: {  	v23 =	vld [tilespmem:s6+$0xFFFFFFD0]  }
0x575: {  	v20 =	vld [tilespmem:s6+$0xFFFFFFB0]  }
0x576: {  	v22 =	vld [tilespmem:s6+$0xFFFFFFC0];
	v1 =	vand.u32 $0x3FFF, v0;
	v4 =	vshrl.u32 v0, $0xE;
	v0 =	vshra.s32 v0, $0xE  }
0x577: {  	v30 =	vld [tilespmem:s6+$0xFFFFFFE0];
	v7 =	vand.u32 $0x3FFF, v2;
	v8 =	vand.u32 $0x3FFF, v3;
	v9 =	vand.u32 $0x3FFF, v5  }
0x578: {  	v32 =	vld [tilespmem:s6+$0xFFFFFFF0];
	v10 =	vand.u32 $0x3FFF, v6;
	v48 =	vshra.s32 v6, $0xE;
	v6 =	vshrl.u32 v6, $0xE  }
0x579: {  	v37 =	vld [tilespmem:s6+$0x0];
	v13 =	vshrl.u32 v42, $0xE;
	v19 =	vshrl.u32 v53, $0xE;
	v28 =	vand.u32 $0x3FFF, v23  }
0x57a: {  	v39 =	vld [tilespmem:s6+$0x10];
	v33 =	vshrl.u32 v23, $0xE;
	v34 =	vshra.s32 v23, $0xE;
	v0 =	vand.u32 $0xFFFFFC00, v0  }
0x57b: {  	v23 =	vld [tilespmem:s6+$0x90];
	v4 =	vand.u32 $0x3FF, v4;
	v49 =	vand.u32 $0xFFFFFC00, v48;
	v6 =	vand.u32 $0x3FF, v6  }
0x57c: {  	v21 =	vand.u32 $0x3FF, v19;
	v19 =	vld [tilespmem:s6+$0x70];
	v0 =	vor.u32 v4, v0;
	v4 =	vshra.s32 v42, $0xE  }
0x57d: {  	v51 =	vand.u32 $0x3FF, v13;
	v6 =	vor.u32 v6, v49;
	v49 =	vld [tilespmem:s6+$0x20];
	v4 =	vand.u32 $0xFFFFFC00, v4  }
0x57e: {  	v4 =	vor.u32 v51, v4;
	v51 =	vld [tilespmem:s6+$0x30]  }
0x57f: {  	v43 =	vand.u32 $0x3FFF, v42;
	v45 =	vshra.s32 v2, $0xE;
	v36 =	vand.u32 $0x3FFF, v30;
	v1 =	vld.idx.msk [tilespmem:v1+s7+$0x0], $0xffff  }
0x580: {  	v2 =	vshrl.u32 v2, $0xE;
	v11 =	vshrl.u32 v3, $0xE;
	v3 =	vshra.s32 v3, $0xE;
	v44 =	vld.idx.msk [tilespmem:v7+s7+$0x0], $0xffff  }
0x581: {  	v47 =	vshrl.u32 v5, $0xE;
	v5 =	vshra.s32 v5, $0xE;
	v2 =	vand.u32 $0x3FF, v2;
	v8 =	vld.idx.msk [tilespmem:v8+s7+$0x0], $0xffff  }
0x582: {  	v3 =	vand.u32 $0xFFFFFC00, v3;
	v46 =	vand.u32 $0x3FF, v11;
	v7 =	vand.u32 $0xFFFFFC00, v45;
	v9 =	vld.idx.msk [tilespmem:v9+s7+$0x0], $0xffff  }
0x583: {  	v5 =	vand.u32 $0xFFFFFC00, v5;
	v10 =	vld.idx.msk [tilespmem:v10+s7+$0x0], $0xffff;
	v2 =	vor.u32 v2, v7;
	v7 =	vand.u32 $0x3FF, v47  }
0x584: {  	v3 =	vor.u32 v46, v3;
	v42 =	vld.idx.msk [tilespmem:v36+s7+$0x0], $0xffff;
	v5 =	vor.u32 v7, v5;
	v7 =	vshra.s32 v53, $0xE  }
0x585: {  	v61 =	vand.u32 $0x3FFF, v53;
	v53 =	vld [tilespmem:s6+$0x40];
	v7 =	vand.u32 $0xFFFFFC00, v7  }
0x586: {  	v54 =	vand.u32 $0x3FFF, v12;
	v7 =	vor.u32 v21, v7;
	v21 =	vld [tilespmem:s6+$0x80]  }
0x587: {  	v56 =	vand.u32 $0x3FFF, v14;
	[tilespmem:v0+s8+$0x0] =	vst.idx.add.f32.msk $0xffff, v1  }
0x588: {  	v58 =	vand.u32 $0x3FFF, v52;
	v0 =	vld.idx.msk [tilespmem:v43+s7+$0x0], $0xffff  }
0x589: {  	[tilespmem:v3+s8+$0x0] =	vst.idx.add.f32.msk $0xffff, v8  }
0x58a: {  	[tilespmem:v6+s8+$0x0] =	vst.idx.add.f32.msk $0xffff, v10  }
0x58b: {  	v55 =	vand.u32 $0x3FFF, v50;
	v1 =	vld.idx.msk [tilespmem:v54+s7+$0x0], $0xffff  }
0x58c: {  	v3 =	vld.idx.msk [tilespmem:v56+s7+$0x0], $0xffff  }
0x58d: {  	v6 =	vld.idx.msk [tilespmem:v58+s7+$0x0], $0xffff  }
0x58e: {  	v58 =	vld [tilespmem:s6+$0x50]  }
0x58f: {  	[tilespmem:v2+s8+$0x0] =	vst.idx.add.f32.msk $0xffff, v44  }
0x590: {  	v57 =	vshra.s32 v12, $0xE;
	v38 =	vand.u32 $0x3FFF, v32;
	v2 =	vld.idx.msk [tilespmem:v55+s7+$0x0], $0xffff  }
0x591: {  	v59 =	vshrl.u32 v12, $0xE;
	v62 =	vshrl.u32 v50, $0xE;
	v63 =	vshra.s32 v50, $0xE;
	[tilespmem:v5+s8+$0x0] =	vst.idx.add.f32.msk $0xffff, v9  }
0x592: {  	v15 =	vshrl.u32 v14, $0xE;
	v12 =	vand.u32 $0xFFFFFC00, v63;
	v8 =	vand.u32 $0x3FF, v62;
	v5 =	vld.idx.msk [tilespmem:v61+s7+$0x0], $0xffff  }
0x593: {  	v16 =	vshra.s32 v14, $0xE;
	v17 =	vshra.s32 v52, $0xE;
	[tilespmem:v4+s8+$0x0] =	vst.idx.add.f32.msk $0xffff, v0;
	v4 =	vor.u32 v8, v12  }
0x594: {  	v60 =	vand.u32 $0xFFFFFC00, v57;
	v10 =	vand.u32 $0xFFFFFC00, v17;
	v17 =	vld [tilespmem:s6+$0x60];
	v0 =	vand.u32 $0x3FF, v59  }
0x595: {  	v44 =	vld.idx.msk [tilespmem:v38+s7+$0x0], $0xffff;
	v9 =	vand.u32 $0xFFFFFC00, v16;
	v8 =	vand.u32 $0x3FF, v15;
	v0 =	vor.u32 v0, v60  }
0x596: {  	v38 =	vld [tilespmem:s6+$0xB0];
	v8 =	vor.u32 v8, v9  }
0x597: {  	v24 =	vand.u32 $0x3FFF, v20;
	[tilespmem:v7+s8+$0x0] =	vst.idx.add.f32.msk $0xffff, v5  }
0x598: {  	v18 =	vshrl.u32 v52, $0xE;
	v25 =	vand.u32 $0x3FFF, v22;
	[tilespmem:v4+s8+$0x0] =	vst.idx.add.f32.msk $0xffff, v2  }
0x599: {  	v9 =	vand.u32 $0x3FF, v18;
	v4 =	vld.idx.msk [tilespmem:v28+s7+$0x0], $0xffff  }
0x59a: {  	v26 =	vshrl.u32 v20, $0xE;
	v9 =	vor.u32 v9, v10;
	[tilespmem:v0+s8+$0x0] =	vst.idx.add.f32.msk $0xffff, v1  }
0x59b: {  	v27 =	vshra.s32 v20, $0xE;
	v29 =	vshra.s32 v22, $0xE;
	v47 =	vand.u32 $0x3FFF, v39;
	[tilespmem:v8+s8+$0x0] =	vst.idx.add.f32.msk $0xffff, v3  }
0x59c: {  	v31 =	vshrl.u32 v22, $0xE;
	v2 =	vand.u32 $0x3FF, v26;
	v3 =	vand.u32 $0xFFFFFC00, v27;
	v0 =	vld.idx.msk [tilespmem:v24+s7+$0x0], $0xffff  }
0x59d: {  	v5 =	vand.u32 $0xFFFFFC00, v29;
	v1 =	vld.idx.msk [tilespmem:v25+s7+$0x0], $0xffff;
	v2 =	vor.u32 v2, v3;
	v3 =	vand.u32 $0x3FF, v31  }
0x59e: {  	v35 =	vand.u32 $0xFFFFFC00, v34;
	v8 =	vand.u32 $0x3FF, v33;
	v25 =	vld [tilespmem:s6+$0xA0];
	v3 =	vor.u32 v3, v5  }
0x59f: {  	v40 =	vshrl.u32 v30, $0xE;
	v41 =	vshra.s32 v30, $0xE;
	[tilespmem:v9+s8+$0x0] =	vst.idx.add.f32.msk $0xffff, v6;
	v5 =	vor.u32 v8, v35  }
0x5a0: {  	v50 =	vshrl.u32 v37, $0xE;
	v16 =	vshra.s32 v53, $0xE;
	v24 =	vand.u32 $0x3FFF, v17;
	v6 =	vld.idx.msk [tilespmem:v47+s7+$0x0], $0xffff  }
0x5a1: {  	v52 =	vshrl.u32 v39, $0xE;
	v56 =	vand.u32 $0x3FFF, v51;
	v8 =	vand.u32 $0xFFFFFC00, v16;
	v16 =	vld [tilespmem:s6+$0xF0]  }
0x5a2: {  	v46 =	vshra.s32 v32, $0xE;
	v45 =	vshrl.u32 v32, $0xE;
	v43 =	vand.u32 $0x3FFF, v37;
	[tilespmem:v2+s8+$0x0] =	vst.idx.add.f32.msk $0xffff, v0  }
0x5a3: {  	v57 =	vand.u32 $0x3FFF, v53;
	v0 =	vand.u32 $0x3FF, v40;
	[tilespmem:v3+s8+$0x0] =	vst.idx.add.f32.msk $0xffff, v1;
	v1 =	vand.u32 $0xFFFFFC00, v41  }
0x5a4: {  	[tilespmem:v5+s8+$0x0] =	vst.idx.add.f32.msk $0xffff, v4;
	v5 =	vand.u32 $0xFFFFFC00, v46;
	v4 =	vand.u32 $0x3FF, v45;
	v0 =	vor.u32 v0, v1  }
0x5a5: {  	v48 =	vshra.s32 v37, $0xE;
	v11 =	vshra.s32 v39, $0xE;
	v29 =	vld.idx.msk [tilespmem:v24+s7+$0x0], $0xffff;
	v4 =	vor.u32 v4, v5  }
0x5a6: {  	v55 =	vand.u32 $0x3FFF, v49;
	v7 =	vand.u32 $0xFFFFFC00, v48;
	v2 =	vld.idx.msk [tilespmem:v56+s7+$0x0], $0xffff;
	v5 =	vand.u32 $0x3FF, v50  }
0x5a7: {  	v54 =	vand.u32 $0xFFFFFC00, v11;
	v10 =	vand.u32 $0x3FF, v52;
	v1 =	vld.idx.msk [tilespmem:v43+s7+$0x0], $0xffff;
	v5 =	vor.u32 v5, v7  }
0x5a8: {  	v3 =	vld.idx.msk [tilespmem:v57+s7+$0x0], $0xffff;
	v7 =	vor.u32 v10, v54  }
0x5a9: {  	v34 =	vshra.s32 v19, $0xE;
	v39 =	vshra.s32 v23, $0xE;
	v63 =	vand.u32 $0x3FFF, v58;
	[tilespmem:v0+s8+$0x0] =	vst.idx.add.f32.msk $0xffff, v42  }
0x5aa: {  	v62 =	vshra.s32 v51, $0xE;
	v61 =	vshrl.u32 v51, $0xE;
	v59 =	vshrl.u32 v49, $0xE;
	[tilespmem:v4+s8+$0x0] =	vst.idx.add.f32.msk $0xffff, v44  }
0x5ab: {  	v20 =	vshrl.u32 v58, $0xE;
	v60 =	vshra.s32 v49, $0xE;
	v18 =	vshrl.u32 v53, $0xE;
	v0 =	vld.idx.msk [tilespmem:v55+s7+$0x0], $0xffff  }
0x5ac: {  	v4 =	vshra.s32 v58, $0xE;
	[tilespmem:v5+s8+$0x0] =	vst.idx.add.f32.msk $0xffff, v1;
	v5 =	vand.u32 $0xFFFFFC00, v60;
	v1 =	vand.u32 $0x3FF, v59  }
0x5ad: {  	v22 =	vand.u32 $0x3FF, v20;
	[tilespmem:v7+s8+$0x0] =	vst.idx.add.f32.msk $0xffff, v6;
	v4 =	vand.u32 $0xFFFFFC00, v4;
	v1 =	vor.u32 v1, v5  }
0x5ae: {  	v6 =	vand.u32 $0xFFFFFC00, v62;
	v7 =	vld.idx.msk [tilespmem:v63+s7+$0x0], $0xffff;
	v5 =	vand.u32 $0x3FF, v61;
	v4 =	vor.u32 v22, v4  }
0x5af: {  	v26 =	vand.u32 $0x3FFF, v19;
	v41 =	vld [tilespmem:s6+$0xC0];
	v5 =	vor.u32 v5, v6;
	v6 =	vand.u32 $0x3FF, v18  }
0x5b0: {  	v36 =	vshrl.u32 v21, $0xE;
	v37 =	vshra.s32 v21, $0xE;
	v45 =	vld [tilespmem:s6+$0xE0];
	v6 =	vor.u32 v6, v8  }
0x5b1: {  	v30 =	vshra.s32 v17, $0xE;
	v15 =	vshra.s32 v38, $0xE;
	v27 =	vand.u32 $0x3FFF, v21;
	v43 =	vld [tilespmem:s6+$0xD0]  }
0x5b2: {  	v32 =	vshrl.u32 v17, $0xE;
	v48 =	vand.u32 $0xFFFFFC00, v15;
	v28 =	vand.u32 $0x3FFF, v23;
	[tilespmem:v1+s8+$0x0] =	vst.idx.add.f32.msk $0xffff, v0  }
0x5b3: {  	v33 =	vshrl.u32 v19, $0xE;
	v47 =	vand.u32 $0x3FFF, v38;
	v35 =	vand.u32 $0xFFFFFC00, v34;
	[tilespmem:v4+s8+$0x0] =	vst.idx.add.f32.msk $0xffff, v7  }
0x5b4: {  	v31 =	vand.u32 $0x3FFF, v25;
	v13 =	vshra.s32 v25, $0xE;
	v40 =	vshrl.u32 v23, $0xE;
	v0 =	vld.idx.msk [tilespmem:v26+s7+$0x0], $0xffff  }
0x5b5: {  	v46 =	vshrl.u32 v38, $0xE;
	v4 =	vand.u32 $0xFFFFFC00, v30;
	[tilespmem:v6+s8+$0x0] =	vst.idx.add.f32.msk $0xffff, v3;
	v6 =	vand.u32 $0x3FF, v32  }
0x5b6: {  	v49 =	vand.u32 $0x3FF, v46;
	v1 =	vld.idx.msk [tilespmem:v27+s7+$0x0], $0xffff;
	v7 =	vand.u32 $0x3FF, v33;
	v4 =	vor.u32 v6, v4  }
0x5b7: {  	v10 =	vand.u32 $0xFFFFFC00, v39;
	v54 =	vor.u32 v49, v48;
	[tilespmem:v5+s8+$0x0] =	vst.idx.add.f32.msk $0xffff, v2;
	v6 =	vor.u32 v7, v35  }
0x5b8: {  	v50 =	vand.u32 $0x3FFF, v41;
	v42 =	vshrl.u32 v25, $0xE;
	v44 =	vand.u32 $0xFFFFFC00, v13;
	v2 =	vld.idx.msk [tilespmem:v28+s7+$0x0], $0xffff  }
0x5b9: {  	v55 =	vand.u32 $0x3FFF, v45;
	v8 =	vand.u32 $0xFFFFFC00, v37;
	v5 =	vld.idx.msk [tilespmem:v31+s7+$0x0], $0xffff;
	v7 =	vand.u32 $0x3FF, v36  }
0x5ba: {  	v12 =	vand.u32 $0x3FF, v42;
	v3 =	vld.idx.msk [tilespmem:v47+s7+$0x0], $0xffff;
	v7 =	vor.u32 v7, v8;
	v8 =	vand.u32 $0x3FF, v40  }
0x5bb: {  	v8 =	vor.u32 v8, v10;
	v10 =	vor.u32 v12, v44;
	[tilespmem:v4+s8+$0x0] =	vst.idx.add.f32.msk $0xffff, v29  }
0x5bc: {  	v51 =	vshrl.u32 v41, $0xE;
	v11 =	vshra.s32 v41, $0xE;
	v53 =	vand.u32 $0x3FFF, v43;
	[tilespmem:v6+s8+$0x0] =	vst.idx.add.f32.msk $0xffff, v0  }
0x5bd: {  	v52 =	vand.u32 $0xFFFFFC00, v11;
	v56 =	vshrl.u32 v43, $0xE;
	v57 =	vshra.s32 v43, $0xE;
	v0 =	vld.idx.msk [tilespmem:v50+s7+$0x0], $0xffff  }
0x5be: {  	v58 =	vand.u32 $0x3FFF, v16;
	v59 =	vshra.s32 v45, $0xE;
	v60 =	vshrl.u32 v45, $0xE;
	v4 =	vld.idx.msk [tilespmem:v55+s7+$0x0], $0xffff  }
0x5bf: {  	v62 =	vshra.s32 v16, $0xE;
	v9 =	vand.u32 $0xFFFFFC00, v59;
	v6 =	vand.u32 $0x3FF, v51;
	[tilespmem:v7+s8+$0x0] =	vst.idx.add.f32.msk $0xffff, v1  }
0x5c0: {  	v1 =	vor.u32 v6, v52;
	v6 =	vand.u32 $0xFFFFFC00, v57;
	[tilespmem:v10+s8+$0x0] =	vst.idx.add.f32.msk $0xffff, v5;
	v5 =	vand.u32 $0x3FF, v56  }
0x5c1: {  	v61 =	vshrl.u32 v16, $0xE;
	v7 =	vld.idx.msk [tilespmem:v53+s7+$0x0], $0xffff;
	v5 =	vor.u32 v5, v6;
	v6 =	vand.u32 $0x3FF, v60  }
0x5c2: {  	s5 =	sadd.s32 $0x20, s5;
	v63 =	vand.u32 $0xFFFFFC00, v62;
	[tilespmem:v8+s8+$0x0] =	vst.idx.add.f32.msk $0xffff, v2;
	v10 =	vand.u32 $0x3FF, v61;
	v6 =	vor.u32 v6, v9  }
0x5c3: {  	p1 =	slt.u32 s5, $0x4C0;
	v8 =	vld.idx.msk [tilespmem:v58+s7+$0x0], $0xffff;
	v9 =	vor.u32 v10, v63  }
.Ltmp38:
0x5c4: {  	[tilespmem:v54+s8+$0x0] =	vst.idx.add.f32.msk $0xffff, v3;
	(pc) =	sbr.rel @p1 .LBB2_77-.Ltmp38, $4  }
0x5c5: {  	[tilespmem:v1+s8+$0x0] =	vst.idx.add.f32.msk $0xffff, v0  }
0x5c6: {  	[tilespmem:v5+s8+$0x0] =	vst.idx.add.f32.msk $0xffff, v7  }
0x5c7: {  	[tilespmem:v6+s8+$0x0] =	vst.idx.add.f32.msk $0xffff, v4  }
0x5c8: {  	s6 =	sadd.s32 $0x200, s6;
	[tilespmem:v9+s8+$0x0] =	vst.idx.add.f32.msk $0xffff, v8  }
0x5c9: {  	s5 =	simm.s32 $0x0;
	s6 =	simm.s32 $0x9C40;
	s7 =	simm.s32 $0xDC40  }
.LBB2_79:
0x5ca: {  	s8 =	sshra.s32 s5, $0x2  }
0x5cb: {  	v0 =	vld [tilespmem:s8+$0x9C20];
	_ =	sdelay $0x4  }
0x5cc: {  	v1 =	vand.u32 $0x3FFF, v0;
	_ =	sdelay $0x2  }
0x5cd: {  	v2 =	vshrl.u32 v0, $0xE;
	v0 =	vshra.s32 v0, $0xE  }
0x5ce: {  	v0 =	vand.u32 $0xFFFFFC00, v0;
	v2 =	vand.u32 $0x3FF, v2  }
0x5cf: {  	p1 =	sne.s32 s5, $0x40;
	v0 =	vor.u32 v2, v0;
	v1 =	vld.idx.msk [tilespmem:v1+s6+$0x0], $0xffff  }
.Ltmp39:
0x5d0: {  	_ = 	snop;
	(pc) =	sbr.rel @p1 .LBB2_79-.Ltmp39, $2  }
0x5d1: {  	_ =	sdelay $0x2  }
0x5d2: {  	s5 =	sadd.s32 $0x40, s5;
	[tilespmem:v0+s7+$0x0] =	vst.idx.add.f32.msk $0xffff, v1  }
0x5d3: {  	[bflag:$0x0] =	sbarrier.arrive @p0 $0xFFFF  }
0x5d4: {  	s5 =	simm.s32 @p0 $0xA;
	s6 =	simm.s32 @p0 $0x16440;
	s7 =	simm.s32 @p0 $0xDC40  }
0x5d5: {  	[spmem:s3] =	stream.indirect.scatter.add.f32 @p0 [tilespmem:s7], [sflag:$0x3], $0x400, s6, s5, $0xb8;
	[tilespmem:$0x16850] =	vst v63  }
0x5d6: {  	s5 =	simm.s32 @p0 $0x3  }
0x5d7: {  	_ =	swait.ge @p0 [sflag:s5], $0x2800  }
0x5d8: {  	[sflag:s5] =	ssyncset.done @p0 $0x0  }
0x5d9: {  	[sflag:s5] =	ssyncadd.s32 @p0 $0xFFFFD800;
	s5 =	simm.s32 @!p0 $0xDC40  }
0x5da: {  	[spmem:s3] =	stream.linear.scatter @!p0 [tilespmem:s5], [sflag:$0x3], $0x2800, $0x38;
	[tilespmem:$0x16850] =	vst v63  }
0x5db: {  	s5 =	simm.s32 @!p0 $0x3  }
0x5dc: {  	_ =	swait.ge @!p0 [sflag:s5], $0x2800  }
0x5dd: {  	[sflag:s5] =	ssyncset.done @!p0 $0x0  }
0x5de: {  	s31 =	simm.s32 $0x0;
	[sflag:s5] =	ssyncadd.s32 @!p0 $0xFFFFD800  }
0x5df: {  	v0 =	vimm.f32 $0.0e+00;
	s5 =	sand.u32 $0x3F80, s31;
	[bflag:$0x0] =	sbarrier.arrive @!p0 $0xFFFF  }
0x5e0: {  	[tilespmem:s5+$0xDCB0] =	vst v0  }
0x5e1: {  	[tilespmem:s5+$0xDC40] =	vst v0  }
0x5e2: {  	[tilespmem:s5+$0xDC50] =	vst v0  }
0x5e3: {  	[tilespmem:s5+$0xDC60] =	vst v0  }
0x5e4: {  	[tilespmem:s5+$0xDC70] =	vst v0  }
0x5e5: {  	[tilespmem:s5+$0xDC80] =	vst v0  }
0x5e6: {  	s6 =	simm.s32 $0x0;
	s7 =	simm.s32 $0x80;
	[tilespmem:s5+$0xDC90] =	vst v0  }
.LBB2_81:
0x5e7: {  	s6 =	sadd.s32 $0x8, s6;
	[tilespmem:s5+$0xDCA0] =	vst v0;
	s5 =	sand.u32 $0x3F80, s7  }
0x5e8: {  	[tilespmem:s5+$0xDCB0] =	vst v0;
	p1 =	slt.u32 s6, $0x278  }
0x5e9: {  	[tilespmem:s5+$0xDC40] =	vst v0  }
.Ltmp40:
0x5ea: {  	[tilespmem:s5+$0xDC50] =	vst v0;
	(pc) =	sbr.rel @p1 .LBB2_81-.Ltmp40, $4  }
0x5eb: {  	[tilespmem:s5+$0xDC60] =	vst v0  }
0x5ec: {  	[tilespmem:s5+$0xDC70] =	vst v0  }
0x5ed: {  	[tilespmem:s5+$0xDC80] =	vst v0  }
0x5ee: {  	s7 =	sadd.s32 $0x80, s7;
	[tilespmem:s5+$0xDC90] =	vst v0  }
0x5ef: {  	[tilespmem:s5+$0xDCA0] =	vst v0  }
0x5f0: {  	s30 =	simm.s32 $0x9C40;
	s31 =	simm.s32 $0x3;
	[bflag:$0x0] =	sbarrier.arrive $0xFFFF  }
0x5f1: {  	[tilespmem:s30], [sflag:$0x3] =	stream.linear.gather [spmem:s3], $0x2800, $0x38;
	[tilespmem:$0x16850] =	vst v63  }
0x5f2: {  	_ =	swait.ge [sflag:s31], $0x2800  }
0x5f3: {  	[sflag:s31] =	ssyncset.done $0x0  }
0x5f4: {  	s5 =	simm.s32 $0x9C60;
	[sflag:s31] =	ssyncadd.s32 $0xFFFFD800  }
0x5f5: {  	s6 =	simm.s32 $0x11C60;
	v5 =	vld [tilespmem:s5+$0x10]  }
0x5f6: {  	v6 =	vld [tilespmem:s6+$0x10]  }
0x5f7: {  	v2 =	vld [tilespmem:s6+$0xFFFFFFE0]  }
0x5f8: {  	v0 =	vld [tilespmem:s5+$0xFFFFFFF0]  }
0x5f9: {  	v4 =	vld [tilespmem:s6+$0xFFFFFFF0]  }
0x5fa: {  	v1 =	vld [tilespmem:s5+$0x0]  }
0x5fb: {  	v3 =	vld [tilespmem:s6+$0x0];
	v6 =	vmul.f32 v6, v5  }
0x5fc: {  	s7 =	simm.s32 $0x0;
	s8 =	simm.s32 $0x9CA0;
	v5 =	vld [tilespmem:s5+$0xFFFFFFE0]  }
.LBB2_83:
0x5fd: {  	v7 =	vld [tilespmem:s8+$0x10];
	[tilespmem:s5+$0x10] =	vst v6;
	s6 =	sadd.s32 $0x40, s6  }
0x5fe: {  	s7 =	sadd.s32 $0x4, s7;
	v6 =	vld [tilespmem:s6+$0x10];
	v4 =	vmul.f32 v4, v0  }
0x5ff: {  	p1 =	slt.u32 s7, $0x27C;
	v8 =	vld [tilespmem:s6+$0xFFFFFFE0]  }
.Ltmp41:
0x600: {  	v0 =	vld [tilespmem:s8+$0xFFFFFFF0];
	[tilespmem:s5+$0xFFFFFFF0] =	vst v4;
	v3 =	vmul.f32 v3, v1;
	(pc) =	sbr.rel @p1 .LBB2_83-.Ltmp41, $4  }
0x601: {  	v4 =	vld [tilespmem:s6+$0xFFFFFFF0];
	v9 =	vmul.f32 v2, v5  }
0x602: {  	v1 =	vld [tilespmem:s8+$0x0];
	[tilespmem:s5+$0x0] =	vst v3  }
0x603: {  	v3 =	vld [tilespmem:s6+$0x0];
	v6 =	vmul.f32 v6, v7;
	[tilespmem:s5+$0xFFFFFFE0] =	vst v9;
	s5 =	smov.u32 s8  }
0x604: {  	s8 =	sadd.s32 $0x40, s8;
	v5 =	vld [tilespmem:s5+$0xFFFFFFE0];
	v2 =	vmov v8  }
0x605: {  	_ =	sdelay $0x1  }
0x606: {  	v0 =	vmul.f32 v4, v0  }
0x607: {  	[tilespmem:s5+$0x10] =	vst v6;
	v1 =	vmul.f32 v3, v1  }
0x608: {  	[tilespmem:s5+$0xFFFFFFF0] =	vst v0;
	v0 =	vmul.f32 v2, v5  }
0x609: {  	[tilespmem:s5+$0x0] =	vst v1  }
0x60a: {  	[tilespmem:s5+$0xFFFFFFE0] =	vst v0  }
0x60b: {  	v0 =	vld [tilespmem:s4+$0x10]  }
0x60c: {  	s5 =	simm.s32 $0x15C60;
	v5 =	vld [tilespmem:s4+$0xFFFFFFE0]  }
0x60d: {  	v6 =	vld [tilespmem:s5+$0x10]  }
0x60e: {  	v3 =	vld [tilespmem:s4+$0xFFFFFFF0]  }
0x60f: {  	v2 =	vld [tilespmem:s4+$0x0]  }
0x610: {  	v1 =	vld [tilespmem:s5+$0xFFFFFFF0];
	v7 =	vmul.f32 $4.782968970e-06, v0  }
0x611: {  	v4 =	vld [tilespmem:s5+$0x0]  }
0x612: {  	s6 =	simm.s32 $0x0;
	s7 =	sadd.s32 $0x40, s4;
	s8 =	simm.s32 $0x15C60;
	v0 =	vmul.f32 $4.782968970e-06, v5;
	v5 =	vld [tilespmem:s5+$0xFFFFFFE0];
	v6 =	vadd.f32 v7, v6  }
.LBB2_85:
0x613: {  	v7 =	vld [tilespmem:s7+$0x10];
	s6 =	sadd.s32 $0x4, s6;
	v3 =	vmul.f32 $4.782968970e-06, v3  }
0x614: {  	s8 =	sadd.s32 $0x40, s8;
	v8 =	vld [tilespmem:s7+$0xFFFFFFE0];
	p1 =	slt.u32 s6, $0x3C;
	v2 =	vmul.f32 $4.782968970e-06, v2;
	[tilespmem:s5+$0x10] =	vst v6  }
0x615: {  	v6 =	vld [tilespmem:s8+$0x10];
	v1 =	vadd.f32 v3, v1  }
.Ltmp42:
0x616: {  	v3 =	vld [tilespmem:s7+$0xFFFFFFF0];
	v4 =	vadd.f32 v2, v4;
	(pc) =	sbr.rel @p1 .LBB2_85-.Ltmp42, $4  }
0x617: {  	v2 =	vld [tilespmem:s7+$0x0];
	v5 =	vadd.f32 v0, v5;
	[tilespmem:s5+$0xFFFFFFF0] =	vst v1  }
0x618: {  	v1 =	vld [tilespmem:s8+$0xFFFFFFF0];
	v7 =	vmul.f32 $4.782968970e-06, v7;
	[tilespmem:s5+$0x0] =	vst v4  }
0x619: {  	v0 =	vmul.f32 $4.782968970e-06, v8;
	v4 =	vld [tilespmem:s8+$0x0];
	[tilespmem:s5+$0xFFFFFFE0] =	vst v5;
	s5 =	smov.u32 s8  }
0x61a: {  	s7 =	sadd.s32 $0x40, s7;
	v5 =	vld [tilespmem:s8+$0xFFFFFFE0];
	v6 =	vadd.f32 v7, v6  }
0x61b: {  	v3 =	vmul.f32 $4.782968970e-06, v3  }
0x61c: {  	v2 =	vmul.f32 $4.782968970e-06, v2  }
0x61d: {  	v1 =	vadd.f32 v3, v1  }
0x61e: {  	[tilespmem:s5+$0x10] =	vst v6;
	v2 =	vadd.f32 v2, v4  }
0x61f: {  	v0 =	vadd.f32 v0, v5;
	[tilespmem:s5+$0xFFFFFFF0] =	vst v1  }
0x620: {  	[tilespmem:s5+$0x0] =	vst v2  }
0x621: {  	s6 =	simm.s32 $0x4F20;
	s7 =	simm.s32 $0x9C40;
	[tilespmem:s5+$0xFFFFFFE0] =	vst v0  }
0x622: {  	s8 =	simm.s32 $0xDC40;
	s5 =	simm.s32 $0xFFFFFFE0;
	[bflag:$0x0] =	sbarrier.arrive $0xFFFF  }
.LBB2_87:
0x623: {  	v0 =	vld [tilespmem:s6+$0xFFFFFF00]  }
0x624: {  	v2 =	vld [tilespmem:s6+$0xFFFFFF10]  }
0x625: {  	v3 =	vld [tilespmem:s6+$0xFFFFFF20]  }
0x626: {  	v5 =	vld [tilespmem:s6+$0xFFFFFF30]  }
0x627: {  	v6 =	vld [tilespmem:s6+$0xFFFFFF40]  }
0x628: {  	v42 =	vld [tilespmem:s6+$0xFFFFFF50]  }
0x629: {  	v12 =	vld [tilespmem:s6+$0xFFFFFF60]  }
0x62a: {  	v50 =	vld [tilespmem:s6+$0xFFFFFF70]  }
0x62b: {  	v14 =	vld [tilespmem:s6+$0xFFFFFF80]  }
0x62c: {  	v52 =	vld [tilespmem:s6+$0xFFFFFF90]  }
0x62d: {  	v53 =	vld [tilespmem:s6+$0xFFFFFFA0]  }
0x62e: {  	v23 =	vld [tilespmem:s6+$0xFFFFFFD0]  }
0x62f: {  	v20 =	vld [tilespmem:s6+$0xFFFFFFB0]  }
0x630: {  	v22 =	vld [tilespmem:s6+$0xFFFFFFC0];
	v1 =	vand.u32 $0x3FFF, v0;
	v4 =	vshrl.u32 v0, $0xE;
	v0 =	vshra.s32 v0, $0xE  }
0x631: {  	v30 =	vld [tilespmem:s6+$0xFFFFFFE0];
	v7 =	vand.u32 $0x3FFF, v2;
	v8 =	vand.u32 $0x3FFF, v3;
	v9 =	vand.u32 $0x3FFF, v5  }
0x632: {  	v32 =	vld [tilespmem:s6+$0xFFFFFFF0];
	v10 =	vand.u32 $0x3FFF, v6;
	v48 =	vshra.s32 v6, $0xE;
	v6 =	vshrl.u32 v6, $0xE  }
0x633: {  	v37 =	vld [tilespmem:s6+$0x0];
	v13 =	vshrl.u32 v42, $0xE;
	v19 =	vshrl.u32 v53, $0xE;
	v28 =	vand.u32 $0x3FFF, v23  }
0x634: {  	v39 =	vld [tilespmem:s6+$0x10];
	v33 =	vshrl.u32 v23, $0xE;
	v34 =	vshra.s32 v23, $0xE;
	v0 =	vand.u32 $0xFFFFFC00, v0  }
0x635: {  	v23 =	vld [tilespmem:s6+$0x90];
	v4 =	vand.u32 $0x3FF, v4;
	v49 =	vand.u32 $0xFFFFFC00, v48;
	v6 =	vand.u32 $0x3FF, v6  }
0x636: {  	v21 =	vand.u32 $0x3FF, v19;
	v19 =	vld [tilespmem:s6+$0x70];
	v0 =	vor.u32 v4, v0;
	v4 =	vshra.s32 v42, $0xE  }
0x637: {  	v51 =	vand.u32 $0x3FF, v13;
	v6 =	vor.u32 v6, v49;
	v49 =	vld [tilespmem:s6+$0x20];
	v4 =	vand.u32 $0xFFFFFC00, v4  }
0x638: {  	v4 =	vor.u32 v51, v4;
	v51 =	vld [tilespmem:s6+$0x30]  }
0x639: {  	v43 =	vand.u32 $0x3FFF, v42;
	v45 =	vshra.s32 v2, $0xE;
	v36 =	vand.u32 $0x3FFF, v30;
	v1 =	vld.idx.msk [tilespmem:v1+s7+$0x0], $0xffff  }
0x63a: {  	v2 =	vshrl.u32 v2, $0xE;
	v11 =	vshrl.u32 v3, $0xE;
	v3 =	vshra.s32 v3, $0xE;
	v44 =	vld.idx.msk [tilespmem:v7+s7+$0x0], $0xffff  }
0x63b: {  	v47 =	vshrl.u32 v5, $0xE;
	v5 =	vshra.s32 v5, $0xE;
	v2 =	vand.u32 $0x3FF, v2;
	v8 =	vld.idx.msk [tilespmem:v8+s7+$0x0], $0xffff  }
0x63c: {  	v3 =	vand.u32 $0xFFFFFC00, v3;
	v46 =	vand.u32 $0x3FF, v11;
	v7 =	vand.u32 $0xFFFFFC00, v45;
	v9 =	vld.idx.msk [tilespmem:v9+s7+$0x0], $0xffff  }
0x63d: {  	v5 =	vand.u32 $0xFFFFFC00, v5;
	v10 =	vld.idx.msk [tilespmem:v10+s7+$0x0], $0xffff;
	v2 =	vor.u32 v2, v7;
	v7 =	vand.u32 $0x3FF, v47  }
0x63e: {  	v3 =	vor.u32 v46, v3;
	v42 =	vld.idx.msk [tilespmem:v36+s7+$0x0], $0xffff;
	v5 =	vor.u32 v7, v5;
	v7 =	vshra.s32 v53, $0xE  }
0x63f: {  	v61 =	vand.u32 $0x3FFF, v53;
	v53 =	vld [tilespmem:s6+$0x40];
	v7 =	vand.u32 $0xFFFFFC00, v7  }
0x640: {  	v54 =	vand.u32 $0x3FFF, v12;
	v7 =	vor.u32 v21, v7;
	v21 =	vld [tilespmem:s6+$0x80]  }
0x641: {  	v56 =	vand.u32 $0x3FFF, v14;
	[tilespmem:v0+s8+$0x0] =	vst.idx.add.f32.msk $0xffff, v1  }
0x642: {  	v58 =	vand.u32 $0x3FFF, v52;
	v0 =	vld.idx.msk [tilespmem:v43+s7+$0x0], $0xffff  }
0x643: {  	[tilespmem:v3+s8+$0x0] =	vst.idx.add.f32.msk $0xffff, v8  }
0x644: {  	[tilespmem:v6+s8+$0x0] =	vst.idx.add.f32.msk $0xffff, v10  }
0x645: {  	v55 =	vand.u32 $0x3FFF, v50;
	v1 =	vld.idx.msk [tilespmem:v54+s7+$0x0], $0xffff  }
0x646: {  	v3 =	vld.idx.msk [tilespmem:v56+s7+$0x0], $0xffff  }
0x647: {  	v6 =	vld.idx.msk [tilespmem:v58+s7+$0x0], $0xffff  }
0x648: {  	v58 =	vld [tilespmem:s6+$0x50]  }
0x649: {  	[tilespmem:v2+s8+$0x0] =	vst.idx.add.f32.msk $0xffff, v44  }
0x64a: {  	v57 =	vshra.s32 v12, $0xE;
	v38 =	vand.u32 $0x3FFF, v32;
	v2 =	vld.idx.msk [tilespmem:v55+s7+$0x0], $0xffff  }
0x64b: {  	v59 =	vshrl.u32 v12, $0xE;
	v62 =	vshrl.u32 v50, $0xE;
	v63 =	vshra.s32 v50, $0xE;
	[tilespmem:v5+s8+$0x0] =	vst.idx.add.f32.msk $0xffff, v9  }
0x64c: {  	v15 =	vshrl.u32 v14, $0xE;
	v12 =	vand.u32 $0xFFFFFC00, v63;
	v8 =	vand.u32 $0x3FF, v62;
	v5 =	vld.idx.msk [tilespmem:v61+s7+$0x0], $0xffff  }
0x64d: {  	v16 =	vshra.s32 v14, $0xE;
	v17 =	vshra.s32 v52, $0xE;
	[tilespmem:v4+s8+$0x0] =	vst.idx.add.f32.msk $0xffff, v0;
	v4 =	vor.u32 v8, v12  }
0x64e: {  	v60 =	vand.u32 $0xFFFFFC00, v57;
	v10 =	vand.u32 $0xFFFFFC00, v17;
	v17 =	vld [tilespmem:s6+$0x60];
	v0 =	vand.u32 $0x3FF, v59  }
0x64f: {  	v44 =	vld.idx.msk [tilespmem:v38+s7+$0x0], $0xffff;
	v9 =	vand.u32 $0xFFFFFC00, v16;
	v8 =	vand.u32 $0x3FF, v15;
	v0 =	vor.u32 v0, v60  }
0x650: {  	v38 =	vld [tilespmem:s6+$0xB0];
	v8 =	vor.u32 v8, v9  }
0x651: {  	v24 =	vand.u32 $0x3FFF, v20;
	[tilespmem:v7+s8+$0x0] =	vst.idx.add.f32.msk $0xffff, v5  }
0x652: {  	v18 =	vshrl.u32 v52, $0xE;
	v25 =	vand.u32 $0x3FFF, v22;
	[tilespmem:v4+s8+$0x0] =	vst.idx.add.f32.msk $0xffff, v2  }
0x653: {  	v9 =	vand.u32 $0x3FF, v18;
	v4 =	vld.idx.msk [tilespmem:v28+s7+$0x0], $0xffff  }
0x654: {  	v26 =	vshrl.u32 v20, $0xE;
	v9 =	vor.u32 v9, v10;
	[tilespmem:v0+s8+$0x0] =	vst.idx.add.f32.msk $0xffff, v1  }
0x655: {  	v27 =	vshra.s32 v20, $0xE;
	v29 =	vshra.s32 v22, $0xE;
	v47 =	vand.u32 $0x3FFF, v39;
	[tilespmem:v8+s8+$0x0] =	vst.idx.add.f32.msk $0xffff, v3  }
0x656: {  	v31 =	vshrl.u32 v22, $0xE;
	v2 =	vand.u32 $0x3FF, v26;
	v3 =	vand.u32 $0xFFFFFC00, v27;
	v0 =	vld.idx.msk [tilespmem:v24+s7+$0x0], $0xffff  }
0x657: {  	v5 =	vand.u32 $0xFFFFFC00, v29;
	v1 =	vld.idx.msk [tilespmem:v25+s7+$0x0], $0xffff;
	v2 =	vor.u32 v2, v3;
	v3 =	vand.u32 $0x3FF, v31  }
0x658: {  	v35 =	vand.u32 $0xFFFFFC00, v34;
	v8 =	vand.u32 $0x3FF, v33;
	v25 =	vld [tilespmem:s6+$0xA0];
	v3 =	vor.u32 v3, v5  }
0x659: {  	v40 =	vshrl.u32 v30, $0xE;
	v41 =	vshra.s32 v30, $0xE;
	[tilespmem:v9+s8+$0x0] =	vst.idx.add.f32.msk $0xffff, v6;
	v5 =	vor.u32 v8, v35  }
0x65a: {  	v50 =	vshrl.u32 v37, $0xE;
	v16 =	vshra.s32 v53, $0xE;
	v24 =	vand.u32 $0x3FFF, v17;
	v6 =	vld.idx.msk [tilespmem:v47+s7+$0x0], $0xffff  }
0x65b: {  	v52 =	vshrl.u32 v39, $0xE;
	v56 =	vand.u32 $0x3FFF, v51;
	v8 =	vand.u32 $0xFFFFFC00, v16;
	v16 =	vld [tilespmem:s6+$0xF0]  }
0x65c: {  	v46 =	vshra.s32 v32, $0xE;
	v45 =	vshrl.u32 v32, $0xE;
	v43 =	vand.u32 $0x3FFF, v37;
	[tilespmem:v2+s8+$0x0] =	vst.idx.add.f32.msk $0xffff, v0  }
0x65d: {  	v57 =	vand.u32 $0x3FFF, v53;
	v0 =	vand.u32 $0x3FF, v40;
	[tilespmem:v3+s8+$0x0] =	vst.idx.add.f32.msk $0xffff, v1;
	v1 =	vand.u32 $0xFFFFFC00, v41  }
0x65e: {  	[tilespmem:v5+s8+$0x0] =	vst.idx.add.f32.msk $0xffff, v4;
	v5 =	vand.u32 $0xFFFFFC00, v46;
	v4 =	vand.u32 $0x3FF, v45;
	v0 =	vor.u32 v0, v1  }
0x65f: {  	v48 =	vshra.s32 v37, $0xE;
	v11 =	vshra.s32 v39, $0xE;
	v29 =	vld.idx.msk [tilespmem:v24+s7+$0x0], $0xffff;
	v4 =	vor.u32 v4, v5  }
0x660: {  	v55 =	vand.u32 $0x3FFF, v49;
	v7 =	vand.u32 $0xFFFFFC00, v48;
	v2 =	vld.idx.msk [tilespmem:v56+s7+$0x0], $0xffff;
	v5 =	vand.u32 $0x3FF, v50  }
0x661: {  	v54 =	vand.u32 $0xFFFFFC00, v11;
	v10 =	vand.u32 $0x3FF, v52;
	v1 =	vld.idx.msk [tilespmem:v43+s7+$0x0], $0xffff;
	v5 =	vor.u32 v5, v7  }
0x662: {  	v3 =	vld.idx.msk [tilespmem:v57+s7+$0x0], $0xffff;
	v7 =	vor.u32 v10, v54  }
0x663: {  	v34 =	vshra.s32 v19, $0xE;
	v39 =	vshra.s32 v23, $0xE;
	v63 =	vand.u32 $0x3FFF, v58;
	[tilespmem:v0+s8+$0x0] =	vst.idx.add.f32.msk $0xffff, v42  }
0x664: {  	v62 =	vshra.s32 v51, $0xE;
	v61 =	vshrl.u32 v51, $0xE;
	v59 =	vshrl.u32 v49, $0xE;
	[tilespmem:v4+s8+$0x0] =	vst.idx.add.f32.msk $0xffff, v44  }
0x665: {  	v20 =	vshrl.u32 v58, $0xE;
	v60 =	vshra.s32 v49, $0xE;
	v18 =	vshrl.u32 v53, $0xE;
	v0 =	vld.idx.msk [tilespmem:v55+s7+$0x0], $0xffff  }
0x666: {  	v4 =	vshra.s32 v58, $0xE;
	[tilespmem:v5+s8+$0x0] =	vst.idx.add.f32.msk $0xffff, v1;
	v5 =	vand.u32 $0xFFFFFC00, v60;
	v1 =	vand.u32 $0x3FF, v59  }
0x667: {  	v22 =	vand.u32 $0x3FF, v20;
	[tilespmem:v7+s8+$0x0] =	vst.idx.add.f32.msk $0xffff, v6;
	v4 =	vand.u32 $0xFFFFFC00, v4;
	v1 =	vor.u32 v1, v5  }
0x668: {  	v6 =	vand.u32 $0xFFFFFC00, v62;
	v7 =	vld.idx.msk [tilespmem:v63+s7+$0x0], $0xffff;
	v5 =	vand.u32 $0x3FF, v61;
	v4 =	vor.u32 v22, v4  }
0x669: {  	v26 =	vand.u32 $0x3FFF, v19;
	v41 =	vld [tilespmem:s6+$0xC0];
	v5 =	vor.u32 v5, v6;
	v6 =	vand.u32 $0x3FF, v18  }
0x66a: {  	v36 =	vshrl.u32 v21, $0xE;
	v37 =	vshra.s32 v21, $0xE;
	v45 =	vld [tilespmem:s6+$0xE0];
	v6 =	vor.u32 v6, v8  }
0x66b: {  	v30 =	vshra.s32 v17, $0xE;
	v15 =	vshra.s32 v38, $0xE;
	v27 =	vand.u32 $0x3FFF, v21;
	v43 =	vld [tilespmem:s6+$0xD0]  }
0x66c: {  	v32 =	vshrl.u32 v17, $0xE;
	v48 =	vand.u32 $0xFFFFFC00, v15;
	v28 =	vand.u32 $0x3FFF, v23;
	[tilespmem:v1+s8+$0x0] =	vst.idx.add.f32.msk $0xffff, v0  }
0x66d: {  	v33 =	vshrl.u32 v19, $0xE;
	v47 =	vand.u32 $0x3FFF, v38;
	v35 =	vand.u32 $0xFFFFFC00, v34;
	[tilespmem:v4+s8+$0x0] =	vst.idx.add.f32.msk $0xffff, v7  }
0x66e: {  	v31 =	vand.u32 $0x3FFF, v25;
	v13 =	vshra.s32 v25, $0xE;
	v40 =	vshrl.u32 v23, $0xE;
	v0 =	vld.idx.msk [tilespmem:v26+s7+$0x0], $0xffff  }
0x66f: {  	v46 =	vshrl.u32 v38, $0xE;
	v4 =	vand.u32 $0xFFFFFC00, v30;
	[tilespmem:v6+s8+$0x0] =	vst.idx.add.f32.msk $0xffff, v3;
	v6 =	vand.u32 $0x3FF, v32  }
0x670: {  	v49 =	vand.u32 $0x3FF, v46;
	v1 =	vld.idx.msk [tilespmem:v27+s7+$0x0], $0xffff;
	v7 =	vand.u32 $0x3FF, v33;
	v4 =	vor.u32 v6, v4  }
0x671: {  	v10 =	vand.u32 $0xFFFFFC00, v39;
	v54 =	vor.u32 v49, v48;
	[tilespmem:v5+s8+$0x0] =	vst.idx.add.f32.msk $0xffff, v2;
	v6 =	vor.u32 v7, v35  }
0x672: {  	v50 =	vand.u32 $0x3FFF, v41;
	v42 =	vshrl.u32 v25, $0xE;
	v44 =	vand.u32 $0xFFFFFC00, v13;
	v2 =	vld.idx.msk [tilespmem:v28+s7+$0x0], $0xffff  }
0x673: {  	v55 =	vand.u32 $0x3FFF, v45;
	v8 =	vand.u32 $0xFFFFFC00, v37;
	v5 =	vld.idx.msk [tilespmem:v31+s7+$0x0], $0xffff;
	v7 =	vand.u32 $0x3FF, v36  }
0x674: {  	v12 =	vand.u32 $0x3FF, v42;
	v3 =	vld.idx.msk [tilespmem:v47+s7+$0x0], $0xffff;
	v7 =	vor.u32 v7, v8;
	v8 =	vand.u32 $0x3FF, v40  }
0x675: {  	v8 =	vor.u32 v8, v10;
	v10 =	vor.u32 v12, v44;
	[tilespmem:v4+s8+$0x0] =	vst.idx.add.f32.msk $0xffff, v29  }
0x676: {  	v51 =	vshrl.u32 v41, $0xE;
	v11 =	vshra.s32 v41, $0xE;
	v53 =	vand.u32 $0x3FFF, v43;
	[tilespmem:v6+s8+$0x0] =	vst.idx.add.f32.msk $0xffff, v0  }
0x677: {  	v52 =	vand.u32 $0xFFFFFC00, v11;
	v56 =	vshrl.u32 v43, $0xE;
	v57 =	vshra.s32 v43, $0xE;
	v0 =	vld.idx.msk [tilespmem:v50+s7+$0x0], $0xffff  }
0x678: {  	v58 =	vand.u32 $0x3FFF, v16;
	v59 =	vshra.s32 v45, $0xE;
	v60 =	vshrl.u32 v45, $0xE;
	v4 =	vld.idx.msk [tilespmem:v55+s7+$0x0], $0xffff  }
0x679: {  	v62 =	vshra.s32 v16, $0xE;
	v9 =	vand.u32 $0xFFFFFC00, v59;
	v6 =	vand.u32 $0x3FF, v51;
	[tilespmem:v7+s8+$0x0] =	vst.idx.add.f32.msk $0xffff, v1  }
0x67a: {  	v1 =	vor.u32 v6, v52;
	v6 =	vand.u32 $0xFFFFFC00, v57;
	[tilespmem:v10+s8+$0x0] =	vst.idx.add.f32.msk $0xffff, v5;
	v5 =	vand.u32 $0x3FF, v56  }
0x67b: {  	v61 =	vshrl.u32 v16, $0xE;
	v7 =	vld.idx.msk [tilespmem:v53+s7+$0x0], $0xffff;
	v5 =	vor.u32 v5, v6;
	v6 =	vand.u32 $0x3FF, v60  }
0x67c: {  	s5 =	sadd.s32 $0x20, s5;
	v63 =	vand.u32 $0xFFFFFC00, v62;
	[tilespmem:v8+s8+$0x0] =	vst.idx.add.f32.msk $0xffff, v2;
	v10 =	vand.u32 $0x3FF, v61;
	v6 =	vor.u32 v6, v9  }
0x67d: {  	p1 =	slt.u32 s5, $0x4C0;
	v8 =	vld.idx.msk [tilespmem:v58+s7+$0x0], $0xffff;
	v9 =	vor.u32 v10, v63  }
.Ltmp43:
0x67e: {  	[tilespmem:v54+s8+$0x0] =	vst.idx.add.f32.msk $0xffff, v3;
	(pc) =	sbr.rel @p1 .LBB2_87-.Ltmp43, $4  }
0x67f: {  	[tilespmem:v1+s8+$0x0] =	vst.idx.add.f32.msk $0xffff, v0  }
0x680: {  	[tilespmem:v5+s8+$0x0] =	vst.idx.add.f32.msk $0xffff, v7  }
0x681: {  	[tilespmem:v6+s8+$0x0] =	vst.idx.add.f32.msk $0xffff, v4  }
0x682: {  	s6 =	sadd.s32 $0x200, s6;
	[tilespmem:v9+s8+$0x0] =	vst.idx.add.f32.msk $0xffff, v8  }
0x683: {  	s5 =	simm.s32 $0x0;
	s6 =	simm.s32 $0x9C40;
	s7 =	simm.s32 $0xDC40  }
.LBB2_89:
0x684: {  	s8 =	sshra.s32 s5, $0x2  }
0x685: {  	v0 =	vld [tilespmem:s8+$0x9C20];
	_ =	sdelay $0x4  }
0x686: {  	v1 =	vand.u32 $0x3FFF, v0;
	_ =	sdelay $0x2  }
0x687: {  	v2 =	vshrl.u32 v0, $0xE;
	v0 =	vshra.s32 v0, $0xE  }
0x688: {  	v0 =	vand.u32 $0xFFFFFC00, v0;
	v2 =	vand.u32 $0x3FF, v2  }
0x689: {  	p1 =	sne.s32 s5, $0x40;
	v0 =	vor.u32 v2, v0;
	v1 =	vld.idx.msk [tilespmem:v1+s6+$0x0], $0xffff  }
.Ltmp44:
0x68a: {  	_ = 	snop;
	(pc) =	sbr.rel @p1 .LBB2_89-.Ltmp44, $2  }
0x68b: {  	_ =	sdelay $0x2  }
0x68c: {  	s5 =	sadd.s32 $0x40, s5;
	[tilespmem:v0+s7+$0x0] =	vst.idx.add.f32.msk $0xffff, v1  }
0x68d: {  	[bflag:$0x0] =	sbarrier.arrive @p0 $0xFFFF  }
0x68e: {  	s5 =	simm.s32 @p0 $0xA;
	s6 =	simm.s32 @p0 $0x16440;
	s7 =	simm.s32 @p0 $0xDC40  }
0x68f: {  	[spmem:s3] =	stream.indirect.scatter.add.f32 @p0 [tilespmem:s7], [sflag:$0x3], $0x400, s6, s5, $0xb8;
	[tilespmem:$0x16850] =	vst v63  }
0x690: {  	s5 =	simm.s32 @p0 $0x3  }
0x691: {  	_ =	swait.ge @p0 [sflag:s5], $0x2800  }
0x692: {  	[sflag:s5] =	ssyncset.done @p0 $0x0  }
0x693: {  	[sflag:s5] =	ssyncadd.s32 @p0 $0xFFFFD800;
	s5 =	simm.s32 @!p0 $0xDC40  }
0x694: {  	[spmem:s3] =	stream.linear.scatter @!p0 [tilespmem:s5], [sflag:$0x3], $0x2800, $0x38;
	[tilespmem:$0x16850] =	vst v63  }
0x695: {  	s5 =	simm.s32 @!p0 $0x3  }
0x696: {  	_ =	swait.ge @!p0 [sflag:s5], $0x2800  }
0x697: {  	[sflag:s5] =	ssyncset.done @!p0 $0x0  }
0x698: {  	s31 =	simm.s32 $0x0;
	[sflag:s5] =	ssyncadd.s32 @!p0 $0xFFFFD800  }
0x699: {  	v0 =	vimm.f32 $0.0e+00;
	s5 =	sand.u32 $0x3F80, s31;
	[bflag:$0x0] =	sbarrier.arrive @!p0 $0xFFFF  }
0x69a: {  	[tilespmem:s5+$0xDCB0] =	vst v0  }
0x69b: {  	[tilespmem:s5+$0xDC40] =	vst v0  }
0x69c: {  	[tilespmem:s5+$0xDC50] =	vst v0  }
0x69d: {  	[tilespmem:s5+$0xDC60] =	vst v0  }
0x69e: {  	[tilespmem:s5+$0xDC70] =	vst v0  }
0x69f: {  	[tilespmem:s5+$0xDC80] =	vst v0  }
0x6a0: {  	s6 =	simm.s32 $0x0;
	s7 =	simm.s32 $0x80;
	[tilespmem:s5+$0xDC90] =	vst v0  }
.LBB2_91:
0x6a1: {  	s6 =	sadd.s32 $0x8, s6;
	[tilespmem:s5+$0xDCA0] =	vst v0;
	s5 =	sand.u32 $0x3F80, s7  }
0x6a2: {  	[tilespmem:s5+$0xDCB0] =	vst v0;
	p1 =	slt.u32 s6, $0x278  }
0x6a3: {  	[tilespmem:s5+$0xDC40] =	vst v0  }
.Ltmp45:
0x6a4: {  	[tilespmem:s5+$0xDC50] =	vst v0;
	(pc) =	sbr.rel @p1 .LBB2_91-.Ltmp45, $4  }
0x6a5: {  	[tilespmem:s5+$0xDC60] =	vst v0  }
0x6a6: {  	[tilespmem:s5+$0xDC70] =	vst v0  }
0x6a7: {  	[tilespmem:s5+$0xDC80] =	vst v0  }
0x6a8: {  	s7 =	sadd.s32 $0x80, s7;
	[tilespmem:s5+$0xDC90] =	vst v0  }
0x6a9: {  	[tilespmem:s5+$0xDCA0] =	vst v0  }
0x6aa: {  	s30 =	simm.s32 $0x9C40;
	s31 =	simm.s32 $0x3;
	[bflag:$0x0] =	sbarrier.arrive $0xFFFF  }
0x6ab: {  	[tilespmem:s30], [sflag:$0x3] =	stream.linear.gather [spmem:s3], $0x2800, $0x38;
	[tilespmem:$0x16850] =	vst v63  }
0x6ac: {  	_ =	swait.ge [sflag:s31], $0x2800  }
0x6ad: {  	[sflag:s31] =	ssyncset.done $0x0  }
0x6ae: {  	s5 =	simm.s32 $0x9C60;
	[sflag:s31] =	ssyncadd.s32 $0xFFFFD800  }
0x6af: {  	s6 =	simm.s32 $0x11C60;
	v5 =	vld [tilespmem:s5+$0x10]  }
0x6b0: {  	v6 =	vld [tilespmem:s6+$0x10]  }
0x6b1: {  	v2 =	vld [tilespmem:s6+$0xFFFFFFE0]  }
0x6b2: {  	v0 =	vld [tilespmem:s5+$0xFFFFFFF0]  }
0x6b3: {  	v4 =	vld [tilespmem:s6+$0xFFFFFFF0]  }
0x6b4: {  	v1 =	vld [tilespmem:s5+$0x0]  }
0x6b5: {  	v3 =	vld [tilespmem:s6+$0x0];
	v6 =	vmul.f32 v6, v5  }
0x6b6: {  	s7 =	simm.s32 $0x0;
	s8 =	simm.s32 $0x9CA0;
	v5 =	vld [tilespmem:s5+$0xFFFFFFE0]  }
.LBB2_93:
0x6b7: {  	v7 =	vld [tilespmem:s8+$0x10];
	[tilespmem:s5+$0x10] =	vst v6;
	s6 =	sadd.s32 $0x40, s6  }
0x6b8: {  	s7 =	sadd.s32 $0x4, s7;
	v6 =	vld [tilespmem:s6+$0x10];
	v4 =	vmul.f32 v4, v0  }
0x6b9: {  	p1 =	slt.u32 s7, $0x27C;
	v8 =	vld [tilespmem:s6+$0xFFFFFFE0]  }
.Ltmp46:
0x6ba: {  	v0 =	vld [tilespmem:s8+$0xFFFFFFF0];
	[tilespmem:s5+$0xFFFFFFF0] =	vst v4;
	v3 =	vmul.f32 v3, v1;
	(pc) =	sbr.rel @p1 .LBB2_93-.Ltmp46, $4  }
0x6bb: {  	v4 =	vld [tilespmem:s6+$0xFFFFFFF0];
	v9 =	vmul.f32 v2, v5  }
0x6bc: {  	v1 =	vld [tilespmem:s8+$0x0];
	[tilespmem:s5+$0x0] =	vst v3  }
0x6bd: {  	v3 =	vld [tilespmem:s6+$0x0];
	v6 =	vmul.f32 v6, v7;
	[tilespmem:s5+$0xFFFFFFE0] =	vst v9;
	s5 =	smov.u32 s8  }
0x6be: {  	s8 =	sadd.s32 $0x40, s8;
	v5 =	vld [tilespmem:s5+$0xFFFFFFE0];
	v2 =	vmov v8  }
0x6bf: {  	_ =	sdelay $0x1  }
0x6c0: {  	v0 =	vmul.f32 v4, v0  }
0x6c1: {  	[tilespmem:s5+$0x10] =	vst v6;
	v1 =	vmul.f32 v3, v1  }
0x6c2: {  	[tilespmem:s5+$0xFFFFFFF0] =	vst v0;
	v0 =	vmul.f32 v2, v5  }
0x6c3: {  	[tilespmem:s5+$0x0] =	vst v1  }
0x6c4: {  	[tilespmem:s5+$0xFFFFFFE0] =	vst v0  }
0x6c5: {  	v0 =	vld [tilespmem:s4+$0x10]  }
0x6c6: {  	s5 =	simm.s32 $0x15C60;
	v5 =	vld [tilespmem:s4+$0xFFFFFFE0]  }
0x6c7: {  	v6 =	vld [tilespmem:s5+$0x10]  }
0x6c8: {  	v3 =	vld [tilespmem:s4+$0xFFFFFFF0]  }
0x6c9: {  	v2 =	vld [tilespmem:s4+$0x0]  }
0x6ca: {  	v1 =	vld [tilespmem:s5+$0xFFFFFFF0];
	v7 =	vmul.f32 $4.304672070e-06, v0  }
0x6cb: {  	v4 =	vld [tilespmem:s5+$0x0]  }
0x6cc: {  	s6 =	simm.s32 $0x0;
	s7 =	sadd.s32 $0x40, s4;
	s8 =	simm.s32 $0x15C60;
	v0 =	vmul.f32 $4.304672070e-06, v5;
	v5 =	vld [tilespmem:s5+$0xFFFFFFE0];
	v6 =	vadd.f32 v7, v6  }
.LBB2_95:
0x6cd: {  	v7 =	vld [tilespmem:s7+$0x10];
	s6 =	sadd.s32 $0x4, s6;
	v3 =	vmul.f32 $4.304672070e-06, v3  }
0x6ce: {  	s8 =	sadd.s32 $0x40, s8;
	v8 =	vld [tilespmem:s7+$0xFFFFFFE0];
	p1 =	slt.u32 s6, $0x3C;
	v2 =	vmul.f32 $4.304672070e-06, v2;
	[tilespmem:s5+$0x10] =	vst v6  }
0x6cf: {  	v6 =	vld [tilespmem:s8+$0x10];
	v1 =	vadd.f32 v3, v1  }
.Ltmp47:
0x6d0: {  	v3 =	vld [tilespmem:s7+$0xFFFFFFF0];
	v4 =	vadd.f32 v2, v4;
	(pc) =	sbr.rel @p1 .LBB2_95-.Ltmp47, $4  }
0x6d1: {  	v2 =	vld [tilespmem:s7+$0x0];
	v5 =	vadd.f32 v0, v5;
	[tilespmem:s5+$0xFFFFFFF0] =	vst v1  }
0x6d2: {  	v1 =	vld [tilespmem:s8+$0xFFFFFFF0];
	v7 =	vmul.f32 $4.304672070e-06, v7;
	[tilespmem:s5+$0x0] =	vst v4  }
0x6d3: {  	v0 =	vmul.f32 $4.304672070e-06, v8;
	v4 =	vld [tilespmem:s8+$0x0];
	[tilespmem:s5+$0xFFFFFFE0] =	vst v5;
	s5 =	smov.u32 s8  }
0x6d4: {  	s7 =	sadd.s32 $0x40, s7;
	v5 =	vld [tilespmem:s8+$0xFFFFFFE0];
	v6 =	vadd.f32 v7, v6  }
0x6d5: {  	v3 =	vmul.f32 $4.304672070e-06, v3  }
0x6d6: {  	v2 =	vmul.f32 $4.304672070e-06, v2  }
0x6d7: {  	v1 =	vadd.f32 v3, v1  }
0x6d8: {  	[tilespmem:s5+$0x10] =	vst v6;
	v2 =	vadd.f32 v2, v4  }
0x6d9: {  	v0 =	vadd.f32 v0, v5;
	[tilespmem:s5+$0xFFFFFFF0] =	vst v1  }
0x6da: {  	[tilespmem:s5+$0x0] =	vst v2  }
0x6db: {  	s6 =	simm.s32 $0x4F20;
	s7 =	simm.s32 $0x9C40;
	[tilespmem:s5+$0xFFFFFFE0] =	vst v0  }
0x6dc: {  	s8 =	simm.s32 $0xDC40;
	s5 =	simm.s32 $0xFFFFFFE0;
	[bflag:$0x0] =	sbarrier.arrive $0xFFFF  }
.LBB2_97:
0x6dd: {  	v0 =	vld [tilespmem:s6+$0xFFFFFF00]  }
0x6de: {  	v2 =	vld [tilespmem:s6+$0xFFFFFF10]  }
0x6df: {  	v3 =	vld [tilespmem:s6+$0xFFFFFF20]  }
0x6e0: {  	v5 =	vld [tilespmem:s6+$0xFFFFFF30]  }
0x6e1: {  	v6 =	vld [tilespmem:s6+$0xFFFFFF40]  }
0x6e2: {  	v42 =	vld [tilespmem:s6+$0xFFFFFF50]  }
0x6e3: {  	v12 =	vld [tilespmem:s6+$0xFFFFFF60]  }
0x6e4: {  	v50 =	vld [tilespmem:s6+$0xFFFFFF70]  }
0x6e5: {  	v14 =	vld [tilespmem:s6+$0xFFFFFF80]  }
0x6e6: {  	v52 =	vld [tilespmem:s6+$0xFFFFFF90]  }
0x6e7: {  	v53 =	vld [tilespmem:s6+$0xFFFFFFA0]  }
0x6e8: {  	v23 =	vld [tilespmem:s6+$0xFFFFFFD0]  }
0x6e9: {  	v20 =	vld [tilespmem:s6+$0xFFFFFFB0]  }
0x6ea: {  	v22 =	vld [tilespmem:s6+$0xFFFFFFC0];
	v1 =	vand.u32 $0x3FFF, v0;
	v4 =	vshrl.u32 v0, $0xE;
	v0 =	vshra.s32 v0, $0xE  }
0x6eb: {  	v30 =	vld [tilespmem:s6+$0xFFFFFFE0];
	v7 =	vand.u32 $0x3FFF, v2;
	v8 =	vand.u32 $0x3FFF, v3;
	v9 =	vand.u32 $0x3FFF, v5  }
0x6ec: {  	v32 =	vld [tilespmem:s6+$0xFFFFFFF0];
	v10 =	vand.u32 $0x3FFF, v6;
	v48 =	vshra.s32 v6, $0xE;
	v6 =	vshrl.u32 v6, $0xE  }
0x6ed: {  	v37 =	vld [tilespmem:s6+$0x0];
	v13 =	vshrl.u32 v42, $0xE;
	v19 =	vshrl.u32 v53, $0xE;
	v28 =	vand.u32 $0x3FFF, v23  }
0x6ee: {  	v39 =	vld [tilespmem:s6+$0x10];
	v33 =	vshrl.u32 v23, $0xE;
	v34 =	vshra.s32 v23, $0xE;
	v0 =	vand.u32 $0xFFFFFC00, v0  }
0x6ef: {  	v23 =	vld [tilespmem:s6+$0x90];
	v4 =	vand.u32 $0x3FF, v4;
	v49 =	vand.u32 $0xFFFFFC00, v48;
	v6 =	vand.u32 $0x3FF, v6  }
0x6f0: {  	v21 =	vand.u32 $0x3FF, v19;
	v19 =	vld [tilespmem:s6+$0x70];
	v0 =	vor.u32 v4, v0;
	v4 =	vshra.s32 v42, $0xE  }
0x6f1: {  	v51 =	vand.u32 $0x3FF, v13;
	v6 =	vor.u32 v6, v49;
	v49 =	vld [tilespmem:s6+$0x20];
	v4 =	vand.u32 $0xFFFFFC00, v4  }
0x6f2: {  	v4 =	vor.u32 v51, v4;
	v51 =	vld [tilespmem:s6+$0x30]  }
0x6f3: {  	v43 =	vand.u32 $0x3FFF, v42;
	v45 =	vshra.s32 v2, $0xE;
	v36 =	vand.u32 $0x3FFF, v30;
	v1 =	vld.idx.msk [tilespmem:v1+s7+$0x0], $0xffff  }
0x6f4: {  	v2 =	vshrl.u32 v2, $0xE;
	v11 =	vshrl.u32 v3, $0xE;
	v3 =	vshra.s32 v3, $0xE;
	v44 =	vld.idx.msk [tilespmem:v7+s7+$0x0], $0xffff  }
0x6f5: {  	v47 =	vshrl.u32 v5, $0xE;
	v5 =	vshra.s32 v5, $0xE;
	v2 =	vand.u32 $0x3FF, v2;
	v8 =	vld.idx.msk [tilespmem:v8+s7+$0x0], $0xffff  }
0x6f6: {  	v3 =	vand.u32 $0xFFFFFC00, v3;
	v46 =	vand.u32 $0x3FF, v11;
	v7 =	vand.u32 $0xFFFFFC00, v45;
	v9 =	vld.idx.msk [tilespmem:v9+s7+$0x0], $0xffff  }
0x6f7: {  	v5 =	vand.u32 $0xFFFFFC00, v5;
	v10 =	vld.idx.msk [tilespmem:v10+s7+$0x0], $0xffff;
	v2 =	vor.u32 v2, v7;
	v7 =	vand.u32 $0x3FF, v47  }
0x6f8: {  	v3 =	vor.u32 v46, v3;
	v42 =	vld.idx.msk [tilespmem:v36+s7+$0x0], $0xffff;
	v5 =	vor.u32 v7, v5;
	v7 =	vshra.s32 v53, $0xE  }
0x6f9: {  	v61 =	vand.u32 $0x3FFF, v53;
	v53 =	vld [tilespmem:s6+$0x40];
	v7 =	vand.u32 $0xFFFFFC00, v7  }
0x6fa: {  	v54 =	vand.u32 $0x3FFF, v12;
	v7 =	vor.u32 v21, v7;
	v21 =	vld [tilespmem:s6+$0x80]  }
0x6fb: {  	v56 =	vand.u32 $0x3FFF, v14;
	[tilespmem:v0+s8+$0x0] =	vst.idx.add.f32.msk $0xffff, v1  }
0x6fc: {  	v58 =	vand.u32 $0x3FFF, v52;
	v0 =	vld.idx.msk [tilespmem:v43+s7+$0x0], $0xffff  }
0x6fd: {  	[tilespmem:v3+s8+$0x0] =	vst.idx.add.f32.msk $0xffff, v8  }
0x6fe: {  	[tilespmem:v6+s8+$0x0] =	vst.idx.add.f32.msk $0xffff, v10  }
0x6ff: {  	v55 =	vand.u32 $0x3FFF, v50;
	v1 =	vld.idx.msk [tilespmem:v54+s7+$0x0], $0xffff  }
0x700: {  	v3 =	vld.idx.msk [tilespmem:v56+s7+$0x0], $0xffff  }
0x701: {  	v6 =	vld.idx.msk [tilespmem:v58+s7+$0x0], $0xffff  }
0x702: {  	v58 =	vld [tilespmem:s6+$0x50]  }
0x703: {  	[tilespmem:v2+s8+$0x0] =	vst.idx.add.f32.msk $0xffff, v44  }
0x704: {  	v57 =	vshra.s32 v12, $0xE;
	v38 =	vand.u32 $0x3FFF, v32;
	v2 =	vld.idx.msk [tilespmem:v55+s7+$0x0], $0xffff  }
0x705: {  	v59 =	vshrl.u32 v12, $0xE;
	v62 =	vshrl.u32 v50, $0xE;
	v63 =	vshra.s32 v50, $0xE;
	[tilespmem:v5+s8+$0x0] =	vst.idx.add.f32.msk $0xffff, v9  }
0x706: {  	v15 =	vshrl.u32 v14, $0xE;
	v12 =	vand.u32 $0xFFFFFC00, v63;
	v8 =	vand.u32 $0x3FF, v62;
	v5 =	vld.idx.msk [tilespmem:v61+s7+$0x0], $0xffff  }
0x707: {  	v16 =	vshra.s32 v14, $0xE;
	v17 =	vshra.s32 v52, $0xE;
	[tilespmem:v4+s8+$0x0] =	vst.idx.add.f32.msk $0xffff, v0;
	v4 =	vor.u32 v8, v12  }
0x708: {  	v60 =	vand.u32 $0xFFFFFC00, v57;
	v10 =	vand.u32 $0xFFFFFC00, v17;
	v17 =	vld [tilespmem:s6+$0x60];
	v0 =	vand.u32 $0x3FF, v59  }
0x709: {  	v44 =	vld.idx.msk [tilespmem:v38+s7+$0x0], $0xffff;
	v9 =	vand.u32 $0xFFFFFC00, v16;
	v8 =	vand.u32 $0x3FF, v15;
	v0 =	vor.u32 v0, v60  }
0x70a: {  	v38 =	vld [tilespmem:s6+$0xB0];
	v8 =	vor.u32 v8, v9  }
0x70b: {  	v24 =	vand.u32 $0x3FFF, v20;
	[tilespmem:v7+s8+$0x0] =	vst.idx.add.f32.msk $0xffff, v5  }
0x70c: {  	v18 =	vshrl.u32 v52, $0xE;
	v25 =	vand.u32 $0x3FFF, v22;
	[tilespmem:v4+s8+$0x0] =	vst.idx.add.f32.msk $0xffff, v2  }
0x70d: {  	v9 =	vand.u32 $0x3FF, v18;
	v4 =	vld.idx.msk [tilespmem:v28+s7+$0x0], $0xffff  }
0x70e: {  	v26 =	vshrl.u32 v20, $0xE;
	v9 =	vor.u32 v9, v10;
	[tilespmem:v0+s8+$0x0] =	vst.idx.add.f32.msk $0xffff, v1  }
0x70f: {  	v27 =	vshra.s32 v20, $0xE;
	v29 =	vshra.s32 v22, $0xE;
	v47 =	vand.u32 $0x3FFF, v39;
	[tilespmem:v8+s8+$0x0] =	vst.idx.add.f32.msk $0xffff, v3  }
0x710: {  	v31 =	vshrl.u32 v22, $0xE;
	v2 =	vand.u32 $0x3FF, v26;
	v3 =	vand.u32 $0xFFFFFC00, v27;
	v0 =	vld.idx.msk [tilespmem:v24+s7+$0x0], $0xffff  }
0x711: {  	v5 =	vand.u32 $0xFFFFFC00, v29;
	v1 =	vld.idx.msk [tilespmem:v25+s7+$0x0], $0xffff;
	v2 =	vor.u32 v2, v3;
	v3 =	vand.u32 $0x3FF, v31  }
0x712: {  	v35 =	vand.u32 $0xFFFFFC00, v34;
	v8 =	vand.u32 $0x3FF, v33;
	v25 =	vld [tilespmem:s6+$0xA0];
	v3 =	vor.u32 v3, v5  }
0x713: {  	v40 =	vshrl.u32 v30, $0xE;
	v41 =	vshra.s32 v30, $0xE;
	[tilespmem:v9+s8+$0x0] =	vst.idx.add.f32.msk $0xffff, v6;
	v5 =	vor.u32 v8, v35  }
0x714: {  	v50 =	vshrl.u32 v37, $0xE;
	v16 =	vshra.s32 v53, $0xE;
	v24 =	vand.u32 $0x3FFF, v17;
	v6 =	vld.idx.msk [tilespmem:v47+s7+$0x0], $0xffff  }
0x715: {  	v52 =	vshrl.u32 v39, $0xE;
	v56 =	vand.u32 $0x3FFF, v51;
	v8 =	vand.u32 $0xFFFFFC00, v16;
	v16 =	vld [tilespmem:s6+$0xF0]  }
0x716: {  	v46 =	vshra.s32 v32, $0xE;
	v45 =	vshrl.u32 v32, $0xE;
	v43 =	vand.u32 $0x3FFF, v37;
	[tilespmem:v2+s8+$0x0] =	vst.idx.add.f32.msk $0xffff, v0  }
0x717: {  	v57 =	vand.u32 $0x3FFF, v53;
	v0 =	vand.u32 $0x3FF, v40;
	[tilespmem:v3+s8+$0x0] =	vst.idx.add.f32.msk $0xffff, v1;
	v1 =	vand.u32 $0xFFFFFC00, v41  }
0x718: {  	[tilespmem:v5+s8+$0x0] =	vst.idx.add.f32.msk $0xffff, v4;
	v5 =	vand.u32 $0xFFFFFC00, v46;
	v4 =	vand.u32 $0x3FF, v45;
	v0 =	vor.u32 v0, v1  }
0x719: {  	v48 =	vshra.s32 v37, $0xE;
	v11 =	vshra.s32 v39, $0xE;
	v29 =	vld.idx.msk [tilespmem:v24+s7+$0x0], $0xffff;
	v4 =	vor.u32 v4, v5  }
0x71a: {  	v55 =	vand.u32 $0x3FFF, v49;
	v7 =	vand.u32 $0xFFFFFC00, v48;
	v2 =	vld.idx.msk [tilespmem:v56+s7+$0x0], $0xffff;
	v5 =	vand.u32 $0x3FF, v50  }
0x71b: {  	v54 =	vand.u32 $0xFFFFFC00, v11;
	v10 =	vand.u32 $0x3FF, v52;
	v1 =	vld.idx.msk [tilespmem:v43+s7+$0x0], $0xffff;
	v5 =	vor.u32 v5, v7  }
0x71c: {  	v3 =	vld.idx.msk [tilespmem:v57+s7+$0x0], $0xffff;
	v7 =	vor.u32 v10, v54  }
0x71d: {  	v34 =	vshra.s32 v19, $0xE;
	v39 =	vshra.s32 v23, $0xE;
	v63 =	vand.u32 $0x3FFF, v58;
	[tilespmem:v0+s8+$0x0] =	vst.idx.add.f32.msk $0xffff, v42  }
0x71e: {  	v62 =	vshra.s32 v51, $0xE;
	v61 =	vshrl.u32 v51, $0xE;
	v59 =	vshrl.u32 v49, $0xE;
	[tilespmem:v4+s8+$0x0] =	vst.idx.add.f32.msk $0xffff, v44  }
0x71f: {  	v20 =	vshrl.u32 v58, $0xE;
	v60 =	vshra.s32 v49, $0xE;
	v18 =	vshrl.u32 v53, $0xE;
	v0 =	vld.idx.msk [tilespmem:v55+s7+$0x0], $0xffff  }
0x720: {  	v4 =	vshra.s32 v58, $0xE;
	[tilespmem:v5+s8+$0x0] =	vst.idx.add.f32.msk $0xffff, v1;
	v5 =	vand.u32 $0xFFFFFC00, v60;
	v1 =	vand.u32 $0x3FF, v59  }
0x721: {  	v22 =	vand.u32 $0x3FF, v20;
	[tilespmem:v7+s8+$0x0] =	vst.idx.add.f32.msk $0xffff, v6;
	v4 =	vand.u32 $0xFFFFFC00, v4;
	v1 =	vor.u32 v1, v5  }
0x722: {  	v6 =	vand.u32 $0xFFFFFC00, v62;
	v7 =	vld.idx.msk [tilespmem:v63+s7+$0x0], $0xffff;
	v5 =	vand.u32 $0x3FF, v61;
	v4 =	vor.u32 v22, v4  }
0x723: {  	v26 =	vand.u32 $0x3FFF, v19;
	v41 =	vld [tilespmem:s6+$0xC0];
	v5 =	vor.u32 v5, v6;
	v6 =	vand.u32 $0x3FF, v18  }
0x724: {  	v36 =	vshrl.u32 v21, $0xE;
	v37 =	vshra.s32 v21, $0xE;
	v45 =	vld [tilespmem:s6+$0xE0];
	v6 =	vor.u32 v6, v8  }
0x725: {  	v30 =	vshra.s32 v17, $0xE;
	v15 =	vshra.s32 v38, $0xE;
	v27 =	vand.u32 $0x3FFF, v21;
	v43 =	vld [tilespmem:s6+$0xD0]  }
0x726: {  	v32 =	vshrl.u32 v17, $0xE;
	v48 =	vand.u32 $0xFFFFFC00, v15;
	v28 =	vand.u32 $0x3FFF, v23;
	[tilespmem:v1+s8+$0x0] =	vst.idx.add.f32.msk $0xffff, v0  }
0x727: {  	v33 =	vshrl.u32 v19, $0xE;
	v47 =	vand.u32 $0x3FFF, v38;
	v35 =	vand.u32 $0xFFFFFC00, v34;
	[tilespmem:v4+s8+$0x0] =	vst.idx.add.f32.msk $0xffff, v7  }
0x728: {  	v31 =	vand.u32 $0x3FFF, v25;
	v13 =	vshra.s32 v25, $0xE;
	v40 =	vshrl.u32 v23, $0xE;
	v0 =	vld.idx.msk [tilespmem:v26+s7+$0x0], $0xffff  }
0x729: {  	v46 =	vshrl.u32 v38, $0xE;
	v4 =	vand.u32 $0xFFFFFC00, v30;
	[tilespmem:v6+s8+$0x0] =	vst.idx.add.f32.msk $0xffff, v3;
	v6 =	vand.u32 $0x3FF, v32  }
0x72a: {  	v49 =	vand.u32 $0x3FF, v46;
	v1 =	vld.idx.msk [tilespmem:v27+s7+$0x0], $0xffff;
	v7 =	vand.u32 $0x3FF, v33;
	v4 =	vor.u32 v6, v4  }
0x72b: {  	v10 =	vand.u32 $0xFFFFFC00, v39;
	v54 =	vor.u32 v49, v48;
	[tilespmem:v5+s8+$0x0] =	vst.idx.add.f32.msk $0xffff, v2;
	v6 =	vor.u32 v7, v35  }
0x72c: {  	v50 =	vand.u32 $0x3FFF, v41;
	v42 =	vshrl.u32 v25, $0xE;
	v44 =	vand.u32 $0xFFFFFC00, v13;
	v2 =	vld.idx.msk [tilespmem:v28+s7+$0x0], $0xffff  }
0x72d: {  	v55 =	vand.u32 $0x3FFF, v45;
	v8 =	vand.u32 $0xFFFFFC00, v37;
	v5 =	vld.idx.msk [tilespmem:v31+s7+$0x0], $0xffff;
	v7 =	vand.u32 $0x3FF, v36  }
0x72e: {  	v12 =	vand.u32 $0x3FF, v42;
	v3 =	vld.idx.msk [tilespmem:v47+s7+$0x0], $0xffff;
	v7 =	vor.u32 v7, v8;
	v8 =	vand.u32 $0x3FF, v40  }
0x72f: {  	v8 =	vor.u32 v8, v10;
	v10 =	vor.u32 v12, v44;
	[tilespmem:v4+s8+$0x0] =	vst.idx.add.f32.msk $0xffff, v29  }
0x730: {  	v51 =	vshrl.u32 v41, $0xE;
	v11 =	vshra.s32 v41, $0xE;
	v53 =	vand.u32 $0x3FFF, v43;
	[tilespmem:v6+s8+$0x0] =	vst.idx.add.f32.msk $0xffff, v0  }
0x731: {  	v52 =	vand.u32 $0xFFFFFC00, v11;
	v56 =	vshrl.u32 v43, $0xE;
	v57 =	vshra.s32 v43, $0xE;
	v0 =	vld.idx.msk [tilespmem:v50+s7+$0x0], $0xffff  }
0x732: {  	v58 =	vand.u32 $0x3FFF, v16;
	v59 =	vshra.s32 v45, $0xE;
	v60 =	vshrl.u32 v45, $0xE;
	v4 =	vld.idx.msk [tilespmem:v55+s7+$0x0], $0xffff  }
0x733: {  	v62 =	vshra.s32 v16, $0xE;
	v9 =	vand.u32 $0xFFFFFC00, v59;
	v6 =	vand.u32 $0x3FF, v51;
	[tilespmem:v7+s8+$0x0] =	vst.idx.add.f32.msk $0xffff, v1  }
0x734: {  	v1 =	vor.u32 v6, v52;
	v6 =	vand.u32 $0xFFFFFC00, v57;
	[tilespmem:v10+s8+$0x0] =	vst.idx.add.f32.msk $0xffff, v5;
	v5 =	vand.u32 $0x3FF, v56  }
0x735: {  	v61 =	vshrl.u32 v16, $0xE;
	v7 =	vld.idx.msk [tilespmem:v53+s7+$0x0], $0xffff;
	v5 =	vor.u32 v5, v6;
	v6 =	vand.u32 $0x3FF, v60  }
0x736: {  	s5 =	sadd.s32 $0x20, s5;
	v63 =	vand.u32 $0xFFFFFC00, v62;
	[tilespmem:v8+s8+$0x0] =	vst.idx.add.f32.msk $0xffff, v2;
	v10 =	vand.u32 $0x3FF, v61;
	v6 =	vor.u32 v6, v9  }
0x737: {  	p1 =	slt.u32 s5, $0x4C0;
	v8 =	vld.idx.msk [tilespmem:v58+s7+$0x0], $0xffff;
	v9 =	vor.u32 v10, v63  }
.Ltmp48:
0x738: {  	[tilespmem:v54+s8+$0x0] =	vst.idx.add.f32.msk $0xffff, v3;
	(pc) =	sbr.rel @p1 .LBB2_97-.Ltmp48, $4  }
0x739: {  	[tilespmem:v1+s8+$0x0] =	vst.idx.add.f32.msk $0xffff, v0  }
0x73a: {  	[tilespmem:v5+s8+$0x0] =	vst.idx.add.f32.msk $0xffff, v7  }
0x73b: {  	[tilespmem:v6+s8+$0x0] =	vst.idx.add.f32.msk $0xffff, v4  }
0x73c: {  	s6 =	sadd.s32 $0x200, s6;
	[tilespmem:v9+s8+$0x0] =	vst.idx.add.f32.msk $0xffff, v8  }
0x73d: {  	s5 =	simm.s32 $0x0;
	s6 =	simm.s32 $0x9C40;
	s7 =	simm.s32 $0xDC40  }
.LBB2_99:
0x73e: {  	s8 =	sshra.s32 s5, $0x2  }
0x73f: {  	v0 =	vld [tilespmem:s8+$0x9C20];
	_ =	sdelay $0x4  }
0x740: {  	v1 =	vand.u32 $0x3FFF, v0;
	_ =	sdelay $0x2  }
0x741: {  	v2 =	vshrl.u32 v0, $0xE;
	v0 =	vshra.s32 v0, $0xE  }
0x742: {  	v0 =	vand.u32 $0xFFFFFC00, v0;
	v2 =	vand.u32 $0x3FF, v2  }
0x743: {  	p1 =	sne.s32 s5, $0x40;
	v0 =	vor.u32 v2, v0;
	v1 =	vld.idx.msk [tilespmem:v1+s6+$0x0], $0xffff  }
.Ltmp49:
0x744: {  	_ = 	snop;
	(pc) =	sbr.rel @p1 .LBB2_99-.Ltmp49, $2  }
0x745: {  	_ =	sdelay $0x2  }
0x746: {  	s5 =	sadd.s32 $0x40, s5;
	[tilespmem:v0+s7+$0x0] =	vst.idx.add.f32.msk $0xffff, v1  }
0x747: {  	[bflag:$0x0] =	sbarrier.arrive @p0 $0xFFFF  }
0x748: {  	s5 =	simm.s32 @p0 $0xA;
	s6 =	simm.s32 @p0 $0x16440;
	s7 =	simm.s32 @p0 $0xDC40  }
0x749: {  	[spmem:s3] =	stream.indirect.scatter.add.f32 @p0 [tilespmem:s7], [sflag:$0x3], $0x400, s6, s5, $0xb8;
	[tilespmem:$0x16850] =	vst v63  }
0x74a: {  	s5 =	simm.s32 @p0 $0x3  }
0x74b: {  	_ =	swait.ge @p0 [sflag:s5], $0x2800  }
0x74c: {  	[sflag:s5] =	ssyncset.done @p0 $0x0  }
0x74d: {  	[sflag:s5] =	ssyncadd.s32 @p0 $0xFFFFD800;
	s5 =	simm.s32 @!p0 $0xDC40  }
0x74e: {  	[spmem:s3] =	stream.linear.scatter @!p0 [tilespmem:s5], [sflag:$0x3], $0x2800, $0x38;
	[tilespmem:$0x16850] =	vst v63  }
0x74f: {  	s5 =	simm.s32 @!p0 $0x3  }
0x750: {  	_ =	swait.ge @!p0 [sflag:s5], $0x2800  }
0x751: {  	[sflag:s5] =	ssyncset.done @!p0 $0x0  }
0x752: {  	s31 =	simm.s32 $0x0;
	[sflag:s5] =	ssyncadd.s32 @!p0 $0xFFFFD800  }
0x753: {  	v0 =	vimm.f32 $0.0e+00;
	s5 =	sand.u32 $0x3F80, s31;
	[bflag:$0x0] =	sbarrier.arrive @!p0 $0xFFFF  }
0x754: {  	[tilespmem:s5+$0xDCB0] =	vst v0  }
0x755: {  	[tilespmem:s5+$0xDC40] =	vst v0  }
0x756: {  	[tilespmem:s5+$0xDC50] =	vst v0  }
0x757: {  	[tilespmem:s5+$0xDC60] =	vst v0  }
0x758: {  	[tilespmem:s5+$0xDC70] =	vst v0  }
0x759: {  	[tilespmem:s5+$0xDC80] =	vst v0  }
0x75a: {  	s6 =	simm.s32 $0x0;
	s7 =	simm.s32 $0x80;
	[tilespmem:s5+$0xDC90] =	vst v0  }
.LBB2_101:
0x75b: {  	s6 =	sadd.s32 $0x8, s6;
	[tilespmem:s5+$0xDCA0] =	vst v0;
	s5 =	sand.u32 $0x3F80, s7  }
0x75c: {  	[tilespmem:s5+$0xDCB0] =	vst v0;
	p1 =	slt.u32 s6, $0x278  }
0x75d: {  	[tilespmem:s5+$0xDC40] =	vst v0  }
.Ltmp50:
0x75e: {  	[tilespmem:s5+$0xDC50] =	vst v0;
	(pc) =	sbr.rel @p1 .LBB2_101-.Ltmp50, $4  }
0x75f: {  	[tilespmem:s5+$0xDC60] =	vst v0  }
0x760: {  	[tilespmem:s5+$0xDC70] =	vst v0  }
0x761: {  	[tilespmem:s5+$0xDC80] =	vst v0  }
0x762: {  	s7 =	sadd.s32 $0x80, s7;
	[tilespmem:s5+$0xDC90] =	vst v0  }
0x763: {  	[tilespmem:s5+$0xDCA0] =	vst v0  }
0x764: {  	s30 =	simm.s32 $0x9C40;
	s31 =	simm.s32 $0x3;
	[bflag:$0x0] =	sbarrier.arrive $0xFFFF  }
0x765: {  	[tilespmem:s30], [sflag:$0x3] =	stream.linear.gather [spmem:s3], $0x2800, $0x38;
	[tilespmem:$0x16850] =	vst v63  }
0x766: {  	_ =	swait.ge [sflag:s31], $0x2800  }
0x767: {  	[sflag:s31] =	ssyncset.done $0x0  }
0x768: {  	s5 =	simm.s32 $0x9C60;
	[sflag:s31] =	ssyncadd.s32 $0xFFFFD800  }
0x769: {  	s6 =	simm.s32 $0x11C60;
	v5 =	vld [tilespmem:s5+$0x10]  }
0x76a: {  	v6 =	vld [tilespmem:s6+$0x10]  }
0x76b: {  	v2 =	vld [tilespmem:s6+$0xFFFFFFE0]  }
0x76c: {  	v0 =	vld [tilespmem:s5+$0xFFFFFFF0]  }
0x76d: {  	v4 =	vld [tilespmem:s6+$0xFFFFFFF0]  }
0x76e: {  	v1 =	vld [tilespmem:s5+$0x0]  }
0x76f: {  	v3 =	vld [tilespmem:s6+$0x0];
	v6 =	vmul.f32 v6, v5  }
0x770: {  	s7 =	simm.s32 $0x0;
	s8 =	simm.s32 $0x9CA0;
	v5 =	vld [tilespmem:s5+$0xFFFFFFE0]  }
.LBB2_103:
0x771: {  	v7 =	vld [tilespmem:s8+$0x10];
	[tilespmem:s5+$0x10] =	vst v6;
	s6 =	sadd.s32 $0x40, s6  }
0x772: {  	s7 =	sadd.s32 $0x4, s7;
	v6 =	vld [tilespmem:s6+$0x10];
	v4 =	vmul.f32 v4, v0  }
0x773: {  	p1 =	slt.u32 s7, $0x27C;
	v8 =	vld [tilespmem:s6+$0xFFFFFFE0]  }
.Ltmp51:
0x774: {  	v0 =	vld [tilespmem:s8+$0xFFFFFFF0];
	[tilespmem:s5+$0xFFFFFFF0] =	vst v4;
	v3 =	vmul.f32 v3, v1;
	(pc) =	sbr.rel @p1 .LBB2_103-.Ltmp51, $4  }
0x775: {  	v4 =	vld [tilespmem:s6+$0xFFFFFFF0];
	v9 =	vmul.f32 v2, v5  }
0x776: {  	v1 =	vld [tilespmem:s8+$0x0];
	[tilespmem:s5+$0x0] =	vst v3  }
0x777: {  	v3 =	vld [tilespmem:s6+$0x0];
	v6 =	vmul.f32 v6, v7;
	[tilespmem:s5+$0xFFFFFFE0] =	vst v9;
	s5 =	smov.u32 s8  }
0x778: {  	s8 =	sadd.s32 $0x40, s8;
	v5 =	vld [tilespmem:s5+$0xFFFFFFE0];
	v2 =	vmov v8  }
0x779: {  	_ =	sdelay $0x1  }
0x77a: {  	v0 =	vmul.f32 v4, v0  }
0x77b: {  	[tilespmem:s5+$0x10] =	vst v6;
	v1 =	vmul.f32 v3, v1  }
0x77c: {  	[tilespmem:s5+$0xFFFFFFF0] =	vst v0;
	v0 =	vmul.f32 v2, v5  }
0x77d: {  	[tilespmem:s5+$0x0] =	vst v1  }
0x77e: {  	[tilespmem:s5+$0xFFFFFFE0] =	vst v0  }
0x77f: {  	v0 =	vld [tilespmem:s4+$0x10]  }
0x780: {  	s5 =	simm.s32 $0x15C60;
	v5 =	vld [tilespmem:s4+$0xFFFFFFE0]  }
0x781: {  	v6 =	vld [tilespmem:s5+$0x10]  }
0x782: {  	v3 =	vld [tilespmem:s4+$0xFFFFFFF0]  }
0x783: {  	v2 =	vld [tilespmem:s4+$0x0]  }
0x784: {  	v1 =	vld [tilespmem:s5+$0xFFFFFFF0];
	v7 =	vmul.f32 $3.874205050e-06, v0  }
0x785: {  	v4 =	vld [tilespmem:s5+$0x0]  }
0x786: {  	s6 =	simm.s32 $0x0;
	s7 =	simm.s32 $0x15C60;
	s4 =	sadd.s32 $0x40, s4;
	v0 =	vmul.f32 $3.874205050e-06, v5;
	v5 =	vld [tilespmem:s5+$0xFFFFFFE0];
	v6 =	vadd.f32 v7, v6  }
.LBB2_105:
0x787: {  	v7 =	vld [tilespmem:s4+$0x10];
	s6 =	sadd.s32 $0x4, s6;
	v3 =	vmul.f32 $3.874205050e-06, v3  }
0x788: {  	s7 =	sadd.s32 $0x40, s7;
	v8 =	vld [tilespmem:s4+$0xFFFFFFE0];
	p1 =	slt.u32 s6, $0x3C;
	v2 =	vmul.f32 $3.874205050e-06, v2;
	[tilespmem:s5+$0x10] =	vst v6  }
0x789: {  	v6 =	vld [tilespmem:s7+$0x10];
	v1 =	vadd.f32 v3, v1  }
.Ltmp52:
0x78a: {  	v3 =	vld [tilespmem:s4+$0xFFFFFFF0];
	v4 =	vadd.f32 v2, v4;
	(pc) =	sbr.rel @p1 .LBB2_105-.Ltmp52, $4  }
0x78b: {  	v2 =	vld [tilespmem:s4+$0x0];
	v5 =	vadd.f32 v0, v5;
	[tilespmem:s5+$0xFFFFFFF0] =	vst v1  }
0x78c: {  	v1 =	vld [tilespmem:s7+$0xFFFFFFF0];
	v7 =	vmul.f32 $3.874205050e-06, v7;
	[tilespmem:s5+$0x0] =	vst v4  }
0x78d: {  	v0 =	vmul.f32 $3.874205050e-06, v8;
	v4 =	vld [tilespmem:s7+$0x0];
	[tilespmem:s5+$0xFFFFFFE0] =	vst v5;
	s5 =	smov.u32 s7  }
0x78e: {  	s4 =	sadd.s32 $0x40, s4;
	v5 =	vld [tilespmem:s7+$0xFFFFFFE0];
	v6 =	vadd.f32 v7, v6  }
0x78f: {  	v3 =	vmul.f32 $3.874205050e-06, v3  }
0x790: {  	v2 =	vmul.f32 $3.874205050e-06, v2  }
0x791: {  	v1 =	vadd.f32 v3, v1  }
0x792: {  	[tilespmem:s5+$0x10] =	vst v6;
	v2 =	vadd.f32 v2, v4  }
0x793: {  	v0 =	vadd.f32 v0, v5;
	[tilespmem:s5+$0xFFFFFFF0] =	vst v1  }
0x794: {  	[tilespmem:s5+$0x0] =	vst v2  }
0x795: {  	s4 =	simm.s32 $0xFFFFFFE0;
	s6 =	simm.s32 $0x9C40;
	[tilespmem:s5+$0xFFFFFFE0] =	vst v0  }
0x796: {  	s7 =	simm.s32 $0xDC40;
	s5 =	simm.s32 $0x4F20;
	[bflag:$0x0] =	sbarrier.arrive $0xFFFF  }
.LBB2_107:
0x797: {  	v0 =	vld [tilespmem:s5+$0xFFFFFF00]  }
0x798: {  	v2 =	vld [tilespmem:s5+$0xFFFFFF10]  }
0x799: {  	v3 =	vld [tilespmem:s5+$0xFFFFFF20]  }
0x79a: {  	v5 =	vld [tilespmem:s5+$0xFFFFFF30]  }
0x79b: {  	v6 =	vld [tilespmem:s5+$0xFFFFFF40]  }
0x79c: {  	v42 =	vld [tilespmem:s5+$0xFFFFFF50]  }
0x79d: {  	v12 =	vld [tilespmem:s5+$0xFFFFFF60]  }
0x79e: {  	v50 =	vld [tilespmem:s5+$0xFFFFFF70]  }
0x79f: {  	v14 =	vld [tilespmem:s5+$0xFFFFFF80]  }
0x7a0: {  	v52 =	vld [tilespmem:s5+$0xFFFFFF90]  }
0x7a1: {  	v53 =	vld [tilespmem:s5+$0xFFFFFFA0]  }
0x7a2: {  	v23 =	vld [tilespmem:s5+$0xFFFFFFD0]  }
0x7a3: {  	v20 =	vld [tilespmem:s5+$0xFFFFFFB0]  }
0x7a4: {  	v22 =	vld [tilespmem:s5+$0xFFFFFFC0];
	v1 =	vand.u32 $0x3FFF, v0;
	v4 =	vshrl.u32 v0, $0xE;
	v0 =	vshra.s32 v0, $0xE  }
0x7a5: {  	v30 =	vld [tilespmem:s5+$0xFFFFFFE0];
	v7 =	vand.u32 $0x3FFF, v2;
	v8 =	vand.u32 $0x3FFF, v3;
	v9 =	vand.u32 $0x3FFF, v5  }
0x7a6: {  	v32 =	vld [tilespmem:s5+$0xFFFFFFF0];
	v10 =	vand.u32 $0x3FFF, v6;
	v48 =	vshra.s32 v6, $0xE;
	v6 =	vshrl.u32 v6, $0xE  }
0x7a7: {  	v37 =	vld [tilespmem:s5+$0x0];
	v13 =	vshrl.u32 v42, $0xE;
	v19 =	vshrl.u32 v53, $0xE;
	v28 =	vand.u32 $0x3FFF, v23  }
0x7a8: {  	v39 =	vld [tilespmem:s5+$0x10];
	v33 =	vshrl.u32 v23, $0xE;
	v34 =	vshra.s32 v23, $0xE;
	v0 =	vand.u32 $0xFFFFFC00, v0  }
0x7a9: {  	v23 =	vld [tilespmem:s5+$0x90];
	v4 =	vand.u32 $0x3FF, v4;
	v49 =	vand.u32 $0xFFFFFC00, v48;
	v6 =	vand.u32 $0x3FF, v6  }
0x7aa: {  	v21 =	vand.u32 $0x3FF, v19;
	v19 =	vld [tilespmem:s5+$0x70];
	v0 =	vor.u32 v4, v0;
	v4 =	vshra.s32 v42, $0xE  }
0x7ab: {  	v51 =	vand.u32 $0x3FF, v13;
	v6 =	vor.u32 v6, v49;
	v49 =	vld [tilespmem:s5+$0x20];
	v4 =	vand.u32 $0xFFFFFC00, v4  }
0x7ac: {  	v4 =	vor.u32 v51, v4;
	v51 =	vld [tilespmem:s5+$0x30]  }
0x7ad: {  	v43 =	vand.u32 $0x3FFF, v42;
	v45 =	vshra.s32 v2, $0xE;
	v36 =	vand.u32 $0x3FFF, v30;
	v1 =	vld.idx.msk [tilespmem:v1+s6+$0x0], $0xffff  }
0x7ae: {  	v2 =	vshrl.u32 v2, $0xE;
	v11 =	vshrl.u32 v3, $0xE;
	v3 =	vshra.s32 v3, $0xE;
	v44 =	vld.idx.msk [tilespmem:v7+s6+$0x0], $0xffff  }
0x7af: {  	v47 =	vshrl.u32 v5, $0xE;
	v5 =	vshra.s32 v5, $0xE;
	v2 =	vand.u32 $0x3FF, v2;
	v8 =	vld.idx.msk [tilespmem:v8+s6+$0x0], $0xffff  }
0x7b0: {  	v3 =	vand.u32 $0xFFFFFC00, v3;
	v46 =	vand.u32 $0x3FF, v11;
	v7 =	vand.u32 $0xFFFFFC00, v45;
	v9 =	vld.idx.msk [tilespmem:v9+s6+$0x0], $0xffff  }
0x7b1: {  	v5 =	vand.u32 $0xFFFFFC00, v5;
	v10 =	vld.idx.msk [tilespmem:v10+s6+$0x0], $0xffff;
	v2 =	vor.u32 v2, v7;
	v7 =	vand.u32 $0x3FF, v47  }
0x7b2: {  	v3 =	vor.u32 v46, v3;
	v42 =	vld.idx.msk [tilespmem:v36+s6+$0x0], $0xffff;
	v5 =	vor.u32 v7, v5;
	v7 =	vshra.s32 v53, $0xE  }
0x7b3: {  	v61 =	vand.u32 $0x3FFF, v53;
	v53 =	vld [tilespmem:s5+$0x40];
	v7 =	vand.u32 $0xFFFFFC00, v7  }
0x7b4: {  	v54 =	vand.u32 $0x3FFF, v12;
	v7 =	vor.u32 v21, v7;
	v21 =	vld [tilespmem:s5+$0x80]  }
0x7b5: {  	v56 =	vand.u32 $0x3FFF, v14;
	[tilespmem:v0+s7+$0x0] =	vst.idx.add.f32.msk $0xffff, v1  }
0x7b6: {  	v58 =	vand.u32 $0x3FFF, v52;
	v0 =	vld.idx.msk [tilespmem:v43+s6+$0x0], $0xffff  }
0x7b7: {  	[tilespmem:v3+s7+$0x0] =	vst.idx.add.f32.msk $0xffff, v8  }
0x7b8: {  	[tilespmem:v6+s7+$0x0] =	vst.idx.add.f32.msk $0xffff, v10  }
0x7b9: {  	v55 =	vand.u32 $0x3FFF, v50;
	v1 =	vld.idx.msk [tilespmem:v54+s6+$0x0], $0xffff  }
0x7ba: {  	v3 =	vld.idx.msk [tilespmem:v56+s6+$0x0], $0xffff  }
0x7bb: {  	v6 =	vld.idx.msk [tilespmem:v58+s6+$0x0], $0xffff  }
0x7bc: {  	v58 =	vld [tilespmem:s5+$0x50]  }
0x7bd: {  	[tilespmem:v2+s7+$0x0] =	vst.idx.add.f32.msk $0xffff, v44  }
0x7be: {  	v57 =	vshra.s32 v12, $0xE;
	v38 =	vand.u32 $0x3FFF, v32;
	v2 =	vld.idx.msk [tilespmem:v55+s6+$0x0], $0xffff  }
0x7bf: {  	v59 =	vshrl.u32 v12, $0xE;
	v62 =	vshrl.u32 v50, $0xE;
	v63 =	vshra.s32 v50, $0xE;
	[tilespmem:v5+s7+$0x0] =	vst.idx.add.f32.msk $0xffff, v9  }
0x7c0: {  	v15 =	vshrl.u32 v14, $0xE;
	v12 =	vand.u32 $0xFFFFFC00, v63;
	v8 =	vand.u32 $0x3FF, v62;
	v5 =	vld.idx.msk [tilespmem:v61+s6+$0x0], $0xffff  }
0x7c1: {  	v16 =	vshra.s32 v14, $0xE;
	v17 =	vshra.s32 v52, $0xE;
	[tilespmem:v4+s7+$0x0] =	vst.idx.add.f32.msk $0xffff, v0;
	v4 =	vor.u32 v8, v12  }
0x7c2: {  	v60 =	vand.u32 $0xFFFFFC00, v57;
	v10 =	vand.u32 $0xFFFFFC00, v17;
	v17 =	vld [tilespmem:s5+$0x60];
	v0 =	vand.u32 $0x3FF, v59  }
0x7c3: {  	v44 =	vld.idx.msk [tilespmem:v38+s6+$0x0], $0xffff;
	v9 =	vand.u32 $0xFFFFFC00, v16;
	v8 =	vand.u32 $0x3FF, v15;
	v0 =	vor.u32 v0, v60  }
0x7c4: {  	v38 =	vld [tilespmem:s5+$0xB0];
	v8 =	vor.u32 v8, v9  }
0x7c5: {  	v24 =	vand.u32 $0x3FFF, v20;
	[tilespmem:v7+s7+$0x0] =	vst.idx.add.f32.msk $0xffff, v5  }
0x7c6: {  	v18 =	vshrl.u32 v52, $0xE;
	v25 =	vand.u32 $0x3FFF, v22;
	[tilespmem:v4+s7+$0x0] =	vst.idx.add.f32.msk $0xffff, v2  }
0x7c7: {  	v9 =	vand.u32 $0x3FF, v18;
	v4 =	vld.idx.msk [tilespmem:v28+s6+$0x0], $0xffff  }
0x7c8: {  	v26 =	vshrl.u32 v20, $0xE;
	v9 =	vor.u32 v9, v10;
	[tilespmem:v0+s7+$0x0] =	vst.idx.add.f32.msk $0xffff, v1  }
0x7c9: {  	v27 =	vshra.s32 v20, $0xE;
	v29 =	vshra.s32 v22, $0xE;
	v47 =	vand.u32 $0x3FFF, v39;
	[tilespmem:v8+s7+$0x0] =	vst.idx.add.f32.msk $0xffff, v3  }
0x7ca: {  	v31 =	vshrl.u32 v22, $0xE;
	v2 =	vand.u32 $0x3FF, v26;
	v3 =	vand.u32 $0xFFFFFC00, v27;
	v0 =	vld.idx.msk [tilespmem:v24+s6+$0x0], $0xffff  }
0x7cb: {  	v5 =	vand.u32 $0xFFFFFC00, v29;
	v1 =	vld.idx.msk [tilespmem:v25+s6+$0x0], $0xffff;
	v2 =	vor.u32 v2, v3;
	v3 =	vand.u32 $0x3FF, v31  }
0x7cc: {  	v35 =	vand.u32 $0xFFFFFC00, v34;
	v8 =	vand.u32 $0x3FF, v33;
	v25 =	vld [tilespmem:s5+$0xA0];
	v3 =	vor.u32 v3, v5  }
0x7cd: {  	v40 =	vshrl.u32 v30, $0xE;
	v41 =	vshra.s32 v30, $0xE;
	[tilespmem:v9+s7+$0x0] =	vst.idx.add.f32.msk $0xffff, v6;
	v5 =	vor.u32 v8, v35  }
0x7ce: {  	v50 =	vshrl.u32 v37, $0xE;
	v16 =	vshra.s32 v53, $0xE;
	v24 =	vand.u32 $0x3FFF, v17;
	v6 =	vld.idx.msk [tilespmem:v47+s6+$0x0], $0xffff  }
0x7cf: {  	v52 =	vshrl.u32 v39, $0xE;
	v56 =	vand.u32 $0x3FFF, v51;
	v8 =	vand.u32 $0xFFFFFC00, v16;
	v16 =	vld [tilespmem:s5+$0xF0]  }
0x7d0: {  	v46 =	vshra.s32 v32, $0xE;
	v45 =	vshrl.u32 v32, $0xE;
	v43 =	vand.u32 $0x3FFF, v37;
	[tilespmem:v2+s7+$0x0] =	vst.idx.add.f32.msk $0xffff, v0  }
0x7d1: {  	v57 =	vand.u32 $0x3FFF, v53;
	v0 =	vand.u32 $0x3FF, v40;
	[tilespmem:v3+s7+$0x0] =	vst.idx.add.f32.msk $0xffff, v1;
	v1 =	vand.u32 $0xFFFFFC00, v41  }
0x7d2: {  	[tilespmem:v5+s7+$0x0] =	vst.idx.add.f32.msk $0xffff, v4;
	v5 =	vand.u32 $0xFFFFFC00, v46;
	v4 =	vand.u32 $0x3FF, v45;
	v0 =	vor.u32 v0, v1  }
0x7d3: {  	v48 =	vshra.s32 v37, $0xE;
	v11 =	vshra.s32 v39, $0xE;
	v29 =	vld.idx.msk [tilespmem:v24+s6+$0x0], $0xffff;
	v4 =	vor.u32 v4, v5  }
0x7d4: {  	v55 =	vand.u32 $0x3FFF, v49;
	v7 =	vand.u32 $0xFFFFFC00, v48;
	v2 =	vld.idx.msk [tilespmem:v56+s6+$0x0], $0xffff;
	v5 =	vand.u32 $0x3FF, v50  }
0x7d5: {  	v54 =	vand.u32 $0xFFFFFC00, v11;
	v10 =	vand.u32 $0x3FF, v52;
	v1 =	vld.idx.msk [tilespmem:v43+s6+$0x0], $0xffff;
	v5 =	vor.u32 v5, v7  }
0x7d6: {  	v3 =	vld.idx.msk [tilespmem:v57+s6+$0x0], $0xffff;
	v7 =	vor.u32 v10, v54  }
0x7d7: {  	v34 =	vshra.s32 v19, $0xE;
	v39 =	vshra.s32 v23, $0xE;
	v63 =	vand.u32 $0x3FFF, v58;
	[tilespmem:v0+s7+$0x0] =	vst.idx.add.f32.msk $0xffff, v42  }
0x7d8: {  	v62 =	vshra.s32 v51, $0xE;
	v61 =	vshrl.u32 v51, $0xE;
	v59 =	vshrl.u32 v49, $0xE;
	[tilespmem:v4+s7+$0x0] =	vst.idx.add.f32.msk $0xffff, v44  }
0x7d9: {  	v20 =	vshrl.u32 v58, $0xE;
	v60 =	vshra.s32 v49, $0xE;
	v18 =	vshrl.u32 v53, $0xE;
	v0 =	vld.idx.msk [tilespmem:v55+s6+$0x0], $0xffff  }
0x7da: {  	v4 =	vshra.s32 v58, $0xE;
	[tilespmem:v5+s7+$0x0] =	vst.idx.add.f32.msk $0xffff, v1;
	v5 =	vand.u32 $0xFFFFFC00, v60;
	v1 =	vand.u32 $0x3FF, v59  }
0x7db: {  	v22 =	vand.u32 $0x3FF, v20;
	[tilespmem:v7+s7+$0x0] =	vst.idx.add.f32.msk $0xffff, v6;
	v4 =	vand.u32 $0xFFFFFC00, v4;
	v1 =	vor.u32 v1, v5  }
0x7dc: {  	v6 =	vand.u32 $0xFFFFFC00, v62;
	v7 =	vld.idx.msk [tilespmem:v63+s6+$0x0], $0xffff;
	v5 =	vand.u32 $0x3FF, v61;
	v4 =	vor.u32 v22, v4  }
0x7dd: {  	v26 =	vand.u32 $0x3FFF, v19;
	v41 =	vld [tilespmem:s5+$0xC0];
	v5 =	vor.u32 v5, v6;
	v6 =	vand.u32 $0x3FF, v18  }
0x7de: {  	v36 =	vshrl.u32 v21, $0xE;
	v37 =	vshra.s32 v21, $0xE;
	v45 =	vld [tilespmem:s5+$0xE0];
	v6 =	vor.u32 v6, v8  }
0x7df: {  	v30 =	vshra.s32 v17, $0xE;
	v15 =	vshra.s32 v38, $0xE;
	v27 =	vand.u32 $0x3FFF, v21;
	v43 =	vld [tilespmem:s5+$0xD0]  }
0x7e0: {  	v32 =	vshrl.u32 v17, $0xE;
	v48 =	vand.u32 $0xFFFFFC00, v15;
	v28 =	vand.u32 $0x3FFF, v23;
	[tilespmem:v1+s7+$0x0] =	vst.idx.add.f32.msk $0xffff, v0  }
0x7e1: {  	v33 =	vshrl.u32 v19, $0xE;
	v47 =	vand.u32 $0x3FFF, v38;
	v35 =	vand.u32 $0xFFFFFC00, v34;
	[tilespmem:v4+s7+$0x0] =	vst.idx.add.f32.msk $0xffff, v7  }
0x7e2: {  	v31 =	vand.u32 $0x3FFF, v25;
	v13 =	vshra.s32 v25, $0xE;
	v40 =	vshrl.u32 v23, $0xE;
	v0 =	vld.idx.msk [tilespmem:v26+s6+$0x0], $0xffff  }
0x7e3: {  	v46 =	vshrl.u32 v38, $0xE;
	v4 =	vand.u32 $0xFFFFFC00, v30;
	[tilespmem:v6+s7+$0x0] =	vst.idx.add.f32.msk $0xffff, v3;
	v6 =	vand.u32 $0x3FF, v32  }
0x7e4: {  	v49 =	vand.u32 $0x3FF, v46;
	v1 =	vld.idx.msk [tilespmem:v27+s6+$0x0], $0xffff;
	v7 =	vand.u32 $0x3FF, v33;
	v4 =	vor.u32 v6, v4  }
0x7e5: {  	v10 =	vand.u32 $0xFFFFFC00, v39;
	v54 =	vor.u32 v49, v48;
	[tilespmem:v5+s7+$0x0] =	vst.idx.add.f32.msk $0xffff, v2;
	v6 =	vor.u32 v7, v35  }
0x7e6: {  	v50 =	vand.u32 $0x3FFF, v41;
	v42 =	vshrl.u32 v25, $0xE;
	v44 =	vand.u32 $0xFFFFFC00, v13;
	v2 =	vld.idx.msk [tilespmem:v28+s6+$0x0], $0xffff  }
0x7e7: {  	v55 =	vand.u32 $0x3FFF, v45;
	v8 =	vand.u32 $0xFFFFFC00, v37;
	v5 =	vld.idx.msk [tilespmem:v31+s6+$0x0], $0xffff;
	v7 =	vand.u32 $0x3FF, v36  }
0x7e8: {  	v12 =	vand.u32 $0x3FF, v42;
	v3 =	vld.idx.msk [tilespmem:v47+s6+$0x0], $0xffff;
	v7 =	vor.u32 v7, v8;
	v8 =	vand.u32 $0x3FF, v40  }
0x7e9: {  	v8 =	vor.u32 v8, v10;
	v10 =	vor.u32 v12, v44;
	[tilespmem:v4+s7+$0x0] =	vst.idx.add.f32.msk $0xffff, v29  }
0x7ea: {  	v51 =	vshrl.u32 v41, $0xE;
	v11 =	vshra.s32 v41, $0xE;
	v53 =	vand.u32 $0x3FFF, v43;
	[tilespmem:v6+s7+$0x0] =	vst.idx.add.f32.msk $0xffff, v0  }
0x7eb: {  	v52 =	vand.u32 $0xFFFFFC00, v11;
	v56 =	vshrl.u32 v43, $0xE;
	v57 =	vshra.s32 v43, $0xE;
	v0 =	vld.idx.msk [tilespmem:v50+s6+$0x0], $0xffff  }
0x7ec: {  	v58 =	vand.u32 $0x3FFF, v16;
	v59 =	vshra.s32 v45, $0xE;
	v60 =	vshrl.u32 v45, $0xE;
	v4 =	vld.idx.msk [tilespmem:v55+s6+$0x0], $0xffff  }
0x7ed: {  	v62 =	vshra.s32 v16, $0xE;
	v9 =	vand.u32 $0xFFFFFC00, v59;
	v6 =	vand.u32 $0x3FF, v51;
	[tilespmem:v7+s7+$0x0] =	vst.idx.add.f32.msk $0xffff, v1  }
0x7ee: {  	v1 =	vor.u32 v6, v52;
	v6 =	vand.u32 $0xFFFFFC00, v57;
	[tilespmem:v10+s7+$0x0] =	vst.idx.add.f32.msk $0xffff, v5;
	v5 =	vand.u32 $0x3FF, v56  }
0x7ef: {  	v61 =	vshrl.u32 v16, $0xE;
	v7 =	vld.idx.msk [tilespmem:v53+s6+$0x0], $0xffff;
	v5 =	vor.u32 v5, v6;
	v6 =	vand.u32 $0x3FF, v60  }
0x7f0: {  	s4 =	sadd.s32 $0x20, s4;
	v63 =	vand.u32 $0xFFFFFC00, v62;
	[tilespmem:v8+s7+$0x0] =	vst.idx.add.f32.msk $0xffff, v2;
	v10 =	vand.u32 $0x3FF, v61;
	v6 =	vor.u32 v6, v9  }
0x7f1: {  	p1 =	slt.u32 s4, $0x4C0;
	v8 =	vld.idx.msk [tilespmem:v58+s6+$0x0], $0xffff;
	v9 =	vor.u32 v10, v63  }
.Ltmp53:
0x7f2: {  	[tilespmem:v54+s7+$0x0] =	vst.idx.add.f32.msk $0xffff, v3;
	(pc) =	sbr.rel @p1 .LBB2_107-.Ltmp53, $4  }
0x7f3: {  	[tilespmem:v1+s7+$0x0] =	vst.idx.add.f32.msk $0xffff, v0  }
0x7f4: {  	[tilespmem:v5+s7+$0x0] =	vst.idx.add.f32.msk $0xffff, v7  }
0x7f5: {  	[tilespmem:v6+s7+$0x0] =	vst.idx.add.f32.msk $0xffff, v4  }
0x7f6: {  	s5 =	sadd.s32 $0x200, s5;
	[tilespmem:v9+s7+$0x0] =	vst.idx.add.f32.msk $0xffff, v8  }
0x7f7: {  	s4 =	simm.s32 $0x0;
	s5 =	simm.s32 $0x9C40;
	s6 =	simm.s32 $0xDC40  }
.LBB2_109:
0x7f8: {  	s7 =	sshra.s32 s4, $0x2  }
0x7f9: {  	v0 =	vld [tilespmem:s7+$0x9C20];
	_ =	sdelay $0x4  }
0x7fa: {  	v1 =	vand.u32 $0x3FFF, v0;
	_ =	sdelay $0x2  }
0x7fb: {  	v2 =	vshrl.u32 v0, $0xE;
	v0 =	vshra.s32 v0, $0xE  }
0x7fc: {  	v0 =	vand.u32 $0xFFFFFC00, v0;
	v2 =	vand.u32 $0x3FF, v2  }
0x7fd: {  	p1 =	sne.s32 s4, $0x40;
	v0 =	vor.u32 v2, v0;
	v1 =	vld.idx.msk [tilespmem:v1+s5+$0x0], $0xffff  }
.Ltmp54:
0x7fe: {  	_ = 	snop;
	(pc) =	sbr.rel @p1 .LBB2_109-.Ltmp54, $2  }
0x7ff: {  	_ =	sdelay $0x2  }
0x800: {  	s4 =	sadd.s32 $0x40, s4;
	[tilespmem:v0+s6+$0x0] =	vst.idx.add.f32.msk $0xffff, v1  }
0x801: {  	[bflag:$0x0] =	sbarrier.arrive @p0 $0xFFFF  }
0x802: {  	s4 =	simm.s32 @p0 $0xA;
	s5 =	simm.s32 @p0 $0x16440;
	s6 =	simm.s32 @p0 $0xDC40  }
0x803: {  	[spmem:s3] =	stream.indirect.scatter.add.f32 @p0 [tilespmem:s6], [sflag:$0x3], $0x400, s5, s4, $0xb8;
	[tilespmem:$0x16850] =	vst v63  }
0x804: {  	s4 =	simm.s32 @p0 $0x3  }
0x805: {  	_ =	swait.ge @p0 [sflag:s4], $0x2800  }
0x806: {  	[sflag:s4] =	ssyncset.done @p0 $0x0  }
0x807: {  	[sflag:s4] =	ssyncadd.s32 @p0 $0xFFFFD800;
	s4 =	simm.s32 @!p0 $0xDC40  }
0x808: {  	[spmem:s3] =	stream.linear.scatter @!p0 [tilespmem:s4], [sflag:$0x3], $0x2800, $0x38;
	[tilespmem:$0x16850] =	vst v63  }
0x809: {  	s4 =	simm.s32 @!p0 $0x3  }
0x80a: {  	_ =	swait.ge @!p0 [sflag:s4], $0x2800  }
0x80b: {  	[sflag:s4] =	ssyncset.done @!p0 $0x0  }
0x80c: {  	s31 =	simm.s32 $0x0;
	[sflag:s4] =	ssyncadd.s32 @!p0 $0xFFFFD800  }
0x80d: {  	v0 =	vimm.f32 $0.0e+00;
	s4 =	sand.u32 $0x3F80, s31;
	[bflag:$0x0] =	sbarrier.arrive @!p0 $0xFFFF  }
0x80e: {  	[tilespmem:s4+$0xDCB0] =	vst v0  }
0x80f: {  	[tilespmem:s4+$0xDC40] =	vst v0  }
0x810: {  	[tilespmem:s4+$0xDC50] =	vst v0  }
0x811: {  	[tilespmem:s4+$0xDC60] =	vst v0  }
0x812: {  	[tilespmem:s4+$0xDC70] =	vst v0  }
0x813: {  	[tilespmem:s4+$0xDC80] =	vst v0  }
0x814: {  	s5 =	simm.s32 $0x0;
	s6 =	simm.s32 $0x80;
	[tilespmem:s4+$0xDC90] =	vst v0  }
.LBB2_111:
0x815: {  	s5 =	sadd.s32 $0x8, s5;
	[tilespmem:s4+$0xDCA0] =	vst v0;
	s4 =	sand.u32 $0x3F80, s6  }
0x816: {  	[tilespmem:s4+$0xDCB0] =	vst v0;
	p1 =	slt.u32 s5, $0x278  }
0x817: {  	[tilespmem:s4+$0xDC40] =	vst v0  }
.Ltmp55:
0x818: {  	[tilespmem:s4+$0xDC50] =	vst v0;
	(pc) =	sbr.rel @p1 .LBB2_111-.Ltmp55, $4  }
0x819: {  	[tilespmem:s4+$0xDC60] =	vst v0  }
0x81a: {  	[tilespmem:s4+$0xDC70] =	vst v0  }
0x81b: {  	[tilespmem:s4+$0xDC80] =	vst v0  }
0x81c: {  	s6 =	sadd.s32 $0x80, s6;
	[tilespmem:s4+$0xDC90] =	vst v0  }
0x81d: {  	[tilespmem:s4+$0xDCA0] =	vst v0  }
0x81e: {  	s29 =	simm.s32 $0x9C40;
	s30 =	simm.s32 $0x3;
	[bflag:$0x0] =	sbarrier.arrive $0xFFFF  }
0x81f: {  	[tilespmem:s29], [sflag:$0x3] =	stream.linear.gather [spmem:s3], $0x2800, $0x38;
	[tilespmem:$0x16850] =	vst v63  }
0x820: {  	_ =	swait.ge [sflag:s30], $0x2800  }
0x821: {  	s2 =	sshll.u32 s2, $0xA;
	[sflag:s30] =	ssyncset.done $0x0  }
0x822: {  	s31 =	sadd.s32 $0x9C60, s2;
	[sflag:s30] =	ssyncadd.s32 $0xFFFFD800  }
0x823: {  	s3 =	sadd.s32 $0x11C60, s2;
	v0 =	vld [tilespmem:s31+$0x10]  }
0x824: {  	v1 =	vld [tilespmem:s3+$0x10]  }
0x825: {  	v2 =	vld [tilespmem:s31+$0xFFFFFFE0]  }
0x826: {  	v3 =	vld [tilespmem:s3+$0xFFFFFFE0]  }
0x827: {  	s2 =	simm.s32 $0x15C60;
	v7 =	vld [tilespmem:s31+$0xFFFFFFF0]  }
0x828: {  	v5 =	vld [tilespmem:s2+$0x10]  }
0x829: {  	v8 =	vld [tilespmem:s3+$0xFFFFFFF0];
	v0 =	vmul.f32 v1, v0  }
0x82a: {  	v4 =	vld [tilespmem:s3+$0x0]  }
0x82b: {  	v1 =	vld [tilespmem:s31+$0x0];
	v6 =	vmul.f32 $3.486784410e-05, v0  }
0x82c: {  	v2 =	vmul.f32 v3, v2;
	v3 =	vld [tilespmem:s2+$0xFFFFFFF0]  }
0x82d: {  	v0 =	vld [tilespmem:s2+$0x0];
	v6 =	vadd.f32 v6, v5  }
0x82e: {  	s5 =	simm.s32 $0x0;
	s4 =	simm.s32 $0x15C60;
	s6 =	sadd.s32 $0x40, s31;
	v7 =	vmul.f32 v8, v7;
	v2 =	vmul.f32 $3.486784410e-05, v2;
	v5 =	vld [tilespmem:s2+$0xFFFFFFE0]  }
.LBB2_113:
0x82f: {  	v8 =	vld [tilespmem:s6+$0x10];
	[tilespmem:s2+$0x10] =	vst v6;
	s3 =	sadd.s32 $0x40, s3  }
0x830: {  	s5 =	sadd.s32 $0x4, s5;
	v6 =	vld [tilespmem:s3+$0x10];
	v7 =	vmul.f32 $3.486784410e-05, v7;
	v1 =	vmul.f32 v4, v1  }
0x831: {  	p1 =	slt.u32 s5, $0x3C;
	v4 =	vld [tilespmem:s6+$0xFFFFFFE0]  }
0x832: {  	v9 =	vld [tilespmem:s3+$0xFFFFFFE0];
	v3 =	vadd.f32 v7, v3;
	v1 =	vmul.f32 $3.486784410e-05, v1  }
0x833: {  	s2 =	sadd.s32 $0x40, s2;
	v7 =	vld [tilespmem:s6+$0xFFFFFFF0];
	v2 =	vadd.f32 v2, v5  }
0x834: {  	v5 =	vld [tilespmem:s2+$0x10];
	[tilespmem:s4+$0xFFFFFFF0] =	vst v3;
	v0 =	vadd.f32 v1, v0  }
0x835: {  	v10 =	vld [tilespmem:s3+$0xFFFFFFF0];
	v3 =	vmul.f32 v6, v8;
	[tilespmem:s4+$0xFFFFFFE0] =	vst v2  }
.Ltmp56:
0x836: {  	v1 =	vld [tilespmem:s6+$0x0];
	[tilespmem:s4+$0x0] =	vst v0;
	s4 =	smov.u32 s2;
	(pc) =	sbr.rel @p1 .LBB2_113-.Ltmp56, $4  }
0x837: {  	v0 =	vmul.f32 v9, v4;
	v4 =	vld [tilespmem:s3+$0x0];
	v6 =	vmul.f32 $3.486784410e-05, v3  }
0x838: {  	v3 =	vld [tilespmem:s2+$0xFFFFFFF0]  }
0x839: {  	v2 =	vmul.f32 $3.486784410e-05, v0;
	v0 =	vld [tilespmem:s2+$0x0];
	v6 =	vadd.f32 v6, v5  }
0x83a: {  	s6 =	sadd.s32 $0x40, s6;
	v5 =	vld [tilespmem:s2+$0xFFFFFFE0];
	v7 =	vmul.f32 v10, v7  }
0x83b: {  	_ = 	snop  }
0x83c: {  	v7 =	vmul.f32 $3.486784410e-05, v7;
	v1 =	vmul.f32 v4, v1;
	_ =	sdelay $0x1  }
0x83d: {  	v3 =	vadd.f32 v7, v3;
	v1 =	vmul.f32 $3.486784410e-05, v1  }
0x83e: {  	[tilespmem:s2+$0x10] =	vst v6;
	v2 =	vadd.f32 v2, v5  }
0x83f: {  	[tilespmem:s4+$0xFFFFFFF0] =	vst v3;
	v0 =	vadd.f32 v1, v0  }
0x840: {  	[tilespmem:s4+$0xFFFFFFE0] =	vst v2  }
0x841: {  	[tilespmem:s4+$0x0] =	vst v0  }
0x842: {  	s31 =	simm.s32 $0x16060;
	[bflag:$0x0] =	sbarrier.arrive $0xFFFF  }
0x843: {  	v0 =	vld [tilespmem:s31+$0x10]  }
0x844: {  	v1 =	vld [tilespmem:s31+$0xFFFFFFE0];
	_ =	sdelay $0x3  }
0x845: {  	(erf) = vrcp.f32 v0;
	v0 =	vld [tilespmem:s31+$0xFFFFFFF0]  }
0x846: {  	(erf) = vrcp.f32 v1;
	v1 =	vld [tilespmem:s31+$0x0];
	_ =	sdelay $0x2  }
0x847: {  	s3 =	simm.s32 $0x160A0  }
0x848: {  	v2 =	vld [tilespmem:s3+$0x10];
	(erf) = vrcp.f32 v0  }
0x849: {  	s2 =	simm.s32 $0x15C60;
	v5 =	vld [tilespmem:s3+$0xFFFFFFE0];
	(erf) = vrcp.f32 v1  }
0x84a: {  	v6 =	vld [tilespmem:s2+$0x10]  }
0x84b: {  	v3 =	vld [tilespmem:s3+$0xFFFFFFF0]  }
0x84c: {  	v4 =	vld [tilespmem:s3+$0x0]  }
0x84d: {  	v1 =	vld [tilespmem:s2+$0xFFFFFFF0];
	(erf) = vrcp.f32 v2  }
0x84e: {  	v0 =	vld [tilespmem:s2+$0x0];
	v7 =	vpop (erf);
	(erf) = vrcp.f32 v5  }
0x84f: {  	s5 =	simm.s32 $0x15C60;
	s4 =	simm.s32 $0x160E0;
	s3 =	simm.s32 $0x4;
	v2 =	vld [tilespmem:s2+$0xFFFFFFE0];
	v6 =	vmul.f32 v7, v6;
	v5 =	vpop (erf)  }
.LBB2_115:
0x850: {  	v7 =	vld [tilespmem:s4+$0x10];
	s3 =	sadd.s32 $0x4, s3;
	(erf) = vrcp.f32 v3  }
0x851: {  	s5 =	sadd.s32 $0x40, s5;
	v8 =	vld [tilespmem:s4+$0xFFFFFFE0];
	p1 =	slt.u32 s3, $0x3C;
	(erf) = vrcp.f32 v4;
	[tilespmem:s2+$0x10] =	vst v6;
	v3 =	vpop (erf)  }
0x852: {  	v6 =	vld [tilespmem:s5+$0x10];
	v1 =	vmul.f32 v3, v1;
	v4 =	vpop (erf)  }
.Ltmp57:
0x853: {  	v3 =	vld [tilespmem:s4+$0xFFFFFFF0];
	v0 =	vmul.f32 v4, v0;
	(pc) =	sbr.rel @p1 .LBB2_115-.Ltmp57, $4  }
0x854: {  	v4 =	vld [tilespmem:s4+$0x0];
	v2 =	vmul.f32 v5, v2;
	[tilespmem:s2+$0xFFFFFFF0] =	vst v1  }
0x855: {  	(erf) = vrcp.f32 v7;
	v1 =	vld [tilespmem:s5+$0xFFFFFFF0];
	[tilespmem:s2+$0x0] =	vst v0  }
0x856: {  	(erf) = vrcp.f32 v8;
	v0 =	vld [tilespmem:s5+$0x0];
	v5 =	vpop (erf);
	[tilespmem:s2+$0xFFFFFFE0] =	vst v2;
	s2 =	smov.u32 s5  }
0x857: {  	s4 =	sadd.s32 $0x40, s4;
	v2 =	vld [tilespmem:s5+$0xFFFFFFE0];
	v6 =	vmul.f32 v5, v6;
	v5 =	vpop (erf)  }
0x858: {  	(erf) = vrcp.f32 v3  }
0x859: {  	(erf) = vrcp.f32 v4  }
0x85a: {  	s3 =	sadd.s32 $0x40, s5  }
0x85b: {  	v53 =	vld [tilespmem:s3+$0x10]  }
0x85c: {  	v54 =	vpop (erf);
	v57 =	vld [tilespmem:s3+$0xFFFFFFE0]  }
0x85d: {  	v7 =	vld [tilespmem:s3+$0xFFFFFFF0];
	v1 =	vmul.f32 v54, v1;
	v55 =	vpop (erf)  }
0x85e: {  	v8 =	vld [tilespmem:s3+$0x0];
	[tilespmem:s2+$0x10] =	vst v6;
	v0 =	vmul.f32 v55, v0  }
0x85f: {  	v2 =	vmul.f32 v5, v2;
	[tilespmem:s2+$0xFFFFFFF0] =	vst v1;
	v56 =	vpop (erf)  }
0x860: {  	[tilespmem:s2+$0x0] =	vst v0;
	v58 =	vpop (erf);
	v59 =	vmul.f32 v56, v53  }
0x861: {  	[tilespmem:s2+$0xFFFFFFE0] =	vst v2;
	v1 =	vmul.f32 v58, v57;
	v60 =	vpop (erf)  }
0x862: {  	[tilespmem:s3+$0x10] =	vst v59;
	v61 =	vmul.f32 v60, v7;
	v62 =	vpop (erf)  }
0x863: {  	[tilespmem:s3+$0xFFFFFFE0] =	vst v1;
	v63 =	vmul.f32 v62, v8  }
0x864: {  	[tilespmem:s3+$0xFFFFFFF0] =	vst v61  }
0x865: {  	s29 =	simm.s32 $0x0;
	s30 =	simm.s32 $0x15C40;
	s31 =	simm.s32 $0x3;
	[tilespmem:s3+$0x0] =	vst v63  }
0x866: {  	[hbm4b:s1+s29] =	stream.linear.scatter [tilespmem:s30], [sflag:$0x3], $0x400, $0x38;
	[tilespmem:$0x16850] =	vst v63  }
0x867: {  	_ =	swait.ge [sflag:s31], $0x400  }
0x868: {  	[sflag:s31] =	ssyncset.done $0x0  }
0x869: {  	[sflag:s31] =	ssyncadd.s32 $0xFFFFFC00  }
0x86a: {  	_ =	sfence.sel $0x180000  }
0x86b: {  	[bflag:$0x0] =	sbarrier.arrive $0xFFFF  }
0x86c: {  	_ =	strace $0x90000047  }
0x86d: {  	s0 =	sadd.s32 @!p0 $0x100000, s0;
	[bflag:$0x2] =	sbarrier.arrive $0xFFFF  }
0x86e: {  	[sflag:s0] =	ssyncadd.tile.s32 @!p0 $0x1;
	_ =	shalt  }
.Lfunc_end2:
_tile_overlayer_lowered:
.L_overlay_start_2:
0x86f: {  	(tag) =	ssettag $0x2  }
0x870: {  	s0 =	rddreg [dreg:$0x0];
	s2 =	stileid.u32  }
0x871: {  	s1 =	rddreg [dreg:$0x1];
	p0 =	sne.s32 s2, $0x0  }
0x872: {  	s3 =	rddreg [dreg:$0x2];
	[bflag:$0x3] =	sbarrier.arrive $0xFFFF;
	s2 =	simm.s32 @!p0 $0x1C03  }
0x873: {  	[timem:s3], [sflag:s2] =	dma.local @!p0 [hbm:s0], s1  }
0x874: {  	s0 =	simm.s32 @!p0 $0x3  }
0x875: {  	_ =	swait.ge @!p0 [sflag:s0], s1  }
0x876: {  	s1 =	ssub.s32 @!p0 $0x0, s1;
	[sflag:s0] =	ssyncset.done @!p0 $0x0  }
0x877: {  	[sflag:s0] =	ssyncadd.s32 @!p0 s1  }
0x878: {  	[bflag:$0x3] =	sbarrier.arrive $0xFFFF  }
0x879: {  	_ =	shalt  }

</sc_bundles>
